<compile_context>
chip_gen: v7x
topology: tpu7x:2x2x1
jax: 0.10.2.dev20260603
libtpu: 0.0.44.dev20260713+nightly
codegen_flags: <defaults>
</compile_context>

<pallas_src>
import functools

import jax
import jax.numpy as jnp
from jax import lax
from jax.experimental import pallas as pl
from jax.experimental.pallas import tpu as pltpu
from jax.experimental.pallas import tpu_sc as plsc

EPS = 1e-5
LN_BLK = 4000
W = 128
NC, NS = 2, 16
NW = NC * NS


def _ln_body(table_t_ref, gamma_ref, beta_ref, out_ref):
    t = table_t_ref[...]
    mean = jnp.mean(t, axis=0, keepdims=True)
    c = t - mean
    var = jnp.mean(c * c, axis=0, keepdims=True)
    res_t = c * jax.lax.rsqrt(var + EPS)
    res = res_t.T * gamma_ref[...] + beta_ref[...]
    out_ref[...] = jnp.concatenate([res, jnp.zeros_like(res)], axis=1)


def _normalize_table_padded(table, gamma, beta):
    v, d = table.shape
    blk = 4096
    return pl.pallas_call(
        _ln_body,
        grid=((v + blk - 1) // blk,),
        in_specs=[
            pl.BlockSpec((d, blk), lambda i: (0, i)),
            pl.BlockSpec((1, d), lambda i: (0, 0)),
            pl.BlockSpec((1, d), lambda i: (0, 0)),
        ],
        out_specs=pl.BlockSpec((blk, 2 * d), lambda i: (i, 0)),
        out_shape=jax.ShapeDtypeStruct((v, 2 * d), jnp.float32),
    )(table.T, gamma.reshape(1, d), beta.reshape(1, d))


def _sc_gather(table_p, idx_flat, out_shape):
    b = idx_flat.shape[0]
    dp = table_p.shape[1]
    d = dp // 2
    assert b % (W * NW) == 0
    per_w = b // NW
    steps = per_w // W
    mesh = plsc.VectorSubcoreMesh(core_axis_name="c", subcore_axis_name="s")

    @functools.partial(
        pl.kernel,
        out_type=jax.ShapeDtypeStruct(out_shape, jnp.float32),
        mesh=mesh,
        scratch_types=[
            pltpu.VMEM((W,), jnp.int32),
            pltpu.VMEM((W,), jnp.int32),
            pltpu.VMEM((W, dp), jnp.float32),
            pltpu.VMEM((W, dp), jnp.float32),
            pltpu.VMEM((W, d), jnp.float32),
            pltpu.VMEM((W, d), jnp.float32),
            pltpu.SemaphoreType.DMA,
            pltpu.SemaphoreType.DMA,
            pltpu.SemaphoreType.DMA,
            pltpu.SemaphoreType.DMA,
            pltpu.SemaphoreType.DMA,
            pltpu.SemaphoreType.DMA,
        ],
    )
    def gather_kernel(table_hbm, i_hbm, o_hbm,
                      idx0, idx1, rows0, rows1, pack0, pack1,
                      g0, g1, w0, w1, i0, i1):
        o2 = o_hbm.reshape(b, d)
        wid = lax.axis_index("s") * NC + lax.axis_index("c")
        w_base = wid * per_w

        def fire_idx(s, idxb, isem):
            pltpu.async_copy(i_hbm.at[pl.ds(w_base + s * W, W)], idxb, isem)

        def wait_idx(s, idxb, isem):
            pltpu.make_async_copy(i_hbm.at[pl.ds(w_base + s * W, W)], idxb, isem).wait()

        def fire_gather(idxb, rowsb, gsem):
            pltpu.async_copy(table_hbm.at[idxb], rowsb, gsem)

        def wait_gather(idxb, rowsb, gsem):
            pltpu.make_async_copy(table_hbm.at[idxb], rowsb, gsem).wait()

        def pack(rowsb, packb):
            @pl.loop(0, W, step=8)
            def _(j8):
                for u in range(8):
                    for c in range(0, d, 16):
                        packb[j8 + u, pl.ds(c, 16)] = rowsb[j8 + u, pl.ds(c, 16)]

        def fire_wb(s, packb, wsem):
            pltpu.async_copy(packb, o2.at[pl.ds(w_base + s * W, W)], wsem)

        def wait_wb(s, packb, wsem):
            pltpu.make_async_copy(packb, o2.at[pl.ds(w_base + s * W, W)], wsem).wait()

        fire_idx(0, idx0, i0)
        fire_idx(1, idx1, i1)
        wait_idx(0, idx0, i0)
        fire_gather(idx0, rows0, g0)
        wait_idx(1, idx1, i1)
        fire_gather(idx1, rows1, g1)

        wait_gather(idx0, rows0, g0)
        fire_idx(2, idx0, i0)
        pack(rows0, pack0)
        fire_wb(0, pack0, w0)
        wait_idx(2, idx0, i0)
        fire_gather(idx0, rows0, g0)
        wait_gather(idx1, rows1, g1)
        fire_idx(3, idx1, i1)
        pack(rows1, pack1)
        fire_wb(1, pack1, w1)
        wait_idx(3, idx1, i1)
        fire_gather(idx1, rows1, g1)

        @pl.loop(4, steps, step=2)
        def _(s):
            wait_gather(idx0, rows0, g0)
            fire_idx(s, idx0, i0)
            wait_wb(s - 4, pack0, w0)
            pack(rows0, pack0)
            fire_wb(s - 2, pack0, w0)
            wait_idx(s, idx0, i0)
            fire_gather(idx0, rows0, g0)
            wait_gather(idx1, rows1, g1)
            fire_idx(s + 1, idx1, i1)
            wait_wb(s - 3, pack1, w1)
            pack(rows1, pack1)
            fire_wb(s - 1, pack1, w1)
            wait_idx(s + 1, idx1, i1)
            fire_gather(idx1, rows1, g1)

        wait_gather(idx0, rows0, g0)
        wait_wb(steps - 4, pack0, w0)
        pack(rows0, pack0)
        fire_wb(steps - 2, pack0, w0)
        wait_gather(idx1, rows1, g1)
        wait_wb(steps - 3, pack1, w1)
        pack(rows1, pack1)
        fire_wb(steps - 1, pack1, w1)
        wait_wb(steps - 2, pack0, w0)
        wait_wb(steps - 1, pack1, w1)

    return gather_kernel(table_p, idx_flat)


def kernel(x, table, gamma, beta):
    d = table.shape[1]
    table_p = _normalize_table_padded(table, gamma, beta)
    idx = x.reshape(-1).astype(jnp.int32)
    return _sc_gather(table_p, idx, x.shape + (d,))

# --- scband reference (transcript-rebuilt; emitter-appended) ---
"""Pipeline reference for scband-gene-encoder-14912126451986 (READ-ONLY COPY).

The authoritative reference and input builder live on the scoring server;
editing this copy changes nothing except your own understanding.
"""

import jax, jax.numpy as jnp
import numpy as np

NUM_EMBEDDINGS = 100000
EMBED_DIM = 64
EPS = 1e-5


def setup_inputs(seed: int = 0) -> dict:
    key = jax.random.key(seed)
    k1, k2 = jax.random.split(key)
    x = jax.random.randint(k1, (4096, 200), 0, NUM_EMBEDDINGS, dtype=jnp.int64)
    table = jax.random.normal(k2, (NUM_EMBEDDINGS, EMBED_DIM), dtype=jnp.float32)
    gamma = jnp.ones((EMBED_DIM,), dtype=jnp.float32)
    beta = jnp.zeros((EMBED_DIM,), dtype=jnp.float32)
    return {"x": x, "table": table, "gamma": gamma, "beta": beta}


def reference(x, table, gamma, beta):
    # Embedding lookup (gather)
    emb = jnp.take(table, x, axis=0)  # [B, L, D]
    # LayerNorm over last dim
    mean = jnp.mean(emb, axis=-1, keepdims=True)
    var = jnp.mean((emb - mean) ** 2, axis=-1, keepdims=True)
    normed = (emb - mean) / jnp.sqrt(var + EPS)
    out = normed * gamma + beta
    return out

if __name__ == "__main__":
    import jax
    _d = setup_inputs()
    print(jax.jit(kernel)(*tuple(_d.values())))

</pallas_src>

<mosaic_0001>
#map = affine_map<(d0, d1) -> (0, 0)>
#map1 = affine_map<(d0, d1) -> (0)>
#map2 = affine_map<(d0, d1) -> (0, 0, 0)>
module attributes {stable_mosaic.version = 14 : i64} {
  func.func @gather_kernel(%arg0: i32, %arg1: i32, %arg2: memref<100000x128xf32, #tpu.memory_space<hbm>>, %arg3: memref<819200xi32, #tpu.memory_space<hbm>>, %arg4: memref<4096x200x64xf32, #tpu.memory_space<hbm>>, %arg5: memref<128xi32, #tpu.memory_space<vmem>>, %arg6: memref<128xi32, #tpu.memory_space<vmem>>, %arg7: memref<128x128xf32, #tpu.memory_space<vmem>>, %arg8: memref<128x128xf32, #tpu.memory_space<vmem>>, %arg9: memref<128x64xf32, #tpu.memory_space<vmem>>, %arg10: memref<128x64xf32, #tpu.memory_space<vmem>>, %arg11: memref<!tpu.dma_semaphore, #tpu.memory_space<semaphore_mem>>, %arg12: memref<!tpu.dma_semaphore, #tpu.memory_space<semaphore_mem>>, %arg13: memref<!tpu.dma_semaphore, #tpu.memory_space<semaphore_mem>>, %arg14: memref<!tpu.dma_semaphore, #tpu.memory_space<semaphore_mem>>, %arg15: memref<!tpu.dma_semaphore, #tpu.memory_space<semaphore_mem>>, %arg16: memref<!tpu.dma_semaphore, #tpu.memory_space<semaphore_mem>>) attributes {dimension_semantics = [#tpu.dimension_semantics<core_parallel>, #tpu.dimension_semantics<subcore_parallel>], iteration_bounds = array<i64: 2, 16>, scalar_prefetch = 0 : i64, scratch_operands = 12 : i64, tpu.core_type = #tpu.core_type<sc_vector_subcore>, window_params = [{transform_indices = #map}, {transform_indices = #map1}, {transform_indices = #map2}]} {
    %mul3A = arith.constant 2 : i32
    %mul3A_0 = arith.muli %arg1, %mul3A : i32
    %add3A = arith.addi %mul3A_0, %arg0 : i32
    %mul3A_1 = arith.constant 25600 : i32
    %mul3A_2 = arith.muli %add3A, %mul3A_1 : i32
    %add3A_3 = arith.constant 0 : i32
    %add3A_4 = arith.addi %mul3A_2, %add3A_3 : i32
    %dma_start3A = tpu.memref_slice %arg3[%add3A_4] : memref<819200xi32, #tpu.memory_space<hbm>> -> memref<128xi32, #tpu.memory_space<hbm>>
    %dma_start3A_5 = tpu.memref_slice %arg3[%add3A_4] : memref<819200xi32, #tpu.memory_space<hbm>> -> memref<128xi32, #tpu.memory_space<hbm>>
    tpu.enqueue_dma source(%dma_start3A_5 : memref<128xi32, #tpu.memory_space<hbm>>) target(%arg5 : memref<128xi32, #tpu.memory_space<vmem>>) target_semaphore(%arg15 : memref<!tpu.dma_semaphore, #tpu.memory_space<semaphore_mem>>)
    %add3A_6 = arith.constant 128 : i32
    %add3A_7 = arith.addi %mul3A_2, %add3A_6 : i32
    %dma_start3A_8 = tpu.memref_slice %arg3[%add3A_7] : memref<819200xi32, #tpu.memory_space<hbm>> -> memref<128xi32, #tpu.memory_space<hbm>>
    %dma_start3A_9 = tpu.memref_slice %arg3[%add3A_7] : memref<819200xi32, #tpu.memory_space<hbm>> -> memref<128xi32, #tpu.memory_space<hbm>>
    tpu.enqueue_dma source(%dma_start3A_9 : memref<128xi32, #tpu.memory_space<hbm>>) target(%arg6 : memref<128xi32, #tpu.memory_space<vmem>>) target_semaphore(%arg16 : memref<!tpu.dma_semaphore, #tpu.memory_space<semaphore_mem>>)
    %add3A_10 = arith.constant 0 : i32
    %add3A_11 = arith.addi %mul3A_2, %add3A_10 : i32
    %dma_wait3A = tpu.memref_slice %arg3[%add3A_11] : memref<819200xi32, #tpu.memory_space<hbm>> -> memref<128xi32, #tpu.memory_space<hbm>>
    %dma_wait3A_12 = tpu.memref_slice %arg3[%add3A_11] : memref<819200xi32, #tpu.memory_space<hbm>> -> memref<128xi32, #tpu.memory_space<hbm>>
    tpu.wait_dma2 semaphore(%arg15 : memref<!tpu.dma_semaphore, #tpu.memory_space<semaphore_mem>>) src(%dma_wait3A_12 : memref<128xi32, #tpu.memory_space<hbm>>) dst(%arg5 : memref<128xi32, #tpu.memory_space<vmem>>)
    %dma_start3A_13 = arith.constant 0 : i32
    %dma_start3A_14 = arith.constant 0 : i32
    %dma_start3A_15 = tpu.memref_slice %arg2[%dma_start3A_13, %dma_start3A_14] : memref<100000x128xf32, #tpu.memory_space<hbm>> -> memref<100000x128xf32, #tpu.memory_space<hbm>>
    tpu.enqueue_indirect_dma source(%dma_start3A_15 : memref<100000x128xf32, #tpu.memory_space<hbm>>) target(%arg7 : memref<128x128xf32, #tpu.memory_space<vmem>>) offsets(%arg5 : memref<128xi32, #tpu.memory_space<vmem>>) semaphore(%arg11 : memref<!tpu.dma_semaphore, #tpu.memory_space<semaphore_mem>>)
    %add3A_16 = arith.constant 128 : i32
    %add3A_17 = arith.addi %mul3A_2, %add3A_16 : i32
    %dma_wait3A_18 = tpu.memref_slice %arg3[%add3A_17] : memref<819200xi32, #tpu.memory_space<hbm>> -> memref<128xi32, #tpu.memory_space<hbm>>
    %dma_wait3A_19 = tpu.memref_slice %arg3[%add3A_17] : memref<819200xi32, #tpu.memory_space<hbm>> -> memref<128xi32, #tpu.memory_space<hbm>>
    tpu.wait_dma2 semaphore(%arg16 : memref<!tpu.dma_semaphore, #tpu.memory_space<semaphore_mem>>) src(%dma_wait3A_19 : memref<128xi32, #tpu.memory_space<hbm>>) dst(%arg6 : memref<128xi32, #tpu.memory_space<vmem>>)
    %dma_start3A_20 = arith.constant 0 : i32
    %dma_start3A_21 = arith.constant 0 : i32
    %dma_start3A_22 = tpu.memref_slice %arg2[%dma_start3A_20, %dma_start3A_21] : memref<100000x128xf32, #tpu.memory_space<hbm>> -> memref<100000x128xf32, #tpu.memory_space<hbm>>
    tpu.enqueue_indirect_dma source(%dma_start3A_22 : memref<100000x128xf32, #tpu.memory_space<hbm>>) target(%arg8 : memref<128x128xf32, #tpu.memory_space<vmem>>) offsets(%arg6 : memref<128xi32, #tpu.memory_space<vmem>>) semaphore(%arg12 : memref<!tpu.dma_semaphore, #tpu.memory_space<semaphore_mem>>)
    %dma_wait3A_23 = arith.constant 0 : i32
    %dma_wait3A_24 = arith.constant 0 : i32
    %dma_wait3A_25 = tpu.memref_slice %arg2[%dma_wait3A_23, %dma_wait3A_24] : memref<100000x128xf32, #tpu.memory_space<hbm>> -> memref<100000x128xf32, #tpu.memory_space<hbm>>
    tpu.wait_indirect_dma semaphore(%arg11 : memref<!tpu.dma_semaphore, #tpu.memory_space<semaphore_mem>>) src(%dma_wait3A_25 : memref<100000x128xf32, #tpu.memory_space<hbm>>) dst(%arg7 : memref<128x128xf32, #tpu.memory_space<vmem>>)
    %add3A_26 = arith.constant 256 : i32
    %add3A_27 = arith.addi %mul3A_2, %add3A_26 : i32
    %dma_start3A_28 = tpu.memref_slice %arg3[%add3A_27] : memref<819200xi32, #tpu.memory_space<hbm>> -> memref<128xi32, #tpu.memory_space<hbm>>
    %dma_start3A_29 = tpu.memref_slice %arg3[%add3A_27] : memref<819200xi32, #tpu.memory_space<hbm>> -> memref<128xi32, #tpu.memory_space<hbm>>
    tpu.enqueue_dma source(%dma_start3A_29 : memref<128xi32, #tpu.memory_space<hbm>>) target(%arg5 : memref<128xi32, #tpu.memory_space<vmem>>) target_semaphore(%arg15 : memref<!tpu.dma_semaphore, #tpu.memory_space<semaphore_mem>>)
    %scan3A = arith.constant 0 : i32
    %scan3A_30 = arith.constant 16 : i32
    %scan3A_31 = arith.addi %scan3A, %scan3A_30 : i32
    %scan3A_32 = arith.constant 1 : i32
    scf.for %scan3A_145 = %scan3A to %scan3A_31 step %scan3A_32  : i32 {
      %mul3A_146 = arith.constant 8 : i32
      %mul3A_147 = arith.muli %scan3A_145, %mul3A_146 : i32
      %add3A_148 = arith.constant 0 : i32
      %add3A_149 = arith.addi %add3A_148, %mul3A_147 : i32
      %add3A_150 = arith.constant 0 : i32
      %add3A_151 = arith.addi %add3A_149, %add3A_150 : i32
      %get3A = arith.index_cast %add3A_151 : i32 to index
      %get3A_152 = arith.constant 0 : index
      %get3A_153 = tpu.vector_load %arg7[%get3A, %get3A_152] {strides = array<i32>} : memref<128x128xf32, #tpu.memory_space<vmem>>, vector<1x16xf32>,
      %get3A_154 = vector.shape_cast %get3A_153 : vector<1x16xf32> to vector<16xf32>
      %add3A_155 = arith.constant 0 : i32
      %add3A_156 = arith.addi %add3A_149, %add3A_155 : i32
      %swap3A = arith.index_cast %add3A_156 : i32 to index
      %swap3A_157 = arith.constant 0 : index
      %swap3A_158 = tpu.vector_load %arg9[%swap3A, %swap3A_157] {strides = array<i32>} : memref<128x64xf32, #tpu.memory_space<vmem>>, vector<1x16xf32>,
      %swap3A_159 = vector.shape_cast %swap3A_158 : vector<1x16xf32> to vector<16xf32>
      %swap3A_160 = vector.shape_cast %get3A_154 : vector<16xf32> to vector<1x16xf32>
      tpu.vector_store %arg9[%swap3A, %swap3A_157], %swap3A_160 {strides = array<i32>} : memref<128x64xf32, #tpu.memory_space<vmem>>, vector<1x16xf32>,
      %add3A_161 = arith.constant 0 : i32
      %add3A_162 = arith.addi %add3A_149, %add3A_161 : i32
      %get3A_163 = arith.index_cast %add3A_162 : i32 to index
      %get3A_164 = arith.constant 16 : index
      %get3A_165 = tpu.vector_load %arg7[%get3A_163, %get3A_164] {strides = array<i32>} : memref<128x128xf32, #tpu.memory_space<vmem>>, vector<1x16xf32>,
      %get3A_166 = vector.shape_cast %get3A_165 : vector<1x16xf32> to vector<16xf32>
      %add3A_167 = arith.constant 0 : i32
      %add3A_168 = arith.addi %add3A_149, %add3A_167 : i32
      %swap3A_169 = arith.index_cast %add3A_168 : i32 to index
      %swap3A_170 = arith.constant 16 : index
      %swap3A_171 = tpu.vector_load %arg9[%swap3A_169, %swap3A_170] {strides = array<i32>} : memref<128x64xf32, #tpu.memory_space<vmem>>, vector<1x16xf32>,
      %swap3A_172 = vector.shape_cast %swap3A_171 : vector<1x16xf32> to vector<16xf32>
      %swap3A_173 = vector.shape_cast %get3A_166 : vector<16xf32> to vector<1x16xf32>
      tpu.vector_store %arg9[%swap3A_169, %swap3A_170], %swap3A_173 {strides = array<i32>} : memref<128x64xf32, #tpu.memory_space<vmem>>, vector<1x16xf32>,
      %add3A_174 = arith.constant 0 : i32
      %add3A_175 = arith.addi %add3A_149, %add3A_174 : i32
      %get3A_176 = arith.index_cast %add3A_175 : i32 to index
      %get3A_177 = arith.constant 32 : index
      %get3A_178 = tpu.vector_load %arg7[%get3A_176, %get3A_177] {strides = array<i32>} : memref<128x128xf32, #tpu.memory_space<vmem>>, vector<1x16xf32>,
      %get3A_179 = vector.shape_cast %get3A_178 : vector<1x16xf32> to vector<16xf32>
      %add3A_180 = arith.constant 0 : i32
      %add3A_181 = arith.addi %add3A_149, %add3A_180 : i32
      %swap3A_182 = arith.index_cast %add3A_181 : i32 to index
      %swap3A_183 = arith.constant 32 : index
      %swap3A_184 = tpu.vector_load %arg9[%swap3A_182, %swap3A_183] {strides = array<i32>} : memref<128x64xf32, #tpu.memory_space<vmem>>, vector<1x16xf32>,
      %swap3A_185 = vector.shape_cast %swap3A_184 : vector<1x16xf32> to vector<16xf32>
      %swap3A_186 = vector.shape_cast %get3A_179 : vector<16xf32> to vector<1x16xf32>
      tpu.vector_store %arg9[%swap3A_182, %swap3A_183], %swap3A_186 {strides = array<i32>} : memref<128x64xf32, #tpu.memory_space<vmem>>, vector<1x16xf32>,
      %add3A_187 = arith.constant 0 : i32
      %add3A_188 = arith.addi %add3A_149, %add3A_187 : i32
      %get3A_189 = arith.index_cast %add3A_188 : i32 to index
      %get3A_190 = arith.constant 48 : index
      %get3A_191 = tpu.vector_load %arg7[%get3A_189, %get3A_190] {strides = array<i32>} : memref<128x128xf32, #tpu.memory_space<vmem>>, vector<1x16xf32>,
      %get3A_192 = vector.shape_cast %get3A_191 : vector<1x16xf32> to vector<16xf32>
      %add3A_193 = arith.constant 0 : i32
      %add3A_194 = arith.addi %add3A_149, %add3A_193 : i32
      %swap3A_195 = arith.index_cast %add3A_194 : i32 to index
      %swap3A_196 = arith.constant 48 : index
      %swap3A_197 = tpu.vector_load %arg9[%swap3A_195, %swap3A_196] {strides = array<i32>} : memref<128x64xf32, #tpu.memory_space<vmem>>, vector<1x16xf32>,
      %swap3A_198 = vector.shape_cast %swap3A_197 : vector<1x16xf32> to vector<16xf32>
      %swap3A_199 = vector.shape_cast %get3A_192 : vector<16xf32> to vector<1x16xf32>
      tpu.vector_store %arg9[%swap3A_195, %swap3A_196], %swap3A_199 {strides = array<i32>} : memref<128x64xf32, #tpu.memory_space<vmem>>, vector<1x16xf32>,
      %add3A_200 = arith.constant 1 : i32
      %add3A_201 = arith.addi %add3A_149, %add3A_200 : i32
      %get3A_202 = arith.index_cast %add3A_201 : i32 to index
      %get3A_203 = arith.constant 0 : index
      %get3A_204 = tpu.vector_load %arg7[%get3A_202, %get3A_203] {strides = array<i32>} : memref<128x128xf32, #tpu.memory_space<vmem>>, vector<1x16xf32>,
      %get3A_205 = vector.shape_cast %get3A_204 : vector<1x16xf32> to vector<16xf32>
      %add3A_206 = arith.constant 1 : i32
      %add3A_207 = arith.addi %add3A_149, %add3A_206 : i32
      %swap3A_208 = arith.index_cast %add3A_207 : i32 to index
      %swap3A_209 = arith.constant 0 : index
      %swap3A_210 = tpu.vector_load %arg9[%swap3A_208, %swap3A_209] {strides = array<i32>} : memref<128x64xf32, #tpu.memory_space<vmem>>, vector<1x16xf32>,
      %swap3A_211 = vector.shape_cast %swap3A_210 : vector<1x16xf32> to vector<16xf32>
      %swap3A_212 = vector.shape_cast %get3A_205 : vector<16xf32> to vector<1x16xf32>
      tpu.vector_store %arg9[%swap3A_208, %swap3A_209], %swap3A_212 {strides = array<i32>} : memref<128x64xf32, #tpu.memory_space<vmem>>, vector<1x16xf32>,
      %add3A_213 = arith.constant 1 : i32
      %add3A_214 = arith.addi %add3A_149, %add3A_213 : i32
      %get3A_215 = arith.index_cast %add3A_214 : i32 to index
      %get3A_216 = arith.constant 16 : index
      %get3A_217 = tpu.vector_load %arg7[%get3A_215, %get3A_216] {strides = array<i32>} : memref<128x128xf32, #tpu.memory_space<vmem>>, vector<1x16xf32>,
      %get3A_218 = vector.shape_cast %get3A_217 : vector<1x16xf32> to vector<16xf32>
      %add3A_219 = arith.constant 1 : i32
      %add3A_220 = arith.addi %add3A_149, %add3A_219 : i32
      %swap3A_221 = arith.index_cast %add3A_220 : i32 to index
      %swap3A_222 = arith.constant 16 : index
      %swap3A_223 = tpu.vector_load %arg9[%swap3A_221, %swap3A_222] {strides = array<i32>} : memref<128x64xf32, #tpu.memory_space<vmem>>, vector<1x16xf32>,
      %swap3A_224 = vector.shape_cast %swap3A_223 : vector<1x16xf32> to vector<16xf32>
      %swap3A_225 = vector.shape_cast %get3A_218 : vector<16xf32> to vector<1x16xf32>
      tpu.vector_store %arg9[%swap3A_221, %swap3A_222], %swap3A_225 {strides = array<i32>} : memref<128x64xf32, #tpu.memory_space<vmem>>, vector<1x16xf32>,
      %add3A_226 = arith.constant 1 : i32
      %add3A_227 = arith.addi %add3A_149, %add3A_226 : i32
      %get3A_228 = arith.index_cast %add3A_227 : i32 to index
      %get3A_229 = arith.constant 32 : index
      %get3A_230 = tpu.vector_load %arg7[%get3A_228, %get3A_229] {strides = array<i32>} : memref<128x128xf32, #tpu.memory_space<vmem>>, vector<1x16xf32>,
      %get3A_231 = vector.shape_cast %get3A_230 : vector<1x16xf32> to vector<16xf32>
      %add3A_232 = arith.constant 1 : i32
      %add3A_233 = arith.addi %add3A_149, %add3A_232 : i32
      %swap3A_234 = arith.index_cast %add3A_233 : i32 to index
      %swap3A_235 = arith.constant 32 : index
      %swap3A_236 = tpu.vector_load %arg9[%swap3A_234, %swap3A_235] {strides = array<i32>} : memref<128x64xf32, #tpu.memory_space<vmem>>, vector<1x16xf32>,
      %swap3A_237 = vector.shape_cast %swap3A_236 : vector<1x16xf32> to vector<16xf32>
      %swap3A_238 = vector.shape_cast %get3A_231 : vector<16xf32> to vector<1x16xf32>
      tpu.vector_store %arg9[%swap3A_234, %swap3A_235], %swap3A_238 {strides = array<i32>} : memref<128x64xf32, #tpu.memory_space<vmem>>, vector<1x16xf32>,
      %add3A_239 = arith.constant 1 : i32
      %add3A_240 = arith.addi %add3A_149, %add3A_239 : i32
      %get3A_241 = arith.index_cast %add3A_240 : i32 to index
      %get3A_242 = arith.constant 48 : index
      %get3A_243 = tpu.vector_load %arg7[%get3A_241, %get3A_242] {strides = array<i32>} : memref<128x128xf32, #tpu.memory_space<vmem>>, vector<1x16xf32>,
      %get3A_244 = vector.shape_cast %get3A_243 : vector<1x16xf32> to vector<16xf32>
      %add3A_245 = arith.constant 1 : i32
      %add3A_246 = arith.addi %add3A_149, %add3A_245 : i32
      %swap3A_247 = arith.index_cast %add3A_246 : i32 to index
      %swap3A_248 = arith.constant 48 : index
      %swap3A_249 = tpu.vector_load %arg9[%swap3A_247, %swap3A_248] {strides = array<i32>} : memref<128x64xf32, #tpu.memory_space<vmem>>, vector<1x16xf32>,
      %swap3A_250 = vector.shape_cast %swap3A_249 : vector<1x16xf32> to vector<16xf32>
      %swap3A_251 = vector.shape_cast %get3A_244 : vector<16xf32> to vector<1x16xf32>
      tpu.vector_store %arg9[%swap3A_247, %swap3A_248], %swap3A_251 {strides = array<i32>} : memref<128x64xf32, #tpu.memory_space<vmem>>, vector<1x16xf32>,
      %add3A_252 = arith.constant 2 : i32
      %add3A_253 = arith.addi %add3A_149, %add3A_252 : i32
      %get3A_254 = arith.index_cast %add3A_253 : i32 to index
      %get3A_255 = arith.constant 0 : index
      %get3A_256 = tpu.vector_load %arg7[%get3A_254, %get3A_255] {strides = array<i32>} : memref<128x128xf32, #tpu.memory_space<vmem>>, vector<1x16xf32>,
      %get3A_257 = vector.shape_cast %get3A_256 : vector<1x16xf32> to vector<16xf32>
      %add3A_258 = arith.constant 2 : i32
      %add3A_259 = arith.addi %add3A_149, %add3A_258 : i32
      %swap3A_260 = arith.index_cast %add3A_259 : i32 to index
      %swap3A_261 = arith.constant 0 : index
      %swap3A_262 = tpu.vector_load %arg9[%swap3A_260, %swap3A_261] {strides = array<i32>} : memref<128x64xf32, #tpu.memory_space<vmem>>, vector<1x16xf32>,
      %swap3A_263 = vector.shape_cast %swap3A_262 : vector<1x16xf32> to vector<16xf32>
      %swap3A_264 = vector.shape_cast %get3A_257 : vector<16xf32> to vector<1x16xf32>
      tpu.vector_store %arg9[%swap3A_260, %swap3A_261], %swap3A_264 {strides = array<i32>} : memref<128x64xf32, #tpu.memory_space<vmem>>, vector<1x16xf32>,
      %add3A_265 = arith.constant 2 : i32
      %add3A_266 = arith.addi %add3A_149, %add3A_265 : i32
      %get3A_267 = arith.index_cast %add3A_266 : i32 to index
      %get3A_268 = arith.constant 16 : index
      %get3A_269 = tpu.vector_load %arg7[%get3A_267, %get3A_268] {strides = array<i32>} : memref<128x128xf32, #tpu.memory_space<vmem>>, vector<1x16xf32>,
      %get3A_270 = vector.shape_cast %get3A_269 : vector<1x16xf32> to vector<16xf32>
      %add3A_271 = arith.constant 2 : i32
      %add3A_272 = arith.addi %add3A_149, %add3A_271 : i32
      %swap3A_273 = arith.index_cast %add3A_272 : i32 to index
      %swap3A_274 = arith.constant 16 : index
      %swap3A_275 = tpu.vector_load %arg9[%swap3A_273, %swap3A_274] {strides = array<i32>} : memref<128x64xf32, #tpu.memory_space<vmem>>, vector<1x16xf32>,
      %swap3A_276 = vector.shape_cast %swap3A_275 : vector<1x16xf32> to vector<16xf32>
      %swap3A_277 = vector.shape_cast %get3A_270 : vector<16xf32> to vector<1x16xf32>
      tpu.vector_store %arg9[%swap3A_273, %swap3A_274], %swap3A_277 {strides = array<i32>} : memref<128x64xf32, #tpu.memory_space<vmem>>, vector<1x16xf32>,
      %add3A_278 = arith.constant 2 : i32
      %add3A_279 = arith.addi %add3A_149, %add3A_278 : i32
      %get3A_280 = arith.index_cast %add3A_279 : i32 to index
      %get3A_281 = arith.constant 32 : index
      %get3A_282 = tpu.vector_load %arg7[%get3A_280, %get3A_281] {strides = array<i32>} : memref<128x128xf32, #tpu.memory_space<vmem>>, vector<1x16xf32>,
      %get3A_283 = vector.shape_cast %get3A_282 : vector<1x16xf32> to vector<16xf32>
      %add3A_284 = arith.constant 2 : i32
      %add3A_285 = arith.addi %add3A_149, %add3A_284 : i32
      %swap3A_286 = arith.index_cast %add3A_285 : i32 to index
      %swap3A_287 = arith.constant 32 : index
      %swap3A_288 = tpu.vector_load %arg9[%swap3A_286, %swap3A_287] {strides = array<i32>} : memref<128x64xf32, #tpu.memory_space<vmem>>, vector<1x16xf32>,
      %swap3A_289 = vector.shape_cast %swap3A_288 : vector<1x16xf32> to vector<16xf32>
      %swap3A_290 = vector.shape_cast %get3A_283 : vector<16xf32> to vector<1x16xf32>
      tpu.vector_store %arg9[%swap3A_286, %swap3A_287], %swap3A_290 {strides = array<i32>} : memref<128x64xf32, #tpu.memory_space<vmem>>, vector<1x16xf32>,
      %add3A_291 = arith.constant 2 : i32
      %add3A_292 = arith.addi %add3A_149, %add3A_291 : i32
      %get3A_293 = arith.index_cast %add3A_292 : i32 to index
      %get3A_294 = arith.constant 48 : index
      %get3A_295 = tpu.vector_load %arg7[%get3A_293, %get3A_294] {strides = array<i32>} : memref<128x128xf32, #tpu.memory_space<vmem>>, vector<1x16xf32>,
      %get3A_296 = vector.shape_cast %get3A_295 : vector<1x16xf32> to vector<16xf32>
      %add3A_297 = arith.constant 2 : i32
      %add3A_298 = arith.addi %add3A_149, %add3A_297 : i32
      %swap3A_299 = arith.index_cast %add3A_298 : i32 to index
      %swap3A_300 = arith.constant 48 : index
      %swap3A_301 = tpu.vector_load %arg9[%swap3A_299, %swap3A_300] {strides = array<i32>} : memref<128x64xf32, #tpu.memory_space<vmem>>, vector<1x16xf32>,
      %swap3A_302 = vector.shape_cast %swap3A_301 : vector<1x16xf32> to vector<16xf32>
      %swap3A_303 = vector.shape_cast %get3A_296 : vector<16xf32> to vector<1x16xf32>
      tpu.vector_store %arg9[%swap3A_299, %swap3A_300], %swap3A_303 {strides = array<i32>} : memref<128x64xf32, #tpu.memory_space<vmem>>, vector<1x16xf32>,
      %add3A_304 = arith.constant 3 : i32
      %add3A_305 = arith.addi %add3A_149, %add3A_304 : i32
      %get3A_306 = arith.index_cast %add3A_305 : i32 to index
      %get3A_307 = arith.constant 0 : index
      %get3A_308 = tpu.vector_load %arg7[%get3A_306, %get3A_307] {strides = array<i32>} : memref<128x128xf32, #tpu.memory_space<vmem>>, vector<1x16xf32>,
      %get3A_309 = vector.shape_cast %get3A_308 : vector<1x16xf32> to vector<16xf32>
      %add3A_310 = arith.constant 3 : i32
      %add3A_311 = arith.addi %add3A_149, %add3A_310 : i32
      %swap3A_312 = arith.index_cast %add3A_311 : i32 to index
      %swap3A_313 = arith.constant 0 : index
      %swap3A_314 = tpu.vector_load %arg9[%swap3A_312, %swap3A_313] {strides = array<i32>} : memref<128x64xf32, #tpu.memory_space<vmem>>, vector<1x16xf32>,
      %swap3A_315 = vector.shape_cast %swap3A_314 : vector<1x16xf32> to vector<16xf32>
      %swap3A_316 = vector.shape_cast %get3A_309 : vector<16xf32> to vector<1x16xf32>
      tpu.vector_store %arg9[%swap3A_312, %swap3A_313], %swap3A_316 {strides = array<i32>} : memref<128x64xf32, #tpu.memory_space<vmem>>, vector<1x16xf32>,
      %add3A_317 = arith.constant 3 : i32
      %add3A_318 = arith.addi %add3A_149, %add3A_317 : i32
      %get3A_319 = arith.index_cast %add3A_318 : i32 to index
      %get3A_320 = arith.constant 16 : index
      %get3A_321 = tpu.vector_load %arg7[%get3A_319, %get3A_320] {strides = array<i32>} : memref<128x128xf32, #tpu.memory_space<vmem>>, vector<1x16xf32>,
      %get3A_322 = vector.shape_cast %get3A_321 : vector<1x16xf32> to vector<16xf32>
      %add3A_323 = arith.constant 3 : i32
      %add3A_324 = arith.addi %add3A_149, %add3A_323 : i32
      %swap3A_325 = arith.index_cast %add3A_324 : i32 to index
      %swap3A_326 = arith.constant 16 : index
      %swap3A_327 = tpu.vector_load %arg9[%swap3A_325, %swap3A_326] {strides = array<i32>} : memref<128x64xf32, #tpu.memory_space<vmem>>, vector<1x16xf32>,
      %swap3A_328 = vector.shape_cast %swap3A_327 : vector<1x16xf32> to vector<16xf32>
      %swap3A_329 = vector.shape_cast %get3A_322 : vector<16xf32> to vector<1x16xf32>
      tpu.vector_store %arg9[%swap3A_325, %swap3A_326], %swap3A_329 {strides = array<i32>} : memref<128x64xf32, #tpu.memory_space<vmem>>, vector<1x16xf32>,
      %add3A_330 = arith.constant 3 : i32
      %add3A_331 = arith.addi %add3A_149, %add3A_330 : i32
      %get3A_332 = arith.index_cast %add3A_331 : i32 to index
      %get3A_333 = arith.constant 32 : index
      %get3A_334 = tpu.vector_load %arg7[%get3A_332, %get3A_333] {strides = array<i32>} : memref<128x128xf32, #tpu.memory_space<vmem>>, vector<1x16xf32>,
      %get3A_335 = vector.shape_cast %get3A_334 : vector<1x16xf32> to vector<16xf32>
      %add3A_336 = arith.constant 3 : i32
      %add3A_337 = arith.addi %add3A_149, %add3A_336 : i32
      %swap3A_338 = arith.index_cast %add3A_337 : i32 to index
      %swap3A_339 = arith.constant 32 : index
      %swap3A_340 = tpu.vector_load %arg9[%swap3A_338, %swap3A_339] {strides = array<i32>} : memref<128x64xf32, #tpu.memory_space<vmem>>, vector<1x16xf32>,
      %swap3A_341 = vector.shape_cast %swap3A_340 : vector<1x16xf32> to vector<16xf32>
      %swap3A_342 = vector.shape_cast %get3A_335 : vector<16xf32> to vector<1x16xf32>
      tpu.vector_store %arg9[%swap3A_338, %swap3A_339], %swap3A_342 {strides = array<i32>} : memref<128x64xf32, #tpu.memory_space<vmem>>, vector<1x16xf32>,
      %add3A_343 = arith.constant 3 : i32
      %add3A_344 = arith.addi %add3A_149, %add3A_343 : i32
      %get3A_345 = arith.index_cast %add3A_344 : i32 to index
      %get3A_346 = arith.constant 48 : index
      %get3A_347 = tpu.vector_load %arg7[%get3A_345, %get3A_346] {strides = array<i32>} : memref<128x128xf32, #tpu.memory_space<vmem>>, vector<1x16xf32>,
      %get3A_348 = vector.shape_cast %get3A_347 : vector<1x16xf32> to vector<16xf32>
      %add3A_349 = arith.constant 3 : i32
      %add3A_350 = arith.addi %add3A_149, %add3A_349 : i32
      %swap3A_351 = arith.index_cast %add3A_350 : i32 to index
      %swap3A_352 = arith.constant 48 : index
      %swap3A_353 = tpu.vector_load %arg9[%swap3A_351, %swap3A_352] {strides = array<i32>} : memref<128x64xf32, #tpu.memory_space<vmem>>, vector<1x16xf32>,
      %swap3A_354 = vector.shape_cast %swap3A_353 : vector<1x16xf32> to vector<16xf32>
      %swap3A_355 = vector.shape_cast %get3A_348 : vector<16xf32> to vector<1x16xf32>
      tpu.vector_store %arg9[%swap3A_351, %swap3A_352], %swap3A_355 {strides = array<i32>} : memref<128x64xf32, #tpu.memory_space<vmem>>, vector<1x16xf32>,
      %add3A_356 = arith.constant 4 : i32
      %add3A_357 = arith.addi %add3A_149, %add3A_356 : i32
      %get3A_358 = arith.index_cast %add3A_357 : i32 to index
      %get3A_359 = arith.constant 0 : index
      %get3A_360 = tpu.vector_load %arg7[%get3A_358, %get3A_359] {strides = array<i32>} : memref<128x128xf32, #tpu.memory_space<vmem>>, vector<1x16xf32>,
      %get3A_361 = vector.shape_cast %get3A_360 : vector<1x16xf32> to vector<16xf32>
      %add3A_362 = arith.constant 4 : i32
      %add3A_363 = arith.addi %add3A_149, %add3A_362 : i32
      %swap3A_364 = arith.index_cast %add3A_363 : i32 to index
      %swap3A_365 = arith.constant 0 : index
      %swap3A_366 = tpu.vector_load %arg9[%swap3A_364, %swap3A_365] {strides = array<i32>} : memref<128x64xf32, #tpu.memory_space<vmem>>, vector<1x16xf32>,
      %swap3A_367 = vector.shape_cast %swap3A_366 : vector<1x16xf32> to vector<16xf32>
      %swap3A_368 = vector.shape_cast %get3A_361 : vector<16xf32> to vector<1x16xf32>
      tpu.vector_store %arg9[%swap3A_364, %swap3A_365], %swap3A_368 {strides = array<i32>} : memref<128x64xf32, #tpu.memory_space<vmem>>, vector<1x16xf32>,
      %add3A_369 = arith.constant 4 : i32
      %add3A_370 = arith.addi %add3A_149, %add3A_369 : i32
      %get3A_371 = arith.index_cast %add3A_370 : i32 to index
      %get3A_372 = arith.constant 16 : index
      %get3A_373 = tpu.vector_load %arg7[%get3A_371, %get3A_372] {strides = array<i32>} : memref<128x128xf32, #tpu.memory_space<vmem>>, vector<1x16xf32>,
      %get3A_374 = vector.shape_cast %get3A_373 : vector<1x16xf32> to vector<16xf32>
      %add3A_375 = arith.constant 4 : i32
      %add3A_376 = arith.addi %add3A_149, %add3A_375 : i32
      %swap3A_377 = arith.index_cast %add3A_376 : i32 to index
      %swap3A_378 = arith.constant 16 : index
      %swap3A_379 = tpu.vector_load %arg9[%swap3A_377, %swap3A_378] {strides = array<i32>} : memref<128x64xf32, #tpu.memory_space<vmem>>, vector<1x16xf32>,
      %swap3A_380 = vector.shape_cast %swap3A_379 : vector<1x16xf32> to vector<16xf32>
      %swap3A_381 = vector.shape_cast %get3A_374 : vector<16xf32> to vector<1x16xf32>
      tpu.vector_store %arg9[%swap3A_377, %swap3A_378], %swap3A_381 {strides = array<i32>} : memref<128x64xf32, #tpu.memory_space<vmem>>, vector<1x16xf32>,
      %add3A_382 = arith.constant 4 : i32
      %add3A_383 = arith.addi %add3A_149, %add3A_382 : i32
      %get3A_384 = arith.index_cast %add3A_383 : i32 to index
      %get3A_385 = arith.constant 32 : index
      %get3A_386 = tpu.vector_load %arg7[%get3A_384, %get3A_385] {strides = array<i32>} : memref<128x128xf32, #tpu.memory_space<vmem>>, vector<1x16xf32>,
      %get3A_387 = vector.shape_cast %get3A_386 : vector<1x16xf32> to vector<16xf32>
      %add3A_388 = arith.constant 4 : i32
      %add3A_389 = arith.addi %add3A_149, %add3A_388 : i32
      %swap3A_390 = arith.index_cast %add3A_389 : i32 to index
      %swap3A_391 = arith.constant 32 : index
      %swap3A_392 = tpu.vector_load %arg9[%swap3A_390, %swap3A_391] {strides = array<i32>} : memref<128x64xf32, #tpu.memory_space<vmem>>, vector<1x16xf32>,
      %swap3A_393 = vector.shape_cast %swap3A_392 : vector<1x16xf32> to vector<16xf32>
      %swap3A_394 = vector.shape_cast %get3A_387 : vector<16xf32> to vector<1x16xf32>
      tpu.vector_store %arg9[%swap3A_390, %swap3A_391], %swap3A_394 {strides = array<i32>} : memref<128x64xf32, #tpu.memory_space<vmem>>, vector<1x16xf32>,
      %add3A_395 = arith.constant 4 : i32
      %add3A_396 = arith.addi %add3A_149, %add3A_395 : i32
      %get3A_397 = arith.index_cast %add3A_396 : i32 to index
      %get3A_398 = arith.constant 48 : index
      %get3A_399 = tpu.vector_load %arg7[%get3A_397, %get3A_398] {strides = array<i32>} : memref<128x128xf32, #tpu.memory_space<vmem>>, vector<1x16xf32>,
      %get3A_400 = vector.shape_cast %get3A_399 : vector<1x16xf32> to vector<16xf32>
      %add3A_401 = arith.constant 4 : i32
      %add3A_402 = arith.addi %add3A_149, %add3A_401 : i32
      %swap3A_403 = arith.index_cast %add3A_402 : i32 to index
      %swap3A_404 = arith.constant 48 : index
      %swap3A_405 = tpu.vector_load %arg9[%swap3A_403, %swap3A_404] {strides = array<i32>} : memref<128x64xf32, #tpu.memory_space<vmem>>, vector<1x16xf32>,
      %swap3A_406 = vector.shape_cast %swap3A_405 : vector<1x16xf32> to vector<16xf32>
      %swap3A_407 = vector.shape_cast %get3A_400 : vector<16xf32> to vector<1x16xf32>
      tpu.vector_store %arg9[%swap3A_403, %swap3A_404], %swap3A_407 {strides = array<i32>} : memref<128x64xf32, #tpu.memory_space<vmem>>, vector<1x16xf32>,
      %add3A_408 = arith.constant 5 : i32
      %add3A_409 = arith.addi %add3A_149, %add3A_408 : i32
      %get3A_410 = arith.index_cast %add3A_409 : i32 to index
      %get3A_411 = arith.constant 0 : index
      %get3A_412 = tpu.vector_load %arg7[%get3A_410, %get3A_411] {strides = array<i32>} : memref<128x128xf32, #tpu.memory_space<vmem>>, vector<1x16xf32>,
      %get3A_413 = vector.shape_cast %get3A_412 : vector<1x16xf32> to vector<16xf32>
      %add3A_414 = arith.constant 5 : i32
      %add3A_415 = arith.addi %add3A_149, %add3A_414 : i32
      %swap3A_416 = arith.index_cast %add3A_415 : i32 to index
      %swap3A_417 = arith.constant 0 : index
      %swap3A_418 = tpu.vector_load %arg9[%swap3A_416, %swap3A_417] {strides = array<i32>} : memref<128x64xf32, #tpu.memory_space<vmem>>, vector<1x16xf32>,
      %swap3A_419 = vector.shape_cast %swap3A_418 : vector<1x16xf32> to vector<16xf32>
      %swap3A_420 = vector.shape_cast %get3A_413 : vector<16xf32> to vector<1x16xf32>
      tpu.vector_store %arg9[%swap3A_416, %swap3A_417], %swap3A_420 {strides = array<i32>} : memref<128x64xf32, #tpu.memory_space<vmem>>, vector<1x16xf32>,
      %add3A_421 = arith.constant 5 : i32
      %add3A_422 = arith.addi %add3A_149, %add3A_421 : i32
      %get3A_423 = arith.index_cast %add3A_422 : i32 to index
      %get3A_424 = arith.constant 16 : index
      %get3A_425 = tpu.vector_load %arg7[%get3A_423, %get3A_424] {strides = array<i32>} : memref<128x128xf32, #tpu.memory_space<vmem>>, vector<1x16xf32>,
      %get3A_426 = vector.shape_cast %get3A_425 : vector<1x16xf32> to vector<16xf32>
      %add3A_427 = arith.constant 5 : i32
      %add3A_428 = arith.addi %add3A_149, %add3A_427 : i32
      %swap3A_429 = arith.index_cast %add3A_428 : i32 to index
      %swap3A_430 = arith.constant 16 : index
      %swap3A_431 = tpu.vector_load %arg9[%swap3A_429, %swap3A_430] {strides = array<i32>} : memref<128x64xf32, #tpu.memory_space<vmem>>, vector<1x16xf32>,
      %swap3A_432 = vector.shape_cast %swap3A_431 : vector<1x16xf32> to vector<16xf32>
      %swap3A_433 = vector.shape_cast %get3A_426 : vector<16xf32> to vector<1x16xf32>
      tpu.vector_store %arg9[%swap3A_429, %swap3A_430], %swap3A_433 {strides = array<i32>} : memref<128x64xf32, #tpu.memory_space<vmem>>, vector<1x16xf32>,
      %add3A_434 = arith.constant 5 : i32
      %add3A_435 = arith.addi %add3A_149, %add3A_434 : i32
      %get3A_436 = arith.index_cast %add3A_435 : i32 to index
      %get3A_437 = arith.constant 32 : index
      %get3A_438 = tpu.vector_load %arg7[%get3A_436, %get3A_437] {strides = array<i32>} : memref<128x128xf32, #tpu.memory_space<vmem>>, vector<1x16xf32>,
      %get3A_439 = vector.shape_cast %get3A_438 : vector<1x16xf32> to vector<16xf32>
      %add3A_440 = arith.constant 5 : i32
      %add3A_441 = arith.addi %add3A_149, %add3A_440 : i32
      %swap3A_442 = arith.index_cast %add3A_441 : i32 to index
      %swap3A_443 = arith.constant 32 : index
      %swap3A_444 = tpu.vector_load %arg9[%swap3A_442, %swap3A_443] {strides = array<i32>} : memref<128x64xf32, #tpu.memory_space<vmem>>, vector<1x16xf32>,
      %swap3A_445 = vector.shape_cast %swap3A_444 : vector<1x16xf32> to vector<16xf32>
      %swap3A_446 = vector.shape_cast %get3A_439 : vector<16xf32> to vector<1x16xf32>
      tpu.vector_store %arg9[%swap3A_442, %swap3A_443], %swap3A_446 {strides = array<i32>} : memref<128x64xf32, #tpu.memory_space<vmem>>, vector<1x16xf32>,
      %add3A_447 = arith.constant 5 : i32
      %add3A_448 = arith.addi %add3A_149, %add3A_447 : i32
      %get3A_449 = arith.index_cast %add3A_448 : i32 to index
      %get3A_450 = arith.constant 48 : index
      %get3A_451 = tpu.vector_load %arg7[%get3A_449, %get3A_450] {strides = array<i32>} : memref<128x128xf32, #tpu.memory_space<vmem>>, vector<1x16xf32>,
      %get3A_452 = vector.shape_cast %get3A_451 : vector<1x16xf32> to vector<16xf32>
      %add3A_453 = arith.constant 5 : i32
      %add3A_454 = arith.addi %add3A_149, %add3A_453 : i32
      %swap3A_455 = arith.index_cast %add3A_454 : i32 to index
      %swap3A_456 = arith.constant 48 : index
      %swap3A_457 = tpu.vector_load %arg9[%swap3A_455, %swap3A_456] {strides = array<i32>} : memref<128x64xf32, #tpu.memory_space<vmem>>, vector<1x16xf32>,
      %swap3A_458 = vector.shape_cast %swap3A_457 : vector<1x16xf32> to vector<16xf32>
      %swap3A_459 = vector.shape_cast %get3A_452 : vector<16xf32> to vector<1x16xf32>
      tpu.vector_store %arg9[%swap3A_455, %swap3A_456], %swap3A_459 {strides = array<i32>} : memref<128x64xf32, #tpu.memory_space<vmem>>, vector<1x16xf32>,
      %add3A_460 = arith.constant 6 : i32
      %add3A_461 = arith.addi %add3A_149, %add3A_460 : i32
      %get3A_462 = arith.index_cast %add3A_461 : i32 to index
      %get3A_463 = arith.constant 0 : index
      %get3A_464 = tpu.vector_load %arg7[%get3A_462, %get3A_463] {strides = array<i32>} : memref<128x128xf32, #tpu.memory_space<vmem>>, vector<1x16xf32>,
      %get3A_465 = vector.shape_cast %get3A_464 : vector<1x16xf32> to vector<16xf32>
      %add3A_466 = arith.constant 6 : i32
      %add3A_467 = arith.addi %add3A_149, %add3A_466 : i32
      %swap3A_468 = arith.index_cast %add3A_467 : i32 to index
      %swap3A_469 = arith.constant 0 : index
      %swap3A_470 = tpu.vector_load %arg9[%swap3A_468, %swap3A_469] {strides = array<i32>} : memref<128x64xf32, #tpu.memory_space<vmem>>, vector<1x16xf32>,
      %swap3A_471 = vector.shape_cast %swap3A_470 : vector<1x16xf32> to vector<16xf32>
      %swap3A_472 = vector.shape_cast %get3A_465 : vector<16xf32> to vector<1x16xf32>
      tpu.vector_store %arg9[%swap3A_468, %swap3A_469], %swap3A_472 {strides = array<i32>} : memref<128x64xf32, #tpu.memory_space<vmem>>, vector<1x16xf32>,
      %add3A_473 = arith.constant 6 : i32
      %add3A_474 = arith.addi %add3A_149, %add3A_473 : i32
      %get3A_475 = arith.index_cast %add3A_474 : i32 to index
      %get3A_476 = arith.constant 16 : index
      %get3A_477 = tpu.vector_load %arg7[%get3A_475, %get3A_476] {strides = array<i32>} : memref<128x128xf32, #tpu.memory_space<vmem>>, vector<1x16xf32>,
      %get3A_478 = vector.shape_cast %get3A_477 : vector<1x16xf32> to vector<16xf32>
      %add3A_479 = arith.constant 6 : i32
      %add3A_480 = arith.addi %add3A_149, %add3A_479 : i32
      %swap3A_481 = arith.index_cast %add3A_480 : i32 to index
      %swap3A_482 = arith.constant 16 : index
      %swap3A_483 = tpu.vector_load %arg9[%swap3A_481, %swap3A_482] {strides = array<i32>} : memref<128x64xf32, #tpu.memory_space<vmem>>, vector<1x16xf32>,
      %swap3A_484 = vector.shape_cast %swap3A_483 : vector<1x16xf32> to vector<16xf32>
      %swap3A_485 = vector.shape_cast %get3A_478 : vector<16xf32> to vector<1x16xf32>
      tpu.vector_store %arg9[%swap3A_481, %swap3A_482], %swap3A_485 {strides = array<i32>} : memref<128x64xf32, #tpu.memory_space<vmem>>, vector<1x16xf32>,
      %add3A_486 = arith.constant 6 : i32
      %add3A_487 = arith.addi %add3A_149, %add3A_486 : i32
      %get3A_488 = arith.index_cast %add3A_487 : i32 to index
      %get3A_489 = arith.constant 32 : index
      %get3A_490 = tpu.vector_load %arg7[%get3A_488, %get3A_489] {strides = array<i32>} : memref<128x128xf32, #tpu.memory_space<vmem>>, vector<1x16xf32>,
      %get3A_491 = vector.shape_cast %get3A_490 : vector<1x16xf32> to vector<16xf32>
      %add3A_492 = arith.constant 6 : i32
      %add3A_493 = arith.addi %add3A_149, %add3A_492 : i32
      %swap3A_494 = arith.index_cast %add3A_493 : i32 to index
      %swap3A_495 = arith.constant 32 : index
      %swap3A_496 = tpu.vector_load %arg9[%swap3A_494, %swap3A_495] {strides = array<i32>} : memref<128x64xf32, #tpu.memory_space<vmem>>, vector<1x16xf32>,
      %swap3A_497 = vector.shape_cast %swap3A_496 : vector<1x16xf32> to vector<16xf32>
      %swap3A_498 = vector.shape_cast %get3A_491 : vector<16xf32> to vector<1x16xf32>
      tpu.vector_store %arg9[%swap3A_494, %swap3A_495], %swap3A_498 {strides = array<i32>} : memref<128x64xf32, #tpu.memory_space<vmem>>, vector<1x16xf32>,
      %add3A_499 = arith.constant 6 : i32
      %add3A_500 = arith.addi %add3A_149, %add3A_499 : i32
      %get3A_501 = arith.index_cast %add3A_500 : i32 to index
      %get3A_502 = arith.constant 48 : index
      %get3A_503 = tpu.vector_load %arg7[%get3A_501, %get3A_502] {strides = array<i32>} : memref<128x128xf32, #tpu.memory_space<vmem>>, vector<1x16xf32>,
      %get3A_504 = vector.shape_cast %get3A_503 : vector<1x16xf32> to vector<16xf32>
      %add3A_505 = arith.constant 6 : i32
      %add3A_506 = arith.addi %add3A_149, %add3A_505 : i32
      %swap3A_507 = arith.index_cast %add3A_506 : i32 to index
      %swap3A_508 = arith.constant 48 : index
      %swap3A_509 = tpu.vector_load %arg9[%swap3A_507, %swap3A_508] {strides = array<i32>} : memref<128x64xf32, #tpu.memory_space<vmem>>, vector<1x16xf32>,
      %swap3A_510 = vector.shape_cast %swap3A_509 : vector<1x16xf32> to vector<16xf32>
      %swap3A_511 = vector.shape_cast %get3A_504 : vector<16xf32> to vector<1x16xf32>
      tpu.vector_store %arg9[%swap3A_507, %swap3A_508], %swap3A_511 {strides = array<i32>} : memref<128x64xf32, #tpu.memory_space<vmem>>, vector<1x16xf32>,
      %add3A_512 = arith.constant 7 : i32
      %add3A_513 = arith.addi %add3A_149, %add3A_512 : i32
      %get3A_514 = arith.index_cast %add3A_513 : i32 to index
      %get3A_515 = arith.constant 0 : index
      %get3A_516 = tpu.vector_load %arg7[%get3A_514, %get3A_515] {strides = array<i32>} : memref<128x128xf32, #tpu.memory_space<vmem>>, vector<1x16xf32>,
      %get3A_517 = vector.shape_cast %get3A_516 : vector<1x16xf32> to vector<16xf32>
      %add3A_518 = arith.constant 7 : i32
      %add3A_519 = arith.addi %add3A_149, %add3A_518 : i32
      %swap3A_520 = arith.index_cast %add3A_519 : i32 to index
      %swap3A_521 = arith.constant 0 : index
      %swap3A_522 = tpu.vector_load %arg9[%swap3A_520, %swap3A_521] {strides = array<i32>} : memref<128x64xf32, #tpu.memory_space<vmem>>, vector<1x16xf32>,
      %swap3A_523 = vector.shape_cast %swap3A_522 : vector<1x16xf32> to vector<16xf32>
      %swap3A_524 = vector.shape_cast %get3A_517 : vector<16xf32> to vector<1x16xf32>
      tpu.vector_store %arg9[%swap3A_520, %swap3A_521], %swap3A_524 {strides = array<i32>} : memref<128x64xf32, #tpu.memory_space<vmem>>, vector<1x16xf32>,
      %add3A_525 = arith.constant 7 : i32
      %add3A_526 = arith.addi %add3A_149, %add3A_525 : i32
      %get3A_527 = arith.index_cast %add3A_526 : i32 to index
      %get3A_528 = arith.constant 16 : index
      %get3A_529 = tpu.vector_load %arg7[%get3A_527, %get3A_528] {strides = array<i32>} : memref<128x128xf32, #tpu.memory_space<vmem>>, vector<1x16xf32>,
      %get3A_530 = vector.shape_cast %get3A_529 : vector<1x16xf32> to vector<16xf32>
      %add3A_531 = arith.constant 7 : i32
      %add3A_532 = arith.addi %add3A_149, %add3A_531 : i32
      %swap3A_533 = arith.index_cast %add3A_532 : i32 to index
      %swap3A_534 = arith.constant 16 : index
      %swap3A_535 = tpu.vector_load %arg9[%swap3A_533, %swap3A_534] {strides = array<i32>} : memref<128x64xf32, #tpu.memory_space<vmem>>, vector<1x16xf32>,
      %swap3A_536 = vector.shape_cast %swap3A_535 : vector<1x16xf32> to vector<16xf32>
      %swap3A_537 = vector.shape_cast %get3A_530 : vector<16xf32> to vector<1x16xf32>
      tpu.vector_store %arg9[%swap3A_533, %swap3A_534], %swap3A_537 {strides = array<i32>} : memref<128x64xf32, #tpu.memory_space<vmem>>, vector<1x16xf32>,
      %add3A_538 = arith.constant 7 : i32
      %add3A_539 = arith.addi %add3A_149, %add3A_538 : i32
      %get3A_540 = arith.index_cast %add3A_539 : i32 to index
      %get3A_541 = arith.constant 32 : index
      %get3A_542 = tpu.vector_load %arg7[%get3A_540, %get3A_541] {strides = array<i32>} : memref<128x128xf32, #tpu.memory_space<vmem>>, vector<1x16xf32>,
      %get3A_543 = vector.shape_cast %get3A_542 : vector<1x16xf32> to vector<16xf32>
      %add3A_544 = arith.constant 7 : i32
      %add3A_545 = arith.addi %add3A_149, %add3A_544 : i32
      %swap3A_546 = arith.index_cast %add3A_545 : i32 to index
      %swap3A_547 = arith.constant 32 : index
      %swap3A_548 = tpu.vector_load %arg9[%swap3A_546, %swap3A_547] {strides = array<i32>} : memref<128x64xf32, #tpu.memory_space<vmem>>, vector<1x16xf32>,
      %swap3A_549 = vector.shape_cast %swap3A_548 : vector<1x16xf32> to vector<16xf32>
      %swap3A_550 = vector.shape_cast %get3A_543 : vector<16xf32> to vector<1x16xf32>
      tpu.vector_store %arg9[%swap3A_546, %swap3A_547], %swap3A_550 {strides = array<i32>} : memref<128x64xf32, #tpu.memory_space<vmem>>, vector<1x16xf32>,
      %add3A_551 = arith.constant 7 : i32
      %add3A_552 = arith.addi %add3A_149, %add3A_551 : i32
      %get3A_553 = arith.index_cast %add3A_552 : i32 to index
      %get3A_554 = arith.constant 48 : index
      %get3A_555 = tpu.vector_load %arg7[%get3A_553, %get3A_554] {strides = array<i32>} : memref<128x128xf32, #tpu.memory_space<vmem>>, vector<1x16xf32>,
      %get3A_556 = vector.shape_cast %get3A_555 : vector<1x16xf32> to vector<16xf32>
      %add3A_557 = arith.constant 7 : i32
      %add3A_558 = arith.addi %add3A_149, %add3A_557 : i32
      %swap3A_559 = arith.index_cast %add3A_558 : i32 to index
      %swap3A_560 = arith.constant 48 : index
      %swap3A_561 = tpu.vector_load %arg9[%swap3A_559, %swap3A_560] {strides = array<i32>} : memref<128x64xf32, #tpu.memory_space<vmem>>, vector<1x16xf32>,
      %swap3A_562 = vector.shape_cast %swap3A_561 : vector<1x16xf32> to vector<16xf32>
      %swap3A_563 = vector.shape_cast %get3A_556 : vector<16xf32> to vector<1x16xf32>
      tpu.vector_store %arg9[%swap3A_559, %swap3A_560], %swap3A_563 {strides = array<i32>} : memref<128x64xf32, #tpu.memory_space<vmem>>, vector<1x16xf32>,
    }
    %scan3A_33 = arith.constant 16 : i32
    %add3A_34 = arith.constant 0 : i32
    %add3A_35 = arith.addi %mul3A_2, %add3A_34 : i32
    %dma_start3A_36 = tpu.memref_reshape %arg4 : memref<4096x200x64xf32, #tpu.memory_space<hbm>> -> memref<819200x64xf32, #tpu.memory_space<hbm>>
    %dma_start3A_37 = arith.constant 0 : i32
    %dma_start3A_38 = tpu.memref_slice %dma_start3A_36[%add3A_35, %dma_start3A_37] : memref<819200x64xf32, #tpu.memory_space<hbm>> -> memref<128x64xf32, #tpu.memory_space<hbm>>
    %dma_start3A_39 = tpu.memref_reshape %arg4 : memref<4096x200x64xf32, #tpu.memory_space<hbm>> -> memref<819200x64xf32, #tpu.memory_space<hbm>>
    %dma_start3A_40 = arith.constant 0 : i32
    %dma_start3A_41 = tpu.memref_slice %dma_start3A_39[%add3A_35, %dma_start3A_40] : memref<819200x64xf32, #tpu.memory_space<hbm>> -> memref<128x64xf32, #tpu.memory_space<hbm>>
    tpu.enqueue_dma source(%arg9 : memref<128x64xf32, #tpu.memory_space<vmem>>) target(%dma_start3A_41 : memref<128x64xf32, #tpu.memory_space<hbm>>) target_semaphore(%arg13 : memref<!tpu.dma_semaphore, #tpu.memory_space<semaphore_mem>>)
    %add3A_42 = arith.constant 256 : i32
    %add3A_43 = arith.addi %mul3A_2, %add3A_42 : i32
    %dma_wait3A_44 = tpu.memref_slice %arg3[%add3A_43] : memref<819200xi32, #tpu.memory_space<hbm>> -> memref<128xi32, #tpu.memory_space<hbm>>
    %dma_wait3A_45 = tpu.memref_slice %arg3[%add3A_43] : memref<819200xi32, #tpu.memory_space<hbm>> -> memref<128xi32, #tpu.memory_space<hbm>>
    tpu.wait_dma2 semaphore(%arg15 : memref<!tpu.dma_semaphore, #tpu.memory_space<semaphore_mem>>) src(%dma_wait3A_45 : memref<128xi32, #tpu.memory_space<hbm>>) dst(%arg5 : memref<128xi32, #tpu.memory_space<vmem>>)
    %dma_start3A_46 = arith.constant 0 : i32
    %dma_start3A_47 = arith.constant 0 : i32
    %dma_start3A_48 = tpu.memref_slice %arg2[%dma_start3A_46, %dma_start3A_47] : memref<100000x128xf32, #tpu.memory_space<hbm>> -> memref<100000x128xf32, #tpu.memory_space<hbm>>
    tpu.enqueue_indirect_dma source(%dma_start3A_48 : memref<100000x128xf32, #tpu.memory_space<hbm>>) target(%arg7 : memref<128x128xf32, #tpu.memory_space<vmem>>) offsets(%arg5 : memref<128xi32, #tpu.memory_space<vmem>>) semaphore(%arg11 : memref<!tpu.dma_semaphore, #tpu.memory_space<semaphore_mem>>)
    %dma_wait3A_49 = arith.constant 0 : i32
    %dma_wait3A_50 = arith.constant 0 : i32
    %dma_wait3A_51 = tpu.memref_slice %arg2[%dma_wait3A_49, %dma_wait3A_50] : memref<100000x128xf32, #tpu.memory_space<hbm>> -> memref<100000x128xf32, #tpu.memory_space<hbm>>
    tpu.wait_indirect_dma semaphore(%arg12 : memref<!tpu.dma_semaphore, #tpu.memory_space<semaphore_mem>>) src(%dma_wait3A_51 : memref<100000x128xf32, #tpu.memory_space<hbm>>) dst(%arg8 : memref<128x128xf32, #tpu.memory_space<vmem>>)
    %add3A_52 = arith.constant 384 : i32
    %add3A_53 = arith.addi %mul3A_2, %add3A_52 : i32
    %dma_start3A_54 = tpu.memref_slice %arg3[%add3A_53] : memref<819200xi32, #tpu.memory_space<hbm>> -> memref<128xi32, #tpu.memory_space<hbm>>
    %dma_start3A_55 = tpu.memref_slice %arg3[%add3A_53] : memref<819200xi32, #tpu.memory_space<hbm>> -> memref<128xi32, #tpu.memory_space<hbm>>
    tpu.enqueue_dma source(%dma_start3A_55 : memref<128xi32, #tpu.memory_space<hbm>>) target(%arg6 : memref<128xi32, #tpu.memory_space<vmem>>) target_semaphore(%arg16 : memref<!tpu.dma_semaphore, #tpu.memory_space<semaphore_mem>>)
    %scan3A_56 = arith.constant 0 : i32
    %scan3A_57 = arith.constant 16 : i32
    %scan3A_58 = arith.addi %scan3A_56, %scan3A_57 : i32
    %scan3A_59 = arith.constant 1 : i32
    scf.for %scan3A_145 = %scan3A_56 to %scan3A_58 step %scan3A_59  : i32 {
      %mul3A_146 = arith.constant 8 : i32
      %mul3A_147 = arith.muli %scan3A_145, %mul3A_146 : i32
      %add3A_148 = arith.constant 0 : i32
      %add3A_149 = arith.addi %add3A_148, %mul3A_147 : i32
      %add3A_150 = arith.constant 0 : i32
      %add3A_151 = arith.addi %add3A_149, %add3A_150 : i32
      %get3A = arith.index_cast %add3A_151 : i32 to index
      %get3A_152 = arith.constant 0 : index
      %get3A_153 = tpu.vector_load %arg8[%get3A, %get3A_152] {strides = array<i32>} : memref<128x128xf32, #tpu.memory_space<vmem>>, vector<1x16xf32>,
      %get3A_154 = vector.shape_cast %get3A_153 : vector<1x16xf32> to vector<16xf32>
      %add3A_155 = arith.constant 0 : i32
      %add3A_156 = arith.addi %add3A_149, %add3A_155 : i32
      %swap3A = arith.index_cast %add3A_156 : i32 to index
      %swap3A_157 = arith.constant 0 : index
      %swap3A_158 = tpu.vector_load %arg10[%swap3A, %swap3A_157] {strides = array<i32>} : memref<128x64xf32, #tpu.memory_space<vmem>>, vector<1x16xf32>,
      %swap3A_159 = vector.shape_cast %swap3A_158 : vector<1x16xf32> to vector<16xf32>
      %swap3A_160 = vector.shape_cast %get3A_154 : vector<16xf32> to vector<1x16xf32>
      tpu.vector_store %arg10[%swap3A, %swap3A_157], %swap3A_160 {strides = array<i32>} : memref<128x64xf32, #tpu.memory_space<vmem>>, vector<1x16xf32>,
      %add3A_161 = arith.constant 0 : i32
      %add3A_162 = arith.addi %add3A_149, %add3A_161 : i32
      %get3A_163 = arith.index_cast %add3A_162 : i32 to index
      %get3A_164 = arith.constant 16 : index
      %get3A_165 = tpu.vector_load %arg8[%get3A_163, %get3A_164] {strides = array<i32>} : memref<128x128xf32, #tpu.memory_space<vmem>>, vector<1x16xf32>,
      %get3A_166 = vector.shape_cast %get3A_165 : vector<1x16xf32> to vector<16xf32>
      %add3A_167 = arith.constant 0 : i32
      %add3A_168 = arith.addi %add3A_149, %add3A_167 : i32
      %swap3A_169 = arith.index_cast %add3A_168 : i32 to index
      %swap3A_170 = arith.constant 16 : index
      %swap3A_171 = tpu.vector_load %arg10[%swap3A_169, %swap3A_170] {strides = array<i32>} : memref<128x64xf32, #tpu.memory_space<vmem>>, vector<1x16xf32>,
      %swap3A_172 = vector.shape_cast %swap3A_171 : vector<1x16xf32> to vector<16xf32>
      %swap3A_173 = vector.shape_cast %get3A_166 : vector<16xf32> to vector<1x16xf32>
      tpu.vector_store %arg10[%swap3A_169, %swap3A_170], %swap3A_173 {strides = array<i32>} : memref<128x64xf32, #tpu.memory_space<vmem>>, vector<1x16xf32>,
      %add3A_174 = arith.constant 0 : i32
      %add3A_175 = arith.addi %add3A_149, %add3A_174 : i32
      %get3A_176 = arith.index_cast %add3A_175 : i32 to index
      %get3A_177 = arith.constant 32 : index
      %get3A_178 = tpu.vector_load %arg8[%get3A_176, %get3A_177] {strides = array<i32>} : memref<128x128xf32, #tpu.memory_space<vmem>>, vector<1x16xf32>,
      %get3A_179 = vector.shape_cast %get3A_178 : vector<1x16xf32> to vector<16xf32>
      %add3A_180 = arith.constant 0 : i32
      %add3A_181 = arith.addi %add3A_149, %add3A_180 : i32
      %swap3A_182 = arith.index_cast %add3A_181 : i32 to index
      %swap3A_183 = arith.constant 32 : index
      %swap3A_184 = tpu.vector_load %arg10[%swap3A_182, %swap3A_183] {strides = array<i32>} : memref<128x64xf32, #tpu.memory_space<vmem>>, vector<1x16xf32>,
      %swap3A_185 = vector.shape_cast %swap3A_184 : vector<1x16xf32> to vector<16xf32>
      %swap3A_186 = vector.shape_cast %get3A_179 : vector<16xf32> to vector<1x16xf32>
      tpu.vector_store %arg10[%swap3A_182, %swap3A_183], %swap3A_186 {strides = array<i32>} : memref<128x64xf32, #tpu.memory_space<vmem>>, vector<1x16xf32>,
      %add3A_187 = arith.constant 0 : i32
      %add3A_188 = arith.addi %add3A_149, %add3A_187 : i32
      %get3A_189 = arith.index_cast %add3A_188 : i32 to index
      %get3A_190 = arith.constant 48 : index
      %get3A_191 = tpu.vector_load %arg8[%get3A_189, %get3A_190] {strides = array<i32>} : memref<128x128xf32, #tpu.memory_space<vmem>>, vector<1x16xf32>,
      %get3A_192 = vector.shape_cast %get3A_191 : vector<1x16xf32> to vector<16xf32>
      %add3A_193 = arith.constant 0 : i32
      %add3A_194 = arith.addi %add3A_149, %add3A_193 : i32
      %swap3A_195 = arith.index_cast %add3A_194 : i32 to index
      %swap3A_196 = arith.constant 48 : index
      %swap3A_197 = tpu.vector_load %arg10[%swap3A_195, %swap3A_196] {strides = array<i32>} : memref<128x64xf32, #tpu.memory_space<vmem>>, vector<1x16xf32>,
      %swap3A_198 = vector.shape_cast %swap3A_197 : vector<1x16xf32> to vector<16xf32>
      %swap3A_199 = vector.shape_cast %get3A_192 : vector<16xf32> to vector<1x16xf32>
      tpu.vector_store %arg10[%swap3A_195, %swap3A_196], %swap3A_199 {strides = array<i32>} : memref<128x64xf32, #tpu.memory_space<vmem>>, vector<1x16xf32>,
      %add3A_200 = arith.constant 1 : i32
      %add3A_201 = arith.addi %add3A_149, %add3A_200 : i32
      %get3A_202 = arith.index_cast %add3A_201 : i32 to index
      %get3A_203 = arith.constant 0 : index
      %get3A_204 = tpu.vector_load %arg8[%get3A_202, %get3A_203] {strides = array<i32>} : memref<128x128xf32, #tpu.memory_space<vmem>>, vector<1x16xf32>,
      %get3A_205 = vector.shape_cast %get3A_204 : vector<1x16xf32> to vector<16xf32>
      %add3A_206 = arith.constant 1 : i32
      %add3A_207 = arith.addi %add3A_149, %add3A_206 : i32
      %swap3A_208 = arith.index_cast %add3A_207 : i32 to index
      %swap3A_209 = arith.constant 0 : index
      %swap3A_210 = tpu.vector_load %arg10[%swap3A_208, %swap3A_209] {strides = array<i32>} : memref<128x64xf32, #tpu.memory_space<vmem>>, vector<1x16xf32>,
      %swap3A_211 = vector.shape_cast %swap3A_210 : vector<1x16xf32> to vector<16xf32>
      %swap3A_212 = vector.shape_cast %get3A_205 : vector<16xf32> to vector<1x16xf32>
      tpu.vector_store %arg10[%swap3A_208, %swap3A_209], %swap3A_212 {strides = array<i32>} : memref<128x64xf32, #tpu.memory_space<vmem>>, vector<1x16xf32>,
      %add3A_213 = arith.constant 1 : i32
      %add3A_214 = arith.addi %add3A_149, %add3A_213 : i32
      %get3A_215 = arith.index_cast %add3A_214 : i32 to index
      %get3A_216 = arith.constant 16 : index
      %get3A_217 = tpu.vector_load %arg8[%get3A_215, %get3A_216] {strides = array<i32>} : memref<128x128xf32, #tpu.memory_space<vmem>>, vector<1x16xf32>,
      %get3A_218 = vector.shape_cast %get3A_217 : vector<1x16xf32> to vector<16xf32>
      %add3A_219 = arith.constant 1 : i32
      %add3A_220 = arith.addi %add3A_149, %add3A_219 : i32
      %swap3A_221 = arith.index_cast %add3A_220 : i32 to index
      %swap3A_222 = arith.constant 16 : index
      %swap3A_223 = tpu.vector_load %arg10[%swap3A_221, %swap3A_222] {strides = array<i32>} : memref<128x64xf32, #tpu.memory_space<vmem>>, vector<1x16xf32>,
      %swap3A_224 = vector.shape_cast %swap3A_223 : vector<1x16xf32> to vector<16xf32>
      %swap3A_225 = vector.shape_cast %get3A_218 : vector<16xf32> to vector<1x16xf32>
      tpu.vector_store %arg10[%swap3A_221, %swap3A_222], %swap3A_225 {strides = array<i32>} : memref<128x64xf32, #tpu.memory_space<vmem>>, vector<1x16xf32>,
      %add3A_226 = arith.constant 1 : i32
      %add3A_227 = arith.addi %add3A_149, %add3A_226 : i32
      %get3A_228 = arith.index_cast %add3A_227 : i32 to index
      %get3A_229 = arith.constant 32 : index
      %get3A_230 = tpu.vector_load %arg8[%get3A_228, %get3A_229] {strides = array<i32>} : memref<128x128xf32, #tpu.memory_space<vmem>>, vector<1x16xf32>,
      %get3A_231 = vector.shape_cast %get3A_230 : vector<1x16xf32> to vector<16xf32>
      %add3A_232 = arith.constant 1 : i32
      %add3A_233 = arith.addi %add3A_149, %add3A_232 : i32
      %swap3A_234 = arith.index_cast %add3A_233 : i32 to index
      %swap3A_235 = arith.constant 32 : index
      %swap3A_236 = tpu.vector_load %arg10[%swap3A_234, %swap3A_235] {strides = array<i32>} : memref<128x64xf32, #tpu.memory_space<vmem>>, vector<1x16xf32>,
      %swap3A_237 = vector.shape_cast %swap3A_236 : vector<1x16xf32> to vector<16xf32>
      %swap3A_238 = vector.shape_cast %get3A_231 : vector<16xf32> to vector<1x16xf32>
      tpu.vector_store %arg10[%swap3A_234, %swap3A_235], %swap3A_238 {strides = array<i32>} : memref<128x64xf32, #tpu.memory_space<vmem>>, vector<1x16xf32>,
      %add3A_239 = arith.constant 1 : i32
      %add3A_240 = arith.addi %add3A_149, %add3A_239 : i32
      %get3A_241 = arith.index_cast %add3A_240 : i32 to index
      %get3A_242 = arith.constant 48 : index
      %get3A_243 = tpu.vector_load %arg8[%get3A_241, %get3A_242] {strides = array<i32>} : memref<128x128xf32, #tpu.memory_space<vmem>>, vector<1x16xf32>,
      %get3A_244 = vector.shape_cast %get3A_243 : vector<1x16xf32> to vector<16xf32>
      %add3A_245 = arith.constant 1 : i32
      %add3A_246 = arith.addi %add3A_149, %add3A_245 : i32
      %swap3A_247 = arith.index_cast %add3A_246 : i32 to index
      %swap3A_248 = arith.constant 48 : index
      %swap3A_249 = tpu.vector_load %arg10[%swap3A_247, %swap3A_248] {strides = array<i32>} : memref<128x64xf32, #tpu.memory_space<vmem>>, vector<1x16xf32>,
      %swap3A_250 = vector.shape_cast %swap3A_249 : vector<1x16xf32> to vector<16xf32>
      %swap3A_251 = vector.shape_cast %get3A_244 : vector<16xf32> to vector<1x16xf32>
      tpu.vector_store %arg10[%swap3A_247, %swap3A_248], %swap3A_251 {strides = array<i32>} : memref<128x64xf32, #tpu.memory_space<vmem>>, vector<1x16xf32>,
      %add3A_252 = arith.constant 2 : i32
      %add3A_253 = arith.addi %add3A_149, %add3A_252 : i32
      %get3A_254 = arith.index_cast %add3A_253 : i32 to index
      %get3A_255 = arith.constant 0 : index
      %get3A_256 = tpu.vector_load %arg8[%get3A_254, %get3A_255] {strides = array<i32>} : memref<128x128xf32, #tpu.memory_space<vmem>>, vector<1x16xf32>,
      %get3A_257 = vector.shape_cast %get3A_256 : vector<1x16xf32> to vector<16xf32>
      %add3A_258 = arith.constant 2 : i32
      %add3A_259 = arith.addi %add3A_149, %add3A_258 : i32
      %swap3A_260 = arith.index_cast %add3A_259 : i32 to index
      %swap3A_261 = arith.constant 0 : index
      %swap3A_262 = tpu.vector_load %arg10[%swap3A_260, %swap3A_261] {strides = array<i32>} : memref<128x64xf32, #tpu.memory_space<vmem>>, vector<1x16xf32>,
      %swap3A_263 = vector.shape_cast %swap3A_262 : vector<1x16xf32> to vector<16xf32>
      %swap3A_264 = vector.shape_cast %get3A_257 : vector<16xf32> to vector<1x16xf32>
      tpu.vector_store %arg10[%swap3A_260, %swap3A_261], %swap3A_264 {strides = array<i32>} : memref<128x64xf32, #tpu.memory_space<vmem>>, vector<1x16xf32>,
      %add3A_265 = arith.constant 2 : i32
      %add3A_266 = arith.addi %add3A_149, %add3A_265 : i32
      %get3A_267 = arith.index_cast %add3A_266 : i32 to index
      %get3A_268 = arith.constant 16 : index
      %get3A_269 = tpu.vector_load %arg8[%get3A_267, %get3A_268] {strides = array<i32>} : memref<128x128xf32, #tpu.memory_space<vmem>>, vector<1x16xf32>,
      %get3A_270 = vector.shape_cast %get3A_269 : vector<1x16xf32> to vector<16xf32>
      %add3A_271 = arith.constant 2 : i32
      %add3A_272 = arith.addi %add3A_149, %add3A_271 : i32
      %swap3A_273 = arith.index_cast %add3A_272 : i32 to index
      %swap3A_274 = arith.constant 16 : index
      %swap3A_275 = tpu.vector_load %arg10[%swap3A_273, %swap3A_274] {strides = array<i32>} : memref<128x64xf32, #tpu.memory_space<vmem>>, vector<1x16xf32>,
      %swap3A_276 = vector.shape_cast %swap3A_275 : vector<1x16xf32> to vector<16xf32>
      %swap3A_277 = vector.shape_cast %get3A_270 : vector<16xf32> to vector<1x16xf32>
      tpu.vector_store %arg10[%swap3A_273, %swap3A_274], %swap3A_277 {strides = array<i32>} : memref<128x64xf32, #tpu.memory_space<vmem>>, vector<1x16xf32>,
      %add3A_278 = arith.constant 2 : i32
      %add3A_279 = arith.addi %add3A_149, %add3A_278 : i32
      %get3A_280 = arith.index_cast %add3A_279 : i32 to index
      %get3A_281 = arith.constant 32 : index
      %get3A_282 = tpu.vector_load %arg8[%get3A_280, %get3A_281] {strides = array<i32>} : memref<128x128xf32, #tpu.memory_space<vmem>>, vector<1x16xf32>,
      %get3A_283 = vector.shape_cast %get3A_282 : vector<1x16xf32> to vector<16xf32>
      %add3A_284 = arith.constant 2 : i32
      %add3A_285 = arith.addi %add3A_149, %add3A_284 : i32
      %swap3A_286 = arith.index_cast %add3A_285 : i32 to index
      %swap3A_287 = arith.constant 32 : index
      %swap3A_288 = tpu.vector_load %arg10[%swap3A_286, %swap3A_287] {strides = array<i32>} : memref<128x64xf32, #tpu.memory_space<vmem>>, vector<1x16xf32>,
      %swap3A_289 = vector.shape_cast %swap3A_288 : vector<1x16xf32> to vector<16xf32>
      %swap3A_290 = vector.shape_cast %get3A_283 : vector<16xf32> to vector<1x16xf32>
      tpu.vector_store %arg10[%swap3A_286, %swap3A_287], %swap3A_290 {strides = array<i32>} : memref<128x64xf32, #tpu.memory_space<vmem>>, vector<1x16xf32>,
      %add3A_291 = arith.constant 2 : i32
      %add3A_292 = arith.addi %add3A_149, %add3A_291 : i32
      %get3A_293 = arith.index_cast %add3A_292 : i32 to index
      %get3A_294 = arith.constant 48 : index
      %get3A_295 = tpu.vector_load %arg8[%get3A_293, %get3A_294] {strides = array<i32>} : memref<128x128xf32, #tpu.memory_space<vmem>>, vector<1x16xf32>,
      %get3A_296 = vector.shape_cast %get3A_295 : vector<1x16xf32> to vector<16xf32>
      %add3A_297 = arith.constant 2 : i32
      %add3A_298 = arith.addi %add3A_149, %add3A_297 : i32
      %swap3A_299 = arith.index_cast %add3A_298 : i32 to index
      %swap3A_300 = arith.constant 48 : index
      %swap3A_301 = tpu.vector_load %arg10[%swap3A_299, %swap3A_300] {strides = array<i32>} : memref<128x64xf32, #tpu.memory_space<vmem>>, vector<1x16xf32>,
      %swap3A_302 = vector.shape_cast %swap3A_301 : vector<1x16xf32> to vector<16xf32>
      %swap3A_303 = vector.shape_cast %get3A_296 : vector<16xf32> to vector<1x16xf32>
      tpu.vector_store %arg10[%swap3A_299, %swap3A_300], %swap3A_303 {strides = array<i32>} : memref<128x64xf32, #tpu.memory_space<vmem>>, vector<1x16xf32>,
      %add3A_304 = arith.constant 3 : i32
      %add3A_305 = arith.addi %add3A_149, %add3A_304 : i32
      %get3A_306 = arith.index_cast %add3A_305 : i32 to index
      %get3A_307 = arith.constant 0 : index
      %get3A_308 = tpu.vector_load %arg8[%get3A_306, %get3A_307] {strides = array<i32>} : memref<128x128xf32, #tpu.memory_space<vmem>>, vector<1x16xf32>,
      %get3A_309 = vector.shape_cast %get3A_308 : vector<1x16xf32> to vector<16xf32>
      %add3A_310 = arith.constant 3 : i32
      %add3A_311 = arith.addi %add3A_149, %add3A_310 : i32
      %swap3A_312 = arith.index_cast %add3A_311 : i32 to index
      %swap3A_313 = arith.constant 0 : index
      %swap3A_314 = tpu.vector_load %arg10[%swap3A_312, %swap3A_313] {strides = array<i32>} : memref<128x64xf32, #tpu.memory_space<vmem>>, vector<1x16xf32>,
      %swap3A_315 = vector.shape_cast %swap3A_314 : vector<1x16xf32> to vector<16xf32>
      %swap3A_316 = vector.shape_cast %get3A_309 : vector<16xf32> to vector<1x16xf32>
      tpu.vector_store %arg10[%swap3A_312, %swap3A_313], %swap3A_316 {strides = array<i32>} : memref<128x64xf32, #tpu.memory_space<vmem>>, vector<1x16xf32>,
      %add3A_317 = arith.constant 3 : i32
      %add3A_318 = arith.addi %add3A_149, %add3A_317 : i32
      %get3A_319 = arith.index_cast %add3A_318 : i32 to index
      %get3A_320 = arith.constant 16 : index
      %get3A_321 = tpu.vector_load %arg8[%get3A_319, %get3A_320] {strides = array<i32>} : memref<128x128xf32, #tpu.memory_space<vmem>>, vector<1x16xf32>,
      %get3A_322 = vector.shape_cast %get3A_321 : vector<1x16xf32> to vector<16xf32>
      %add3A_323 = arith.constant 3 : i32
      %add3A_324 = arith.addi %add3A_149, %add3A_323 : i32
      %swap3A_325 = arith.index_cast %add3A_324 : i32 to index
      %swap3A_326 = arith.constant 16 : index
      %swap3A_327 = tpu.vector_load %arg10[%swap3A_325, %swap3A_326] {strides = array<i32>} : memref<128x64xf32, #tpu.memory_space<vmem>>, vector<1x16xf32>,
      %swap3A_328 = vector.shape_cast %swap3A_327 : vector<1x16xf32> to vector<16xf32>
      %swap3A_329 = vector.shape_cast %get3A_322 : vector<16xf32> to vector<1x16xf32>
      tpu.vector_store %arg10[%swap3A_325, %swap3A_326], %swap3A_329 {strides = array<i32>} : memref<128x64xf32, #tpu.memory_space<vmem>>, vector<1x16xf32>,
      %add3A_330 = arith.constant 3 : i32
      %add3A_331 = arith.addi %add3A_149, %add3A_330 : i32
      %get3A_332 = arith.index_cast %add3A_331 : i32 to index
      %get3A_333 = arith.constant 32 : index
      %get3A_334 = tpu.vector_load %arg8[%get3A_332, %get3A_333] {strides = array<i32>} : memref<128x128xf32, #tpu.memory_space<vmem>>, vector<1x16xf32>,
      %get3A_335 = vector.shape_cast %get3A_334 : vector<1x16xf32> to vector<16xf32>
      %add3A_336 = arith.constant 3 : i32
      %add3A_337 = arith.addi %add3A_149, %add3A_336 : i32
      %swap3A_338 = arith.index_cast %add3A_337 : i32 to index
      %swap3A_339 = arith.constant 32 : index
      %swap3A_340 = tpu.vector_load %arg10[%swap3A_338, %swap3A_339] {strides = array<i32>} : memref<128x64xf32, #tpu.memory_space<vmem>>, vector<1x16xf32>,
      %swap3A_341 = vector.shape_cast %swap3A_340 : vector<1x16xf32> to vector<16xf32>
      %swap3A_342 = vector.shape_cast %get3A_335 : vector<16xf32> to vector<1x16xf32>
      tpu.vector_store %arg10[%swap3A_338, %swap3A_339], %swap3A_342 {strides = array<i32>} : memref<128x64xf32, #tpu.memory_space<vmem>>, vector<1x16xf32>,
      %add3A_343 = arith.constant 3 : i32
      %add3A_344 = arith.addi %add3A_149, %add3A_343 : i32
      %get3A_345 = arith.index_cast %add3A_344 : i32 to index
      %get3A_346 = arith.constant 48 : index
      %get3A_347 = tpu.vector_load %arg8[%get3A_345, %get3A_346] {strides = array<i32>} : memref<128x128xf32, #tpu.memory_space<vmem>>, vector<1x16xf32>,
      %get3A_348 = vector.shape_cast %get3A_347 : vector<1x16xf32> to vector<16xf32>
      %add3A_349 = arith.constant 3 : i32
      %add3A_350 = arith.addi %add3A_149, %add3A_349 : i32
      %swap3A_351 = arith.index_cast %add3A_350 : i32 to index
      %swap3A_352 = arith.constant 48 : index
      %swap3A_353 = tpu.vector_load %arg10[%swap3A_351, %swap3A_352] {strides = array<i32>} : memref<128x64xf32, #tpu.memory_space<vmem>>, vector<1x16xf32>,
      %swap3A_354 = vector.shape_cast %swap3A_353 : vector<1x16xf32> to vector<16xf32>
      %swap3A_355 = vector.shape_cast %get3A_348 : vector<16xf32> to vector<1x16xf32>
      tpu.vector_store %arg10[%swap3A_351, %swap3A_352], %swap3A_355 {strides = array<i32>} : memref<128x64xf32, #tpu.memory_space<vmem>>, vector<1x16xf32>,
      %add3A_356 = arith.constant 4 : i32
      %add3A_357 = arith.addi %add3A_149, %add3A_356 : i32
      %get3A_358 = arith.index_cast %add3A_357 : i32 to index
      %get3A_359 = arith.constant 0 : index
      %get3A_360 = tpu.vector_load %arg8[%get3A_358, %get3A_359] {strides = array<i32>} : memref<128x128xf32, #tpu.memory_space<vmem>>, vector<1x16xf32>,
      %get3A_361 = vector.shape_cast %get3A_360 : vector<1x16xf32> to vector<16xf32>
      %add3A_362 = arith.constant 4 : i32
      %add3A_363 = arith.addi %add3A_149, %add3A_362 : i32
      %swap3A_364 = arith.index_cast %add3A_363 : i32 to index
      %swap3A_365 = arith.constant 0 : index
      %swap3A_366 = tpu.vector_load %arg10[%swap3A_364, %swap3A_365] {strides = array<i32>} : memref<128x64xf32, #tpu.memory_space<vmem>>, vector<1x16xf32>,
      %swap3A_367 = vector.shape_cast %swap3A_366 : vector<1x16xf32> to vector<16xf32>
      %swap3A_368 = vector.shape_cast %get3A_361 : vector<16xf32> to vector<1x16xf32>
      tpu.vector_store %arg10[%swap3A_364, %swap3A_365], %swap3A_368 {strides = array<i32>} : memref<128x64xf32, #tpu.memory_space<vmem>>, vector<1x16xf32>,
      %add3A_369 = arith.constant 4 : i32
      %add3A_370 = arith.addi %add3A_149, %add3A_369 : i32
      %get3A_371 = arith.index_cast %add3A_370 : i32 to index
      %get3A_372 = arith.constant 16 : index
      %get3A_373 = tpu.vector_load %arg8[%get3A_371, %get3A_372] {strides = array<i32>} : memref<128x128xf32, #tpu.memory_space<vmem>>, vector<1x16xf32>,
      %get3A_374 = vector.shape_cast %get3A_373 : vector<1x16xf32> to vector<16xf32>
      %add3A_375 = arith.constant 4 : i32
      %add3A_376 = arith.addi %add3A_149, %add3A_375 : i32
      %swap3A_377 = arith.index_cast %add3A_376 : i32 to index
      %swap3A_378 = arith.constant 16 : index
      %swap3A_379 = tpu.vector_load %arg10[%swap3A_377, %swap3A_378] {strides = array<i32>} : memref<128x64xf32, #tpu.memory_space<vmem>>, vector<1x16xf32>,
      %swap3A_380 = vector.shape_cast %swap3A_379 : vector<1x16xf32> to vector<16xf32>
      %swap3A_381 = vector.shape_cast %get3A_374 : vector<16xf32> to vector<1x16xf32>
      tpu.vector_store %arg10[%swap3A_377, %swap3A_378], %swap3A_381 {strides = array<i32>} : memref<128x64xf32, #tpu.memory_space<vmem>>, vector<1x16xf32>,
      %add3A_382 = arith.constant 4 : i32
      %add3A_383 = arith.addi %add3A_149, %add3A_382 : i32
      %get3A_384 = arith.index_cast %add3A_383 : i32 to index
      %get3A_385 = arith.constant 32 : index
      %get3A_386 = tpu.vector_load %arg8[%get3A_384, %get3A_385] {strides = array<i32>} : memref<128x128xf32, #tpu.memory_space<vmem>>, vector<1x16xf32>,
      %get3A_387 = vector.shape_cast %get3A_386 : vector<1x16xf32> to vector<16xf32>
      %add3A_388 = arith.constant 4 : i32
      %add3A_389 = arith.addi %add3A_149, %add3A_388 : i32
      %swap3A_390 = arith.index_cast %add3A_389 : i32 to index
      %swap3A_391 = arith.constant 32 : index
      %swap3A_392 = tpu.vector_load %arg10[%swap3A_390, %swap3A_391] {strides = array<i32>} : memref<128x64xf32, #tpu.memory_space<vmem>>, vector<1x16xf32>,
      %swap3A_393 = vector.shape_cast %swap3A_392 : vector<1x16xf32> to vector<16xf32>
      %swap3A_394 = vector.shape_cast %get3A_387 : vector<16xf32> to vector<1x16xf32>
      tpu.vector_store %arg10[%swap3A_390, %swap3A_391], %swap3A_394 {strides = array<i32>} : memref<128x64xf32, #tpu.memory_space<vmem>>, vector<1x16xf32>,
      %add3A_395 = arith.constant 4 : i32
      %add3A_396 = arith.addi %add3A_149, %add3A_395 : i32
      %get3A_397 = arith.index_cast %add3A_396 : i32 to index
      %get3A_398 = arith.constant 48 : index
      %get3A_399 = tpu.vector_load %arg8[%get3A_397, %get3A_398] {strides = array<i32>} : memref<128x128xf32, #tpu.memory_space<vmem>>, vector<1x16xf32>,
      %get3A_400 = vector.shape_cast %get3A_399 : vector<1x16xf32> to vector<16xf32>
      %add3A_401 = arith.constant 4 : i32
      %add3A_402 = arith.addi %add3A_149, %add3A_401 : i32
      %swap3A_403 = arith.index_cast %add3A_402 : i32 to index
      %swap3A_404 = arith.constant 48 : index
      %swap3A_405 = tpu.vector_load %arg10[%swap3A_403, %swap3A_404] {strides = array<i32>} : memref<128x64xf32, #tpu.memory_space<vmem>>, vector<1x16xf32>,
      %swap3A_406 = vector.shape_cast %swap3A_405 : vector<1x16xf32> to vector<16xf32>
      %swap3A_407 = vector.shape_cast %get3A_400 : vector<16xf32> to vector<1x16xf32>
      tpu.vector_store %arg10[%swap3A_403, %swap3A_404], %swap3A_407 {strides = array<i32>} : memref<128x64xf32, #tpu.memory_space<vmem>>, vector<1x16xf32>,
      %add3A_408 = arith.constant 5 : i32
      %add3A_409 = arith.addi %add3A_149, %add3A_408 : i32
      %get3A_410 = arith.index_cast %add3A_409 : i32 to index
      %get3A_411 = arith.constant 0 : index
      %get3A_412 = tpu.vector_load %arg8[%get3A_410, %get3A_411] {strides = array<i32>} : memref<128x128xf32, #tpu.memory_space<vmem>>, vector<1x16xf32>,
      %get3A_413 = vector.shape_cast %get3A_412 : vector<1x16xf32> to vector<16xf32>
      %add3A_414 = arith.constant 5 : i32
      %add3A_415 = arith.addi %add3A_149, %add3A_414 : i32
      %swap3A_416 = arith.index_cast %add3A_415 : i32 to index
      %swap3A_417 = arith.constant 0 : index
      %swap3A_418 = tpu.vector_load %arg10[%swap3A_416, %swap3A_417] {strides = array<i32>} : memref<128x64xf32, #tpu.memory_space<vmem>>, vector<1x16xf32>,
      %swap3A_419 = vector.shape_cast %swap3A_418 : vector<1x16xf32> to vector<16xf32>
      %swap3A_420 = vector.shape_cast %get3A_413 : vector<16xf32> to vector<1x16xf32>
      tpu.vector_store %arg10[%swap3A_416, %swap3A_417], %swap3A_420 {strides = array<i32>} : memref<128x64xf32, #tpu.memory_space<vmem>>, vector<1x16xf32>,
      %add3A_421 = arith.constant 5 : i32
      %add3A_422 = arith.addi %add3A_149, %add3A_421 : i32
      %get3A_423 = arith.index_cast %add3A_422 : i32 to index
      %get3A_424 = arith.constant 16 : index
      %get3A_425 = tpu.vector_load %arg8[%get3A_423, %get3A_424] {strides = array<i32>} : memref<128x128xf32, #tpu.memory_space<vmem>>, vector<1x16xf32>,
      %get3A_426 = vector.shape_cast %get3A_425 : vector<1x16xf32> to vector<16xf32>
      %add3A_427 = arith.constant 5 : i32
      %add3A_428 = arith.addi %add3A_149, %add3A_427 : i32
      %swap3A_429 = arith.index_cast %add3A_428 : i32 to index
      %swap3A_430 = arith.constant 16 : index
      %swap3A_431 = tpu.vector_load %arg10[%swap3A_429, %swap3A_430] {strides = array<i32>} : memref<128x64xf32, #tpu.memory_space<vmem>>, vector<1x16xf32>,
      %swap3A_432 = vector.shape_cast %swap3A_431 : vector<1x16xf32> to vector<16xf32>
      %swap3A_433 = vector.shape_cast %get3A_426 : vector<16xf32> to vector<1x16xf32>
      tpu.vector_store %arg10[%swap3A_429, %swap3A_430], %swap3A_433 {strides = array<i32>} : memref<128x64xf32, #tpu.memory_space<vmem>>, vector<1x16xf32>,
      %add3A_434 = arith.constant 5 : i32
      %add3A_435 = arith.addi %add3A_149, %add3A_434 : i32
      %get3A_436 = arith.index_cast %add3A_435 : i32 to index
      %get3A_437 = arith.constant 32 : index
      %get3A_438 = tpu.vector_load %arg8[%get3A_436, %get3A_437] {strides = array<i32>} : memref<128x128xf32, #tpu.memory_space<vmem>>, vector<1x16xf32>,
      %get3A_439 = vector.shape_cast %get3A_438 : vector<1x16xf32> to vector<16xf32>
      %add3A_440 = arith.constant 5 : i32
      %add3A_441 = arith.addi %add3A_149, %add3A_440 : i32
      %swap3A_442 = arith.index_cast %add3A_441 : i32 to index
      %swap3A_443 = arith.constant 32 : index
      %swap3A_444 = tpu.vector_load %arg10[%swap3A_442, %swap3A_443] {strides = array<i32>} : memref<128x64xf32, #tpu.memory_space<vmem>>, vector<1x16xf32>,
      %swap3A_445 = vector.shape_cast %swap3A_444 : vector<1x16xf32> to vector<16xf32>
      %swap3A_446 = vector.shape_cast %get3A_439 : vector<16xf32> to vector<1x16xf32>
      tpu.vector_store %arg10[%swap3A_442, %swap3A_443], %swap3A_446 {strides = array<i32>} : memref<128x64xf32, #tpu.memory_space<vmem>>, vector<1x16xf32>,
      %add3A_447 = arith.constant 5 : i32
      %add3A_448 = arith.addi %add3A_149, %add3A_447 : i32
      %get3A_449 = arith.index_cast %add3A_448 : i32 to index
      %get3A_450 = arith.constant 48 : index
      %get3A_451 = tpu.vector_load %arg8[%get3A_449, %get3A_450] {strides = array<i32>} : memref<128x128xf32, #tpu.memory_space<vmem>>, vector<1x16xf32>,
      %get3A_452 = vector.shape_cast %get3A_451 : vector<1x16xf32> to vector<16xf32>
      %add3A_453 = arith.constant 5 : i32
      %add3A_454 = arith.addi %add3A_149, %add3A_453 : i32
      %swap3A_455 = arith.index_cast %add3A_454 : i32 to index
      %swap3A_456 = arith.constant 48 : index
      %swap3A_457 = tpu.vector_load %arg10[%swap3A_455, %swap3A_456] {strides = array<i32>} : memref<128x64xf32, #tpu.memory_space<vmem>>, vector<1x16xf32>,
      %swap3A_458 = vector.shape_cast %swap3A_457 : vector<1x16xf32> to vector<16xf32>
      %swap3A_459 = vector.shape_cast %get3A_452 : vector<16xf32> to vector<1x16xf32>
      tpu.vector_store %arg10[%swap3A_455, %swap3A_456], %swap3A_459 {strides = array<i32>} : memref<128x64xf32, #tpu.memory_space<vmem>>, vector<1x16xf32>,
      %add3A_460 = arith.constant 6 : i32
      %add3A_461 = arith.addi %add3A_149, %add3A_460 : i32
      %get3A_462 = arith.index_cast %add3A_461 : i32 to index
      %get3A_463 = arith.constant 0 : index
      %get3A_464 = tpu.vector_load %arg8[%get3A_462, %get3A_463] {strides = array<i32>} : memref<128x128xf32, #tpu.memory_space<vmem>>, vector<1x16xf32>,
      %get3A_465 = vector.shape_cast %get3A_464 : vector<1x16xf32> to vector<16xf32>
      %add3A_466 = arith.constant 6 : i32
      %add3A_467 = arith.addi %add3A_149, %add3A_466 : i32
      %swap3A_468 = arith.index_cast %add3A_467 : i32 to index
      %swap3A_469 = arith.constant 0 : index
      %swap3A_470 = tpu.vector_load %arg10[%swap3A_468, %swap3A_469] {strides = array<i32>} : memref<128x64xf32, #tpu.memory_space<vmem>>, vector<1x16xf32>,
      %swap3A_471 = vector.shape_cast %swap3A_470 : vector<1x16xf32> to vector<16xf32>
      %swap3A_472 = vector.shape_cast %get3A_465 : vector<16xf32> to vector<1x16xf32>
      tpu.vector_store %arg10[%swap3A_468, %swap3A_469], %swap3A_472 {strides = array<i32>} : memref<128x64xf32, #tpu.memory_space<vmem>>, vector<1x16xf32>,
      %add3A_473 = arith.constant 6 : i32
      %add3A_474 = arith.addi %add3A_149, %add3A_473 : i32
      %get3A_475 = arith.index_cast %add3A_474 : i32 to index
      %get3A_476 = arith.constant 16 : index
      %get3A_477 = tpu.vector_load %arg8[%get3A_475, %get3A_476] {strides = array<i32>} : memref<128x128xf32, #tpu.memory_space<vmem>>, vector<1x16xf32>,
      %get3A_478 = vector.shape_cast %get3A_477 : vector<1x16xf32> to vector<16xf32>
      %add3A_479 = arith.constant 6 : i32
      %add3A_480 = arith.addi %add3A_149, %add3A_479 : i32
      %swap3A_481 = arith.index_cast %add3A_480 : i32 to index
      %swap3A_482 = arith.constant 16 : index
      %swap3A_483 = tpu.vector_load %arg10[%swap3A_481, %swap3A_482] {strides = array<i32>} : memref<128x64xf32, #tpu.memory_space<vmem>>, vector<1x16xf32>,
      %swap3A_484 = vector.shape_cast %swap3A_483 : vector<1x16xf32> to vector<16xf32>
      %swap3A_485 = vector.shape_cast %get3A_478 : vector<16xf32> to vector<1x16xf32>
      tpu.vector_store %arg10[%swap3A_481, %swap3A_482], %swap3A_485 {strides = array<i32>} : memref<128x64xf32, #tpu.memory_space<vmem>>, vector<1x16xf32>,
      %add3A_486 = arith.constant 6 : i32
      %add3A_487 = arith.addi %add3A_149, %add3A_486 : i32
      %get3A_488 = arith.index_cast %add3A_487 : i32 to index
      %get3A_489 = arith.constant 32 : index
      %get3A_490 = tpu.vector_load %arg8[%get3A_488, %get3A_489] {strides = array<i32>} : memref<128x128xf32, #tpu.memory_space<vmem>>, vector<1x16xf32>,
      %get3A_491 = vector.shape_cast %get3A_490 : vector<1x16xf32> to vector<16xf32>
      %add3A_492 = arith.constant 6 : i32
      %add3A_493 = arith.addi %add3A_149, %add3A_492 : i32
      %swap3A_494 = arith.index_cast %add3A_493 : i32 to index
      %swap3A_495 = arith.constant 32 : index
      %swap3A_496 = tpu.vector_load %arg10[%swap3A_494, %swap3A_495] {strides = array<i32>} : memref<128x64xf32, #tpu.memory_space<vmem>>, vector<1x16xf32>,
      %swap3A_497 = vector.shape_cast %swap3A_496 : vector<1x16xf32> to vector<16xf32>
      %swap3A_498 = vector.shape_cast %get3A_491 : vector<16xf32> to vector<1x16xf32>
      tpu.vector_store %arg10[%swap3A_494, %swap3A_495], %swap3A_498 {strides = array<i32>} : memref<128x64xf32, #tpu.memory_space<vmem>>, vector<1x16xf32>,
      %add3A_499 = arith.constant 6 : i32
      %add3A_500 = arith.addi %add3A_149, %add3A_499 : i32
      %get3A_501 = arith.index_cast %add3A_500 : i32 to index
      %get3A_502 = arith.constant 48 : index
      %get3A_503 = tpu.vector_load %arg8[%get3A_501, %get3A_502] {strides = array<i32>} : memref<128x128xf32, #tpu.memory_space<vmem>>, vector<1x16xf32>,
      %get3A_504 = vector.shape_cast %get3A_503 : vector<1x16xf32> to vector<16xf32>
      %add3A_505 = arith.constant 6 : i32
      %add3A_506 = arith.addi %add3A_149, %add3A_505 : i32
      %swap3A_507 = arith.index_cast %add3A_506 : i32 to index
      %swap3A_508 = arith.constant 48 : index
      %swap3A_509 = tpu.vector_load %arg10[%swap3A_507, %swap3A_508] {strides = array<i32>} : memref<128x64xf32, #tpu.memory_space<vmem>>, vector<1x16xf32>,
      %swap3A_510 = vector.shape_cast %swap3A_509 : vector<1x16xf32> to vector<16xf32>
      %swap3A_511 = vector.shape_cast %get3A_504 : vector<16xf32> to vector<1x16xf32>
      tpu.vector_store %arg10[%swap3A_507, %swap3A_508], %swap3A_511 {strides = array<i32>} : memref<128x64xf32, #tpu.memory_space<vmem>>, vector<1x16xf32>,
      %add3A_512 = arith.constant 7 : i32
      %add3A_513 = arith.addi %add3A_149, %add3A_512 : i32
      %get3A_514 = arith.index_cast %add3A_513 : i32 to index
      %get3A_515 = arith.constant 0 : index
      %get3A_516 = tpu.vector_load %arg8[%get3A_514, %get3A_515] {strides = array<i32>} : memref<128x128xf32, #tpu.memory_space<vmem>>, vector<1x16xf32>,
      %get3A_517 = vector.shape_cast %get3A_516 : vector<1x16xf32> to vector<16xf32>
      %add3A_518 = arith.constant 7 : i32
      %add3A_519 = arith.addi %add3A_149, %add3A_518 : i32
      %swap3A_520 = arith.index_cast %add3A_519 : i32 to index
      %swap3A_521 = arith.constant 0 : index
      %swap3A_522 = tpu.vector_load %arg10[%swap3A_520, %swap3A_521] {strides = array<i32>} : memref<128x64xf32, #tpu.memory_space<vmem>>, vector<1x16xf32>,
      %swap3A_523 = vector.shape_cast %swap3A_522 : vector<1x16xf32> to vector<16xf32>
      %swap3A_524 = vector.shape_cast %get3A_517 : vector<16xf32> to vector<1x16xf32>
      tpu.vector_store %arg10[%swap3A_520, %swap3A_521], %swap3A_524 {strides = array<i32>} : memref<128x64xf32, #tpu.memory_space<vmem>>, vector<1x16xf32>,
      %add3A_525 = arith.constant 7 : i32
      %add3A_526 = arith.addi %add3A_149, %add3A_525 : i32
      %get3A_527 = arith.index_cast %add3A_526 : i32 to index
      %get3A_528 = arith.constant 16 : index
      %get3A_529 = tpu.vector_load %arg8[%get3A_527, %get3A_528] {strides = array<i32>} : memref<128x128xf32, #tpu.memory_space<vmem>>, vector<1x16xf32>,
      %get3A_530 = vector.shape_cast %get3A_529 : vector<1x16xf32> to vector<16xf32>
      %add3A_531 = arith.constant 7 : i32
      %add3A_532 = arith.addi %add3A_149, %add3A_531 : i32
      %swap3A_533 = arith.index_cast %add3A_532 : i32 to index
      %swap3A_534 = arith.constant 16 : index
      %swap3A_535 = tpu.vector_load %arg10[%swap3A_533, %swap3A_534] {strides = array<i32>} : memref<128x64xf32, #tpu.memory_space<vmem>>, vector<1x16xf32>,
      %swap3A_536 = vector.shape_cast %swap3A_535 : vector<1x16xf32> to vector<16xf32>
      %swap3A_537 = vector.shape_cast %get3A_530 : vector<16xf32> to vector<1x16xf32>
      tpu.vector_store %arg10[%swap3A_533, %swap3A_534], %swap3A_537 {strides = array<i32>} : memref<128x64xf32, #tpu.memory_space<vmem>>, vector<1x16xf32>,
      %add3A_538 = arith.constant 7 : i32
      %add3A_539 = arith.addi %add3A_149, %add3A_538 : i32
      %get3A_540 = arith.index_cast %add3A_539 : i32 to index
      %get3A_541 = arith.constant 32 : index
      %get3A_542 = tpu.vector_load %arg8[%get3A_540, %get3A_541] {strides = array<i32>} : memref<128x128xf32, #tpu.memory_space<vmem>>, vector<1x16xf32>,
      %get3A_543 = vector.shape_cast %get3A_542 : vector<1x16xf32> to vector<16xf32>
      %add3A_544 = arith.constant 7 : i32
      %add3A_545 = arith.addi %add3A_149, %add3A_544 : i32
      %swap3A_546 = arith.index_cast %add3A_545 : i32 to index
      %swap3A_547 = arith.constant 32 : index
      %swap3A_548 = tpu.vector_load %arg10[%swap3A_546, %swap3A_547] {strides = array<i32>} : memref<128x64xf32, #tpu.memory_space<vmem>>, vector<1x16xf32>,
      %swap3A_549 = vector.shape_cast %swap3A_548 : vector<1x16xf32> to vector<16xf32>
      %swap3A_550 = vector.shape_cast %get3A_543 : vector<16xf32> to vector<1x16xf32>
      tpu.vector_store %arg10[%swap3A_546, %swap3A_547], %swap3A_550 {strides = array<i32>} : memref<128x64xf32, #tpu.memory_space<vmem>>, vector<1x16xf32>,
      %add3A_551 = arith.constant 7 : i32
      %add3A_552 = arith.addi %add3A_149, %add3A_551 : i32
      %get3A_553 = arith.index_cast %add3A_552 : i32 to index
      %get3A_554 = arith.constant 48 : index
      %get3A_555 = tpu.vector_load %arg8[%get3A_553, %get3A_554] {strides = array<i32>} : memref<128x128xf32, #tpu.memory_space<vmem>>, vector<1x16xf32>,
      %get3A_556 = vector.shape_cast %get3A_555 : vector<1x16xf32> to vector<16xf32>
      %add3A_557 = arith.constant 7 : i32
      %add3A_558 = arith.addi %add3A_149, %add3A_557 : i32
      %swap3A_559 = arith.index_cast %add3A_558 : i32 to index
      %swap3A_560 = arith.constant 48 : index
      %swap3A_561 = tpu.vector_load %arg10[%swap3A_559, %swap3A_560] {strides = array<i32>} : memref<128x64xf32, #tpu.memory_space<vmem>>, vector<1x16xf32>,
      %swap3A_562 = vector.shape_cast %swap3A_561 : vector<1x16xf32> to vector<16xf32>
      %swap3A_563 = vector.shape_cast %get3A_556 : vector<16xf32> to vector<1x16xf32>
      tpu.vector_store %arg10[%swap3A_559, %swap3A_560], %swap3A_563 {strides = array<i32>} : memref<128x64xf32, #tpu.memory_space<vmem>>, vector<1x16xf32>,
    }
    %scan3A_60 = arith.constant 16 : i32
    %add3A_61 = arith.constant 128 : i32
    %add3A_62 = arith.addi %mul3A_2, %add3A_61 : i32
    %dma_start3A_63 = tpu.memref_reshape %arg4 : memref<4096x200x64xf32, #tpu.memory_space<hbm>> -> memref<819200x64xf32, #tpu.memory_space<hbm>>
    %dma_start3A_64 = arith.constant 0 : i32
    %dma_start3A_65 = tpu.memref_slice %dma_start3A_63[%add3A_62, %dma_start3A_64] : memref<819200x64xf32, #tpu.memory_space<hbm>> -> memref<128x64xf32, #tpu.memory_space<hbm>>
    %dma_start3A_66 = tpu.memref_reshape %arg4 : memref<4096x200x64xf32, #tpu.memory_space<hbm>> -> memref<819200x64xf32, #tpu.memory_space<hbm>>
    %dma_start3A_67 = arith.constant 0 : i32
    %dma_start3A_68 = tpu.memref_slice %dma_start3A_66[%add3A_62, %dma_start3A_67] : memref<819200x64xf32, #tpu.memory_space<hbm>> -> memref<128x64xf32, #tpu.memory_space<hbm>>
    tpu.enqueue_dma source(%arg10 : memref<128x64xf32, #tpu.memory_space<vmem>>) target(%dma_start3A_68 : memref<128x64xf32, #tpu.memory_space<hbm>>) target_semaphore(%arg14 : memref<!tpu.dma_semaphore, #tpu.memory_space<semaphore_mem>>)
    %add3A_69 = arith.constant 384 : i32
    %add3A_70 = arith.addi %mul3A_2, %add3A_69 : i32
    %dma_wait3A_71 = tpu.memref_slice %arg3[%add3A_70] : memref<819200xi32, #tpu.memory_space<hbm>> -> memref<128xi32, #tpu.memory_space<hbm>>
    %dma_wait3A_72 = tpu.memref_slice %arg3[%add3A_70] : memref<819200xi32, #tpu.memory_space<hbm>> -> memref<128xi32, #tpu.memory_space<hbm>>
    tpu.wait_dma2 semaphore(%arg16 : memref<!tpu.dma_semaphore, #tpu.memory_space<semaphore_mem>>) src(%dma_wait3A_72 : memref<128xi32, #tpu.memory_space<hbm>>) dst(%arg6 : memref<128xi32, #tpu.memory_space<vmem>>)
    %dma_start3A_73 = arith.constant 0 : i32
    %dma_start3A_74 = arith.constant 0 : i32
    %dma_start3A_75 = tpu.memref_slice %arg2[%dma_start3A_73, %dma_start3A_74] : memref<100000x128xf32, #tpu.memory_space<hbm>> -> memref<100000x128xf32, #tpu.memory_space<hbm>>
    tpu.enqueue_indirect_dma source(%dma_start3A_75 : memref<100000x128xf32, #tpu.memory_space<hbm>>) target(%arg8 : memref<128x128xf32, #tpu.memory_space<vmem>>) offsets(%arg6 : memref<128xi32, #tpu.memory_space<vmem>>) semaphore(%arg12 : memref<!tpu.dma_semaphore, #tpu.memory_space<semaphore_mem>>)
    %scan3A_76 = arith.constant 0 : i32
    %scan3A_77 = arith.constant 98 : i32
    %scan3A_78 = arith.addi %scan3A_76, %scan3A_77 : i32
    %scan3A_79 = arith.constant 1 : i32
    scf.for %scan3A_145 = %scan3A_76 to %scan3A_78 step %scan3A_79  : i32 {
      %mul3A_146 = arith.constant 2 : i32
      %mul3A_147 = arith.muli %scan3A_145, %mul3A_146 : i32
      %add3A_148 = arith.constant 4 : i32
      %add3A_149 = arith.addi %add3A_148, %mul3A_147 : i32
      %dma_wait3A_150 = arith.constant 0 : i32
      %dma_wait3A_151 = arith.constant 0 : i32
      %dma_wait3A_152 = tpu.memref_slice %arg2[%dma_wait3A_150, %dma_wait3A_151] : memref<100000x128xf32, #tpu.memory_space<hbm>> -> memref<100000x128xf32, #tpu.memory_space<hbm>>
      tpu.wait_indirect_dma semaphore(%arg11 : memref<!tpu.dma_semaphore, #tpu.memory_space<semaphore_mem>>) src(%dma_wait3A_152 : memref<100000x128xf32, #tpu.memory_space<hbm>>) dst(%arg7 : memref<128x128xf32, #tpu.memory_space<vmem>>)
      %mul3A_153 = arith.constant 128 : i32
      %mul3A_154 = arith.muli %add3A_149, %mul3A_153 : i32
      %add3A_155 = arith.addi %mul3A_2, %mul3A_154 : i32
      %dma_start3A_156 = tpu.memref_slice %arg3[%add3A_155] : memref<819200xi32, #tpu.memory_space<hbm>> -> memref<128xi32, #tpu.memory_space<hbm>>
      %dma_start3A_157 = tpu.memref_slice %arg3[%add3A_155] : memref<819200xi32, #tpu.memory_space<hbm>> -> memref<128xi32, #tpu.memory_space<hbm>>
      tpu.enqueue_dma source(%dma_start3A_157 : memref<128xi32, #tpu.memory_space<hbm>>) target(%arg5 : memref<128xi32, #tpu.memory_space<vmem>>) target_semaphore(%arg15 : memref<!tpu.dma_semaphore, #tpu.memory_space<semaphore_mem>>)
      %sub3A = arith.constant 4 : i32
      %sub3A_158 = arith.subi %add3A_149, %sub3A : i32
      %mul3A_159 = arith.constant 128 : i32
      %mul3A_160 = arith.muli %sub3A_158, %mul3A_159 : i32
      %add3A_161 = arith.addi %mul3A_2, %mul3A_160 : i32
      %dma_wait3A_162 = tpu.memref_reshape %arg4 : memref<4096x200x64xf32, #tpu.memory_space<hbm>> -> memref<819200x64xf32, #tpu.memory_space<hbm>>
      %dma_wait3A_163 = arith.constant 0 : i32
      %dma_wait3A_164 = tpu.memref_slice %dma_wait3A_162[%add3A_161, %dma_wait3A_163] : memref<819200x64xf32, #tpu.memory_space<hbm>> -> memref<128x64xf32, #tpu.memory_space<hbm>>
      %dma_wait3A_165 = tpu.memref_reshape %arg4 : memref<4096x200x64xf32, #tpu.memory_space<hbm>> -> memref<819200x64xf32, #tpu.memory_space<hbm>>
      %dma_wait3A_166 = arith.constant 0 : i32
      %dma_wait3A_167 = tpu.memref_slice %dma_wait3A_165[%add3A_161, %dma_wait3A_166] : memref<819200x64xf32, #tpu.memory_space<hbm>> -> memref<128x64xf32, #tpu.memory_space<hbm>>
      tpu.wait_dma2 semaphore(%arg13 : memref<!tpu.dma_semaphore, #tpu.memory_space<semaphore_mem>>) src(%arg9 : memref<128x64xf32, #tpu.memory_space<vmem>>) dst(%dma_wait3A_167 : memref<128x64xf32, #tpu.memory_space<hbm>>)
      %scan3A_168 = arith.constant 0 : i32
      %scan3A_169 = arith.constant 16 : i32
      %scan3A_170 = arith.addi %scan3A_168, %scan3A_169 : i32
      %scan3A_171 = arith.constant 1 : i32
      scf.for %scan3A_239 = %scan3A_168 to %scan3A_170 step %scan3A_171  : i32 {
        %mul3A_240 = arith.constant 8 : i32
        %mul3A_241 = arith.muli %scan3A_239, %mul3A_240 : i32
        %add3A_242 = arith.constant 0 : i32
        %add3A_243 = arith.addi %add3A_242, %mul3A_241 : i32
        %add3A_244 = arith.constant 0 : i32
        %add3A_245 = arith.addi %add3A_243, %add3A_244 : i32
        %get3A = arith.index_cast %add3A_245 : i32 to index
        %get3A_246 = arith.constant 0 : index
        %get3A_247 = tpu.vector_load %arg7[%get3A, %get3A_246] {strides = array<i32>} : memref<128x128xf32, #tpu.memory_space<vmem>>, vector<1x16xf32>,
        %get3A_248 = vector.shape_cast %get3A_247 : vector<1x16xf32> to vector<16xf32>
        %add3A_249 = arith.constant 0 : i32
        %add3A_250 = arith.addi %add3A_243, %add3A_249 : i32
        %swap3A = arith.index_cast %add3A_250 : i32 to index
        %swap3A_251 = arith.constant 0 : index
        %swap3A_252 = tpu.vector_load %arg9[%swap3A, %swap3A_251] {strides = array<i32>} : memref<128x64xf32, #tpu.memory_space<vmem>>, vector<1x16xf32>,
        %swap3A_253 = vector.shape_cast %swap3A_252 : vector<1x16xf32> to vector<16xf32>
        %swap3A_254 = vector.shape_cast %get3A_248 : vector<16xf32> to vector<1x16xf32>
        tpu.vector_store %arg9[%swap3A, %swap3A_251], %swap3A_254 {strides = array<i32>} : memref<128x64xf32, #tpu.memory_space<vmem>>, vector<1x16xf32>,
        %add3A_255 = arith.constant 0 : i32
        %add3A_256 = arith.addi %add3A_243, %add3A_255 : i32
        %get3A_257 = arith.index_cast %add3A_256 : i32 to index
        %get3A_258 = arith.constant 16 : index
        %get3A_259 = tpu.vector_load %arg7[%get3A_257, %get3A_258] {strides = array<i32>} : memref<128x128xf32, #tpu.memory_space<vmem>>, vector<1x16xf32>,
        %get3A_260 = vector.shape_cast %get3A_259 : vector<1x16xf32> to vector<16xf32>
        %add3A_261 = arith.constant 0 : i32
        %add3A_262 = arith.addi %add3A_243, %add3A_261 : i32
        %swap3A_263 = arith.index_cast %add3A_262 : i32 to index
        %swap3A_264 = arith.constant 16 : index
        %swap3A_265 = tpu.vector_load %arg9[%swap3A_263, %swap3A_264] {strides = array<i32>} : memref<128x64xf32, #tpu.memory_space<vmem>>, vector<1x16xf32>,
        %swap3A_266 = vector.shape_cast %swap3A_265 : vector<1x16xf32> to vector<16xf32>
        %swap3A_267 = vector.shape_cast %get3A_260 : vector<16xf32> to vector<1x16xf32>
        tpu.vector_store %arg9[%swap3A_263, %swap3A_264], %swap3A_267 {strides = array<i32>} : memref<128x64xf32, #tpu.memory_space<vmem>>, vector<1x16xf32>,
        %add3A_268 = arith.constant 0 : i32
        %add3A_269 = arith.addi %add3A_243, %add3A_268 : i32
        %get3A_270 = arith.index_cast %add3A_269 : i32 to index
        %get3A_271 = arith.constant 32 : index
        %get3A_272 = tpu.vector_load %arg7[%get3A_270, %get3A_271] {strides = array<i32>} : memref<128x128xf32, #tpu.memory_space<vmem>>, vector<1x16xf32>,
        %get3A_273 = vector.shape_cast %get3A_272 : vector<1x16xf32> to vector<16xf32>
        %add3A_274 = arith.constant 0 : i32
        %add3A_275 = arith.addi %add3A_243, %add3A_274 : i32
        %swap3A_276 = arith.index_cast %add3A_275 : i32 to index
        %swap3A_277 = arith.constant 32 : index
        %swap3A_278 = tpu.vector_load %arg9[%swap3A_276, %swap3A_277] {strides = array<i32>} : memref<128x64xf32, #tpu.memory_space<vmem>>, vector<1x16xf32>,
        %swap3A_279 = vector.shape_cast %swap3A_278 : vector<1x16xf32> to vector<16xf32>
        %swap3A_280 = vector.shape_cast %get3A_273 : vector<16xf32> to vector<1x16xf32>
        tpu.vector_store %arg9[%swap3A_276, %swap3A_277], %swap3A_280 {strides = array<i32>} : memref<128x64xf32, #tpu.memory_space<vmem>>, vector<1x16xf32>,
        %add3A_281 = arith.constant 0 : i32
        %add3A_282 = arith.addi %add3A_243, %add3A_281 : i32
        %get3A_283 = arith.index_cast %add3A_282 : i32 to index
        %get3A_284 = arith.constant 48 : index
        %get3A_285 = tpu.vector_load %arg7[%get3A_283, %get3A_284] {strides = array<i32>} : memref<128x128xf32, #tpu.memory_space<vmem>>, vector<1x16xf32>,
        %get3A_286 = vector.shape_cast %get3A_285 : vector<1x16xf32> to vector<16xf32>
        %add3A_287 = arith.constant 0 : i32
        %add3A_288 = arith.addi %add3A_243, %add3A_287 : i32
        %swap3A_289 = arith.index_cast %add3A_288 : i32 to index
        %swap3A_290 = arith.constant 48 : index
        %swap3A_291 = tpu.vector_load %arg9[%swap3A_289, %swap3A_290] {strides = array<i32>} : memref<128x64xf32, #tpu.memory_space<vmem>>, vector<1x16xf32>,
        %swap3A_292 = vector.shape_cast %swap3A_291 : vector<1x16xf32> to vector<16xf32>
        %swap3A_293 = vector.shape_cast %get3A_286 : vector<16xf32> to vector<1x16xf32>
        tpu.vector_store %arg9[%swap3A_289, %swap3A_290], %swap3A_293 {strides = array<i32>} : memref<128x64xf32, #tpu.memory_space<vmem>>, vector<1x16xf32>,
        %add3A_294 = arith.constant 1 : i32
        %add3A_295 = arith.addi %add3A_243, %add3A_294 : i32
        %get3A_296 = arith.index_cast %add3A_295 : i32 to index
        %get3A_297 = arith.constant 0 : index
        %get3A_298 = tpu.vector_load %arg7[%get3A_296, %get3A_297] {strides = array<i32>} : memref<128x128xf32, #tpu.memory_space<vmem>>, vector<1x16xf32>,
        %get3A_299 = vector.shape_cast %get3A_298 : vector<1x16xf32> to vector<16xf32>
        %add3A_300 = arith.constant 1 : i32
        %add3A_301 = arith.addi %add3A_243, %add3A_300 : i32
        %swap3A_302 = arith.index_cast %add3A_301 : i32 to index
        %swap3A_303 = arith.constant 0 : index
        %swap3A_304 = tpu.vector_load %arg9[%swap3A_302, %swap3A_303] {strides = array<i32>} : memref<128x64xf32, #tpu.memory_space<vmem>>, vector<1x16xf32>,
        %swap3A_305 = vector.shape_cast %swap3A_304 : vector<1x16xf32> to vector<16xf32>
        %swap3A_306 = vector.shape_cast %get3A_299 : vector<16xf32> to vector<1x16xf32>
        tpu.vector_store %arg9[%swap3A_302, %swap3A_303], %swap3A_306 {strides = array<i32>} : memref<128x64xf32, #tpu.memory_space<vmem>>, vector<1x16xf32>,
        %add3A_307 = arith.constant 1 : i32
        %add3A_308 = arith.addi %add3A_243, %add3A_307 : i32
        %get3A_309 = arith.index_cast %add3A_308 : i32 to index
        %get3A_310 = arith.constant 16 : index
        %get3A_311 = tpu.vector_load %arg7[%get3A_309, %get3A_310] {strides = array<i32>} : memref<128x128xf32, #tpu.memory_space<vmem>>, vector<1x16xf32>,
        %get3A_312 = vector.shape_cast %get3A_311 : vector<1x16xf32> to vector<16xf32>
        %add3A_313 = arith.constant 1 : i32
        %add3A_314 = arith.addi %add3A_243, %add3A_313 : i32
        %swap3A_315 = arith.index_cast %add3A_314 : i32 to index
        %swap3A_316 = arith.constant 16 : index
        %swap3A_317 = tpu.vector_load %arg9[%swap3A_315, %swap3A_316] {strides = array<i32>} : memref<128x64xf32, #tpu.memory_space<vmem>>, vector<1x16xf32>,
        %swap3A_318 = vector.shape_cast %swap3A_317 : vector<1x16xf32> to vector<16xf32>
        %swap3A_319 = vector.shape_cast %get3A_312 : vector<16xf32> to vector<1x16xf32>
        tpu.vector_store %arg9[%swap3A_315, %swap3A_316], %swap3A_319 {strides = array<i32>} : memref<128x64xf32, #tpu.memory_space<vmem>>, vector<1x16xf32>,
        %add3A_320 = arith.constant 1 : i32
        %add3A_321 = arith.addi %add3A_243, %add3A_320 : i32
        %get3A_322 = arith.index_cast %add3A_321 : i32 to index
        %get3A_323 = arith.constant 32 : index
        %get3A_324 = tpu.vector_load %arg7[%get3A_322, %get3A_323] {strides = array<i32>} : memref<128x128xf32, #tpu.memory_space<vmem>>, vector<1x16xf32>,
        %get3A_325 = vector.shape_cast %get3A_324 : vector<1x16xf32> to vector<16xf32>
        %add3A_326 = arith.constant 1 : i32
        %add3A_327 = arith.addi %add3A_243, %add3A_326 : i32
        %swap3A_328 = arith.index_cast %add3A_327 : i32 to index
        %swap3A_329 = arith.constant 32 : index
        %swap3A_330 = tpu.vector_load %arg9[%swap3A_328, %swap3A_329] {strides = array<i32>} : memref<128x64xf32, #tpu.memory_space<vmem>>, vector<1x16xf32>,
        %swap3A_331 = vector.shape_cast %swap3A_330 : vector<1x16xf32> to vector<16xf32>
        %swap3A_332 = vector.shape_cast %get3A_325 : vector<16xf32> to vector<1x16xf32>
        tpu.vector_store %arg9[%swap3A_328, %swap3A_329], %swap3A_332 {strides = array<i32>} : memref<128x64xf32, #tpu.memory_space<vmem>>, vector<1x16xf32>,
        %add3A_333 = arith.constant 1 : i32
        %add3A_334 = arith.addi %add3A_243, %add3A_333 : i32
        %get3A_335 = arith.index_cast %add3A_334 : i32 to index
        %get3A_336 = arith.constant 48 : index
        %get3A_337 = tpu.vector_load %arg7[%get3A_335, %get3A_336] {strides = array<i32>} : memref<128x128xf32, #tpu.memory_space<vmem>>, vector<1x16xf32>,
        %get3A_338 = vector.shape_cast %get3A_337 : vector<1x16xf32> to vector<16xf32>
        %add3A_339 = arith.constant 1 : i32
        %add3A_340 = arith.addi %add3A_243, %add3A_339 : i32
        %swap3A_341 = arith.index_cast %add3A_340 : i32 to index
        %swap3A_342 = arith.constant 48 : index
        %swap3A_343 = tpu.vector_load %arg9[%swap3A_341, %swap3A_342] {strides = array<i32>} : memref<128x64xf32, #tpu.memory_space<vmem>>, vector<1x16xf32>,
        %swap3A_344 = vector.shape_cast %swap3A_343 : vector<1x16xf32> to vector<16xf32>
        %swap3A_345 = vector.shape_cast %get3A_338 : vector<16xf32> to vector<1x16xf32>
        tpu.vector_store %arg9[%swap3A_341, %swap3A_342], %swap3A_345 {strides = array<i32>} : memref<128x64xf32, #tpu.memory_space<vmem>>, vector<1x16xf32>,
        %add3A_346 = arith.constant 2 : i32
        %add3A_347 = arith.addi %add3A_243, %add3A_346 : i32
        %get3A_348 = arith.index_cast %add3A_347 : i32 to index
        %get3A_349 = arith.constant 0 : index
        %get3A_350 = tpu.vector_load %arg7[%get3A_348, %get3A_349] {strides = array<i32>} : memref<128x128xf32, #tpu.memory_space<vmem>>, vector<1x16xf32>,
        %get3A_351 = vector.shape_cast %get3A_350 : vector<1x16xf32> to vector<16xf32>
        %add3A_352 = arith.constant 2 : i32
        %add3A_353 = arith.addi %add3A_243, %add3A_352 : i32
        %swap3A_354 = arith.index_cast %add3A_353 : i32 to index
        %swap3A_355 = arith.constant 0 : index
        %swap3A_356 = tpu.vector_load %arg9[%swap3A_354, %swap3A_355] {strides = array<i32>} : memref<128x64xf32, #tpu.memory_space<vmem>>, vector<1x16xf32>,
        %swap3A_357 = vector.shape_cast %swap3A_356 : vector<1x16xf32> to vector<16xf32>
        %swap3A_358 = vector.shape_cast %get3A_351 : vector<16xf32> to vector<1x16xf32>
        tpu.vector_store %arg9[%swap3A_354, %swap3A_355], %swap3A_358 {strides = array<i32>} : memref<128x64xf32, #tpu.memory_space<vmem>>, vector<1x16xf32>,
        %add3A_359 = arith.constant 2 : i32
        %add3A_360 = arith.addi %add3A_243, %add3A_359 : i32
        %get3A_361 = arith.index_cast %add3A_360 : i32 to index
        %get3A_362 = arith.constant 16 : index
        %get3A_363 = tpu.vector_load %arg7[%get3A_361, %get3A_362] {strides = array<i32>} : memref<128x128xf32, #tpu.memory_space<vmem>>, vector<1x16xf32>,
        %get3A_364 = vector.shape_cast %get3A_363 : vector<1x16xf32> to vector<16xf32>
        %add3A_365 = arith.constant 2 : i32
        %add3A_366 = arith.addi %add3A_243, %add3A_365 : i32
        %swap3A_367 = arith.index_cast %add3A_366 : i32 to index
        %swap3A_368 = arith.constant 16 : index
        %swap3A_369 = tpu.vector_load %arg9[%swap3A_367, %swap3A_368] {strides = array<i32>} : memref<128x64xf32, #tpu.memory_space<vmem>>, vector<1x16xf32>,
        %swap3A_370 = vector.shape_cast %swap3A_369 : vector<1x16xf32> to vector<16xf32>
        %swap3A_371 = vector.shape_cast %get3A_364 : vector<16xf32> to vector<1x16xf32>
        tpu.vector_store %arg9[%swap3A_367, %swap3A_368], %swap3A_371 {strides = array<i32>} : memref<128x64xf32, #tpu.memory_space<vmem>>, vector<1x16xf32>,
        %add3A_372 = arith.constant 2 : i32
        %add3A_373 = arith.addi %add3A_243, %add3A_372 : i32
        %get3A_374 = arith.index_cast %add3A_373 : i32 to index
        %get3A_375 = arith.constant 32 : index
        %get3A_376 = tpu.vector_load %arg7[%get3A_374, %get3A_375] {strides = array<i32>} : memref<128x128xf32, #tpu.memory_space<vmem>>, vector<1x16xf32>,
        %get3A_377 = vector.shape_cast %get3A_376 : vector<1x16xf32> to vector<16xf32>
        %add3A_378 = arith.constant 2 : i32
        %add3A_379 = arith.addi %add3A_243, %add3A_378 : i32
        %swap3A_380 = arith.index_cast %add3A_379 : i32 to index
        %swap3A_381 = arith.constant 32 : index
        %swap3A_382 = tpu.vector_load %arg9[%swap3A_380, %swap3A_381] {strides = array<i32>} : memref<128x64xf32, #tpu.memory_space<vmem>>, vector<1x16xf32>,
        %swap3A_383 = vector.shape_cast %swap3A_382 : vector<1x16xf32> to vector<16xf32>
        %swap3A_384 = vector.shape_cast %get3A_377 : vector<16xf32> to vector<1x16xf32>
        tpu.vector_store %arg9[%swap3A_380, %swap3A_381], %swap3A_384 {strides = array<i32>} : memref<128x64xf32, #tpu.memory_space<vmem>>, vector<1x16xf32>,
        %add3A_385 = arith.constant 2 : i32
        %add3A_386 = arith.addi %add3A_243, %add3A_385 : i32
        %get3A_387 = arith.index_cast %add3A_386 : i32 to index
        %get3A_388 = arith.constant 48 : index
        %get3A_389 = tpu.vector_load %arg7[%get3A_387, %get3A_388] {strides = array<i32>} : memref<128x128xf32, #tpu.memory_space<vmem>>, vector<1x16xf32>,
        %get3A_390 = vector.shape_cast %get3A_389 : vector<1x16xf32> to vector<16xf32>
        %add3A_391 = arith.constant 2 : i32
        %add3A_392 = arith.addi %add3A_243, %add3A_391 : i32
        %swap3A_393 = arith.index_cast %add3A_392 : i32 to index
        %swap3A_394 = arith.constant 48 : index
        %swap3A_395 = tpu.vector_load %arg9[%swap3A_393, %swap3A_394] {strides = array<i32>} : memref<128x64xf32, #tpu.memory_space<vmem>>, vector<1x16xf32>,
        %swap3A_396 = vector.shape_cast %swap3A_395 : vector<1x16xf32> to vector<16xf32>
        %swap3A_397 = vector.shape_cast %get3A_390 : vector<16xf32> to vector<1x16xf32>
        tpu.vector_store %arg9[%swap3A_393, %swap3A_394], %swap3A_397 {strides = array<i32>} : memref<128x64xf32, #tpu.memory_space<vmem>>, vector<1x16xf32>,
        %add3A_398 = arith.constant 3 : i32
        %add3A_399 = arith.addi %add3A_243, %add3A_398 : i32
        %get3A_400 = arith.index_cast %add3A_399 : i32 to index
        %get3A_401 = arith.constant 0 : index
        %get3A_402 = tpu.vector_load %arg7[%get3A_400, %get3A_401] {strides = array<i32>} : memref<128x128xf32, #tpu.memory_space<vmem>>, vector<1x16xf32>,
        %get3A_403 = vector.shape_cast %get3A_402 : vector<1x16xf32> to vector<16xf32>
        %add3A_404 = arith.constant 3 : i32
        %add3A_405 = arith.addi %add3A_243, %add3A_404 : i32
        %swap3A_406 = arith.index_cast %add3A_405 : i32 to index
        %swap3A_407 = arith.constant 0 : index
        %swap3A_408 = tpu.vector_load %arg9[%swap3A_406, %swap3A_407] {strides = array<i32>} : memref<128x64xf32, #tpu.memory_space<vmem>>, vector<1x16xf32>,
        %swap3A_409 = vector.shape_cast %swap3A_408 : vector<1x16xf32> to vector<16xf32>
        %swap3A_410 = vector.shape_cast %get3A_403 : vector<16xf32> to vector<1x16xf32>
        tpu.vector_store %arg9[%swap3A_406, %swap3A_407], %swap3A_410 {strides = array<i32>} : memref<128x64xf32, #tpu.memory_space<vmem>>, vector<1x16xf32>,
        %add3A_411 = arith.constant 3 : i32
        %add3A_412 = arith.addi %add3A_243, %add3A_411 : i32
        %get3A_413 = arith.index_cast %add3A_412 : i32 to index
        %get3A_414 = arith.constant 16 : index
        %get3A_415 = tpu.vector_load %arg7[%get3A_413, %get3A_414] {strides = array<i32>} : memref<128x128xf32, #tpu.memory_space<vmem>>, vector<1x16xf32>,
        %get3A_416 = vector.shape_cast %get3A_415 : vector<1x16xf32> to vector<16xf32>
        %add3A_417 = arith.constant 3 : i32
        %add3A_418 = arith.addi %add3A_243, %add3A_417 : i32
        %swap3A_419 = arith.index_cast %add3A_418 : i32 to index
        %swap3A_420 = arith.constant 16 : index
        %swap3A_421 = tpu.vector_load %arg9[%swap3A_419, %swap3A_420] {strides = array<i32>} : memref<128x64xf32, #tpu.memory_space<vmem>>, vector<1x16xf32>,
        %swap3A_422 = vector.shape_cast %swap3A_421 : vector<1x16xf32> to vector<16xf32>
        %swap3A_423 = vector.shape_cast %get3A_416 : vector<16xf32> to vector<1x16xf32>
        tpu.vector_store %arg9[%swap3A_419, %swap3A_420], %swap3A_423 {strides = array<i32>} : memref<128x64xf32, #tpu.memory_space<vmem>>, vector<1x16xf32>,
        %add3A_424 = arith.constant 3 : i32
        %add3A_425 = arith.addi %add3A_243, %add3A_424 : i32
        %get3A_426 = arith.index_cast %add3A_425 : i32 to index
        %get3A_427 = arith.constant 32 : index
        %get3A_428 = tpu.vector_load %arg7[%get3A_426, %get3A_427] {strides = array<i32>} : memref<128x128xf32, #tpu.memory_space<vmem>>, vector<1x16xf32>,
        %get3A_429 = vector.shape_cast %get3A_428 : vector<1x16xf32> to vector<16xf32>
        %add3A_430 = arith.constant 3 : i32
        %add3A_431 = arith.addi %add3A_243, %add3A_430 : i32
        %swap3A_432 = arith.index_cast %add3A_431 : i32 to index
        %swap3A_433 = arith.constant 32 : index
        %swap3A_434 = tpu.vector_load %arg9[%swap3A_432, %swap3A_433] {strides = array<i32>} : memref<128x64xf32, #tpu.memory_space<vmem>>, vector<1x16xf32>,
        %swap3A_435 = vector.shape_cast %swap3A_434 : vector<1x16xf32> to vector<16xf32>
        %swap3A_436 = vector.shape_cast %get3A_429 : vector<16xf32> to vector<1x16xf32>
        tpu.vector_store %arg9[%swap3A_432, %swap3A_433], %swap3A_436 {strides = array<i32>} : memref<128x64xf32, #tpu.memory_space<vmem>>, vector<1x16xf32>,
        %add3A_437 = arith.constant 3 : i32
        %add3A_438 = arith.addi %add3A_243, %add3A_437 : i32
        %get3A_439 = arith.index_cast %add3A_438 : i32 to index
        %get3A_440 = arith.constant 48 : index
        %get3A_441 = tpu.vector_load %arg7[%get3A_439, %get3A_440] {strides = array<i32>} : memref<128x128xf32, #tpu.memory_space<vmem>>, vector<1x16xf32>,
        %get3A_442 = vector.shape_cast %get3A_441 : vector<1x16xf32> to vector<16xf32>
        %add3A_443 = arith.constant 3 : i32
        %add3A_444 = arith.addi %add3A_243, %add3A_443 : i32
        %swap3A_445 = arith.index_cast %add3A_444 : i32 to index
        %swap3A_446 = arith.constant 48 : index
        %swap3A_447 = tpu.vector_load %arg9[%swap3A_445, %swap3A_446] {strides = array<i32>} : memref<128x64xf32, #tpu.memory_space<vmem>>, vector<1x16xf32>,
        %swap3A_448 = vector.shape_cast %swap3A_447 : vector<1x16xf32> to vector<16xf32>
        %swap3A_449 = vector.shape_cast %get3A_442 : vector<16xf32> to vector<1x16xf32>
        tpu.vector_store %arg9[%swap3A_445, %swap3A_446], %swap3A_449 {strides = array<i32>} : memref<128x64xf32, #tpu.memory_space<vmem>>, vector<1x16xf32>,
        %add3A_450 = arith.constant 4 : i32
        %add3A_451 = arith.addi %add3A_243, %add3A_450 : i32
        %get3A_452 = arith.index_cast %add3A_451 : i32 to index
        %get3A_453 = arith.constant 0 : index
        %get3A_454 = tpu.vector_load %arg7[%get3A_452, %get3A_453] {strides = array<i32>} : memref<128x128xf32, #tpu.memory_space<vmem>>, vector<1x16xf32>,
        %get3A_455 = vector.shape_cast %get3A_454 : vector<1x16xf32> to vector<16xf32>
        %add3A_456 = arith.constant 4 : i32
        %add3A_457 = arith.addi %add3A_243, %add3A_456 : i32
        %swap3A_458 = arith.index_cast %add3A_457 : i32 to index
        %swap3A_459 = arith.constant 0 : index
        %swap3A_460 = tpu.vector_load %arg9[%swap3A_458, %swap3A_459] {strides = array<i32>} : memref<128x64xf32, #tpu.memory_space<vmem>>, vector<1x16xf32>,
        %swap3A_461 = vector.shape_cast %swap3A_460 : vector<1x16xf32> to vector<16xf32>
        %swap3A_462 = vector.shape_cast %get3A_455 : vector<16xf32> to vector<1x16xf32>
        tpu.vector_store %arg9[%swap3A_458, %swap3A_459], %swap3A_462 {strides = array<i32>} : memref<128x64xf32, #tpu.memory_space<vmem>>, vector<1x16xf32>,
        %add3A_463 = arith.constant 4 : i32
        %add3A_464 = arith.addi %add3A_243, %add3A_463 : i32
        %get3A_465 = arith.index_cast %add3A_464 : i32 to index
        %get3A_466 = arith.constant 16 : index
        %get3A_467 = tpu.vector_load %arg7[%get3A_465, %get3A_466] {strides = array<i32>} : memref<128x128xf32, #tpu.memory_space<vmem>>, vector<1x16xf32>,
        %get3A_468 = vector.shape_cast %get3A_467 : vector<1x16xf32> to vector<16xf32>
        %add3A_469 = arith.constant 4 : i32
        %add3A_470 = arith.addi %add3A_243, %add3A_469 : i32
        %swap3A_471 = arith.index_cast %add3A_470 : i32 to index
        %swap3A_472 = arith.constant 16 : index
        %swap3A_473 = tpu.vector_load %arg9[%swap3A_471, %swap3A_472] {strides = array<i32>} : memref<128x64xf32, #tpu.memory_space<vmem>>, vector<1x16xf32>,
        %swap3A_474 = vector.shape_cast %swap3A_473 : vector<1x16xf32> to vector<16xf32>
        %swap3A_475 = vector.shape_cast %get3A_468 : vector<16xf32> to vector<1x16xf32>
        tpu.vector_store %arg9[%swap3A_471, %swap3A_472], %swap3A_475 {strides = array<i32>} : memref<128x64xf32, #tpu.memory_space<vmem>>, vector<1x16xf32>,
        %add3A_476 = arith.constant 4 : i32
        %add3A_477 = arith.addi %add3A_243, %add3A_476 : i32
        %get3A_478 = arith.index_cast %add3A_477 : i32 to index
        %get3A_479 = arith.constant 32 : index
        %get3A_480 = tpu.vector_load %arg7[%get3A_478, %get3A_479] {strides = array<i32>} : memref<128x128xf32, #tpu.memory_space<vmem>>, vector<1x16xf32>,
        %get3A_481 = vector.shape_cast %get3A_480 : vector<1x16xf32> to vector<16xf32>
        %add3A_482 = arith.constant 4 : i32
        %add3A_483 = arith.addi %add3A_243, %add3A_482 : i32
        %swap3A_484 = arith.index_cast %add3A_483 : i32 to index
        %swap3A_485 = arith.constant 32 : index
        %swap3A_486 = tpu.vector_load %arg9[%swap3A_484, %swap3A_485] {strides = array<i32>} : memref<128x64xf32, #tpu.memory_space<vmem>>, vector<1x16xf32>,
        %swap3A_487 = vector.shape_cast %swap3A_486 : vector<1x16xf32> to vector<16xf32>
        %swap3A_488 = vector.shape_cast %get3A_481 : vector<16xf32> to vector<1x16xf32>
        tpu.vector_store %arg9[%swap3A_484, %swap3A_485], %swap3A_488 {strides = array<i32>} : memref<128x64xf32, #tpu.memory_space<vmem>>, vector<1x16xf32>,
        %add3A_489 = arith.constant 4 : i32
        %add3A_490 = arith.addi %add3A_243, %add3A_489 : i32
        %get3A_491 = arith.index_cast %add3A_490 : i32 to index
        %get3A_492 = arith.constant 48 : index
        %get3A_493 = tpu.vector_load %arg7[%get3A_491, %get3A_492] {strides = array<i32>} : memref<128x128xf32, #tpu.memory_space<vmem>>, vector<1x16xf32>,
        %get3A_494 = vector.shape_cast %get3A_493 : vector<1x16xf32> to vector<16xf32>
        %add3A_495 = arith.constant 4 : i32
        %add3A_496 = arith.addi %add3A_243, %add3A_495 : i32
        %swap3A_497 = arith.index_cast %add3A_496 : i32 to index
        %swap3A_498 = arith.constant 48 : index
        %swap3A_499 = tpu.vector_load %arg9[%swap3A_497, %swap3A_498] {strides = array<i32>} : memref<128x64xf32, #tpu.memory_space<vmem>>, vector<1x16xf32>,
        %swap3A_500 = vector.shape_cast %swap3A_499 : vector<1x16xf32> to vector<16xf32>
        %swap3A_501 = vector.shape_cast %get3A_494 : vector<16xf32> to vector<1x16xf32>
        tpu.vector_store %arg9[%swap3A_497, %swap3A_498], %swap3A_501 {strides = array<i32>} : memref<128x64xf32, #tpu.memory_space<vmem>>, vector<1x16xf32>,
        %add3A_502 = arith.constant 5 : i32
        %add3A_503 = arith.addi %add3A_243, %add3A_502 : i32
        %get3A_504 = arith.index_cast %add3A_503 : i32 to index
        %get3A_505 = arith.constant 0 : index
        %get3A_506 = tpu.vector_load %arg7[%get3A_504, %get3A_505] {strides = array<i32>} : memref<128x128xf32, #tpu.memory_space<vmem>>, vector<1x16xf32>,
        %get3A_507 = vector.shape_cast %get3A_506 : vector<1x16xf32> to vector<16xf32>
        %add3A_508 = arith.constant 5 : i32
        %add3A_509 = arith.addi %add3A_243, %add3A_508 : i32
        %swap3A_510 = arith.index_cast %add3A_509 : i32 to index
        %swap3A_511 = arith.constant 0 : index
        %swap3A_512 = tpu.vector_load %arg9[%swap3A_510, %swap3A_511] {strides = array<i32>} : memref<128x64xf32, #tpu.memory_space<vmem>>, vector<1x16xf32>,
        %swap3A_513 = vector.shape_cast %swap3A_512 : vector<1x16xf32> to vector<16xf32>
        %swap3A_514 = vector.shape_cast %get3A_507 : vector<16xf32> to vector<1x16xf32>
        tpu.vector_store %arg9[%swap3A_510, %swap3A_511], %swap3A_514 {strides = array<i32>} : memref<128x64xf32, #tpu.memory_space<vmem>>, vector<1x16xf32>,
        %add3A_515 = arith.constant 5 : i32
        %add3A_516 = arith.addi %add3A_243, %add3A_515 : i32
        %get3A_517 = arith.index_cast %add3A_516 : i32 to index
        %get3A_518 = arith.constant 16 : index
        %get3A_519 = tpu.vector_load %arg7[%get3A_517, %get3A_518] {strides = array<i32>} : memref<128x128xf32, #tpu.memory_space<vmem>>, vector<1x16xf32>,
        %get3A_520 = vector.shape_cast %get3A_519 : vector<1x16xf32> to vector<16xf32>
        %add3A_521 = arith.constant 5 : i32
        %add3A_522 = arith.addi %add3A_243, %add3A_521 : i32
        %swap3A_523 = arith.index_cast %add3A_522 : i32 to index
        %swap3A_524 = arith.constant 16 : index
        %swap3A_525 = tpu.vector_load %arg9[%swap3A_523, %swap3A_524] {strides = array<i32>} : memref<128x64xf32, #tpu.memory_space<vmem>>, vector<1x16xf32>,
        %swap3A_526 = vector.shape_cast %swap3A_525 : vector<1x16xf32> to vector<16xf32>
        %swap3A_527 = vector.shape_cast %get3A_520 : vector<16xf32> to vector<1x16xf32>
        tpu.vector_store %arg9[%swap3A_523, %swap3A_524], %swap3A_527 {strides = array<i32>} : memref<128x64xf32, #tpu.memory_space<vmem>>, vector<1x16xf32>,
        %add3A_528 = arith.constant 5 : i32
        %add3A_529 = arith.addi %add3A_243, %add3A_528 : i32
        %get3A_530 = arith.index_cast %add3A_529 : i32 to index
        %get3A_531 = arith.constant 32 : index
        %get3A_532 = tpu.vector_load %arg7[%get3A_530, %get3A_531] {strides = array<i32>} : memref<128x128xf32, #tpu.memory_space<vmem>>, vector<1x16xf32>,
        %get3A_533 = vector.shape_cast %get3A_532 : vector<1x16xf32> to vector<16xf32>
        %add3A_534 = arith.constant 5 : i32
        %add3A_535 = arith.addi %add3A_243, %add3A_534 : i32
        %swap3A_536 = arith.index_cast %add3A_535 : i32 to index
        %swap3A_537 = arith.constant 32 : index
        %swap3A_538 = tpu.vector_load %arg9[%swap3A_536, %swap3A_537] {strides = array<i32>} : memref<128x64xf32, #tpu.memory_space<vmem>>, vector<1x16xf32>,
        %swap3A_539 = vector.shape_cast %swap3A_538 : vector<1x16xf32> to vector<16xf32>
        %swap3A_540 = vector.shape_cast %get3A_533 : vector<16xf32> to vector<1x16xf32>
        tpu.vector_store %arg9[%swap3A_536, %swap3A_537], %swap3A_540 {strides = array<i32>} : memref<128x64xf32, #tpu.memory_space<vmem>>, vector<1x16xf32>,
        %add3A_541 = arith.constant 5 : i32
        %add3A_542 = arith.addi %add3A_243, %add3A_541 : i32
        %get3A_543 = arith.index_cast %add3A_542 : i32 to index
        %get3A_544 = arith.constant 48 : index
        %get3A_545 = tpu.vector_load %arg7[%get3A_543, %get3A_544] {strides = array<i32>} : memref<128x128xf32, #tpu.memory_space<vmem>>, vector<1x16xf32>,
        %get3A_546 = vector.shape_cast %get3A_545 : vector<1x16xf32> to vector<16xf32>
        %add3A_547 = arith.constant 5 : i32
        %add3A_548 = arith.addi %add3A_243, %add3A_547 : i32
        %swap3A_549 = arith.index_cast %add3A_548 : i32 to index
        %swap3A_550 = arith.constant 48 : index
        %swap3A_551 = tpu.vector_load %arg9[%swap3A_549, %swap3A_550] {strides = array<i32>} : memref<128x64xf32, #tpu.memory_space<vmem>>, vector<1x16xf32>,
        %swap3A_552 = vector.shape_cast %swap3A_551 : vector<1x16xf32> to vector<16xf32>
        %swap3A_553 = vector.shape_cast %get3A_546 : vector<16xf32> to vector<1x16xf32>
        tpu.vector_store %arg9[%swap3A_549, %swap3A_550], %swap3A_553 {strides = array<i32>} : memref<128x64xf32, #tpu.memory_space<vmem>>, vector<1x16xf32>,
        %add3A_554 = arith.constant 6 : i32
        %add3A_555 = arith.addi %add3A_243, %add3A_554 : i32
        %get3A_556 = arith.index_cast %add3A_555 : i32 to index
        %get3A_557 = arith.constant 0 : index
        %get3A_558 = tpu.vector_load %arg7[%get3A_556, %get3A_557] {strides = array<i32>} : memref<128x128xf32, #tpu.memory_space<vmem>>, vector<1x16xf32>,
        %get3A_559 = vector.shape_cast %get3A_558 : vector<1x16xf32> to vector<16xf32>
        %add3A_560 = arith.constant 6 : i32
        %add3A_561 = arith.addi %add3A_243, %add3A_560 : i32
        %swap3A_562 = arith.index_cast %add3A_561 : i32 to index
        %swap3A_563 = arith.constant 0 : index
        %swap3A_564 = tpu.vector_load %arg9[%swap3A_562, %swap3A_563] {strides = array<i32>} : memref<128x64xf32, #tpu.memory_space<vmem>>, vector<1x16xf32>,
        %swap3A_565 = vector.shape_cast %swap3A_564 : vector<1x16xf32> to vector<16xf32>
        %swap3A_566 = vector.shape_cast %get3A_559 : vector<16xf32> to vector<1x16xf32>
        tpu.vector_store %arg9[%swap3A_562, %swap3A_563], %swap3A_566 {strides = array<i32>} : memref<128x64xf32, #tpu.memory_space<vmem>>, vector<1x16xf32>,
        %add3A_567 = arith.constant 6 : i32
        %add3A_568 = arith.addi %add3A_243, %add3A_567 : i32
        %get3A_569 = arith.index_cast %add3A_568 : i32 to index
        %get3A_570 = arith.constant 16 : index
        %get3A_571 = tpu.vector_load %arg7[%get3A_569, %get3A_570] {strides = array<i32>} : memref<128x128xf32, #tpu.memory_space<vmem>>, vector<1x16xf32>,
        %get3A_572 = vector.shape_cast %get3A_571 : vector<1x16xf32> to vector<16xf32>
        %add3A_573 = arith.constant 6 : i32
        %add3A_574 = arith.addi %add3A_243, %add3A_573 : i32
        %swap3A_575 = arith.index_cast %add3A_574 : i32 to index
        %swap3A_576 = arith.constant 16 : index
        %swap3A_577 = tpu.vector_load %arg9[%swap3A_575, %swap3A_576] {strides = array<i32>} : memref<128x64xf32, #tpu.memory_space<vmem>>, vector<1x16xf32>,
        %swap3A_578 = vector.shape_cast %swap3A_577 : vector<1x16xf32> to vector<16xf32>
        %swap3A_579 = vector.shape_cast %get3A_572 : vector<16xf32> to vector<1x16xf32>
        tpu.vector_store %arg9[%swap3A_575, %swap3A_576], %swap3A_579 {strides = array<i32>} : memref<128x64xf32, #tpu.memory_space<vmem>>, vector<1x16xf32>,
        %add3A_580 = arith.constant 6 : i32
        %add3A_581 = arith.addi %add3A_243, %add3A_580 : i32
        %get3A_582 = arith.index_cast %add3A_581 : i32 to index
        %get3A_583 = arith.constant 32 : index
        %get3A_584 = tpu.vector_load %arg7[%get3A_582, %get3A_583] {strides = array<i32>} : memref<128x128xf32, #tpu.memory_space<vmem>>, vector<1x16xf32>,
        %get3A_585 = vector.shape_cast %get3A_584 : vector<1x16xf32> to vector<16xf32>
        %add3A_586 = arith.constant 6 : i32
        %add3A_587 = arith.addi %add3A_243, %add3A_586 : i32
        %swap3A_588 = arith.index_cast %add3A_587 : i32 to index
        %swap3A_589 = arith.constant 32 : index
        %swap3A_590 = tpu.vector_load %arg9[%swap3A_588, %swap3A_589] {strides = array<i32>} : memref<128x64xf32, #tpu.memory_space<vmem>>, vector<1x16xf32>,
        %swap3A_591 = vector.shape_cast %swap3A_590 : vector<1x16xf32> to vector<16xf32>
        %swap3A_592 = vector.shape_cast %get3A_585 : vector<16xf32> to vector<1x16xf32>
        tpu.vector_store %arg9[%swap3A_588, %swap3A_589], %swap3A_592 {strides = array<i32>} : memref<128x64xf32, #tpu.memory_space<vmem>>, vector<1x16xf32>,
        %add3A_593 = arith.constant 6 : i32
        %add3A_594 = arith.addi %add3A_243, %add3A_593 : i32
        %get3A_595 = arith.index_cast %add3A_594 : i32 to index
        %get3A_596 = arith.constant 48 : index
        %get3A_597 = tpu.vector_load %arg7[%get3A_595, %get3A_596] {strides = array<i32>} : memref<128x128xf32, #tpu.memory_space<vmem>>, vector<1x16xf32>,
        %get3A_598 = vector.shape_cast %get3A_597 : vector<1x16xf32> to vector<16xf32>
        %add3A_599 = arith.constant 6 : i32
        %add3A_600 = arith.addi %add3A_243, %add3A_599 : i32
        %swap3A_601 = arith.index_cast %add3A_600 : i32 to index
        %swap3A_602 = arith.constant 48 : index
        %swap3A_603 = tpu.vector_load %arg9[%swap3A_601, %swap3A_602] {strides = array<i32>} : memref<128x64xf32, #tpu.memory_space<vmem>>, vector<1x16xf32>,
        %swap3A_604 = vector.shape_cast %swap3A_603 : vector<1x16xf32> to vector<16xf32>
        %swap3A_605 = vector.shape_cast %get3A_598 : vector<16xf32> to vector<1x16xf32>
        tpu.vector_store %arg9[%swap3A_601, %swap3A_602], %swap3A_605 {strides = array<i32>} : memref<128x64xf32, #tpu.memory_space<vmem>>, vector<1x16xf32>,
        %add3A_606 = arith.constant 7 : i32
        %add3A_607 = arith.addi %add3A_243, %add3A_606 : i32
        %get3A_608 = arith.index_cast %add3A_607 : i32 to index
        %get3A_609 = arith.constant 0 : index
        %get3A_610 = tpu.vector_load %arg7[%get3A_608, %get3A_609] {strides = array<i32>} : memref<128x128xf32, #tpu.memory_space<vmem>>, vector<1x16xf32>,
        %get3A_611 = vector.shape_cast %get3A_610 : vector<1x16xf32> to vector<16xf32>
        %add3A_612 = arith.constant 7 : i32
        %add3A_613 = arith.addi %add3A_243, %add3A_612 : i32
        %swap3A_614 = arith.index_cast %add3A_613 : i32 to index
        %swap3A_615 = arith.constant 0 : index
        %swap3A_616 = tpu.vector_load %arg9[%swap3A_614, %swap3A_615] {strides = array<i32>} : memref<128x64xf32, #tpu.memory_space<vmem>>, vector<1x16xf32>,
        %swap3A_617 = vector.shape_cast %swap3A_616 : vector<1x16xf32> to vector<16xf32>
        %swap3A_618 = vector.shape_cast %get3A_611 : vector<16xf32> to vector<1x16xf32>
        tpu.vector_store %arg9[%swap3A_614, %swap3A_615], %swap3A_618 {strides = array<i32>} : memref<128x64xf32, #tpu.memory_space<vmem>>, vector<1x16xf32>,
        %add3A_619 = arith.constant 7 : i32
        %add3A_620 = arith.addi %add3A_243, %add3A_619 : i32
        %get3A_621 = arith.index_cast %add3A_620 : i32 to index
        %get3A_622 = arith.constant 16 : index
        %get3A_623 = tpu.vector_load %arg7[%get3A_621, %get3A_622] {strides = array<i32>} : memref<128x128xf32, #tpu.memory_space<vmem>>, vector<1x16xf32>,
        %get3A_624 = vector.shape_cast %get3A_623 : vector<1x16xf32> to vector<16xf32>
        %add3A_625 = arith.constant 7 : i32
        %add3A_626 = arith.addi %add3A_243, %add3A_625 : i32
        %swap3A_627 = arith.index_cast %add3A_626 : i32 to index
        %swap3A_628 = arith.constant 16 : index
        %swap3A_629 = tpu.vector_load %arg9[%swap3A_627, %swap3A_628] {strides = array<i32>} : memref<128x64xf32, #tpu.memory_space<vmem>>, vector<1x16xf32>,
        %swap3A_630 = vector.shape_cast %swap3A_629 : vector<1x16xf32> to vector<16xf32>
        %swap3A_631 = vector.shape_cast %get3A_624 : vector<16xf32> to vector<1x16xf32>
        tpu.vector_store %arg9[%swap3A_627, %swap3A_628], %swap3A_631 {strides = array<i32>} : memref<128x64xf32, #tpu.memory_space<vmem>>, vector<1x16xf32>,
        %add3A_632 = arith.constant 7 : i32
        %add3A_633 = arith.addi %add3A_243, %add3A_632 : i32
        %get3A_634 = arith.index_cast %add3A_633 : i32 to index
        %get3A_635 = arith.constant 32 : index
        %get3A_636 = tpu.vector_load %arg7[%get3A_634, %get3A_635] {strides = array<i32>} : memref<128x128xf32, #tpu.memory_space<vmem>>, vector<1x16xf32>,
        %get3A_637 = vector.shape_cast %get3A_636 : vector<1x16xf32> to vector<16xf32>
        %add3A_638 = arith.constant 7 : i32
        %add3A_639 = arith.addi %add3A_243, %add3A_638 : i32
        %swap3A_640 = arith.index_cast %add3A_639 : i32 to index
        %swap3A_641 = arith.constant 32 : index
        %swap3A_642 = tpu.vector_load %arg9[%swap3A_640, %swap3A_641] {strides = array<i32>} : memref<128x64xf32, #tpu.memory_space<vmem>>, vector<1x16xf32>,
        %swap3A_643 = vector.shape_cast %swap3A_642 : vector<1x16xf32> to vector<16xf32>
        %swap3A_644 = vector.shape_cast %get3A_637 : vector<16xf32> to vector<1x16xf32>
        tpu.vector_store %arg9[%swap3A_640, %swap3A_641], %swap3A_644 {strides = array<i32>} : memref<128x64xf32, #tpu.memory_space<vmem>>, vector<1x16xf32>,
        %add3A_645 = arith.constant 7 : i32
        %add3A_646 = arith.addi %add3A_243, %add3A_645 : i32
        %get3A_647 = arith.index_cast %add3A_646 : i32 to index
        %get3A_648 = arith.constant 48 : index
        %get3A_649 = tpu.vector_load %arg7[%get3A_647, %get3A_648] {strides = array<i32>} : memref<128x128xf32, #tpu.memory_space<vmem>>, vector<1x16xf32>,
        %get3A_650 = vector.shape_cast %get3A_649 : vector<1x16xf32> to vector<16xf32>
        %add3A_651 = arith.constant 7 : i32
        %add3A_652 = arith.addi %add3A_243, %add3A_651 : i32
        %swap3A_653 = arith.index_cast %add3A_652 : i32 to index
        %swap3A_654 = arith.constant 48 : index
        %swap3A_655 = tpu.vector_load %arg9[%swap3A_653, %swap3A_654] {strides = array<i32>} : memref<128x64xf32, #tpu.memory_space<vmem>>, vector<1x16xf32>,
        %swap3A_656 = vector.shape_cast %swap3A_655 : vector<1x16xf32> to vector<16xf32>
        %swap3A_657 = vector.shape_cast %get3A_650 : vector<16xf32> to vector<1x16xf32>
        tpu.vector_store %arg9[%swap3A_653, %swap3A_654], %swap3A_657 {strides = array<i32>} : memref<128x64xf32, #tpu.memory_space<vmem>>, vector<1x16xf32>,
      }
      %scan3A_172 = arith.constant 16 : i32
      %sub3A_173 = arith.constant 2 : i32
      %sub3A_174 = arith.subi %add3A_149, %sub3A_173 : i32
      %mul3A_175 = arith.constant 128 : i32
      %mul3A_176 = arith.muli %sub3A_174, %mul3A_175 : i32
      %add3A_177 = arith.addi %mul3A_2, %mul3A_176 : i32
      %dma_start3A_178 = tpu.memref_reshape %arg4 : memref<4096x200x64xf32, #tpu.memory_space<hbm>> -> memref<819200x64xf32, #tpu.memory_space<hbm>>
      %dma_start3A_179 = arith.constant 0 : i32
      %dma_start3A_180 = tpu.memref_slice %dma_start3A_178[%add3A_177, %dma_start3A_179] : memref<819200x64xf32, #tpu.memory_space<hbm>> -> memref<128x64xf32, #tpu.memory_space<hbm>>
      %dma_start3A_181 = tpu.memref_reshape %arg4 : memref<4096x200x64xf32, #tpu.memory_space<hbm>> -> memref<819200x64xf32, #tpu.memory_space<hbm>>
      %dma_start3A_182 = arith.constant 0 : i32
      %dma_start3A_183 = tpu.memref_slice %dma_start3A_181[%add3A_177, %dma_start3A_182] : memref<819200x64xf32, #tpu.memory_space<hbm>> -> memref<128x64xf32, #tpu.memory_space<hbm>>
      tpu.enqueue_dma source(%arg9 : memref<128x64xf32, #tpu.memory_space<vmem>>) target(%dma_start3A_183 : memref<128x64xf32, #tpu.memory_space<hbm>>) target_semaphore(%arg13 : memref<!tpu.dma_semaphore, #tpu.memory_space<semaphore_mem>>)
      %mul3A_184 = arith.constant 128 : i32
      %mul3A_185 = arith.muli %add3A_149, %mul3A_184 : i32
      %add3A_186 = arith.addi %mul3A_2, %mul3A_185 : i32
      %dma_wait3A_187 = tpu.memref_slice %arg3[%add3A_186] : memref<819200xi32, #tpu.memory_space<hbm>> -> memref<128xi32, #tpu.memory_space<hbm>>
      %dma_wait3A_188 = tpu.memref_slice %arg3[%add3A_186] : memref<819200xi32, #tpu.memory_space<hbm>> -> memref<128xi32, #tpu.memory_space<hbm>>
      tpu.wait_dma2 semaphore(%arg15 : memref<!tpu.dma_semaphore, #tpu.memory_space<semaphore_mem>>) src(%dma_wait3A_188 : memref<128xi32, #tpu.memory_space<hbm>>) dst(%arg5 : memref<128xi32, #tpu.memory_space<vmem>>)
      %dma_start3A_189 = arith.constant 0 : i32
      %dma_start3A_190 = arith.constant 0 : i32
      %dma_start3A_191 = tpu.memref_slice %arg2[%dma_start3A_189, %dma_start3A_190] : memref<100000x128xf32, #tpu.memory_space<hbm>> -> memref<100000x128xf32, #tpu.memory_space<hbm>>
      tpu.enqueue_indirect_dma source(%dma_start3A_191 : memref<100000x128xf32, #tpu.memory_space<hbm>>) target(%arg7 : memref<128x128xf32, #tpu.memory_space<vmem>>) offsets(%arg5 : memref<128xi32, #tpu.memory_space<vmem>>) semaphore(%arg11 : memref<!tpu.dma_semaphore, #tpu.memory_space<semaphore_mem>>)
      %dma_wait3A_192 = arith.constant 0 : i32
      %dma_wait3A_193 = arith.constant 0 : i32
      %dma_wait3A_194 = tpu.memref_slice %arg2[%dma_wait3A_192, %dma_wait3A_193] : memref<100000x128xf32, #tpu.memory_space<hbm>> -> memref<100000x128xf32, #tpu.memory_space<hbm>>
      tpu.wait_indirect_dma semaphore(%arg12 : memref<!tpu.dma_semaphore, #tpu.memory_space<semaphore_mem>>) src(%dma_wait3A_194 : memref<100000x128xf32, #tpu.memory_space<hbm>>) dst(%arg8 : memref<128x128xf32, #tpu.memory_space<vmem>>)
      %add3A_195 = arith.constant 1 : i32
      %add3A_196 = arith.addi %add3A_149, %add3A_195 : i32
      %mul3A_197 = arith.constant 128 : i32
      %mul3A_198 = arith.muli %add3A_196, %mul3A_197 : i32
      %add3A_199 = arith.addi %mul3A_2, %mul3A_198 : i32
      %dma_start3A_200 = tpu.memref_slice %arg3[%add3A_199] : memref<819200xi32, #tpu.memory_space<hbm>> -> memref<128xi32, #tpu.memory_space<hbm>>
      %dma_start3A_201 = tpu.memref_slice %arg3[%add3A_199] : memref<819200xi32, #tpu.memory_space<hbm>> -> memref<128xi32, #tpu.memory_space<hbm>>
      tpu.enqueue_dma source(%dma_start3A_201 : memref<128xi32, #tpu.memory_space<hbm>>) target(%arg6 : memref<128xi32, #tpu.memory_space<vmem>>) target_semaphore(%arg16 : memref<!tpu.dma_semaphore, #tpu.memory_space<semaphore_mem>>)
      %sub3A_202 = arith.constant 3 : i32
      %sub3A_203 = arith.subi %add3A_149, %sub3A_202 : i32
      %mul3A_204 = arith.constant 128 : i32
      %mul3A_205 = arith.muli %sub3A_203, %mul3A_204 : i32
      %add3A_206 = arith.addi %mul3A_2, %mul3A_205 : i32
      %dma_wait3A_207 = tpu.memref_reshape %arg4 : memref<4096x200x64xf32, #tpu.memory_space<hbm>> -> memref<819200x64xf32, #tpu.memory_space<hbm>>
      %dma_wait3A_208 = arith.constant 0 : i32
      %dma_wait3A_209 = tpu.memref_slice %dma_wait3A_207[%add3A_206, %dma_wait3A_208] : memref<819200x64xf32, #tpu.memory_space<hbm>> -> memref<128x64xf32, #tpu.memory_space<hbm>>
      %dma_wait3A_210 = tpu.memref_reshape %arg4 : memref<4096x200x64xf32, #tpu.memory_space<hbm>> -> memref<819200x64xf32, #tpu.memory_space<hbm>>
      %dma_wait3A_211 = arith.constant 0 : i32
      %dma_wait3A_212 = tpu.memref_slice %dma_wait3A_210[%add3A_206, %dma_wait3A_211] : memref<819200x64xf32, #tpu.memory_space<hbm>> -> memref<128x64xf32, #tpu.memory_space<hbm>>
      tpu.wait_dma2 semaphore(%arg14 : memref<!tpu.dma_semaphore, #tpu.memory_space<semaphore_mem>>) src(%arg10 : memref<128x64xf32, #tpu.memory_space<vmem>>) dst(%dma_wait3A_212 : memref<128x64xf32, #tpu.memory_space<hbm>>)
      %scan3A_213 = arith.constant 0 : i32
      %scan3A_214 = arith.constant 16 : i32
      %scan3A_215 = arith.addi %scan3A_213, %scan3A_214 : i32
      %scan3A_216 = arith.constant 1 : i32
      scf.for %scan3A_239 = %scan3A_213 to %scan3A_215 step %scan3A_216  : i32 {
        %mul3A_240 = arith.constant 8 : i32
        %mul3A_241 = arith.muli %scan3A_239, %mul3A_240 : i32
        %add3A_242 = arith.constant 0 : i32
        %add3A_243 = arith.addi %add3A_242, %mul3A_241 : i32
        %add3A_244 = arith.constant 0 : i32
        %add3A_245 = arith.addi %add3A_243, %add3A_244 : i32
        %get3A = arith.index_cast %add3A_245 : i32 to index
        %get3A_246 = arith.constant 0 : index
        %get3A_247 = tpu.vector_load %arg8[%get3A, %get3A_246] {strides = array<i32>} : memref<128x128xf32, #tpu.memory_space<vmem>>, vector<1x16xf32>,
        %get3A_248 = vector.shape_cast %get3A_247 : vector<1x16xf32> to vector<16xf32>
        %add3A_249 = arith.constant 0 : i32
        %add3A_250 = arith.addi %add3A_243, %add3A_249 : i32
        %swap3A = arith.index_cast %add3A_250 : i32 to index
        %swap3A_251 = arith.constant 0 : index
        %swap3A_252 = tpu.vector_load %arg10[%swap3A, %swap3A_251] {strides = array<i32>} : memref<128x64xf32, #tpu.memory_space<vmem>>, vector<1x16xf32>,
        %swap3A_253 = vector.shape_cast %swap3A_252 : vector<1x16xf32> to vector<16xf32>
        %swap3A_254 = vector.shape_cast %get3A_248 : vector<16xf32> to vector<1x16xf32>
        tpu.vector_store %arg10[%swap3A, %swap3A_251], %swap3A_254 {strides = array<i32>} : memref<128x64xf32, #tpu.memory_space<vmem>>, vector<1x16xf32>,
        %add3A_255 = arith.constant 0 : i32
        %add3A_256 = arith.addi %add3A_243, %add3A_255 : i32
        %get3A_257 = arith.index_cast %add3A_256 : i32 to index
        %get3A_258 = arith.constant 16 : index
        %get3A_259 = tpu.vector_load %arg8[%get3A_257, %get3A_258] {strides = array<i32>} : memref<128x128xf32, #tpu.memory_space<vmem>>, vector<1x16xf32>,
        %get3A_260 = vector.shape_cast %get3A_259 : vector<1x16xf32> to vector<16xf32>
        %add3A_261 = arith.constant 0 : i32
        %add3A_262 = arith.addi %add3A_243, %add3A_261 : i32
        %swap3A_263 = arith.index_cast %add3A_262 : i32 to index
        %swap3A_264 = arith.constant 16 : index
        %swap3A_265 = tpu.vector_load %arg10[%swap3A_263, %swap3A_264] {strides = array<i32>} : memref<128x64xf32, #tpu.memory_space<vmem>>, vector<1x16xf32>,
        %swap3A_266 = vector.shape_cast %swap3A_265 : vector<1x16xf32> to vector<16xf32>
        %swap3A_267 = vector.shape_cast %get3A_260 : vector<16xf32> to vector<1x16xf32>
        tpu.vector_store %arg10[%swap3A_263, %swap3A_264], %swap3A_267 {strides = array<i32>} : memref<128x64xf32, #tpu.memory_space<vmem>>, vector<1x16xf32>,
        %add3A_268 = arith.constant 0 : i32
        %add3A_269 = arith.addi %add3A_243, %add3A_268 : i32
        %get3A_270 = arith.index_cast %add3A_269 : i32 to index
        %get3A_271 = arith.constant 32 : index
        %get3A_272 = tpu.vector_load %arg8[%get3A_270, %get3A_271] {strides = array<i32>} : memref<128x128xf32, #tpu.memory_space<vmem>>, vector<1x16xf32>,
        %get3A_273 = vector.shape_cast %get3A_272 : vector<1x16xf32> to vector<16xf32>
        %add3A_274 = arith.constant 0 : i32
        %add3A_275 = arith.addi %add3A_243, %add3A_274 : i32
        %swap3A_276 = arith.index_cast %add3A_275 : i32 to index
        %swap3A_277 = arith.constant 32 : index
        %swap3A_278 = tpu.vector_load %arg10[%swap3A_276, %swap3A_277] {strides = array<i32>} : memref<128x64xf32, #tpu.memory_space<vmem>>, vector<1x16xf32>,
        %swap3A_279 = vector.shape_cast %swap3A_278 : vector<1x16xf32> to vector<16xf32>
        %swap3A_280 = vector.shape_cast %get3A_273 : vector<16xf32> to vector<1x16xf32>
        tpu.vector_store %arg10[%swap3A_276, %swap3A_277], %swap3A_280 {strides = array<i32>} : memref<128x64xf32, #tpu.memory_space<vmem>>, vector<1x16xf32>,
        %add3A_281 = arith.constant 0 : i32
        %add3A_282 = arith.addi %add3A_243, %add3A_281 : i32
        %get3A_283 = arith.index_cast %add3A_282 : i32 to index
        %get3A_284 = arith.constant 48 : index
        %get3A_285 = tpu.vector_load %arg8[%get3A_283, %get3A_284] {strides = array<i32>} : memref<128x128xf32, #tpu.memory_space<vmem>>, vector<1x16xf32>,
        %get3A_286 = vector.shape_cast %get3A_285 : vector<1x16xf32> to vector<16xf32>
        %add3A_287 = arith.constant 0 : i32
        %add3A_288 = arith.addi %add3A_243, %add3A_287 : i32
        %swap3A_289 = arith.index_cast %add3A_288 : i32 to index
        %swap3A_290 = arith.constant 48 : index
        %swap3A_291 = tpu.vector_load %arg10[%swap3A_289, %swap3A_290] {strides = array<i32>} : memref<128x64xf32, #tpu.memory_space<vmem>>, vector<1x16xf32>,
        %swap3A_292 = vector.shape_cast %swap3A_291 : vector<1x16xf32> to vector<16xf32>
        %swap3A_293 = vector.shape_cast %get3A_286 : vector<16xf32> to vector<1x16xf32>
        tpu.vector_store %arg10[%swap3A_289, %swap3A_290], %swap3A_293 {strides = array<i32>} : memref<128x64xf32, #tpu.memory_space<vmem>>, vector<1x16xf32>,
        %add3A_294 = arith.constant 1 : i32
        %add3A_295 = arith.addi %add3A_243, %add3A_294 : i32
        %get3A_296 = arith.index_cast %add3A_295 : i32 to index
        %get3A_297 = arith.constant 0 : index
        %get3A_298 = tpu.vector_load %arg8[%get3A_296, %get3A_297] {strides = array<i32>} : memref<128x128xf32, #tpu.memory_space<vmem>>, vector<1x16xf32>,
        %get3A_299 = vector.shape_cast %get3A_298 : vector<1x16xf32> to vector<16xf32>
        %add3A_300 = arith.constant 1 : i32
        %add3A_301 = arith.addi %add3A_243, %add3A_300 : i32
        %swap3A_302 = arith.index_cast %add3A_301 : i32 to index
        %swap3A_303 = arith.constant 0 : index
        %swap3A_304 = tpu.vector_load %arg10[%swap3A_302, %swap3A_303] {strides = array<i32>} : memref<128x64xf32, #tpu.memory_space<vmem>>, vector<1x16xf32>,
        %swap3A_305 = vector.shape_cast %swap3A_304 : vector<1x16xf32> to vector<16xf32>
        %swap3A_306 = vector.shape_cast %get3A_299 : vector<16xf32> to vector<1x16xf32>
        tpu.vector_store %arg10[%swap3A_302, %swap3A_303], %swap3A_306 {strides = array<i32>} : memref<128x64xf32, #tpu.memory_space<vmem>>, vector<1x16xf32>,
        %add3A_307 = arith.constant 1 : i32
        %add3A_308 = arith.addi %add3A_243, %add3A_307 : i32
        %get3A_309 = arith.index_cast %add3A_308 : i32 to index
        %get3A_310 = arith.constant 16 : index
        %get3A_311 = tpu.vector_load %arg8[%get3A_309, %get3A_310] {strides = array<i32>} : memref<128x128xf32, #tpu.memory_space<vmem>>, vector<1x16xf32>,
        %get3A_312 = vector.shape_cast %get3A_311 : vector<1x16xf32> to vector<16xf32>
        %add3A_313 = arith.constant 1 : i32
        %add3A_314 = arith.addi %add3A_243, %add3A_313 : i32
        %swap3A_315 = arith.index_cast %add3A_314 : i32 to index
        %swap3A_316 = arith.constant 16 : index
        %swap3A_317 = tpu.vector_load %arg10[%swap3A_315, %swap3A_316] {strides = array<i32>} : memref<128x64xf32, #tpu.memory_space<vmem>>, vector<1x16xf32>,
        %swap3A_318 = vector.shape_cast %swap3A_317 : vector<1x16xf32> to vector<16xf32>
        %swap3A_319 = vector.shape_cast %get3A_312 : vector<16xf32> to vector<1x16xf32>
        tpu.vector_store %arg10[%swap3A_315, %swap3A_316], %swap3A_319 {strides = array<i32>} : memref<128x64xf32, #tpu.memory_space<vmem>>, vector<1x16xf32>,
        %add3A_320 = arith.constant 1 : i32
        %add3A_321 = arith.addi %add3A_243, %add3A_320 : i32
        %get3A_322 = arith.index_cast %add3A_321 : i32 to index
        %get3A_323 = arith.constant 32 : index
        %get3A_324 = tpu.vector_load %arg8[%get3A_322, %get3A_323] {strides = array<i32>} : memref<128x128xf32, #tpu.memory_space<vmem>>, vector<1x16xf32>,
        %get3A_325 = vector.shape_cast %get3A_324 : vector<1x16xf32> to vector<16xf32>
        %add3A_326 = arith.constant 1 : i32
        %add3A_327 = arith.addi %add3A_243, %add3A_326 : i32
        %swap3A_328 = arith.index_cast %add3A_327 : i32 to index
        %swap3A_329 = arith.constant 32 : index
        %swap3A_330 = tpu.vector_load %arg10[%swap3A_328, %swap3A_329] {strides = array<i32>} : memref<128x64xf32, #tpu.memory_space<vmem>>, vector<1x16xf32>,
        %swap3A_331 = vector.shape_cast %swap3A_330 : vector<1x16xf32> to vector<16xf32>
        %swap3A_332 = vector.shape_cast %get3A_325 : vector<16xf32> to vector<1x16xf32>
        tpu.vector_store %arg10[%swap3A_328, %swap3A_329], %swap3A_332 {strides = array<i32>} : memref<128x64xf32, #tpu.memory_space<vmem>>, vector<1x16xf32>,
        %add3A_333 = arith.constant 1 : i32
        %add3A_334 = arith.addi %add3A_243, %add3A_333 : i32
        %get3A_335 = arith.index_cast %add3A_334 : i32 to index
        %get3A_336 = arith.constant 48 : index
        %get3A_337 = tpu.vector_load %arg8[%get3A_335, %get3A_336] {strides = array<i32>} : memref<128x128xf32, #tpu.memory_space<vmem>>, vector<1x16xf32>,
        %get3A_338 = vector.shape_cast %get3A_337 : vector<1x16xf32> to vector<16xf32>
        %add3A_339 = arith.constant 1 : i32
        %add3A_340 = arith.addi %add3A_243, %add3A_339 : i32
        %swap3A_341 = arith.index_cast %add3A_340 : i32 to index
        %swap3A_342 = arith.constant 48 : index
        %swap3A_343 = tpu.vector_load %arg10[%swap3A_341, %swap3A_342] {strides = array<i32>} : memref<128x64xf32, #tpu.memory_space<vmem>>, vector<1x16xf32>,
        %swap3A_344 = vector.shape_cast %swap3A_343 : vector<1x16xf32> to vector<16xf32>
        %swap3A_345 = vector.shape_cast %get3A_338 : vector<16xf32> to vector<1x16xf32>
        tpu.vector_store %arg10[%swap3A_341, %swap3A_342], %swap3A_345 {strides = array<i32>} : memref<128x64xf32, #tpu.memory_space<vmem>>, vector<1x16xf32>,
        %add3A_346 = arith.constant 2 : i32
        %add3A_347 = arith.addi %add3A_243, %add3A_346 : i32
        %get3A_348 = arith.index_cast %add3A_347 : i32 to index
        %get3A_349 = arith.constant 0 : index
        %get3A_350 = tpu.vector_load %arg8[%get3A_348, %get3A_349] {strides = array<i32>} : memref<128x128xf32, #tpu.memory_space<vmem>>, vector<1x16xf32>,
        %get3A_351 = vector.shape_cast %get3A_350 : vector<1x16xf32> to vector<16xf32>
        %add3A_352 = arith.constant 2 : i32
        %add3A_353 = arith.addi %add3A_243, %add3A_352 : i32
        %swap3A_354 = arith.index_cast %add3A_353 : i32 to index
        %swap3A_355 = arith.constant 0 : index
        %swap3A_356 = tpu.vector_load %arg10[%swap3A_354, %swap3A_355] {strides = array<i32>} : memref<128x64xf32, #tpu.memory_space<vmem>>, vector<1x16xf32>,
        %swap3A_357 = vector.shape_cast %swap3A_356 : vector<1x16xf32> to vector<16xf32>
        %swap3A_358 = vector.shape_cast %get3A_351 : vector<16xf32> to vector<1x16xf32>
        tpu.vector_store %arg10[%swap3A_354, %swap3A_355], %swap3A_358 {strides = array<i32>} : memref<128x64xf32, #tpu.memory_space<vmem>>, vector<1x16xf32>,
        %add3A_359 = arith.constant 2 : i32
        %add3A_360 = arith.addi %add3A_243, %add3A_359 : i32
        %get3A_361 = arith.index_cast %add3A_360 : i32 to index
        %get3A_362 = arith.constant 16 : index
        %get3A_363 = tpu.vector_load %arg8[%get3A_361, %get3A_362] {strides = array<i32>} : memref<128x128xf32, #tpu.memory_space<vmem>>, vector<1x16xf32>,
        %get3A_364 = vector.shape_cast %get3A_363 : vector<1x16xf32> to vector<16xf32>
        %add3A_365 = arith.constant 2 : i32
        %add3A_366 = arith.addi %add3A_243, %add3A_365 : i32
        %swap3A_367 = arith.index_cast %add3A_366 : i32 to index
        %swap3A_368 = arith.constant 16 : index
        %swap3A_369 = tpu.vector_load %arg10[%swap3A_367, %swap3A_368] {strides = array<i32>} : memref<128x64xf32, #tpu.memory_space<vmem>>, vector<1x16xf32>,
        %swap3A_370 = vector.shape_cast %swap3A_369 : vector<1x16xf32> to vector<16xf32>
        %swap3A_371 = vector.shape_cast %get3A_364 : vector<16xf32> to vector<1x16xf32>
        tpu.vector_store %arg10[%swap3A_367, %swap3A_368], %swap3A_371 {strides = array<i32>} : memref<128x64xf32, #tpu.memory_space<vmem>>, vector<1x16xf32>,
        %add3A_372 = arith.constant 2 : i32
        %add3A_373 = arith.addi %add3A_243, %add3A_372 : i32
        %get3A_374 = arith.index_cast %add3A_373 : i32 to index
        %get3A_375 = arith.constant 32 : index
        %get3A_376 = tpu.vector_load %arg8[%get3A_374, %get3A_375] {strides = array<i32>} : memref<128x128xf32, #tpu.memory_space<vmem>>, vector<1x16xf32>,
        %get3A_377 = vector.shape_cast %get3A_376 : vector<1x16xf32> to vector<16xf32>
        %add3A_378 = arith.constant 2 : i32
        %add3A_379 = arith.addi %add3A_243, %add3A_378 : i32
        %swap3A_380 = arith.index_cast %add3A_379 : i32 to index
        %swap3A_381 = arith.constant 32 : index
        %swap3A_382 = tpu.vector_load %arg10[%swap3A_380, %swap3A_381] {strides = array<i32>} : memref<128x64xf32, #tpu.memory_space<vmem>>, vector<1x16xf32>,
        %swap3A_383 = vector.shape_cast %swap3A_382 : vector<1x16xf32> to vector<16xf32>
        %swap3A_384 = vector.shape_cast %get3A_377 : vector<16xf32> to vector<1x16xf32>
        tpu.vector_store %arg10[%swap3A_380, %swap3A_381], %swap3A_384 {strides = array<i32>} : memref<128x64xf32, #tpu.memory_space<vmem>>, vector<1x16xf32>,
        %add3A_385 = arith.constant 2 : i32
        %add3A_386 = arith.addi %add3A_243, %add3A_385 : i32
        %get3A_387 = arith.index_cast %add3A_386 : i32 to index
        %get3A_388 = arith.constant 48 : index
        %get3A_389 = tpu.vector_load %arg8[%get3A_387, %get3A_388] {strides = array<i32>} : memref<128x128xf32, #tpu.memory_space<vmem>>, vector<1x16xf32>,
        %get3A_390 = vector.shape_cast %get3A_389 : vector<1x16xf32> to vector<16xf32>
        %add3A_391 = arith.constant 2 : i32
        %add3A_392 = arith.addi %add3A_243, %add3A_391 : i32
        %swap3A_393 = arith.index_cast %add3A_392 : i32 to index
        %swap3A_394 = arith.constant 48 : index
        %swap3A_395 = tpu.vector_load %arg10[%swap3A_393, %swap3A_394] {strides = array<i32>} : memref<128x64xf32, #tpu.memory_space<vmem>>, vector<1x16xf32>,
        %swap3A_396 = vector.shape_cast %swap3A_395 : vector<1x16xf32> to vector<16xf32>
        %swap3A_397 = vector.shape_cast %get3A_390 : vector<16xf32> to vector<1x16xf32>
        tpu.vector_store %arg10[%swap3A_393, %swap3A_394], %swap3A_397 {strides = array<i32>} : memref<128x64xf32, #tpu.memory_space<vmem>>, vector<1x16xf32>,
        %add3A_398 = arith.constant 3 : i32
        %add3A_399 = arith.addi %add3A_243, %add3A_398 : i32
        %get3A_400 = arith.index_cast %add3A_399 : i32 to index
        %get3A_401 = arith.constant 0 : index
        %get3A_402 = tpu.vector_load %arg8[%get3A_400, %get3A_401] {strides = array<i32>} : memref<128x128xf32, #tpu.memory_space<vmem>>, vector<1x16xf32>,
        %get3A_403 = vector.shape_cast %get3A_402 : vector<1x16xf32> to vector<16xf32>
        %add3A_404 = arith.constant 3 : i32
        %add3A_405 = arith.addi %add3A_243, %add3A_404 : i32
        %swap3A_406 = arith.index_cast %add3A_405 : i32 to index
        %swap3A_407 = arith.constant 0 : index
        %swap3A_408 = tpu.vector_load %arg10[%swap3A_406, %swap3A_407] {strides = array<i32>} : memref<128x64xf32, #tpu.memory_space<vmem>>, vector<1x16xf32>,
        %swap3A_409 = vector.shape_cast %swap3A_408 : vector<1x16xf32> to vector<16xf32>
        %swap3A_410 = vector.shape_cast %get3A_403 : vector<16xf32> to vector<1x16xf32>
        tpu.vector_store %arg10[%swap3A_406, %swap3A_407], %swap3A_410 {strides = array<i32>} : memref<128x64xf32, #tpu.memory_space<vmem>>, vector<1x16xf32>,
        %add3A_411 = arith.constant 3 : i32
        %add3A_412 = arith.addi %add3A_243, %add3A_411 : i32
        %get3A_413 = arith.index_cast %add3A_412 : i32 to index
        %get3A_414 = arith.constant 16 : index
        %get3A_415 = tpu.vector_load %arg8[%get3A_413, %get3A_414] {strides = array<i32>} : memref<128x128xf32, #tpu.memory_space<vmem>>, vector<1x16xf32>,
        %get3A_416 = vector.shape_cast %get3A_415 : vector<1x16xf32> to vector<16xf32>
        %add3A_417 = arith.constant 3 : i32
        %add3A_418 = arith.addi %add3A_243, %add3A_417 : i32
        %swap3A_419 = arith.index_cast %add3A_418 : i32 to index
        %swap3A_420 = arith.constant 16 : index
        %swap3A_421 = tpu.vector_load %arg10[%swap3A_419, %swap3A_420] {strides = array<i32>} : memref<128x64xf32, #tpu.memory_space<vmem>>, vector<1x16xf32>,
        %swap3A_422 = vector.shape_cast %swap3A_421 : vector<1x16xf32> to vector<16xf32>
        %swap3A_423 = vector.shape_cast %get3A_416 : vector<16xf32> to vector<1x16xf32>
        tpu.vector_store %arg10[%swap3A_419, %swap3A_420], %swap3A_423 {strides = array<i32>} : memref<128x64xf32, #tpu.memory_space<vmem>>, vector<1x16xf32>,
        %add3A_424 = arith.constant 3 : i32
        %add3A_425 = arith.addi %add3A_243, %add3A_424 : i32
        %get3A_426 = arith.index_cast %add3A_425 : i32 to index
        %get3A_427 = arith.constant 32 : index
        %get3A_428 = tpu.vector_load %arg8[%get3A_426, %get3A_427] {strides = array<i32>} : memref<128x128xf32, #tpu.memory_space<vmem>>, vector<1x16xf32>,
        %get3A_429 = vector.shape_cast %get3A_428 : vector<1x16xf32> to vector<16xf32>
        %add3A_430 = arith.constant 3 : i32
        %add3A_431 = arith.addi %add3A_243, %add3A_430 : i32
        %swap3A_432 = arith.index_cast %add3A_431 : i32 to index
        %swap3A_433 = arith.constant 32 : index
        %swap3A_434 = tpu.vector_load %arg10[%swap3A_432, %swap3A_433] {strides = array<i32>} : memref<128x64xf32, #tpu.memory_space<vmem>>, vector<1x16xf32>,
        %swap3A_435 = vector.shape_cast %swap3A_434 : vector<1x16xf32> to vector<16xf32>
        %swap3A_436 = vector.shape_cast %get3A_429 : vector<16xf32> to vector<1x16xf32>
        tpu.vector_store %arg10[%swap3A_432, %swap3A_433], %swap3A_436 {strides = array<i32>} : memref<128x64xf32, #tpu.memory_space<vmem>>, vector<1x16xf32>,
        %add3A_437 = arith.constant 3 : i32
        %add3A_438 = arith.addi %add3A_243, %add3A_437 : i32
        %get3A_439 = arith.index_cast %add3A_438 : i32 to index
        %get3A_440 = arith.constant 48 : index
        %get3A_441 = tpu.vector_load %arg8[%get3A_439, %get3A_440] {strides = array<i32>} : memref<128x128xf32, #tpu.memory_space<vmem>>, vector<1x16xf32>,
        %get3A_442 = vector.shape_cast %get3A_441 : vector<1x16xf32> to vector<16xf32>
        %add3A_443 = arith.constant 3 : i32
        %add3A_444 = arith.addi %add3A_243, %add3A_443 : i32
        %swap3A_445 = arith.index_cast %add3A_444 : i32 to index
        %swap3A_446 = arith.constant 48 : index
        %swap3A_447 = tpu.vector_load %arg10[%swap3A_445, %swap3A_446] {strides = array<i32>} : memref<128x64xf32, #tpu.memory_space<vmem>>, vector<1x16xf32>,
        %swap3A_448 = vector.shape_cast %swap3A_447 : vector<1x16xf32> to vector<16xf32>
        %swap3A_449 = vector.shape_cast %get3A_442 : vector<16xf32> to vector<1x16xf32>
        tpu.vector_store %arg10[%swap3A_445, %swap3A_446], %swap3A_449 {strides = array<i32>} : memref<128x64xf32, #tpu.memory_space<vmem>>, vector<1x16xf32>,
        %add3A_450 = arith.constant 4 : i32
        %add3A_451 = arith.addi %add3A_243, %add3A_450 : i32
        %get3A_452 = arith.index_cast %add3A_451 : i32 to index
        %get3A_453 = arith.constant 0 : index
        %get3A_454 = tpu.vector_load %arg8[%get3A_452, %get3A_453] {strides = array<i32>} : memref<128x128xf32, #tpu.memory_space<vmem>>, vector<1x16xf32>,
        %get3A_455 = vector.shape_cast %get3A_454 : vector<1x16xf32> to vector<16xf32>
        %add3A_456 = arith.constant 4 : i32
        %add3A_457 = arith.addi %add3A_243, %add3A_456 : i32
        %swap3A_458 = arith.index_cast %add3A_457 : i32 to index
        %swap3A_459 = arith.constant 0 : index
        %swap3A_460 = tpu.vector_load %arg10[%swap3A_458, %swap3A_459] {strides = array<i32>} : memref<128x64xf32, #tpu.memory_space<vmem>>, vector<1x16xf32>,
        %swap3A_461 = vector.shape_cast %swap3A_460 : vector<1x16xf32> to vector<16xf32>
        %swap3A_462 = vector.shape_cast %get3A_455 : vector<16xf32> to vector<1x16xf32>
        tpu.vector_store %arg10[%swap3A_458, %swap3A_459], %swap3A_462 {strides = array<i32>} : memref<128x64xf32, #tpu.memory_space<vmem>>, vector<1x16xf32>,
        %add3A_463 = arith.constant 4 : i32
        %add3A_464 = arith.addi %add3A_243, %add3A_463 : i32
        %get3A_465 = arith.index_cast %add3A_464 : i32 to index
        %get3A_466 = arith.constant 16 : index
        %get3A_467 = tpu.vector_load %arg8[%get3A_465, %get3A_466] {strides = array<i32>} : memref<128x128xf32, #tpu.memory_space<vmem>>, vector<1x16xf32>,
        %get3A_468 = vector.shape_cast %get3A_467 : vector<1x16xf32> to vector<16xf32>
        %add3A_469 = arith.constant 4 : i32
        %add3A_470 = arith.addi %add3A_243, %add3A_469 : i32
        %swap3A_471 = arith.index_cast %add3A_470 : i32 to index
        %swap3A_472 = arith.constant 16 : index
        %swap3A_473 = tpu.vector_load %arg10[%swap3A_471, %swap3A_472] {strides = array<i32>} : memref<128x64xf32, #tpu.memory_space<vmem>>, vector<1x16xf32>,
        %swap3A_474 = vector.shape_cast %swap3A_473 : vector<1x16xf32> to vector<16xf32>
        %swap3A_475 = vector.shape_cast %get3A_468 : vector<16xf32> to vector<1x16xf32>
        tpu.vector_store %arg10[%swap3A_471, %swap3A_472], %swap3A_475 {strides = array<i32>} : memref<128x64xf32, #tpu.memory_space<vmem>>, vector<1x16xf32>,
        %add3A_476 = arith.constant 4 : i32
        %add3A_477 = arith.addi %add3A_243, %add3A_476 : i32
        %get3A_478 = arith.index_cast %add3A_477 : i32 to index
        %get3A_479 = arith.constant 32 : index
        %get3A_480 = tpu.vector_load %arg8[%get3A_478, %get3A_479] {strides = array<i32>} : memref<128x128xf32, #tpu.memory_space<vmem>>, vector<1x16xf32>,
        %get3A_481 = vector.shape_cast %get3A_480 : vector<1x16xf32> to vector<16xf32>
        %add3A_482 = arith.constant 4 : i32
        %add3A_483 = arith.addi %add3A_243, %add3A_482 : i32
        %swap3A_484 = arith.index_cast %add3A_483 : i32 to index
        %swap3A_485 = arith.constant 32 : index
        %swap3A_486 = tpu.vector_load %arg10[%swap3A_484, %swap3A_485] {strides = array<i32>} : memref<128x64xf32, #tpu.memory_space<vmem>>, vector<1x16xf32>,
        %swap3A_487 = vector.shape_cast %swap3A_486 : vector<1x16xf32> to vector<16xf32>
        %swap3A_488 = vector.shape_cast %get3A_481 : vector<16xf32> to vector<1x16xf32>
        tpu.vector_store %arg10[%swap3A_484, %swap3A_485], %swap3A_488 {strides = array<i32>} : memref<128x64xf32, #tpu.memory_space<vmem>>, vector<1x16xf32>,
        %add3A_489 = arith.constant 4 : i32
        %add3A_490 = arith.addi %add3A_243, %add3A_489 : i32
        %get3A_491 = arith.index_cast %add3A_490 : i32 to index
        %get3A_492 = arith.constant 48 : index
        %get3A_493 = tpu.vector_load %arg8[%get3A_491, %get3A_492] {strides = array<i32>} : memref<128x128xf32, #tpu.memory_space<vmem>>, vector<1x16xf32>,
        %get3A_494 = vector.shape_cast %get3A_493 : vector<1x16xf32> to vector<16xf32>
        %add3A_495 = arith.constant 4 : i32
        %add3A_496 = arith.addi %add3A_243, %add3A_495 : i32
        %swap3A_497 = arith.index_cast %add3A_496 : i32 to index
        %swap3A_498 = arith.constant 48 : index
        %swap3A_499 = tpu.vector_load %arg10[%swap3A_497, %swap3A_498] {strides = array<i32>} : memref<128x64xf32, #tpu.memory_space<vmem>>, vector<1x16xf32>,
        %swap3A_500 = vector.shape_cast %swap3A_499 : vector<1x16xf32> to vector<16xf32>
        %swap3A_501 = vector.shape_cast %get3A_494 : vector<16xf32> to vector<1x16xf32>
        tpu.vector_store %arg10[%swap3A_497, %swap3A_498], %swap3A_501 {strides = array<i32>} : memref<128x64xf32, #tpu.memory_space<vmem>>, vector<1x16xf32>,
        %add3A_502 = arith.constant 5 : i32
        %add3A_503 = arith.addi %add3A_243, %add3A_502 : i32
        %get3A_504 = arith.index_cast %add3A_503 : i32 to index
        %get3A_505 = arith.constant 0 : index
        %get3A_506 = tpu.vector_load %arg8[%get3A_504, %get3A_505] {strides = array<i32>} : memref<128x128xf32, #tpu.memory_space<vmem>>, vector<1x16xf32>,
        %get3A_507 = vector.shape_cast %get3A_506 : vector<1x16xf32> to vector<16xf32>
        %add3A_508 = arith.constant 5 : i32
        %add3A_509 = arith.addi %add3A_243, %add3A_508 : i32
        %swap3A_510 = arith.index_cast %add3A_509 : i32 to index
        %swap3A_511 = arith.constant 0 : index
        %swap3A_512 = tpu.vector_load %arg10[%swap3A_510, %swap3A_511] {strides = array<i32>} : memref<128x64xf32, #tpu.memory_space<vmem>>, vector<1x16xf32>,
        %swap3A_513 = vector.shape_cast %swap3A_512 : vector<1x16xf32> to vector<16xf32>
        %swap3A_514 = vector.shape_cast %get3A_507 : vector<16xf32> to vector<1x16xf32>
        tpu.vector_store %arg10[%swap3A_510, %swap3A_511], %swap3A_514 {strides = array<i32>} : memref<128x64xf32, #tpu.memory_space<vmem>>, vector<1x16xf32>,
        %add3A_515 = arith.constant 5 : i32
        %add3A_516 = arith.addi %add3A_243, %add3A_515 : i32
        %get3A_517 = arith.index_cast %add3A_516 : i32 to index
        %get3A_518 = arith.constant 16 : index
        %get3A_519 = tpu.vector_load %arg8[%get3A_517, %get3A_518] {strides = array<i32>} : memref<128x128xf32, #tpu.memory_space<vmem>>, vector<1x16xf32>,
        %get3A_520 = vector.shape_cast %get3A_519 : vector<1x16xf32> to vector<16xf32>
        %add3A_521 = arith.constant 5 : i32
        %add3A_522 = arith.addi %add3A_243, %add3A_521 : i32
        %swap3A_523 = arith.index_cast %add3A_522 : i32 to index
        %swap3A_524 = arith.constant 16 : index
        %swap3A_525 = tpu.vector_load %arg10[%swap3A_523, %swap3A_524] {strides = array<i32>} : memref<128x64xf32, #tpu.memory_space<vmem>>, vector<1x16xf32>,
        %swap3A_526 = vector.shape_cast %swap3A_525 : vector<1x16xf32> to vector<16xf32>
        %swap3A_527 = vector.shape_cast %get3A_520 : vector<16xf32> to vector<1x16xf32>
        tpu.vector_store %arg10[%swap3A_523, %swap3A_524], %swap3A_527 {strides = array<i32>} : memref<128x64xf32, #tpu.memory_space<vmem>>, vector<1x16xf32>,
        %add3A_528 = arith.constant 5 : i32
        %add3A_529 = arith.addi %add3A_243, %add3A_528 : i32
        %get3A_530 = arith.index_cast %add3A_529 : i32 to index
        %get3A_531 = arith.constant 32 : index
        %get3A_532 = tpu.vector_load %arg8[%get3A_530, %get3A_531] {strides = array<i32>} : memref<128x128xf32, #tpu.memory_space<vmem>>, vector<1x16xf32>,
        %get3A_533 = vector.shape_cast %get3A_532 : vector<1x16xf32> to vector<16xf32>
        %add3A_534 = arith.constant 5 : i32
        %add3A_535 = arith.addi %add3A_243, %add3A_534 : i32
        %swap3A_536 = arith.index_cast %add3A_535 : i32 to index
        %swap3A_537 = arith.constant 32 : index
        %swap3A_538 = tpu.vector_load %arg10[%swap3A_536, %swap3A_537] {strides = array<i32>} : memref<128x64xf32, #tpu.memory_space<vmem>>, vector<1x16xf32>,
        %swap3A_539 = vector.shape_cast %swap3A_538 : vector<1x16xf32> to vector<16xf32>
        %swap3A_540 = vector.shape_cast %get3A_533 : vector<16xf32> to vector<1x16xf32>
        tpu.vector_store %arg10[%swap3A_536, %swap3A_537], %swap3A_540 {strides = array<i32>} : memref<128x64xf32, #tpu.memory_space<vmem>>, vector<1x16xf32>,
        %add3A_541 = arith.constant 5 : i32
        %add3A_542 = arith.addi %add3A_243, %add3A_541 : i32
        %get3A_543 = arith.index_cast %add3A_542 : i32 to index
        %get3A_544 = arith.constant 48 : index
        %get3A_545 = tpu.vector_load %arg8[%get3A_543, %get3A_544] {strides = array<i32>} : memref<128x128xf32, #tpu.memory_space<vmem>>, vector<1x16xf32>,
        %get3A_546 = vector.shape_cast %get3A_545 : vector<1x16xf32> to vector<16xf32>
        %add3A_547 = arith.constant 5 : i32
        %add3A_548 = arith.addi %add3A_243, %add3A_547 : i32
        %swap3A_549 = arith.index_cast %add3A_548 : i32 to index
        %swap3A_550 = arith.constant 48 : index
        %swap3A_551 = tpu.vector_load %arg10[%swap3A_549, %swap3A_550] {strides = array<i32>} : memref<128x64xf32, #tpu.memory_space<vmem>>, vector<1x16xf32>,
        %swap3A_552 = vector.shape_cast %swap3A_551 : vector<1x16xf32> to vector<16xf32>
        %swap3A_553 = vector.shape_cast %get3A_546 : vector<16xf32> to vector<1x16xf32>
        tpu.vector_store %arg10[%swap3A_549, %swap3A_550], %swap3A_553 {strides = array<i32>} : memref<128x64xf32, #tpu.memory_space<vmem>>, vector<1x16xf32>,
        %add3A_554 = arith.constant 6 : i32
        %add3A_555 = arith.addi %add3A_243, %add3A_554 : i32
        %get3A_556 = arith.index_cast %add3A_555 : i32 to index
        %get3A_557 = arith.constant 0 : index
        %get3A_558 = tpu.vector_load %arg8[%get3A_556, %get3A_557] {strides = array<i32>} : memref<128x128xf32, #tpu.memory_space<vmem>>, vector<1x16xf32>,
        %get3A_559 = vector.shape_cast %get3A_558 : vector<1x16xf32> to vector<16xf32>
        %add3A_560 = arith.constant 6 : i32
        %add3A_561 = arith.addi %add3A_243, %add3A_560 : i32
        %swap3A_562 = arith.index_cast %add3A_561 : i32 to index
        %swap3A_563 = arith.constant 0 : index
        %swap3A_564 = tpu.vector_load %arg10[%swap3A_562, %swap3A_563] {strides = array<i32>} : memref<128x64xf32, #tpu.memory_space<vmem>>, vector<1x16xf32>,
        %swap3A_565 = vector.shape_cast %swap3A_564 : vector<1x16xf32> to vector<16xf32>
        %swap3A_566 = vector.shape_cast %get3A_559 : vector<16xf32> to vector<1x16xf32>
        tpu.vector_store %arg10[%swap3A_562, %swap3A_563], %swap3A_566 {strides = array<i32>} : memref<128x64xf32, #tpu.memory_space<vmem>>, vector<1x16xf32>,
        %add3A_567 = arith.constant 6 : i32
        %add3A_568 = arith.addi %add3A_243, %add3A_567 : i32
        %get3A_569 = arith.index_cast %add3A_568 : i32 to index
        %get3A_570 = arith.constant 16 : index
        %get3A_571 = tpu.vector_load %arg8[%get3A_569, %get3A_570] {strides = array<i32>} : memref<128x128xf32, #tpu.memory_space<vmem>>, vector<1x16xf32>,
        %get3A_572 = vector.shape_cast %get3A_571 : vector<1x16xf32> to vector<16xf32>
        %add3A_573 = arith.constant 6 : i32
        %add3A_574 = arith.addi %add3A_243, %add3A_573 : i32
        %swap3A_575 = arith.index_cast %add3A_574 : i32 to index
        %swap3A_576 = arith.constant 16 : index
        %swap3A_577 = tpu.vector_load %arg10[%swap3A_575, %swap3A_576] {strides = array<i32>} : memref<128x64xf32, #tpu.memory_space<vmem>>, vector<1x16xf32>,
        %swap3A_578 = vector.shape_cast %swap3A_577 : vector<1x16xf32> to vector<16xf32>
        %swap3A_579 = vector.shape_cast %get3A_572 : vector<16xf32> to vector<1x16xf32>
        tpu.vector_store %arg10[%swap3A_575, %swap3A_576], %swap3A_579 {strides = array<i32>} : memref<128x64xf32, #tpu.memory_space<vmem>>, vector<1x16xf32>,
        %add3A_580 = arith.constant 6 : i32
        %add3A_581 = arith.addi %add3A_243, %add3A_580 : i32
        %get3A_582 = arith.index_cast %add3A_581 : i32 to index
        %get3A_583 = arith.constant 32 : index
        %get3A_584 = tpu.vector_load %arg8[%get3A_582, %get3A_583] {strides = array<i32>} : memref<128x128xf32, #tpu.memory_space<vmem>>, vector<1x16xf32>,
        %get3A_585 = vector.shape_cast %get3A_584 : vector<1x16xf32> to vector<16xf32>
        %add3A_586 = arith.constant 6 : i32
        %add3A_587 = arith.addi %add3A_243, %add3A_586 : i32
        %swap3A_588 = arith.index_cast %add3A_587 : i32 to index
        %swap3A_589 = arith.constant 32 : index
        %swap3A_590 = tpu.vector_load %arg10[%swap3A_588, %swap3A_589] {strides = array<i32>} : memref<128x64xf32, #tpu.memory_space<vmem>>, vector<1x16xf32>,
        %swap3A_591 = vector.shape_cast %swap3A_590 : vector<1x16xf32> to vector<16xf32>
        %swap3A_592 = vector.shape_cast %get3A_585 : vector<16xf32> to vector<1x16xf32>
        tpu.vector_store %arg10[%swap3A_588, %swap3A_589], %swap3A_592 {strides = array<i32>} : memref<128x64xf32, #tpu.memory_space<vmem>>, vector<1x16xf32>,
        %add3A_593 = arith.constant 6 : i32
        %add3A_594 = arith.addi %add3A_243, %add3A_593 : i32
        %get3A_595 = arith.index_cast %add3A_594 : i32 to index
        %get3A_596 = arith.constant 48 : index
        %get3A_597 = tpu.vector_load %arg8[%get3A_595, %get3A_596] {strides = array<i32>} : memref<128x128xf32, #tpu.memory_space<vmem>>, vector<1x16xf32>,
        %get3A_598 = vector.shape_cast %get3A_597 : vector<1x16xf32> to vector<16xf32>
        %add3A_599 = arith.constant 6 : i32
        %add3A_600 = arith.addi %add3A_243, %add3A_599 : i32
        %swap3A_601 = arith.index_cast %add3A_600 : i32 to index
        %swap3A_602 = arith.constant 48 : index
        %swap3A_603 = tpu.vector_load %arg10[%swap3A_601, %swap3A_602] {strides = array<i32>} : memref<128x64xf32, #tpu.memory_space<vmem>>, vector<1x16xf32>,
        %swap3A_604 = vector.shape_cast %swap3A_603 : vector<1x16xf32> to vector<16xf32>
        %swap3A_605 = vector.shape_cast %get3A_598 : vector<16xf32> to vector<1x16xf32>
        tpu.vector_store %arg10[%swap3A_601, %swap3A_602], %swap3A_605 {strides = array<i32>} : memref<128x64xf32, #tpu.memory_space<vmem>>, vector<1x16xf32>,
        %add3A_606 = arith.constant 7 : i32
        %add3A_607 = arith.addi %add3A_243, %add3A_606 : i32
        %get3A_608 = arith.index_cast %add3A_607 : i32 to index
        %get3A_609 = arith.constant 0 : index
        %get3A_610 = tpu.vector_load %arg8[%get3A_608, %get3A_609] {strides = array<i32>} : memref<128x128xf32, #tpu.memory_space<vmem>>, vector<1x16xf32>,
        %get3A_611 = vector.shape_cast %get3A_610 : vector<1x16xf32> to vector<16xf32>
        %add3A_612 = arith.constant 7 : i32
        %add3A_613 = arith.addi %add3A_243, %add3A_612 : i32
        %swap3A_614 = arith.index_cast %add3A_613 : i32 to index
        %swap3A_615 = arith.constant 0 : index
        %swap3A_616 = tpu.vector_load %arg10[%swap3A_614, %swap3A_615] {strides = array<i32>} : memref<128x64xf32, #tpu.memory_space<vmem>>, vector<1x16xf32>,
        %swap3A_617 = vector.shape_cast %swap3A_616 : vector<1x16xf32> to vector<16xf32>
        %swap3A_618 = vector.shape_cast %get3A_611 : vector<16xf32> to vector<1x16xf32>
        tpu.vector_store %arg10[%swap3A_614, %swap3A_615], %swap3A_618 {strides = array<i32>} : memref<128x64xf32, #tpu.memory_space<vmem>>, vector<1x16xf32>,
        %add3A_619 = arith.constant 7 : i32
        %add3A_620 = arith.addi %add3A_243, %add3A_619 : i32
        %get3A_621 = arith.index_cast %add3A_620 : i32 to index
        %get3A_622 = arith.constant 16 : index
        %get3A_623 = tpu.vector_load %arg8[%get3A_621, %get3A_622] {strides = array<i32>} : memref<128x128xf32, #tpu.memory_space<vmem>>, vector<1x16xf32>,
        %get3A_624 = vector.shape_cast %get3A_623 : vector<1x16xf32> to vector<16xf32>
        %add3A_625 = arith.constant 7 : i32
        %add3A_626 = arith.addi %add3A_243, %add3A_625 : i32
        %swap3A_627 = arith.index_cast %add3A_626 : i32 to index
        %swap3A_628 = arith.constant 16 : index
        %swap3A_629 = tpu.vector_load %arg10[%swap3A_627, %swap3A_628] {strides = array<i32>} : memref<128x64xf32, #tpu.memory_space<vmem>>, vector<1x16xf32>,
        %swap3A_630 = vector.shape_cast %swap3A_629 : vector<1x16xf32> to vector<16xf32>
        %swap3A_631 = vector.shape_cast %get3A_624 : vector<16xf32> to vector<1x16xf32>
        tpu.vector_store %arg10[%swap3A_627, %swap3A_628], %swap3A_631 {strides = array<i32>} : memref<128x64xf32, #tpu.memory_space<vmem>>, vector<1x16xf32>,
        %add3A_632 = arith.constant 7 : i32
        %add3A_633 = arith.addi %add3A_243, %add3A_632 : i32
        %get3A_634 = arith.index_cast %add3A_633 : i32 to index
        %get3A_635 = arith.constant 32 : index
        %get3A_636 = tpu.vector_load %arg8[%get3A_634, %get3A_635] {strides = array<i32>} : memref<128x128xf32, #tpu.memory_space<vmem>>, vector<1x16xf32>,
        %get3A_637 = vector.shape_cast %get3A_636 : vector<1x16xf32> to vector<16xf32>
        %add3A_638 = arith.constant 7 : i32
        %add3A_639 = arith.addi %add3A_243, %add3A_638 : i32
        %swap3A_640 = arith.index_cast %add3A_639 : i32 to index
        %swap3A_641 = arith.constant 32 : index
        %swap3A_642 = tpu.vector_load %arg10[%swap3A_640, %swap3A_641] {strides = array<i32>} : memref<128x64xf32, #tpu.memory_space<vmem>>, vector<1x16xf32>,
        %swap3A_643 = vector.shape_cast %swap3A_642 : vector<1x16xf32> to vector<16xf32>
        %swap3A_644 = vector.shape_cast %get3A_637 : vector<16xf32> to vector<1x16xf32>
        tpu.vector_store %arg10[%swap3A_640, %swap3A_641], %swap3A_644 {strides = array<i32>} : memref<128x64xf32, #tpu.memory_space<vmem>>, vector<1x16xf32>,
        %add3A_645 = arith.constant 7 : i32
        %add3A_646 = arith.addi %add3A_243, %add3A_645 : i32
        %get3A_647 = arith.index_cast %add3A_646 : i32 to index
        %get3A_648 = arith.constant 48 : index
        %get3A_649 = tpu.vector_load %arg8[%get3A_647, %get3A_648] {strides = array<i32>} : memref<128x128xf32, #tpu.memory_space<vmem>>, vector<1x16xf32>,
        %get3A_650 = vector.shape_cast %get3A_649 : vector<1x16xf32> to vector<16xf32>
        %add3A_651 = arith.constant 7 : i32
        %add3A_652 = arith.addi %add3A_243, %add3A_651 : i32
        %swap3A_653 = arith.index_cast %add3A_652 : i32 to index
        %swap3A_654 = arith.constant 48 : index
        %swap3A_655 = tpu.vector_load %arg10[%swap3A_653, %swap3A_654] {strides = array<i32>} : memref<128x64xf32, #tpu.memory_space<vmem>>, vector<1x16xf32>,
        %swap3A_656 = vector.shape_cast %swap3A_655 : vector<1x16xf32> to vector<16xf32>
        %swap3A_657 = vector.shape_cast %get3A_650 : vector<16xf32> to vector<1x16xf32>
        tpu.vector_store %arg10[%swap3A_653, %swap3A_654], %swap3A_657 {strides = array<i32>} : memref<128x64xf32, #tpu.memory_space<vmem>>, vector<1x16xf32>,
      }
      %scan3A_217 = arith.constant 16 : i32
      %sub3A_218 = arith.constant 1 : i32
      %sub3A_219 = arith.subi %add3A_149, %sub3A_218 : i32
      %mul3A_220 = arith.constant 128 : i32
      %mul3A_221 = arith.muli %sub3A_219, %mul3A_220 : i32
      %add3A_222 = arith.addi %mul3A_2, %mul3A_221 : i32
      %dma_start3A_223 = tpu.memref_reshape %arg4 : memref<4096x200x64xf32, #tpu.memory_space<hbm>> -> memref<819200x64xf32, #tpu.memory_space<hbm>>
      %dma_start3A_224 = arith.constant 0 : i32
      %dma_start3A_225 = tpu.memref_slice %dma_start3A_223[%add3A_222, %dma_start3A_224] : memref<819200x64xf32, #tpu.memory_space<hbm>> -> memref<128x64xf32, #tpu.memory_space<hbm>>
      %dma_start3A_226 = tpu.memref_reshape %arg4 : memref<4096x200x64xf32, #tpu.memory_space<hbm>> -> memref<819200x64xf32, #tpu.memory_space<hbm>>
      %dma_start3A_227 = arith.constant 0 : i32
      %dma_start3A_228 = tpu.memref_slice %dma_start3A_226[%add3A_222, %dma_start3A_227] : memref<819200x64xf32, #tpu.memory_space<hbm>> -> memref<128x64xf32, #tpu.memory_space<hbm>>
      tpu.enqueue_dma source(%arg10 : memref<128x64xf32, #tpu.memory_space<vmem>>) target(%dma_start3A_228 : memref<128x64xf32, #tpu.memory_space<hbm>>) target_semaphore(%arg14 : memref<!tpu.dma_semaphore, #tpu.memory_space<semaphore_mem>>)
      %add3A_229 = arith.constant 1 : i32
      %add3A_230 = arith.addi %add3A_149, %add3A_229 : i32
      %mul3A_231 = arith.constant 128 : i32
      %mul3A_232 = arith.muli %add3A_230, %mul3A_231 : i32
      %add3A_233 = arith.addi %mul3A_2, %mul3A_232 : i32
      %dma_wait3A_234 = tpu.memref_slice %arg3[%add3A_233] : memref<819200xi32, #tpu.memory_space<hbm>> -> memref<128xi32, #tpu.memory_space<hbm>>
      %dma_wait3A_235 = tpu.memref_slice %arg3[%add3A_233] : memref<819200xi32, #tpu.memory_space<hbm>> -> memref<128xi32, #tpu.memory_space<hbm>>
      tpu.wait_dma2 semaphore(%arg16 : memref<!tpu.dma_semaphore, #tpu.memory_space<semaphore_mem>>) src(%dma_wait3A_235 : memref<128xi32, #tpu.memory_space<hbm>>) dst(%arg6 : memref<128xi32, #tpu.memory_space<vmem>>)
      %dma_start3A_236 = arith.constant 0 : i32
      %dma_start3A_237 = arith.constant 0 : i32
      %dma_start3A_238 = tpu.memref_slice %arg2[%dma_start3A_236, %dma_start3A_237] : memref<100000x128xf32, #tpu.memory_space<hbm>> -> memref<100000x128xf32, #tpu.memory_space<hbm>>
      tpu.enqueue_indirect_dma source(%dma_start3A_238 : memref<100000x128xf32, #tpu.memory_space<hbm>>) target(%arg8 : memref<128x128xf32, #tpu.memory_space<vmem>>) offsets(%arg6 : memref<128xi32, #tpu.memory_space<vmem>>) semaphore(%arg12 : memref<!tpu.dma_semaphore, #tpu.memory_space<semaphore_mem>>)
    }
    %scan3A_80 = arith.constant 98 : i32
    %dma_wait3A_81 = arith.constant 0 : i32
    %dma_wait3A_82 = arith.constant 0 : i32
    %dma_wait3A_83 = tpu.memref_slice %arg2[%dma_wait3A_81, %dma_wait3A_82] : memref<100000x128xf32, #tpu.memory_space<hbm>> -> memref<100000x128xf32, #tpu.memory_space<hbm>>
    tpu.wait_indirect_dma semaphore(%arg11 : memref<!tpu.dma_semaphore, #tpu.memory_space<semaphore_mem>>) src(%dma_wait3A_83 : memref<100000x128xf32, #tpu.memory_space<hbm>>) dst(%arg7 : memref<128x128xf32, #tpu.memory_space<vmem>>)
    %add3A_84 = arith.constant 25088 : i32
    %add3A_85 = arith.addi %mul3A_2, %add3A_84 : i32
    %dma_wait3A_86 = tpu.memref_reshape %arg4 : memref<4096x200x64xf32, #tpu.memory_space<hbm>> -> memref<819200x64xf32, #tpu.memory_space<hbm>>
    %dma_wait3A_87 = arith.constant 0 : i32
    %dma_wait3A_88 = tpu.memref_slice %dma_wait3A_86[%add3A_85, %dma_wait3A_87] : memref<819200x64xf32, #tpu.memory_space<hbm>> -> memref<128x64xf32, #tpu.memory_space<hbm>>
    %dma_wait3A_89 = tpu.memref_reshape %arg4 : memref<4096x200x64xf32, #tpu.memory_space<hbm>> -> memref<819200x64xf32, #tpu.memory_space<hbm>>
    %dma_wait3A_90 = arith.constant 0 : i32
    %dma_wait3A_91 = tpu.memref_slice %dma_wait3A_89[%add3A_85, %dma_wait3A_90] : memref<819200x64xf32, #tpu.memory_space<hbm>> -> memref<128x64xf32, #tpu.memory_space<hbm>>
    tpu.wait_dma2 semaphore(%arg13 : memref<!tpu.dma_semaphore, #tpu.memory_space<semaphore_mem>>) src(%arg9 : memref<128x64xf32, #tpu.memory_space<vmem>>) dst(%dma_wait3A_91 : memref<128x64xf32, #tpu.memory_space<hbm>>)
    %scan3A_92 = arith.constant 0 : i32
    %scan3A_93 = arith.constant 16 : i32
    %scan3A_94 = arith.addi %scan3A_92, %scan3A_93 : i32
    %scan3A_95 = arith.constant 1 : i32
    scf.for %scan3A_145 = %scan3A_92 to %scan3A_94 step %scan3A_95  : i32 {
      %mul3A_146 = arith.constant 8 : i32
      %mul3A_147 = arith.muli %scan3A_145, %mul3A_146 : i32
      %add3A_148 = arith.constant 0 : i32
      %add3A_149 = arith.addi %add3A_148, %mul3A_147 : i32
      %add3A_150 = arith.constant 0 : i32
      %add3A_151 = arith.addi %add3A_149, %add3A_150 : i32
      %get3A = arith.index_cast %add3A_151 : i32 to index
      %get3A_152 = arith.constant 0 : index
      %get3A_153 = tpu.vector_load %arg7[%get3A, %get3A_152] {strides = array<i32>} : memref<128x128xf32, #tpu.memory_space<vmem>>, vector<1x16xf32>,
      %get3A_154 = vector.shape_cast %get3A_153 : vector<1x16xf32> to vector<16xf32>
      %add3A_155 = arith.constant 0 : i32
      %add3A_156 = arith.addi %add3A_149, %add3A_155 : i32
      %swap3A = arith.index_cast %add3A_156 : i32 to index
      %swap3A_157 = arith.constant 0 : index
      %swap3A_158 = tpu.vector_load %arg9[%swap3A, %swap3A_157] {strides = array<i32>} : memref<128x64xf32, #tpu.memory_space<vmem>>, vector<1x16xf32>,
      %swap3A_159 = vector.shape_cast %swap3A_158 : vector<1x16xf32> to vector<16xf32>
      %swap3A_160 = vector.shape_cast %get3A_154 : vector<16xf32> to vector<1x16xf32>
      tpu.vector_store %arg9[%swap3A, %swap3A_157], %swap3A_160 {strides = array<i32>} : memref<128x64xf32, #tpu.memory_space<vmem>>, vector<1x16xf32>,
      %add3A_161 = arith.constant 0 : i32
      %add3A_162 = arith.addi %add3A_149, %add3A_161 : i32
      %get3A_163 = arith.index_cast %add3A_162 : i32 to index
      %get3A_164 = arith.constant 16 : index
      %get3A_165 = tpu.vector_load %arg7[%get3A_163, %get3A_164] {strides = array<i32>} : memref<128x128xf32, #tpu.memory_space<vmem>>, vector<1x16xf32>,
      %get3A_166 = vector.shape_cast %get3A_165 : vector<1x16xf32> to vector<16xf32>
      %add3A_167 = arith.constant 0 : i32
      %add3A_168 = arith.addi %add3A_149, %add3A_167 : i32
      %swap3A_169 = arith.index_cast %add3A_168 : i32 to index
      %swap3A_170 = arith.constant 16 : index
      %swap3A_171 = tpu.vector_load %arg9[%swap3A_169, %swap3A_170] {strides = array<i32>} : memref<128x64xf32, #tpu.memory_space<vmem>>, vector<1x16xf32>,
      %swap3A_172 = vector.shape_cast %swap3A_171 : vector<1x16xf32> to vector<16xf32>
      %swap3A_173 = vector.shape_cast %get3A_166 : vector<16xf32> to vector<1x16xf32>
      tpu.vector_store %arg9[%swap3A_169, %swap3A_170], %swap3A_173 {strides = array<i32>} : memref<128x64xf32, #tpu.memory_space<vmem>>, vector<1x16xf32>,
      %add3A_174 = arith.constant 0 : i32
      %add3A_175 = arith.addi %add3A_149, %add3A_174 : i32
      %get3A_176 = arith.index_cast %add3A_175 : i32 to index
      %get3A_177 = arith.constant 32 : index
      %get3A_178 = tpu.vector_load %arg7[%get3A_176, %get3A_177] {strides = array<i32>} : memref<128x128xf32, #tpu.memory_space<vmem>>, vector<1x16xf32>,
      %get3A_179 = vector.shape_cast %get3A_178 : vector<1x16xf32> to vector<16xf32>
      %add3A_180 = arith.constant 0 : i32
      %add3A_181 = arith.addi %add3A_149, %add3A_180 : i32
      %swap3A_182 = arith.index_cast %add3A_181 : i32 to index
      %swap3A_183 = arith.constant 32 : index
      %swap3A_184 = tpu.vector_load %arg9[%swap3A_182, %swap3A_183] {strides = array<i32>} : memref<128x64xf32, #tpu.memory_space<vmem>>, vector<1x16xf32>,
      %swap3A_185 = vector.shape_cast %swap3A_184 : vector<1x16xf32> to vector<16xf32>
      %swap3A_186 = vector.shape_cast %get3A_179 : vector<16xf32> to vector<1x16xf32>
      tpu.vector_store %arg9[%swap3A_182, %swap3A_183], %swap3A_186 {strides = array<i32>} : memref<128x64xf32, #tpu.memory_space<vmem>>, vector<1x16xf32>,
      %add3A_187 = arith.constant 0 : i32
      %add3A_188 = arith.addi %add3A_149, %add3A_187 : i32
      %get3A_189 = arith.index_cast %add3A_188 : i32 to index
      %get3A_190 = arith.constant 48 : index
      %get3A_191 = tpu.vector_load %arg7[%get3A_189, %get3A_190] {strides = array<i32>} : memref<128x128xf32, #tpu.memory_space<vmem>>, vector<1x16xf32>,
      %get3A_192 = vector.shape_cast %get3A_191 : vector<1x16xf32> to vector<16xf32>
      %add3A_193 = arith.constant 0 : i32
      %add3A_194 = arith.addi %add3A_149, %add3A_193 : i32
      %swap3A_195 = arith.index_cast %add3A_194 : i32 to index
      %swap3A_196 = arith.constant 48 : index
      %swap3A_197 = tpu.vector_load %arg9[%swap3A_195, %swap3A_196] {strides = array<i32>} : memref<128x64xf32, #tpu.memory_space<vmem>>, vector<1x16xf32>,
      %swap3A_198 = vector.shape_cast %swap3A_197 : vector<1x16xf32> to vector<16xf32>
      %swap3A_199 = vector.shape_cast %get3A_192 : vector<16xf32> to vector<1x16xf32>
      tpu.vector_store %arg9[%swap3A_195, %swap3A_196], %swap3A_199 {strides = array<i32>} : memref<128x64xf32, #tpu.memory_space<vmem>>, vector<1x16xf32>,
      %add3A_200 = arith.constant 1 : i32
      %add3A_201 = arith.addi %add3A_149, %add3A_200 : i32
      %get3A_202 = arith.index_cast %add3A_201 : i32 to index
      %get3A_203 = arith.constant 0 : index
      %get3A_204 = tpu.vector_load %arg7[%get3A_202, %get3A_203] {strides = array<i32>} : memref<128x128xf32, #tpu.memory_space<vmem>>, vector<1x16xf32>,
      %get3A_205 = vector.shape_cast %get3A_204 : vector<1x16xf32> to vector<16xf32>
      %add3A_206 = arith.constant 1 : i32
      %add3A_207 = arith.addi %add3A_149, %add3A_206 : i32
      %swap3A_208 = arith.index_cast %add3A_207 : i32 to index
      %swap3A_209 = arith.constant 0 : index
      %swap3A_210 = tpu.vector_load %arg9[%swap3A_208, %swap3A_209] {strides = array<i32>} : memref<128x64xf32, #tpu.memory_space<vmem>>, vector<1x16xf32>,
      %swap3A_211 = vector.shape_cast %swap3A_210 : vector<1x16xf32> to vector<16xf32>
      %swap3A_212 = vector.shape_cast %get3A_205 : vector<16xf32> to vector<1x16xf32>
      tpu.vector_store %arg9[%swap3A_208, %swap3A_209], %swap3A_212 {strides = array<i32>} : memref<128x64xf32, #tpu.memory_space<vmem>>, vector<1x16xf32>,
      %add3A_213 = arith.constant 1 : i32
      %add3A_214 = arith.addi %add3A_149, %add3A_213 : i32
      %get3A_215 = arith.index_cast %add3A_214 : i32 to index
      %get3A_216 = arith.constant 16 : index
      %get3A_217 = tpu.vector_load %arg7[%get3A_215, %get3A_216] {strides = array<i32>} : memref<128x128xf32, #tpu.memory_space<vmem>>, vector<1x16xf32>,
      %get3A_218 = vector.shape_cast %get3A_217 : vector<1x16xf32> to vector<16xf32>
      %add3A_219 = arith.constant 1 : i32
      %add3A_220 = arith.addi %add3A_149, %add3A_219 : i32
      %swap3A_221 = arith.index_cast %add3A_220 : i32 to index
      %swap3A_222 = arith.constant 16 : index
      %swap3A_223 = tpu.vector_load %arg9[%swap3A_221, %swap3A_222] {strides = array<i32>} : memref<128x64xf32, #tpu.memory_space<vmem>>, vector<1x16xf32>,
      %swap3A_224 = vector.shape_cast %swap3A_223 : vector<1x16xf32> to vector<16xf32>
      %swap3A_225 = vector.shape_cast %get3A_218 : vector<16xf32> to vector<1x16xf32>
      tpu.vector_store %arg9[%swap3A_221, %swap3A_222], %swap3A_225 {strides = array<i32>} : memref<128x64xf32, #tpu.memory_space<vmem>>, vector<1x16xf32>,
      %add3A_226 = arith.constant 1 : i32
      %add3A_227 = arith.addi %add3A_149, %add3A_226 : i32
      %get3A_228 = arith.index_cast %add3A_227 : i32 to index
      %get3A_229 = arith.constant 32 : index
      %get3A_230 = tpu.vector_load %arg7[%get3A_228, %get3A_229] {strides = array<i32>} : memref<128x128xf32, #tpu.memory_space<vmem>>, vector<1x16xf32>,
      %get3A_231 = vector.shape_cast %get3A_230 : vector<1x16xf32> to vector<16xf32>
      %add3A_232 = arith.constant 1 : i32
      %add3A_233 = arith.addi %add3A_149, %add3A_232 : i32
      %swap3A_234 = arith.index_cast %add3A_233 : i32 to index
      %swap3A_235 = arith.constant 32 : index
      %swap3A_236 = tpu.vector_load %arg9[%swap3A_234, %swap3A_235] {strides = array<i32>} : memref<128x64xf32, #tpu.memory_space<vmem>>, vector<1x16xf32>,
      %swap3A_237 = vector.shape_cast %swap3A_236 : vector<1x16xf32> to vector<16xf32>
      %swap3A_238 = vector.shape_cast %get3A_231 : vector<16xf32> to vector<1x16xf32>
      tpu.vector_store %arg9[%swap3A_234, %swap3A_235], %swap3A_238 {strides = array<i32>} : memref<128x64xf32, #tpu.memory_space<vmem>>, vector<1x16xf32>,
      %add3A_239 = arith.constant 1 : i32
      %add3A_240 = arith.addi %add3A_149, %add3A_239 : i32
      %get3A_241 = arith.index_cast %add3A_240 : i32 to index
      %get3A_242 = arith.constant 48 : index
      %get3A_243 = tpu.vector_load %arg7[%get3A_241, %get3A_242] {strides = array<i32>} : memref<128x128xf32, #tpu.memory_space<vmem>>, vector<1x16xf32>,
      %get3A_244 = vector.shape_cast %get3A_243 : vector<1x16xf32> to vector<16xf32>
      %add3A_245 = arith.constant 1 : i32
      %add3A_246 = arith.addi %add3A_149, %add3A_245 : i32
      %swap3A_247 = arith.index_cast %add3A_246 : i32 to index
      %swap3A_248 = arith.constant 48 : index
      %swap3A_249 = tpu.vector_load %arg9[%swap3A_247, %swap3A_248] {strides = array<i32>} : memref<128x64xf32, #tpu.memory_space<vmem>>, vector<1x16xf32>,
      %swap3A_250 = vector.shape_cast %swap3A_249 : vector<1x16xf32> to vector<16xf32>
      %swap3A_251 = vector.shape_cast %get3A_244 : vector<16xf32> to vector<1x16xf32>
      tpu.vector_store %arg9[%swap3A_247, %swap3A_248], %swap3A_251 {strides = array<i32>} : memref<128x64xf32, #tpu.memory_space<vmem>>, vector<1x16xf32>,
      %add3A_252 = arith.constant 2 : i32
      %add3A_253 = arith.addi %add3A_149, %add3A_252 : i32
      %get3A_254 = arith.index_cast %add3A_253 : i32 to index
      %get3A_255 = arith.constant 0 : index
      %get3A_256 = tpu.vector_load %arg7[%get3A_254, %get3A_255] {strides = array<i32>} : memref<128x128xf32, #tpu.memory_space<vmem>>, vector<1x16xf32>,
      %get3A_257 = vector.shape_cast %get3A_256 : vector<1x16xf32> to vector<16xf32>
      %add3A_258 = arith.constant 2 : i32
      %add3A_259 = arith.addi %add3A_149, %add3A_258 : i32
      %swap3A_260 = arith.index_cast %add3A_259 : i32 to index
      %swap3A_261 = arith.constant 0 : index
      %swap3A_262 = tpu.vector_load %arg9[%swap3A_260, %swap3A_261] {strides = array<i32>} : memref<128x64xf32, #tpu.memory_space<vmem>>, vector<1x16xf32>,
      %swap3A_263 = vector.shape_cast %swap3A_262 : vector<1x16xf32> to vector<16xf32>
      %swap3A_264 = vector.shape_cast %get3A_257 : vector<16xf32> to vector<1x16xf32>
      tpu.vector_store %arg9[%swap3A_260, %swap3A_261], %swap3A_264 {strides = array<i32>} : memref<128x64xf32, #tpu.memory_space<vmem>>, vector<1x16xf32>,
      %add3A_265 = arith.constant 2 : i32
      %add3A_266 = arith.addi %add3A_149, %add3A_265 : i32
      %get3A_267 = arith.index_cast %add3A_266 : i32 to index
      %get3A_268 = arith.constant 16 : index
      %get3A_269 = tpu.vector_load %arg7[%get3A_267, %get3A_268] {strides = array<i32>} : memref<128x128xf32, #tpu.memory_space<vmem>>, vector<1x16xf32>,
      %get3A_270 = vector.shape_cast %get3A_269 : vector<1x16xf32> to vector<16xf32>
      %add3A_271 = arith.constant 2 : i32
      %add3A_272 = arith.addi %add3A_149, %add3A_271 : i32
      %swap3A_273 = arith.index_cast %add3A_272 : i32 to index
      %swap3A_274 = arith.constant 16 : index
      %swap3A_275 = tpu.vector_load %arg9[%swap3A_273, %swap3A_274] {strides = array<i32>} : memref<128x64xf32, #tpu.memory_space<vmem>>, vector<1x16xf32>,
      %swap3A_276 = vector.shape_cast %swap3A_275 : vector<1x16xf32> to vector<16xf32>
      %swap3A_277 = vector.shape_cast %get3A_270 : vector<16xf32> to vector<1x16xf32>
      tpu.vector_store %arg9[%swap3A_273, %swap3A_274], %swap3A_277 {strides = array<i32>} : memref<128x64xf32, #tpu.memory_space<vmem>>, vector<1x16xf32>,
      %add3A_278 = arith.constant 2 : i32
      %add3A_279 = arith.addi %add3A_149, %add3A_278 : i32
      %get3A_280 = arith.index_cast %add3A_279 : i32 to index
      %get3A_281 = arith.constant 32 : index
      %get3A_282 = tpu.vector_load %arg7[%get3A_280, %get3A_281] {strides = array<i32>} : memref<128x128xf32, #tpu.memory_space<vmem>>, vector<1x16xf32>,
      %get3A_283 = vector.shape_cast %get3A_282 : vector<1x16xf32> to vector<16xf32>
      %add3A_284 = arith.constant 2 : i32
      %add3A_285 = arith.addi %add3A_149, %add3A_284 : i32
      %swap3A_286 = arith.index_cast %add3A_285 : i32 to index
      %swap3A_287 = arith.constant 32 : index
      %swap3A_288 = tpu.vector_load %arg9[%swap3A_286, %swap3A_287] {strides = array<i32>} : memref<128x64xf32, #tpu.memory_space<vmem>>, vector<1x16xf32>,
      %swap3A_289 = vector.shape_cast %swap3A_288 : vector<1x16xf32> to vector<16xf32>
      %swap3A_290 = vector.shape_cast %get3A_283 : vector<16xf32> to vector<1x16xf32>
      tpu.vector_store %arg9[%swap3A_286, %swap3A_287], %swap3A_290 {strides = array<i32>} : memref<128x64xf32, #tpu.memory_space<vmem>>, vector<1x16xf32>,
      %add3A_291 = arith.constant 2 : i32
      %add3A_292 = arith.addi %add3A_149, %add3A_291 : i32
      %get3A_293 = arith.index_cast %add3A_292 : i32 to index
      %get3A_294 = arith.constant 48 : index
      %get3A_295 = tpu.vector_load %arg7[%get3A_293, %get3A_294] {strides = array<i32>} : memref<128x128xf32, #tpu.memory_space<vmem>>, vector<1x16xf32>,
      %get3A_296 = vector.shape_cast %get3A_295 : vector<1x16xf32> to vector<16xf32>
      %add3A_297 = arith.constant 2 : i32
      %add3A_298 = arith.addi %add3A_149, %add3A_297 : i32
      %swap3A_299 = arith.index_cast %add3A_298 : i32 to index
      %swap3A_300 = arith.constant 48 : index
      %swap3A_301 = tpu.vector_load %arg9[%swap3A_299, %swap3A_300] {strides = array<i32>} : memref<128x64xf32, #tpu.memory_space<vmem>>, vector<1x16xf32>,
      %swap3A_302 = vector.shape_cast %swap3A_301 : vector<1x16xf32> to vector<16xf32>
      %swap3A_303 = vector.shape_cast %get3A_296 : vector<16xf32> to vector<1x16xf32>
      tpu.vector_store %arg9[%swap3A_299, %swap3A_300], %swap3A_303 {strides = array<i32>} : memref<128x64xf32, #tpu.memory_space<vmem>>, vector<1x16xf32>,
      %add3A_304 = arith.constant 3 : i32
      %add3A_305 = arith.addi %add3A_149, %add3A_304 : i32
      %get3A_306 = arith.index_cast %add3A_305 : i32 to index
      %get3A_307 = arith.constant 0 : index
      %get3A_308 = tpu.vector_load %arg7[%get3A_306, %get3A_307] {strides = array<i32>} : memref<128x128xf32, #tpu.memory_space<vmem>>, vector<1x16xf32>,
      %get3A_309 = vector.shape_cast %get3A_308 : vector<1x16xf32> to vector<16xf32>
      %add3A_310 = arith.constant 3 : i32
      %add3A_311 = arith.addi %add3A_149, %add3A_310 : i32
      %swap3A_312 = arith.index_cast %add3A_311 : i32 to index
      %swap3A_313 = arith.constant 0 : index
      %swap3A_314 = tpu.vector_load %arg9[%swap3A_312, %swap3A_313] {strides = array<i32>} : memref<128x64xf32, #tpu.memory_space<vmem>>, vector<1x16xf32>,
      %swap3A_315 = vector.shape_cast %swap3A_314 : vector<1x16xf32> to vector<16xf32>
      %swap3A_316 = vector.shape_cast %get3A_309 : vector<16xf32> to vector<1x16xf32>
      tpu.vector_store %arg9[%swap3A_312, %swap3A_313], %swap3A_316 {strides = array<i32>} : memref<128x64xf32, #tpu.memory_space<vmem>>, vector<1x16xf32>,
      %add3A_317 = arith.constant 3 : i32
      %add3A_318 = arith.addi %add3A_149, %add3A_317 : i32
      %get3A_319 = arith.index_cast %add3A_318 : i32 to index
      %get3A_320 = arith.constant 16 : index
      %get3A_321 = tpu.vector_load %arg7[%get3A_319, %get3A_320] {strides = array<i32>} : memref<128x128xf32, #tpu.memory_space<vmem>>, vector<1x16xf32>,
      %get3A_322 = vector.shape_cast %get3A_321 : vector<1x16xf32> to vector<16xf32>
      %add3A_323 = arith.constant 3 : i32
      %add3A_324 = arith.addi %add3A_149, %add3A_323 : i32
      %swap3A_325 = arith.index_cast %add3A_324 : i32 to index
      %swap3A_326 = arith.constant 16 : index
      %swap3A_327 = tpu.vector_load %arg9[%swap3A_325, %swap3A_326] {strides = array<i32>} : memref<128x64xf32, #tpu.memory_space<vmem>>, vector<1x16xf32>,
      %swap3A_328 = vector.shape_cast %swap3A_327 : vector<1x16xf32> to vector<16xf32>
      %swap3A_329 = vector.shape_cast %get3A_322 : vector<16xf32> to vector<1x16xf32>
      tpu.vector_store %arg9[%swap3A_325, %swap3A_326], %swap3A_329 {strides = array<i32>} : memref<128x64xf32, #tpu.memory_space<vmem>>, vector<1x16xf32>,
      %add3A_330 = arith.constant 3 : i32
      %add3A_331 = arith.addi %add3A_149, %add3A_330 : i32
      %get3A_332 = arith.index_cast %add3A_331 : i32 to index
      %get3A_333 = arith.constant 32 : index
      %get3A_334 = tpu.vector_load %arg7[%get3A_332, %get3A_333] {strides = array<i32>} : memref<128x128xf32, #tpu.memory_space<vmem>>, vector<1x16xf32>,
      %get3A_335 = vector.shape_cast %get3A_334 : vector<1x16xf32> to vector<16xf32>
      %add3A_336 = arith.constant 3 : i32
      %add3A_337 = arith.addi %add3A_149, %add3A_336 : i32
      %swap3A_338 = arith.index_cast %add3A_337 : i32 to index
      %swap3A_339 = arith.constant 32 : index
      %swap3A_340 = tpu.vector_load %arg9[%swap3A_338, %swap3A_339] {strides = array<i32>} : memref<128x64xf32, #tpu.memory_space<vmem>>, vector<1x16xf32>,
      %swap3A_341 = vector.shape_cast %swap3A_340 : vector<1x16xf32> to vector<16xf32>
      %swap3A_342 = vector.shape_cast %get3A_335 : vector<16xf32> to vector<1x16xf32>
      tpu.vector_store %arg9[%swap3A_338, %swap3A_339], %swap3A_342 {strides = array<i32>} : memref<128x64xf32, #tpu.memory_space<vmem>>, vector<1x16xf32>,
      %add3A_343 = arith.constant 3 : i32
      %add3A_344 = arith.addi %add3A_149, %add3A_343 : i32
      %get3A_345 = arith.index_cast %add3A_344 : i32 to index
      %get3A_346 = arith.constant 48 : index
      %get3A_347 = tpu.vector_load %arg7[%get3A_345, %get3A_346] {strides = array<i32>} : memref<128x128xf32, #tpu.memory_space<vmem>>, vector<1x16xf32>,
      %get3A_348 = vector.shape_cast %get3A_347 : vector<1x16xf32> to vector<16xf32>
      %add3A_349 = arith.constant 3 : i32
      %add3A_350 = arith.addi %add3A_149, %add3A_349 : i32
      %swap3A_351 = arith.index_cast %add3A_350 : i32 to index
      %swap3A_352 = arith.constant 48 : index
      %swap3A_353 = tpu.vector_load %arg9[%swap3A_351, %swap3A_352] {strides = array<i32>} : memref<128x64xf32, #tpu.memory_space<vmem>>, vector<1x16xf32>,
      %swap3A_354 = vector.shape_cast %swap3A_353 : vector<1x16xf32> to vector<16xf32>
      %swap3A_355 = vector.shape_cast %get3A_348 : vector<16xf32> to vector<1x16xf32>
      tpu.vector_store %arg9[%swap3A_351, %swap3A_352], %swap3A_355 {strides = array<i32>} : memref<128x64xf32, #tpu.memory_space<vmem>>, vector<1x16xf32>,
      %add3A_356 = arith.constant 4 : i32
      %add3A_357 = arith.addi %add3A_149, %add3A_356 : i32
      %get3A_358 = arith.index_cast %add3A_357 : i32 to index
      %get3A_359 = arith.constant 0 : index
      %get3A_360 = tpu.vector_load %arg7[%get3A_358, %get3A_359] {strides = array<i32>} : memref<128x128xf32, #tpu.memory_space<vmem>>, vector<1x16xf32>,
      %get3A_361 = vector.shape_cast %get3A_360 : vector<1x16xf32> to vector<16xf32>
      %add3A_362 = arith.constant 4 : i32
      %add3A_363 = arith.addi %add3A_149, %add3A_362 : i32
      %swap3A_364 = arith.index_cast %add3A_363 : i32 to index
      %swap3A_365 = arith.constant 0 : index
      %swap3A_366 = tpu.vector_load %arg9[%swap3A_364, %swap3A_365] {strides = array<i32>} : memref<128x64xf32, #tpu.memory_space<vmem>>, vector<1x16xf32>,
      %swap3A_367 = vector.shape_cast %swap3A_366 : vector<1x16xf32> to vector<16xf32>
      %swap3A_368 = vector.shape_cast %get3A_361 : vector<16xf32> to vector<1x16xf32>
      tpu.vector_store %arg9[%swap3A_364, %swap3A_365], %swap3A_368 {strides = array<i32>} : memref<128x64xf32, #tpu.memory_space<vmem>>, vector<1x16xf32>,
      %add3A_369 = arith.constant 4 : i32
      %add3A_370 = arith.addi %add3A_149, %add3A_369 : i32
      %get3A_371 = arith.index_cast %add3A_370 : i32 to index
      %get3A_372 = arith.constant 16 : index
      %get3A_373 = tpu.vector_load %arg7[%get3A_371, %get3A_372] {strides = array<i32>} : memref<128x128xf32, #tpu.memory_space<vmem>>, vector<1x16xf32>,
      %get3A_374 = vector.shape_cast %get3A_373 : vector<1x16xf32> to vector<16xf32>
      %add3A_375 = arith.constant 4 : i32
      %add3A_376 = arith.addi %add3A_149, %add3A_375 : i32
      %swap3A_377 = arith.index_cast %add3A_376 : i32 to index
      %swap3A_378 = arith.constant 16 : index
      %swap3A_379 = tpu.vector_load %arg9[%swap3A_377, %swap3A_378] {strides = array<i32>} : memref<128x64xf32, #tpu.memory_space<vmem>>, vector<1x16xf32>,
      %swap3A_380 = vector.shape_cast %swap3A_379 : vector<1x16xf32> to vector<16xf32>
      %swap3A_381 = vector.shape_cast %get3A_374 : vector<16xf32> to vector<1x16xf32>
      tpu.vector_store %arg9[%swap3A_377, %swap3A_378], %swap3A_381 {strides = array<i32>} : memref<128x64xf32, #tpu.memory_space<vmem>>, vector<1x16xf32>,
      %add3A_382 = arith.constant 4 : i32
      %add3A_383 = arith.addi %add3A_149, %add3A_382 : i32
      %get3A_384 = arith.index_cast %add3A_383 : i32 to index
      %get3A_385 = arith.constant 32 : index
      %get3A_386 = tpu.vector_load %arg7[%get3A_384, %get3A_385] {strides = array<i32>} : memref<128x128xf32, #tpu.memory_space<vmem>>, vector<1x16xf32>,
      %get3A_387 = vector.shape_cast %get3A_386 : vector<1x16xf32> to vector<16xf32>
      %add3A_388 = arith.constant 4 : i32
      %add3A_389 = arith.addi %add3A_149, %add3A_388 : i32
      %swap3A_390 = arith.index_cast %add3A_389 : i32 to index
      %swap3A_391 = arith.constant 32 : index
      %swap3A_392 = tpu.vector_load %arg9[%swap3A_390, %swap3A_391] {strides = array<i32>} : memref<128x64xf32, #tpu.memory_space<vmem>>, vector<1x16xf32>,
      %swap3A_393 = vector.shape_cast %swap3A_392 : vector<1x16xf32> to vector<16xf32>
      %swap3A_394 = vector.shape_cast %get3A_387 : vector<16xf32> to vector<1x16xf32>
      tpu.vector_store %arg9[%swap3A_390, %swap3A_391], %swap3A_394 {strides = array<i32>} : memref<128x64xf32, #tpu.memory_space<vmem>>, vector<1x16xf32>,
      %add3A_395 = arith.constant 4 : i32
      %add3A_396 = arith.addi %add3A_149, %add3A_395 : i32
      %get3A_397 = arith.index_cast %add3A_396 : i32 to index
      %get3A_398 = arith.constant 48 : index
      %get3A_399 = tpu.vector_load %arg7[%get3A_397, %get3A_398] {strides = array<i32>} : memref<128x128xf32, #tpu.memory_space<vmem>>, vector<1x16xf32>,
      %get3A_400 = vector.shape_cast %get3A_399 : vector<1x16xf32> to vector<16xf32>
      %add3A_401 = arith.constant 4 : i32
      %add3A_402 = arith.addi %add3A_149, %add3A_401 : i32
      %swap3A_403 = arith.index_cast %add3A_402 : i32 to index
      %swap3A_404 = arith.constant 48 : index
      %swap3A_405 = tpu.vector_load %arg9[%swap3A_403, %swap3A_404] {strides = array<i32>} : memref<128x64xf32, #tpu.memory_space<vmem>>, vector<1x16xf32>,
      %swap3A_406 = vector.shape_cast %swap3A_405 : vector<1x16xf32> to vector<16xf32>
      %swap3A_407 = vector.shape_cast %get3A_400 : vector<16xf32> to vector<1x16xf32>
      tpu.vector_store %arg9[%swap3A_403, %swap3A_404], %swap3A_407 {strides = array<i32>} : memref<128x64xf32, #tpu.memory_space<vmem>>, vector<1x16xf32>,
      %add3A_408 = arith.constant 5 : i32
      %add3A_409 = arith.addi %add3A_149, %add3A_408 : i32
      %get3A_410 = arith.index_cast %add3A_409 : i32 to index
      %get3A_411 = arith.constant 0 : index
      %get3A_412 = tpu.vector_load %arg7[%get3A_410, %get3A_411] {strides = array<i32>} : memref<128x128xf32, #tpu.memory_space<vmem>>, vector<1x16xf32>,
      %get3A_413 = vector.shape_cast %get3A_412 : vector<1x16xf32> to vector<16xf32>
      %add3A_414 = arith.constant 5 : i32
      %add3A_415 = arith.addi %add3A_149, %add3A_414 : i32
      %swap3A_416 = arith.index_cast %add3A_415 : i32 to index
      %swap3A_417 = arith.constant 0 : index
      %swap3A_418 = tpu.vector_load %arg9[%swap3A_416, %swap3A_417] {strides = array<i32>} : memref<128x64xf32, #tpu.memory_space<vmem>>, vector<1x16xf32>,
      %swap3A_419 = vector.shape_cast %swap3A_418 : vector<1x16xf32> to vector<16xf32>
      %swap3A_420 = vector.shape_cast %get3A_413 : vector<16xf32> to vector<1x16xf32>
      tpu.vector_store %arg9[%swap3A_416, %swap3A_417], %swap3A_420 {strides = array<i32>} : memref<128x64xf32, #tpu.memory_space<vmem>>, vector<1x16xf32>,
      %add3A_421 = arith.constant 5 : i32
      %add3A_422 = arith.addi %add3A_149, %add3A_421 : i32
      %get3A_423 = arith.index_cast %add3A_422 : i32 to index
      %get3A_424 = arith.constant 16 : index
      %get3A_425 = tpu.vector_load %arg7[%get3A_423, %get3A_424] {strides = array<i32>} : memref<128x128xf32, #tpu.memory_space<vmem>>, vector<1x16xf32>,
      %get3A_426 = vector.shape_cast %get3A_425 : vector<1x16xf32> to vector<16xf32>
      %add3A_427 = arith.constant 5 : i32
      %add3A_428 = arith.addi %add3A_149, %add3A_427 : i32
      %swap3A_429 = arith.index_cast %add3A_428 : i32 to index
      %swap3A_430 = arith.constant 16 : index
      %swap3A_431 = tpu.vector_load %arg9[%swap3A_429, %swap3A_430] {strides = array<i32>} : memref<128x64xf32, #tpu.memory_space<vmem>>, vector<1x16xf32>,
      %swap3A_432 = vector.shape_cast %swap3A_431 : vector<1x16xf32> to vector<16xf32>
      %swap3A_433 = vector.shape_cast %get3A_426 : vector<16xf32> to vector<1x16xf32>
      tpu.vector_store %arg9[%swap3A_429, %swap3A_430], %swap3A_433 {strides = array<i32>} : memref<128x64xf32, #tpu.memory_space<vmem>>, vector<1x16xf32>,
      %add3A_434 = arith.constant 5 : i32
      %add3A_435 = arith.addi %add3A_149, %add3A_434 : i32
      %get3A_436 = arith.index_cast %add3A_435 : i32 to index
      %get3A_437 = arith.constant 32 : index
      %get3A_438 = tpu.vector_load %arg7[%get3A_436, %get3A_437] {strides = array<i32>} : memref<128x128xf32, #tpu.memory_space<vmem>>, vector<1x16xf32>,
      %get3A_439 = vector.shape_cast %get3A_438 : vector<1x16xf32> to vector<16xf32>
      %add3A_440 = arith.constant 5 : i32
      %add3A_441 = arith.addi %add3A_149, %add3A_440 : i32
      %swap3A_442 = arith.index_cast %add3A_441 : i32 to index
      %swap3A_443 = arith.constant 32 : index
      %swap3A_444 = tpu.vector_load %arg9[%swap3A_442, %swap3A_443] {strides = array<i32>} : memref<128x64xf32, #tpu.memory_space<vmem>>, vector<1x16xf32>,
      %swap3A_445 = vector.shape_cast %swap3A_444 : vector<1x16xf32> to vector<16xf32>
      %swap3A_446 = vector.shape_cast %get3A_439 : vector<16xf32> to vector<1x16xf32>
      tpu.vector_store %arg9[%swap3A_442, %swap3A_443], %swap3A_446 {strides = array<i32>} : memref<128x64xf32, #tpu.memory_space<vmem>>, vector<1x16xf32>,
      %add3A_447 = arith.constant 5 : i32
      %add3A_448 = arith.addi %add3A_149, %add3A_447 : i32
      %get3A_449 = arith.index_cast %add3A_448 : i32 to index
      %get3A_450 = arith.constant 48 : index
      %get3A_451 = tpu.vector_load %arg7[%get3A_449, %get3A_450] {strides = array<i32>} : memref<128x128xf32, #tpu.memory_space<vmem>>, vector<1x16xf32>,
      %get3A_452 = vector.shape_cast %get3A_451 : vector<1x16xf32> to vector<16xf32>
      %add3A_453 = arith.constant 5 : i32
      %add3A_454 = arith.addi %add3A_149, %add3A_453 : i32
      %swap3A_455 = arith.index_cast %add3A_454 : i32 to index
      %swap3A_456 = arith.constant 48 : index
      %swap3A_457 = tpu.vector_load %arg9[%swap3A_455, %swap3A_456] {strides = array<i32>} : memref<128x64xf32, #tpu.memory_space<vmem>>, vector<1x16xf32>,
      %swap3A_458 = vector.shape_cast %swap3A_457 : vector<1x16xf32> to vector<16xf32>
      %swap3A_459 = vector.shape_cast %get3A_452 : vector<16xf32> to vector<1x16xf32>
      tpu.vector_store %arg9[%swap3A_455, %swap3A_456], %swap3A_459 {strides = array<i32>} : memref<128x64xf32, #tpu.memory_space<vmem>>, vector<1x16xf32>,
      %add3A_460 = arith.constant 6 : i32
      %add3A_461 = arith.addi %add3A_149, %add3A_460 : i32
      %get3A_462 = arith.index_cast %add3A_461 : i32 to index
      %get3A_463 = arith.constant 0 : index
      %get3A_464 = tpu.vector_load %arg7[%get3A_462, %get3A_463] {strides = array<i32>} : memref<128x128xf32, #tpu.memory_space<vmem>>, vector<1x16xf32>,
      %get3A_465 = vector.shape_cast %get3A_464 : vector<1x16xf32> to vector<16xf32>
      %add3A_466 = arith.constant 6 : i32
      %add3A_467 = arith.addi %add3A_149, %add3A_466 : i32
      %swap3A_468 = arith.index_cast %add3A_467 : i32 to index
      %swap3A_469 = arith.constant 0 : index
      %swap3A_470 = tpu.vector_load %arg9[%swap3A_468, %swap3A_469] {strides = array<i32>} : memref<128x64xf32, #tpu.memory_space<vmem>>, vector<1x16xf32>,
      %swap3A_471 = vector.shape_cast %swap3A_470 : vector<1x16xf32> to vector<16xf32>
      %swap3A_472 = vector.shape_cast %get3A_465 : vector<16xf32> to vector<1x16xf32>
      tpu.vector_store %arg9[%swap3A_468, %swap3A_469], %swap3A_472 {strides = array<i32>} : memref<128x64xf32, #tpu.memory_space<vmem>>, vector<1x16xf32>,
      %add3A_473 = arith.constant 6 : i32
      %add3A_474 = arith.addi %add3A_149, %add3A_473 : i32
      %get3A_475 = arith.index_cast %add3A_474 : i32 to index
      %get3A_476 = arith.constant 16 : index
      %get3A_477 = tpu.vector_load %arg7[%get3A_475, %get3A_476] {strides = array<i32>} : memref<128x128xf32, #tpu.memory_space<vmem>>, vector<1x16xf32>,
      %get3A_478 = vector.shape_cast %get3A_477 : vector<1x16xf32> to vector<16xf32>
      %add3A_479 = arith.constant 6 : i32
      %add3A_480 = arith.addi %add3A_149, %add3A_479 : i32
      %swap3A_481 = arith.index_cast %add3A_480 : i32 to index
      %swap3A_482 = arith.constant 16 : index
      %swap3A_483 = tpu.vector_load %arg9[%swap3A_481, %swap3A_482] {strides = array<i32>} : memref<128x64xf32, #tpu.memory_space<vmem>>, vector<1x16xf32>,
      %swap3A_484 = vector.shape_cast %swap3A_483 : vector<1x16xf32> to vector<16xf32>
      %swap3A_485 = vector.shape_cast %get3A_478 : vector<16xf32> to vector<1x16xf32>
      tpu.vector_store %arg9[%swap3A_481, %swap3A_482], %swap3A_485 {strides = array<i32>} : memref<128x64xf32, #tpu.memory_space<vmem>>, vector<1x16xf32>,
      %add3A_486 = arith.constant 6 : i32
      %add3A_487 = arith.addi %add3A_149, %add3A_486 : i32
      %get3A_488 = arith.index_cast %add3A_487 : i32 to index
      %get3A_489 = arith.constant 32 : index
      %get3A_490 = tpu.vector_load %arg7[%get3A_488, %get3A_489] {strides = array<i32>} : memref<128x128xf32, #tpu.memory_space<vmem>>, vector<1x16xf32>,
      %get3A_491 = vector.shape_cast %get3A_490 : vector<1x16xf32> to vector<16xf32>
      %add3A_492 = arith.constant 6 : i32
      %add3A_493 = arith.addi %add3A_149, %add3A_492 : i32
      %swap3A_494 = arith.index_cast %add3A_493 : i32 to index
      %swap3A_495 = arith.constant 32 : index
      %swap3A_496 = tpu.vector_load %arg9[%swap3A_494, %swap3A_495] {strides = array<i32>} : memref<128x64xf32, #tpu.memory_space<vmem>>, vector<1x16xf32>,
      %swap3A_497 = vector.shape_cast %swap3A_496 : vector<1x16xf32> to vector<16xf32>
      %swap3A_498 = vector.shape_cast %get3A_491 : vector<16xf32> to vector<1x16xf32>
      tpu.vector_store %arg9[%swap3A_494, %swap3A_495], %swap3A_498 {strides = array<i32>} : memref<128x64xf32, #tpu.memory_space<vmem>>, vector<1x16xf32>,
      %add3A_499 = arith.constant 6 : i32
      %add3A_500 = arith.addi %add3A_149, %add3A_499 : i32
      %get3A_501 = arith.index_cast %add3A_500 : i32 to index
      %get3A_502 = arith.constant 48 : index
      %get3A_503 = tpu.vector_load %arg7[%get3A_501, %get3A_502] {strides = array<i32>} : memref<128x128xf32, #tpu.memory_space<vmem>>, vector<1x16xf32>,
      %get3A_504 = vector.shape_cast %get3A_503 : vector<1x16xf32> to vector<16xf32>
      %add3A_505 = arith.constant 6 : i32
      %add3A_506 = arith.addi %add3A_149, %add3A_505 : i32
      %swap3A_507 = arith.index_cast %add3A_506 : i32 to index
      %swap3A_508 = arith.constant 48 : index
      %swap3A_509 = tpu.vector_load %arg9[%swap3A_507, %swap3A_508] {strides = array<i32>} : memref<128x64xf32, #tpu.memory_space<vmem>>, vector<1x16xf32>,
      %swap3A_510 = vector.shape_cast %swap3A_509 : vector<1x16xf32> to vector<16xf32>
      %swap3A_511 = vector.shape_cast %get3A_504 : vector<16xf32> to vector<1x16xf32>
      tpu.vector_store %arg9[%swap3A_507, %swap3A_508], %swap3A_511 {strides = array<i32>} : memref<128x64xf32, #tpu.memory_space<vmem>>, vector<1x16xf32>,
      %add3A_512 = arith.constant 7 : i32
      %add3A_513 = arith.addi %add3A_149, %add3A_512 : i32
      %get3A_514 = arith.index_cast %add3A_513 : i32 to index
      %get3A_515 = arith.constant 0 : index
      %get3A_516 = tpu.vector_load %arg7[%get3A_514, %get3A_515] {strides = array<i32>} : memref<128x128xf32, #tpu.memory_space<vmem>>, vector<1x16xf32>,
      %get3A_517 = vector.shape_cast %get3A_516 : vector<1x16xf32> to vector<16xf32>
      %add3A_518 = arith.constant 7 : i32
      %add3A_519 = arith.addi %add3A_149, %add3A_518 : i32
      %swap3A_520 = arith.index_cast %add3A_519 : i32 to index
      %swap3A_521 = arith.constant 0 : index
      %swap3A_522 = tpu.vector_load %arg9[%swap3A_520, %swap3A_521] {strides = array<i32>} : memref<128x64xf32, #tpu.memory_space<vmem>>, vector<1x16xf32>,
      %swap3A_523 = vector.shape_cast %swap3A_522 : vector<1x16xf32> to vector<16xf32>
      %swap3A_524 = vector.shape_cast %get3A_517 : vector<16xf32> to vector<1x16xf32>
      tpu.vector_store %arg9[%swap3A_520, %swap3A_521], %swap3A_524 {strides = array<i32>} : memref<128x64xf32, #tpu.memory_space<vmem>>, vector<1x16xf32>,
      %add3A_525 = arith.constant 7 : i32
      %add3A_526 = arith.addi %add3A_149, %add3A_525 : i32
      %get3A_527 = arith.index_cast %add3A_526 : i32 to index
      %get3A_528 = arith.constant 16 : index
      %get3A_529 = tpu.vector_load %arg7[%get3A_527, %get3A_528] {strides = array<i32>} : memref<128x128xf32, #tpu.memory_space<vmem>>, vector<1x16xf32>,
      %get3A_530 = vector.shape_cast %get3A_529 : vector<1x16xf32> to vector<16xf32>
      %add3A_531 = arith.constant 7 : i32
      %add3A_532 = arith.addi %add3A_149, %add3A_531 : i32
      %swap3A_533 = arith.index_cast %add3A_532 : i32 to index
      %swap3A_534 = arith.constant 16 : index
      %swap3A_535 = tpu.vector_load %arg9[%swap3A_533, %swap3A_534] {strides = array<i32>} : memref<128x64xf32, #tpu.memory_space<vmem>>, vector<1x16xf32>,
      %swap3A_536 = vector.shape_cast %swap3A_535 : vector<1x16xf32> to vector<16xf32>
      %swap3A_537 = vector.shape_cast %get3A_530 : vector<16xf32> to vector<1x16xf32>
      tpu.vector_store %arg9[%swap3A_533, %swap3A_534], %swap3A_537 {strides = array<i32>} : memref<128x64xf32, #tpu.memory_space<vmem>>, vector<1x16xf32>,
      %add3A_538 = arith.constant 7 : i32
      %add3A_539 = arith.addi %add3A_149, %add3A_538 : i32
      %get3A_540 = arith.index_cast %add3A_539 : i32 to index
      %get3A_541 = arith.constant 32 : index
      %get3A_542 = tpu.vector_load %arg7[%get3A_540, %get3A_541] {strides = array<i32>} : memref<128x128xf32, #tpu.memory_space<vmem>>, vector<1x16xf32>,
      %get3A_543 = vector.shape_cast %get3A_542 : vector<1x16xf32> to vector<16xf32>
      %add3A_544 = arith.constant 7 : i32
      %add3A_545 = arith.addi %add3A_149, %add3A_544 : i32
      %swap3A_546 = arith.index_cast %add3A_545 : i32 to index
      %swap3A_547 = arith.constant 32 : index
      %swap3A_548 = tpu.vector_load %arg9[%swap3A_546, %swap3A_547] {strides = array<i32>} : memref<128x64xf32, #tpu.memory_space<vmem>>, vector<1x16xf32>,
      %swap3A_549 = vector.shape_cast %swap3A_548 : vector<1x16xf32> to vector<16xf32>
      %swap3A_550 = vector.shape_cast %get3A_543 : vector<16xf32> to vector<1x16xf32>
      tpu.vector_store %arg9[%swap3A_546, %swap3A_547], %swap3A_550 {strides = array<i32>} : memref<128x64xf32, #tpu.memory_space<vmem>>, vector<1x16xf32>,
      %add3A_551 = arith.constant 7 : i32
      %add3A_552 = arith.addi %add3A_149, %add3A_551 : i32
      %get3A_553 = arith.index_cast %add3A_552 : i32 to index
      %get3A_554 = arith.constant 48 : index
      %get3A_555 = tpu.vector_load %arg7[%get3A_553, %get3A_554] {strides = array<i32>} : memref<128x128xf32, #tpu.memory_space<vmem>>, vector<1x16xf32>,
      %get3A_556 = vector.shape_cast %get3A_555 : vector<1x16xf32> to vector<16xf32>
      %add3A_557 = arith.constant 7 : i32
      %add3A_558 = arith.addi %add3A_149, %add3A_557 : i32
      %swap3A_559 = arith.index_cast %add3A_558 : i32 to index
      %swap3A_560 = arith.constant 48 : index
      %swap3A_561 = tpu.vector_load %arg9[%swap3A_559, %swap3A_560] {strides = array<i32>} : memref<128x64xf32, #tpu.memory_space<vmem>>, vector<1x16xf32>,
      %swap3A_562 = vector.shape_cast %swap3A_561 : vector<1x16xf32> to vector<16xf32>
      %swap3A_563 = vector.shape_cast %get3A_556 : vector<16xf32> to vector<1x16xf32>
      tpu.vector_store %arg9[%swap3A_559, %swap3A_560], %swap3A_563 {strides = array<i32>} : memref<128x64xf32, #tpu.memory_space<vmem>>, vector<1x16xf32>,
    }
    %scan3A_96 = arith.constant 16 : i32
    %add3A_97 = arith.constant 25344 : i32
    %add3A_98 = arith.addi %mul3A_2, %add3A_97 : i32
    %dma_start3A_99 = tpu.memref_reshape %arg4 : memref<4096x200x64xf32, #tpu.memory_space<hbm>> -> memref<819200x64xf32, #tpu.memory_space<hbm>>
    %dma_start3A_100 = arith.constant 0 : i32
    %dma_start3A_101 = tpu.memref_slice %dma_start3A_99[%add3A_98, %dma_start3A_100] : memref<819200x64xf32, #tpu.memory_space<hbm>> -> memref<128x64xf32, #tpu.memory_space<hbm>>
    %dma_start3A_102 = tpu.memref_reshape %arg4 : memref<4096x200x64xf32, #tpu.memory_space<hbm>> -> memref<819200x64xf32, #tpu.memory_space<hbm>>
    %dma_start3A_103 = arith.constant 0 : i32
    %dma_start3A_104 = tpu.memref_slice %dma_start3A_102[%add3A_98, %dma_start3A_103] : memref<819200x64xf32, #tpu.memory_space<hbm>> -> memref<128x64xf32, #tpu.memory_space<hbm>>
    tpu.enqueue_dma source(%arg9 : memref<128x64xf32, #tpu.memory_space<vmem>>) target(%dma_start3A_104 : memref<128x64xf32, #tpu.memory_space<hbm>>) target_semaphore(%arg13 : memref<!tpu.dma_semaphore, #tpu.memory_space<semaphore_mem>>)
    %dma_wait3A_105 = arith.constant 0 : i32
    %dma_wait3A_106 = arith.constant 0 : i32
    %dma_wait3A_107 = tpu.memref_slice %arg2[%dma_wait3A_105, %dma_wait3A_106] : memref<100000x128xf32, #tpu.memory_space<hbm>> -> memref<100000x128xf32, #tpu.memory_space<hbm>>
    tpu.wait_indirect_dma semaphore(%arg12 : memref<!tpu.dma_semaphore, #tpu.memory_space<semaphore_mem>>) src(%dma_wait3A_107 : memref<100000x128xf32, #tpu.memory_space<hbm>>) dst(%arg8 : memref<128x128xf32, #tpu.memory_space<vmem>>)
    %add3A_108 = arith.constant 25216 : i32
    %add3A_109 = arith.addi %mul3A_2, %add3A_108 : i32
    %dma_wait3A_110 = tpu.memref_reshape %arg4 : memref<4096x200x64xf32, #tpu.memory_space<hbm>> -> memref<819200x64xf32, #tpu.memory_space<hbm>>
    %dma_wait3A_111 = arith.constant 0 : i32
    %dma_wait3A_112 = tpu.memref_slice %dma_wait3A_110[%add3A_109, %dma_wait3A_111] : memref<819200x64xf32, #tpu.memory_space<hbm>> -> memref<128x64xf32, #tpu.memory_space<hbm>>
    %dma_wait3A_113 = tpu.memref_reshape %arg4 : memref<4096x200x64xf32, #tpu.memory_space<hbm>> -> memref<819200x64xf32, #tpu.memory_space<hbm>>
    %dma_wait3A_114 = arith.constant 0 : i32
    %dma_wait3A_115 = tpu.memref_slice %dma_wait3A_113[%add3A_109, %dma_wait3A_114] : memref<819200x64xf32, #tpu.memory_space<hbm>> -> memref<128x64xf32, #tpu.memory_space<hbm>>
    tpu.wait_dma2 semaphore(%arg14 : memref<!tpu.dma_semaphore, #tpu.memory_space<semaphore_mem>>) src(%arg10 : memref<128x64xf32, #tpu.memory_space<vmem>>) dst(%dma_wait3A_115 : memref<128x64xf32, #tpu.memory_space<hbm>>)
    %scan3A_116 = arith.constant 0 : i32
    %scan3A_117 = arith.constant 16 : i32
    %scan3A_118 = arith.addi %scan3A_116, %scan3A_117 : i32
    %scan3A_119 = arith.constant 1 : i32
    scf.for %scan3A_145 = %scan3A_116 to %scan3A_118 step %scan3A_119  : i32 {
      %mul3A_146 = arith.constant 8 : i32
      %mul3A_147 = arith.muli %scan3A_145, %mul3A_146 : i32
      %add3A_148 = arith.constant 0 : i32
      %add3A_149 = arith.addi %add3A_148, %mul3A_147 : i32
      %add3A_150 = arith.constant 0 : i32
      %add3A_151 = arith.addi %add3A_149, %add3A_150 : i32
      %get3A = arith.index_cast %add3A_151 : i32 to index
      %get3A_152 = arith.constant 0 : index
      %get3A_153 = tpu.vector_load %arg8[%get3A, %get3A_152] {strides = array<i32>} : memref<128x128xf32, #tpu.memory_space<vmem>>, vector<1x16xf32>,
      %get3A_154 = vector.shape_cast %get3A_153 : vector<1x16xf32> to vector<16xf32>
      %add3A_155 = arith.constant 0 : i32
      %add3A_156 = arith.addi %add3A_149, %add3A_155 : i32
      %swap3A = arith.index_cast %add3A_156 : i32 to index
      %swap3A_157 = arith.constant 0 : index
      %swap3A_158 = tpu.vector_load %arg10[%swap3A, %swap3A_157] {strides = array<i32>} : memref<128x64xf32, #tpu.memory_space<vmem>>, vector<1x16xf32>,
      %swap3A_159 = vector.shape_cast %swap3A_158 : vector<1x16xf32> to vector<16xf32>
      %swap3A_160 = vector.shape_cast %get3A_154 : vector<16xf32> to vector<1x16xf32>
      tpu.vector_store %arg10[%swap3A, %swap3A_157], %swap3A_160 {strides = array<i32>} : memref<128x64xf32, #tpu.memory_space<vmem>>, vector<1x16xf32>,
      %add3A_161 = arith.constant 0 : i32
      %add3A_162 = arith.addi %add3A_149, %add3A_161 : i32
      %get3A_163 = arith.index_cast %add3A_162 : i32 to index
      %get3A_164 = arith.constant 16 : index
      %get3A_165 = tpu.vector_load %arg8[%get3A_163, %get3A_164] {strides = array<i32>} : memref<128x128xf32, #tpu.memory_space<vmem>>, vector<1x16xf32>,
      %get3A_166 = vector.shape_cast %get3A_165 : vector<1x16xf32> to vector<16xf32>
      %add3A_167 = arith.constant 0 : i32
      %add3A_168 = arith.addi %add3A_149, %add3A_167 : i32
      %swap3A_169 = arith.index_cast %add3A_168 : i32 to index
      %swap3A_170 = arith.constant 16 : index
      %swap3A_171 = tpu.vector_load %arg10[%swap3A_169, %swap3A_170] {strides = array<i32>} : memref<128x64xf32, #tpu.memory_space<vmem>>, vector<1x16xf32>,
      %swap3A_172 = vector.shape_cast %swap3A_171 : vector<1x16xf32> to vector<16xf32>
      %swap3A_173 = vector.shape_cast %get3A_166 : vector<16xf32> to vector<1x16xf32>
      tpu.vector_store %arg10[%swap3A_169, %swap3A_170], %swap3A_173 {strides = array<i32>} : memref<128x64xf32, #tpu.memory_space<vmem>>, vector<1x16xf32>,
      %add3A_174 = arith.constant 0 : i32
      %add3A_175 = arith.addi %add3A_149, %add3A_174 : i32
      %get3A_176 = arith.index_cast %add3A_175 : i32 to index
      %get3A_177 = arith.constant 32 : index
      %get3A_178 = tpu.vector_load %arg8[%get3A_176, %get3A_177] {strides = array<i32>} : memref<128x128xf32, #tpu.memory_space<vmem>>, vector<1x16xf32>,
      %get3A_179 = vector.shape_cast %get3A_178 : vector<1x16xf32> to vector<16xf32>
      %add3A_180 = arith.constant 0 : i32
      %add3A_181 = arith.addi %add3A_149, %add3A_180 : i32
      %swap3A_182 = arith.index_cast %add3A_181 : i32 to index
      %swap3A_183 = arith.constant 32 : index
      %swap3A_184 = tpu.vector_load %arg10[%swap3A_182, %swap3A_183] {strides = array<i32>} : memref<128x64xf32, #tpu.memory_space<vmem>>, vector<1x16xf32>,
      %swap3A_185 = vector.shape_cast %swap3A_184 : vector<1x16xf32> to vector<16xf32>
      %swap3A_186 = vector.shape_cast %get3A_179 : vector<16xf32> to vector<1x16xf32>
      tpu.vector_store %arg10[%swap3A_182, %swap3A_183], %swap3A_186 {strides = array<i32>} : memref<128x64xf32, #tpu.memory_space<vmem>>, vector<1x16xf32>,
      %add3A_187 = arith.constant 0 : i32
      %add3A_188 = arith.addi %add3A_149, %add3A_187 : i32
      %get3A_189 = arith.index_cast %add3A_188 : i32 to index
      %get3A_190 = arith.constant 48 : index
      %get3A_191 = tpu.vector_load %arg8[%get3A_189, %get3A_190] {strides = array<i32>} : memref<128x128xf32, #tpu.memory_space<vmem>>, vector<1x16xf32>,
      %get3A_192 = vector.shape_cast %get3A_191 : vector<1x16xf32> to vector<16xf32>
      %add3A_193 = arith.constant 0 : i32
      %add3A_194 = arith.addi %add3A_149, %add3A_193 : i32
      %swap3A_195 = arith.index_cast %add3A_194 : i32 to index
      %swap3A_196 = arith.constant 48 : index
      %swap3A_197 = tpu.vector_load %arg10[%swap3A_195, %swap3A_196] {strides = array<i32>} : memref<128x64xf32, #tpu.memory_space<vmem>>, vector<1x16xf32>,
      %swap3A_198 = vector.shape_cast %swap3A_197 : vector<1x16xf32> to vector<16xf32>
      %swap3A_199 = vector.shape_cast %get3A_192 : vector<16xf32> to vector<1x16xf32>
      tpu.vector_store %arg10[%swap3A_195, %swap3A_196], %swap3A_199 {strides = array<i32>} : memref<128x64xf32, #tpu.memory_space<vmem>>, vector<1x16xf32>,
      %add3A_200 = arith.constant 1 : i32
      %add3A_201 = arith.addi %add3A_149, %add3A_200 : i32
      %get3A_202 = arith.index_cast %add3A_201 : i32 to index
      %get3A_203 = arith.constant 0 : index
      %get3A_204 = tpu.vector_load %arg8[%get3A_202, %get3A_203] {strides = array<i32>} : memref<128x128xf32, #tpu.memory_space<vmem>>, vector<1x16xf32>,
      %get3A_205 = vector.shape_cast %get3A_204 : vector<1x16xf32> to vector<16xf32>
      %add3A_206 = arith.constant 1 : i32
      %add3A_207 = arith.addi %add3A_149, %add3A_206 : i32
      %swap3A_208 = arith.index_cast %add3A_207 : i32 to index
      %swap3A_209 = arith.constant 0 : index
      %swap3A_210 = tpu.vector_load %arg10[%swap3A_208, %swap3A_209] {strides = array<i32>} : memref<128x64xf32, #tpu.memory_space<vmem>>, vector<1x16xf32>,
      %swap3A_211 = vector.shape_cast %swap3A_210 : vector<1x16xf32> to vector<16xf32>
      %swap3A_212 = vector.shape_cast %get3A_205 : vector<16xf32> to vector<1x16xf32>
      tpu.vector_store %arg10[%swap3A_208, %swap3A_209], %swap3A_212 {strides = array<i32>} : memref<128x64xf32, #tpu.memory_space<vmem>>, vector<1x16xf32>,
      %add3A_213 = arith.constant 1 : i32
      %add3A_214 = arith.addi %add3A_149, %add3A_213 : i32
      %get3A_215 = arith.index_cast %add3A_214 : i32 to index
      %get3A_216 = arith.constant 16 : index
      %get3A_217 = tpu.vector_load %arg8[%get3A_215, %get3A_216] {strides = array<i32>} : memref<128x128xf32, #tpu.memory_space<vmem>>, vector<1x16xf32>,
      %get3A_218 = vector.shape_cast %get3A_217 : vector<1x16xf32> to vector<16xf32>
      %add3A_219 = arith.constant 1 : i32
      %add3A_220 = arith.addi %add3A_149, %add3A_219 : i32
      %swap3A_221 = arith.index_cast %add3A_220 : i32 to index
      %swap3A_222 = arith.constant 16 : index
      %swap3A_223 = tpu.vector_load %arg10[%swap3A_221, %swap3A_222] {strides = array<i32>} : memref<128x64xf32, #tpu.memory_space<vmem>>, vector<1x16xf32>,
      %swap3A_224 = vector.shape_cast %swap3A_223 : vector<1x16xf32> to vector<16xf32>
      %swap3A_225 = vector.shape_cast %get3A_218 : vector<16xf32> to vector<1x16xf32>
      tpu.vector_store %arg10[%swap3A_221, %swap3A_222], %swap3A_225 {strides = array<i32>} : memref<128x64xf32, #tpu.memory_space<vmem>>, vector<1x16xf32>,
      %add3A_226 = arith.constant 1 : i32
      %add3A_227 = arith.addi %add3A_149, %add3A_226 : i32
      %get3A_228 = arith.index_cast %add3A_227 : i32 to index
      %get3A_229 = arith.constant 32 : index
      %get3A_230 = tpu.vector_load %arg8[%get3A_228, %get3A_229] {strides = array<i32>} : memref<128x128xf32, #tpu.memory_space<vmem>>, vector<1x16xf32>,
      %get3A_231 = vector.shape_cast %get3A_230 : vector<1x16xf32> to vector<16xf32>
      %add3A_232 = arith.constant 1 : i32
      %add3A_233 = arith.addi %add3A_149, %add3A_232 : i32
      %swap3A_234 = arith.index_cast %add3A_233 : i32 to index
      %swap3A_235 = arith.constant 32 : index
      %swap3A_236 = tpu.vector_load %arg10[%swap3A_234, %swap3A_235] {strides = array<i32>} : memref<128x64xf32, #tpu.memory_space<vmem>>, vector<1x16xf32>,
      %swap3A_237 = vector.shape_cast %swap3A_236 : vector<1x16xf32> to vector<16xf32>
      %swap3A_238 = vector.shape_cast %get3A_231 : vector<16xf32> to vector<1x16xf32>
      tpu.vector_store %arg10[%swap3A_234, %swap3A_235], %swap3A_238 {strides = array<i32>} : memref<128x64xf32, #tpu.memory_space<vmem>>, vector<1x16xf32>,
      %add3A_239 = arith.constant 1 : i32
      %add3A_240 = arith.addi %add3A_149, %add3A_239 : i32
      %get3A_241 = arith.index_cast %add3A_240 : i32 to index
      %get3A_242 = arith.constant 48 : index
      %get3A_243 = tpu.vector_load %arg8[%get3A_241, %get3A_242] {strides = array<i32>} : memref<128x128xf32, #tpu.memory_space<vmem>>, vector<1x16xf32>,
      %get3A_244 = vector.shape_cast %get3A_243 : vector<1x16xf32> to vector<16xf32>
      %add3A_245 = arith.constant 1 : i32
      %add3A_246 = arith.addi %add3A_149, %add3A_245 : i32
      %swap3A_247 = arith.index_cast %add3A_246 : i32 to index
      %swap3A_248 = arith.constant 48 : index
      %swap3A_249 = tpu.vector_load %arg10[%swap3A_247, %swap3A_248] {strides = array<i32>} : memref<128x64xf32, #tpu.memory_space<vmem>>, vector<1x16xf32>,
      %swap3A_250 = vector.shape_cast %swap3A_249 : vector<1x16xf32> to vector<16xf32>
      %swap3A_251 = vector.shape_cast %get3A_244 : vector<16xf32> to vector<1x16xf32>
      tpu.vector_store %arg10[%swap3A_247, %swap3A_248], %swap3A_251 {strides = array<i32>} : memref<128x64xf32, #tpu.memory_space<vmem>>, vector<1x16xf32>,
      %add3A_252 = arith.constant 2 : i32
      %add3A_253 = arith.addi %add3A_149, %add3A_252 : i32
      %get3A_254 = arith.index_cast %add3A_253 : i32 to index
      %get3A_255 = arith.constant 0 : index
      %get3A_256 = tpu.vector_load %arg8[%get3A_254, %get3A_255] {strides = array<i32>} : memref<128x128xf32, #tpu.memory_space<vmem>>, vector<1x16xf32>,
      %get3A_257 = vector.shape_cast %get3A_256 : vector<1x16xf32> to vector<16xf32>
      %add3A_258 = arith.constant 2 : i32
      %add3A_259 = arith.addi %add3A_149, %add3A_258 : i32
      %swap3A_260 = arith.index_cast %add3A_259 : i32 to index
      %swap3A_261 = arith.constant 0 : index
      %swap3A_262 = tpu.vector_load %arg10[%swap3A_260, %swap3A_261] {strides = array<i32>} : memref<128x64xf32, #tpu.memory_space<vmem>>, vector<1x16xf32>,
      %swap3A_263 = vector.shape_cast %swap3A_262 : vector<1x16xf32> to vector<16xf32>
      %swap3A_264 = vector.shape_cast %get3A_257 : vector<16xf32> to vector<1x16xf32>
      tpu.vector_store %arg10[%swap3A_260, %swap3A_261], %swap3A_264 {strides = array<i32>} : memref<128x64xf32, #tpu.memory_space<vmem>>, vector<1x16xf32>,
      %add3A_265 = arith.constant 2 : i32
      %add3A_266 = arith.addi %add3A_149, %add3A_265 : i32
      %get3A_267 = arith.index_cast %add3A_266 : i32 to index
      %get3A_268 = arith.constant 16 : index
      %get3A_269 = tpu.vector_load %arg8[%get3A_267, %get3A_268] {strides = array<i32>} : memref<128x128xf32, #tpu.memory_space<vmem>>, vector<1x16xf32>,
      %get3A_270 = vector.shape_cast %get3A_269 : vector<1x16xf32> to vector<16xf32>
      %add3A_271 = arith.constant 2 : i32
      %add3A_272 = arith.addi %add3A_149, %add3A_271 : i32
      %swap3A_273 = arith.index_cast %add3A_272 : i32 to index
      %swap3A_274 = arith.constant 16 : index
      %swap3A_275 = tpu.vector_load %arg10[%swap3A_273, %swap3A_274] {strides = array<i32>} : memref<128x64xf32, #tpu.memory_space<vmem>>, vector<1x16xf32>,
      %swap3A_276 = vector.shape_cast %swap3A_275 : vector<1x16xf32> to vector<16xf32>
      %swap3A_277 = vector.shape_cast %get3A_270 : vector<16xf32> to vector<1x16xf32>
      tpu.vector_store %arg10[%swap3A_273, %swap3A_274], %swap3A_277 {strides = array<i32>} : memref<128x64xf32, #tpu.memory_space<vmem>>, vector<1x16xf32>,
      %add3A_278 = arith.constant 2 : i32
      %add3A_279 = arith.addi %add3A_149, %add3A_278 : i32
      %get3A_280 = arith.index_cast %add3A_279 : i32 to index
      %get3A_281 = arith.constant 32 : index
      %get3A_282 = tpu.vector_load %arg8[%get3A_280, %get3A_281] {strides = array<i32>} : memref<128x128xf32, #tpu.memory_space<vmem>>, vector<1x16xf32>,
      %get3A_283 = vector.shape_cast %get3A_282 : vector<1x16xf32> to vector<16xf32>
      %add3A_284 = arith.constant 2 : i32
      %add3A_285 = arith.addi %add3A_149, %add3A_284 : i32
      %swap3A_286 = arith.index_cast %add3A_285 : i32 to index
      %swap3A_287 = arith.constant 32 : index
      %swap3A_288 = tpu.vector_load %arg10[%swap3A_286, %swap3A_287] {strides = array<i32>} : memref<128x64xf32, #tpu.memory_space<vmem>>, vector<1x16xf32>,
      %swap3A_289 = vector.shape_cast %swap3A_288 : vector<1x16xf32> to vector<16xf32>
      %swap3A_290 = vector.shape_cast %get3A_283 : vector<16xf32> to vector<1x16xf32>
      tpu.vector_store %arg10[%swap3A_286, %swap3A_287], %swap3A_290 {strides = array<i32>} : memref<128x64xf32, #tpu.memory_space<vmem>>, vector<1x16xf32>,
      %add3A_291 = arith.constant 2 : i32
      %add3A_292 = arith.addi %add3A_149, %add3A_291 : i32
      %get3A_293 = arith.index_cast %add3A_292 : i32 to index
      %get3A_294 = arith.constant 48 : index
      %get3A_295 = tpu.vector_load %arg8[%get3A_293, %get3A_294] {strides = array<i32>} : memref<128x128xf32, #tpu.memory_space<vmem>>, vector<1x16xf32>,
      %get3A_296 = vector.shape_cast %get3A_295 : vector<1x16xf32> to vector<16xf32>
      %add3A_297 = arith.constant 2 : i32
      %add3A_298 = arith.addi %add3A_149, %add3A_297 : i32
      %swap3A_299 = arith.index_cast %add3A_298 : i32 to index
      %swap3A_300 = arith.constant 48 : index
      %swap3A_301 = tpu.vector_load %arg10[%swap3A_299, %swap3A_300] {strides = array<i32>} : memref<128x64xf32, #tpu.memory_space<vmem>>, vector<1x16xf32>,
      %swap3A_302 = vector.shape_cast %swap3A_301 : vector<1x16xf32> to vector<16xf32>
      %swap3A_303 = vector.shape_cast %get3A_296 : vector<16xf32> to vector<1x16xf32>
      tpu.vector_store %arg10[%swap3A_299, %swap3A_300], %swap3A_303 {strides = array<i32>} : memref<128x64xf32, #tpu.memory_space<vmem>>, vector<1x16xf32>,
      %add3A_304 = arith.constant 3 : i32
      %add3A_305 = arith.addi %add3A_149, %add3A_304 : i32
      %get3A_306 = arith.index_cast %add3A_305 : i32 to index
      %get3A_307 = arith.constant 0 : index
      %get3A_308 = tpu.vector_load %arg8[%get3A_306, %get3A_307] {strides = array<i32>} : memref<128x128xf32, #tpu.memory_space<vmem>>, vector<1x16xf32>,
      %get3A_309 = vector.shape_cast %get3A_308 : vector<1x16xf32> to vector<16xf32>
      %add3A_310 = arith.constant 3 : i32
      %add3A_311 = arith.addi %add3A_149, %add3A_310 : i32
      %swap3A_312 = arith.index_cast %add3A_311 : i32 to index
      %swap3A_313 = arith.constant 0 : index
      %swap3A_314 = tpu.vector_load %arg10[%swap3A_312, %swap3A_313] {strides = array<i32>} : memref<128x64xf32, #tpu.memory_space<vmem>>, vector<1x16xf32>,
      %swap3A_315 = vector.shape_cast %swap3A_314 : vector<1x16xf32> to vector<16xf32>
      %swap3A_316 = vector.shape_cast %get3A_309 : vector<16xf32> to vector<1x16xf32>
      tpu.vector_store %arg10[%swap3A_312, %swap3A_313], %swap3A_316 {strides = array<i32>} : memref<128x64xf32, #tpu.memory_space<vmem>>, vector<1x16xf32>,
      %add3A_317 = arith.constant 3 : i32
      %add3A_318 = arith.addi %add3A_149, %add3A_317 : i32
      %get3A_319 = arith.index_cast %add3A_318 : i32 to index
      %get3A_320 = arith.constant 16 : index
      %get3A_321 = tpu.vector_load %arg8[%get3A_319, %get3A_320] {strides = array<i32>} : memref<128x128xf32, #tpu.memory_space<vmem>>, vector<1x16xf32>,
      %get3A_322 = vector.shape_cast %get3A_321 : vector<1x16xf32> to vector<16xf32>
      %add3A_323 = arith.constant 3 : i32
      %add3A_324 = arith.addi %add3A_149, %add3A_323 : i32
      %swap3A_325 = arith.index_cast %add3A_324 : i32 to index
      %swap3A_326 = arith.constant 16 : index
      %swap3A_327 = tpu.vector_load %arg10[%swap3A_325, %swap3A_326] {strides = array<i32>} : memref<128x64xf32, #tpu.memory_space<vmem>>, vector<1x16xf32>,
      %swap3A_328 = vector.shape_cast %swap3A_327 : vector<1x16xf32> to vector<16xf32>
      %swap3A_329 = vector.shape_cast %get3A_322 : vector<16xf32> to vector<1x16xf32>
      tpu.vector_store %arg10[%swap3A_325, %swap3A_326], %swap3A_329 {strides = array<i32>} : memref<128x64xf32, #tpu.memory_space<vmem>>, vector<1x16xf32>,
      %add3A_330 = arith.constant 3 : i32
      %add3A_331 = arith.addi %add3A_149, %add3A_330 : i32
      %get3A_332 = arith.index_cast %add3A_331 : i32 to index
      %get3A_333 = arith.constant 32 : index
      %get3A_334 = tpu.vector_load %arg8[%get3A_332, %get3A_333] {strides = array<i32>} : memref<128x128xf32, #tpu.memory_space<vmem>>, vector<1x16xf32>,
      %get3A_335 = vector.shape_cast %get3A_334 : vector<1x16xf32> to vector<16xf32>
      %add3A_336 = arith.constant 3 : i32
      %add3A_337 = arith.addi %add3A_149, %add3A_336 : i32
      %swap3A_338 = arith.index_cast %add3A_337 : i32 to index
      %swap3A_339 = arith.constant 32 : index
      %swap3A_340 = tpu.vector_load %arg10[%swap3A_338, %swap3A_339] {strides = array<i32>} : memref<128x64xf32, #tpu.memory_space<vmem>>, vector<1x16xf32>,
      %swap3A_341 = vector.shape_cast %swap3A_340 : vector<1x16xf32> to vector<16xf32>
      %swap3A_342 = vector.shape_cast %get3A_335 : vector<16xf32> to vector<1x16xf32>
      tpu.vector_store %arg10[%swap3A_338, %swap3A_339], %swap3A_342 {strides = array<i32>} : memref<128x64xf32, #tpu.memory_space<vmem>>, vector<1x16xf32>,
      %add3A_343 = arith.constant 3 : i32
      %add3A_344 = arith.addi %add3A_149, %add3A_343 : i32
      %get3A_345 = arith.index_cast %add3A_344 : i32 to index
      %get3A_346 = arith.constant 48 : index
      %get3A_347 = tpu.vector_load %arg8[%get3A_345, %get3A_346] {strides = array<i32>} : memref<128x128xf32, #tpu.memory_space<vmem>>, vector<1x16xf32>,
      %get3A_348 = vector.shape_cast %get3A_347 : vector<1x16xf32> to vector<16xf32>
      %add3A_349 = arith.constant 3 : i32
      %add3A_350 = arith.addi %add3A_149, %add3A_349 : i32
      %swap3A_351 = arith.index_cast %add3A_350 : i32 to index
      %swap3A_352 = arith.constant 48 : index
      %swap3A_353 = tpu.vector_load %arg10[%swap3A_351, %swap3A_352] {strides = array<i32>} : memref<128x64xf32, #tpu.memory_space<vmem>>, vector<1x16xf32>,
      %swap3A_354 = vector.shape_cast %swap3A_353 : vector<1x16xf32> to vector<16xf32>
      %swap3A_355 = vector.shape_cast %get3A_348 : vector<16xf32> to vector<1x16xf32>
      tpu.vector_store %arg10[%swap3A_351, %swap3A_352], %swap3A_355 {strides = array<i32>} : memref<128x64xf32, #tpu.memory_space<vmem>>, vector<1x16xf32>,
      %add3A_356 = arith.constant 4 : i32
      %add3A_357 = arith.addi %add3A_149, %add3A_356 : i32
      %get3A_358 = arith.index_cast %add3A_357 : i32 to index
      %get3A_359 = arith.constant 0 : index
      %get3A_360 = tpu.vector_load %arg8[%get3A_358, %get3A_359] {strides = array<i32>} : memref<128x128xf32, #tpu.memory_space<vmem>>, vector<1x16xf32>,
      %get3A_361 = vector.shape_cast %get3A_360 : vector<1x16xf32> to vector<16xf32>
      %add3A_362 = arith.constant 4 : i32
      %add3A_363 = arith.addi %add3A_149, %add3A_362 : i32
      %swap3A_364 = arith.index_cast %add3A_363 : i32 to index
      %swap3A_365 = arith.constant 0 : index
      %swap3A_366 = tpu.vector_load %arg10[%swap3A_364, %swap3A_365] {strides = array<i32>} : memref<128x64xf32, #tpu.memory_space<vmem>>, vector<1x16xf32>,
      %swap3A_367 = vector.shape_cast %swap3A_366 : vector<1x16xf32> to vector<16xf32>
      %swap3A_368 = vector.shape_cast %get3A_361 : vector<16xf32> to vector<1x16xf32>
      tpu.vector_store %arg10[%swap3A_364, %swap3A_365], %swap3A_368 {strides = array<i32>} : memref<128x64xf32, #tpu.memory_space<vmem>>, vector<1x16xf32>,
      %add3A_369 = arith.constant 4 : i32
      %add3A_370 = arith.addi %add3A_149, %add3A_369 : i32
      %get3A_371 = arith.index_cast %add3A_370 : i32 to index
      %get3A_372 = arith.constant 16 : index
      %get3A_373 = tpu.vector_load %arg8[%get3A_371, %get3A_372] {strides = array<i32>} : memref<128x128xf32, #tpu.memory_space<vmem>>, vector<1x16xf32>,
      %get3A_374 = vector.shape_cast %get3A_373 : vector<1x16xf32> to vector<16xf32>
      %add3A_375 = arith.constant 4 : i32
      %add3A_376 = arith.addi %add3A_149, %add3A_375 : i32
      %swap3A_377 = arith.index_cast %add3A_376 : i32 to index
      %swap3A_378 = arith.constant 16 : index
      %swap3A_379 = tpu.vector_load %arg10[%swap3A_377, %swap3A_378] {strides = array<i32>} : memref<128x64xf32, #tpu.memory_space<vmem>>, vector<1x16xf32>,
      %swap3A_380 = vector.shape_cast %swap3A_379 : vector<1x16xf32> to vector<16xf32>
      %swap3A_381 = vector.shape_cast %get3A_374 : vector<16xf32> to vector<1x16xf32>
      tpu.vector_store %arg10[%swap3A_377, %swap3A_378], %swap3A_381 {strides = array<i32>} : memref<128x64xf32, #tpu.memory_space<vmem>>, vector<1x16xf32>,
      %add3A_382 = arith.constant 4 : i32
      %add3A_383 = arith.addi %add3A_149, %add3A_382 : i32
      %get3A_384 = arith.index_cast %add3A_383 : i32 to index
      %get3A_385 = arith.constant 32 : index
      %get3A_386 = tpu.vector_load %arg8[%get3A_384, %get3A_385] {strides = array<i32>} : memref<128x128xf32, #tpu.memory_space<vmem>>, vector<1x16xf32>,
      %get3A_387 = vector.shape_cast %get3A_386 : vector<1x16xf32> to vector<16xf32>
      %add3A_388 = arith.constant 4 : i32
      %add3A_389 = arith.addi %add3A_149, %add3A_388 : i32
      %swap3A_390 = arith.index_cast %add3A_389 : i32 to index
      %swap3A_391 = arith.constant 32 : index
      %swap3A_392 = tpu.vector_load %arg10[%swap3A_390, %swap3A_391] {strides = array<i32>} : memref<128x64xf32, #tpu.memory_space<vmem>>, vector<1x16xf32>,
      %swap3A_393 = vector.shape_cast %swap3A_392 : vector<1x16xf32> to vector<16xf32>
      %swap3A_394 = vector.shape_cast %get3A_387 : vector<16xf32> to vector<1x16xf32>
      tpu.vector_store %arg10[%swap3A_390, %swap3A_391], %swap3A_394 {strides = array<i32>} : memref<128x64xf32, #tpu.memory_space<vmem>>, vector<1x16xf32>,
      %add3A_395 = arith.constant 4 : i32
      %add3A_396 = arith.addi %add3A_149, %add3A_395 : i32
      %get3A_397 = arith.index_cast %add3A_396 : i32 to index
      %get3A_398 = arith.constant 48 : index
      %get3A_399 = tpu.vector_load %arg8[%get3A_397, %get3A_398] {strides = array<i32>} : memref<128x128xf32, #tpu.memory_space<vmem>>, vector<1x16xf32>,
      %get3A_400 = vector.shape_cast %get3A_399 : vector<1x16xf32> to vector<16xf32>
      %add3A_401 = arith.constant 4 : i32
      %add3A_402 = arith.addi %add3A_149, %add3A_401 : i32
      %swap3A_403 = arith.index_cast %add3A_402 : i32 to index
      %swap3A_404 = arith.constant 48 : index
      %swap3A_405 = tpu.vector_load %arg10[%swap3A_403, %swap3A_404] {strides = array<i32>} : memref<128x64xf32, #tpu.memory_space<vmem>>, vector<1x16xf32>,
      %swap3A_406 = vector.shape_cast %swap3A_405 : vector<1x16xf32> to vector<16xf32>
      %swap3A_407 = vector.shape_cast %get3A_400 : vector<16xf32> to vector<1x16xf32>
      tpu.vector_store %arg10[%swap3A_403, %swap3A_404], %swap3A_407 {strides = array<i32>} : memref<128x64xf32, #tpu.memory_space<vmem>>, vector<1x16xf32>,
      %add3A_408 = arith.constant 5 : i32
      %add3A_409 = arith.addi %add3A_149, %add3A_408 : i32
      %get3A_410 = arith.index_cast %add3A_409 : i32 to index
      %get3A_411 = arith.constant 0 : index
      %get3A_412 = tpu.vector_load %arg8[%get3A_410, %get3A_411] {strides = array<i32>} : memref<128x128xf32, #tpu.memory_space<vmem>>, vector<1x16xf32>,
      %get3A_413 = vector.shape_cast %get3A_412 : vector<1x16xf32> to vector<16xf32>
      %add3A_414 = arith.constant 5 : i32
      %add3A_415 = arith.addi %add3A_149, %add3A_414 : i32
      %swap3A_416 = arith.index_cast %add3A_415 : i32 to index
      %swap3A_417 = arith.constant 0 : index
      %swap3A_418 = tpu.vector_load %arg10[%swap3A_416, %swap3A_417] {strides = array<i32>} : memref<128x64xf32, #tpu.memory_space<vmem>>, vector<1x16xf32>,
      %swap3A_419 = vector.shape_cast %swap3A_418 : vector<1x16xf32> to vector<16xf32>
      %swap3A_420 = vector.shape_cast %get3A_413 : vector<16xf32> to vector<1x16xf32>
      tpu.vector_store %arg10[%swap3A_416, %swap3A_417], %swap3A_420 {strides = array<i32>} : memref<128x64xf32, #tpu.memory_space<vmem>>, vector<1x16xf32>,
      %add3A_421 = arith.constant 5 : i32
      %add3A_422 = arith.addi %add3A_149, %add3A_421 : i32
      %get3A_423 = arith.index_cast %add3A_422 : i32 to index
      %get3A_424 = arith.constant 16 : index
      %get3A_425 = tpu.vector_load %arg8[%get3A_423, %get3A_424] {strides = array<i32>} : memref<128x128xf32, #tpu.memory_space<vmem>>, vector<1x16xf32>,
      %get3A_426 = vector.shape_cast %get3A_425 : vector<1x16xf32> to vector<16xf32>
      %add3A_427 = arith.constant 5 : i32
      %add3A_428 = arith.addi %add3A_149, %add3A_427 : i32
      %swap3A_429 = arith.index_cast %add3A_428 : i32 to index
      %swap3A_430 = arith.constant 16 : index
      %swap3A_431 = tpu.vector_load %arg10[%swap3A_429, %swap3A_430] {strides = array<i32>} : memref<128x64xf32, #tpu.memory_space<vmem>>, vector<1x16xf32>,
      %swap3A_432 = vector.shape_cast %swap3A_431 : vector<1x16xf32> to vector<16xf32>
      %swap3A_433 = vector.shape_cast %get3A_426 : vector<16xf32> to vector<1x16xf32>
      tpu.vector_store %arg10[%swap3A_429, %swap3A_430], %swap3A_433 {strides = array<i32>} : memref<128x64xf32, #tpu.memory_space<vmem>>, vector<1x16xf32>,
      %add3A_434 = arith.constant 5 : i32
      %add3A_435 = arith.addi %add3A_149, %add3A_434 : i32
      %get3A_436 = arith.index_cast %add3A_435 : i32 to index
      %get3A_437 = arith.constant 32 : index
      %get3A_438 = tpu.vector_load %arg8[%get3A_436, %get3A_437] {strides = array<i32>} : memref<128x128xf32, #tpu.memory_space<vmem>>, vector<1x16xf32>,
      %get3A_439 = vector.shape_cast %get3A_438 : vector<1x16xf32> to vector<16xf32>
      %add3A_440 = arith.constant 5 : i32
      %add3A_441 = arith.addi %add3A_149, %add3A_440 : i32
      %swap3A_442 = arith.index_cast %add3A_441 : i32 to index
      %swap3A_443 = arith.constant 32 : index
      %swap3A_444 = tpu.vector_load %arg10[%swap3A_442, %swap3A_443] {strides = array<i32>} : memref<128x64xf32, #tpu.memory_space<vmem>>, vector<1x16xf32>,
      %swap3A_445 = vector.shape_cast %swap3A_444 : vector<1x16xf32> to vector<16xf32>
      %swap3A_446 = vector.shape_cast %get3A_439 : vector<16xf32> to vector<1x16xf32>
      tpu.vector_store %arg10[%swap3A_442, %swap3A_443], %swap3A_446 {strides = array<i32>} : memref<128x64xf32, #tpu.memory_space<vmem>>, vector<1x16xf32>,
      %add3A_447 = arith.constant 5 : i32
      %add3A_448 = arith.addi %add3A_149, %add3A_447 : i32
      %get3A_449 = arith.index_cast %add3A_448 : i32 to index
      %get3A_450 = arith.constant 48 : index
      %get3A_451 = tpu.vector_load %arg8[%get3A_449, %get3A_450] {strides = array<i32>} : memref<128x128xf32, #tpu.memory_space<vmem>>, vector<1x16xf32>,
      %get3A_452 = vector.shape_cast %get3A_451 : vector<1x16xf32> to vector<16xf32>
      %add3A_453 = arith.constant 5 : i32
      %add3A_454 = arith.addi %add3A_149, %add3A_453 : i32
      %swap3A_455 = arith.index_cast %add3A_454 : i32 to index
      %swap3A_456 = arith.constant 48 : index
      %swap3A_457 = tpu.vector_load %arg10[%swap3A_455, %swap3A_456] {strides = array<i32>} : memref<128x64xf32, #tpu.memory_space<vmem>>, vector<1x16xf32>,
      %swap3A_458 = vector.shape_cast %swap3A_457 : vector<1x16xf32> to vector<16xf32>
      %swap3A_459 = vector.shape_cast %get3A_452 : vector<16xf32> to vector<1x16xf32>
      tpu.vector_store %arg10[%swap3A_455, %swap3A_456], %swap3A_459 {strides = array<i32>} : memref<128x64xf32, #tpu.memory_space<vmem>>, vector<1x16xf32>,
      %add3A_460 = arith.constant 6 : i32
      %add3A_461 = arith.addi %add3A_149, %add3A_460 : i32
      %get3A_462 = arith.index_cast %add3A_461 : i32 to index
      %get3A_463 = arith.constant 0 : index
      %get3A_464 = tpu.vector_load %arg8[%get3A_462, %get3A_463] {strides = array<i32>} : memref<128x128xf32, #tpu.memory_space<vmem>>, vector<1x16xf32>,
      %get3A_465 = vector.shape_cast %get3A_464 : vector<1x16xf32> to vector<16xf32>
      %add3A_466 = arith.constant 6 : i32
      %add3A_467 = arith.addi %add3A_149, %add3A_466 : i32
      %swap3A_468 = arith.index_cast %add3A_467 : i32 to index
      %swap3A_469 = arith.constant 0 : index
      %swap3A_470 = tpu.vector_load %arg10[%swap3A_468, %swap3A_469] {strides = array<i32>} : memref<128x64xf32, #tpu.memory_space<vmem>>, vector<1x16xf32>,
      %swap3A_471 = vector.shape_cast %swap3A_470 : vector<1x16xf32> to vector<16xf32>
      %swap3A_472 = vector.shape_cast %get3A_465 : vector<16xf32> to vector<1x16xf32>
      tpu.vector_store %arg10[%swap3A_468, %swap3A_469], %swap3A_472 {strides = array<i32>} : memref<128x64xf32, #tpu.memory_space<vmem>>, vector<1x16xf32>,
      %add3A_473 = arith.constant 6 : i32
      %add3A_474 = arith.addi %add3A_149, %add3A_473 : i32
      %get3A_475 = arith.index_cast %add3A_474 : i32 to index
      %get3A_476 = arith.constant 16 : index
      %get3A_477 = tpu.vector_load %arg8[%get3A_475, %get3A_476] {strides = array<i32>} : memref<128x128xf32, #tpu.memory_space<vmem>>, vector<1x16xf32>,
      %get3A_478 = vector.shape_cast %get3A_477 : vector<1x16xf32> to vector<16xf32>
      %add3A_479 = arith.constant 6 : i32
      %add3A_480 = arith.addi %add3A_149, %add3A_479 : i32
      %swap3A_481 = arith.index_cast %add3A_480 : i32 to index
      %swap3A_482 = arith.constant 16 : index
      %swap3A_483 = tpu.vector_load %arg10[%swap3A_481, %swap3A_482] {strides = array<i32>} : memref<128x64xf32, #tpu.memory_space<vmem>>, vector<1x16xf32>,
      %swap3A_484 = vector.shape_cast %swap3A_483 : vector<1x16xf32> to vector<16xf32>
      %swap3A_485 = vector.shape_cast %get3A_478 : vector<16xf32> to vector<1x16xf32>
      tpu.vector_store %arg10[%swap3A_481, %swap3A_482], %swap3A_485 {strides = array<i32>} : memref<128x64xf32, #tpu.memory_space<vmem>>, vector<1x16xf32>,
      %add3A_486 = arith.constant 6 : i32
      %add3A_487 = arith.addi %add3A_149, %add3A_486 : i32
      %get3A_488 = arith.index_cast %add3A_487 : i32 to index
      %get3A_489 = arith.constant 32 : index
      %get3A_490 = tpu.vector_load %arg8[%get3A_488, %get3A_489] {strides = array<i32>} : memref<128x128xf32, #tpu.memory_space<vmem>>, vector<1x16xf32>,
      %get3A_491 = vector.shape_cast %get3A_490 : vector<1x16xf32> to vector<16xf32>
      %add3A_492 = arith.constant 6 : i32
      %add3A_493 = arith.addi %add3A_149, %add3A_492 : i32
      %swap3A_494 = arith.index_cast %add3A_493 : i32 to index
      %swap3A_495 = arith.constant 32 : index
      %swap3A_496 = tpu.vector_load %arg10[%swap3A_494, %swap3A_495] {strides = array<i32>} : memref<128x64xf32, #tpu.memory_space<vmem>>, vector<1x16xf32>,
      %swap3A_497 = vector.shape_cast %swap3A_496 : vector<1x16xf32> to vector<16xf32>
      %swap3A_498 = vector.shape_cast %get3A_491 : vector<16xf32> to vector<1x16xf32>
      tpu.vector_store %arg10[%swap3A_494, %swap3A_495], %swap3A_498 {strides = array<i32>} : memref<128x64xf32, #tpu.memory_space<vmem>>, vector<1x16xf32>,
      %add3A_499 = arith.constant 6 : i32
      %add3A_500 = arith.addi %add3A_149, %add3A_499 : i32
      %get3A_501 = arith.index_cast %add3A_500 : i32 to index
      %get3A_502 = arith.constant 48 : index
      %get3A_503 = tpu.vector_load %arg8[%get3A_501, %get3A_502] {strides = array<i32>} : memref<128x128xf32, #tpu.memory_space<vmem>>, vector<1x16xf32>,
      %get3A_504 = vector.shape_cast %get3A_503 : vector<1x16xf32> to vector<16xf32>
      %add3A_505 = arith.constant 6 : i32
      %add3A_506 = arith.addi %add3A_149, %add3A_505 : i32
      %swap3A_507 = arith.index_cast %add3A_506 : i32 to index
      %swap3A_508 = arith.constant 48 : index
      %swap3A_509 = tpu.vector_load %arg10[%swap3A_507, %swap3A_508] {strides = array<i32>} : memref<128x64xf32, #tpu.memory_space<vmem>>, vector<1x16xf32>,
      %swap3A_510 = vector.shape_cast %swap3A_509 : vector<1x16xf32> to vector<16xf32>
      %swap3A_511 = vector.shape_cast %get3A_504 : vector<16xf32> to vector<1x16xf32>
      tpu.vector_store %arg10[%swap3A_507, %swap3A_508], %swap3A_511 {strides = array<i32>} : memref<128x64xf32, #tpu.memory_space<vmem>>, vector<1x16xf32>,
      %add3A_512 = arith.constant 7 : i32
      %add3A_513 = arith.addi %add3A_149, %add3A_512 : i32
      %get3A_514 = arith.index_cast %add3A_513 : i32 to index
      %get3A_515 = arith.constant 0 : index
      %get3A_516 = tpu.vector_load %arg8[%get3A_514, %get3A_515] {strides = array<i32>} : memref<128x128xf32, #tpu.memory_space<vmem>>, vector<1x16xf32>,
      %get3A_517 = vector.shape_cast %get3A_516 : vector<1x16xf32> to vector<16xf32>
      %add3A_518 = arith.constant 7 : i32
      %add3A_519 = arith.addi %add3A_149, %add3A_518 : i32
      %swap3A_520 = arith.index_cast %add3A_519 : i32 to index
      %swap3A_521 = arith.constant 0 : index
      %swap3A_522 = tpu.vector_load %arg10[%swap3A_520, %swap3A_521] {strides = array<i32>} : memref<128x64xf32, #tpu.memory_space<vmem>>, vector<1x16xf32>,
      %swap3A_523 = vector.shape_cast %swap3A_522 : vector<1x16xf32> to vector<16xf32>
      %swap3A_524 = vector.shape_cast %get3A_517 : vector<16xf32> to vector<1x16xf32>
      tpu.vector_store %arg10[%swap3A_520, %swap3A_521], %swap3A_524 {strides = array<i32>} : memref<128x64xf32, #tpu.memory_space<vmem>>, vector<1x16xf32>,
      %add3A_525 = arith.constant 7 : i32
      %add3A_526 = arith.addi %add3A_149, %add3A_525 : i32
      %get3A_527 = arith.index_cast %add3A_526 : i32 to index
      %get3A_528 = arith.constant 16 : index
      %get3A_529 = tpu.vector_load %arg8[%get3A_527, %get3A_528] {strides = array<i32>} : memref<128x128xf32, #tpu.memory_space<vmem>>, vector<1x16xf32>,
      %get3A_530 = vector.shape_cast %get3A_529 : vector<1x16xf32> to vector<16xf32>
      %add3A_531 = arith.constant 7 : i32
      %add3A_532 = arith.addi %add3A_149, %add3A_531 : i32
      %swap3A_533 = arith.index_cast %add3A_532 : i32 to index
      %swap3A_534 = arith.constant 16 : index
      %swap3A_535 = tpu.vector_load %arg10[%swap3A_533, %swap3A_534] {strides = array<i32>} : memref<128x64xf32, #tpu.memory_space<vmem>>, vector<1x16xf32>,
      %swap3A_536 = vector.shape_cast %swap3A_535 : vector<1x16xf32> to vector<16xf32>
      %swap3A_537 = vector.shape_cast %get3A_530 : vector<16xf32> to vector<1x16xf32>
      tpu.vector_store %arg10[%swap3A_533, %swap3A_534], %swap3A_537 {strides = array<i32>} : memref<128x64xf32, #tpu.memory_space<vmem>>, vector<1x16xf32>,
      %add3A_538 = arith.constant 7 : i32
      %add3A_539 = arith.addi %add3A_149, %add3A_538 : i32
      %get3A_540 = arith.index_cast %add3A_539 : i32 to index
      %get3A_541 = arith.constant 32 : index
      %get3A_542 = tpu.vector_load %arg8[%get3A_540, %get3A_541] {strides = array<i32>} : memref<128x128xf32, #tpu.memory_space<vmem>>, vector<1x16xf32>,
      %get3A_543 = vector.shape_cast %get3A_542 : vector<1x16xf32> to vector<16xf32>
      %add3A_544 = arith.constant 7 : i32
      %add3A_545 = arith.addi %add3A_149, %add3A_544 : i32
      %swap3A_546 = arith.index_cast %add3A_545 : i32 to index
      %swap3A_547 = arith.constant 32 : index
      %swap3A_548 = tpu.vector_load %arg10[%swap3A_546, %swap3A_547] {strides = array<i32>} : memref<128x64xf32, #tpu.memory_space<vmem>>, vector<1x16xf32>,
      %swap3A_549 = vector.shape_cast %swap3A_548 : vector<1x16xf32> to vector<16xf32>
      %swap3A_550 = vector.shape_cast %get3A_543 : vector<16xf32> to vector<1x16xf32>
      tpu.vector_store %arg10[%swap3A_546, %swap3A_547], %swap3A_550 {strides = array<i32>} : memref<128x64xf32, #tpu.memory_space<vmem>>, vector<1x16xf32>,
      %add3A_551 = arith.constant 7 : i32
      %add3A_552 = arith.addi %add3A_149, %add3A_551 : i32
      %get3A_553 = arith.index_cast %add3A_552 : i32 to index
      %get3A_554 = arith.constant 48 : index
      %get3A_555 = tpu.vector_load %arg8[%get3A_553, %get3A_554] {strides = array<i32>} : memref<128x128xf32, #tpu.memory_space<vmem>>, vector<1x16xf32>,
      %get3A_556 = vector.shape_cast %get3A_555 : vector<1x16xf32> to vector<16xf32>
      %add3A_557 = arith.constant 7 : i32
      %add3A_558 = arith.addi %add3A_149, %add3A_557 : i32
      %swap3A_559 = arith.index_cast %add3A_558 : i32 to index
      %swap3A_560 = arith.constant 48 : index
      %swap3A_561 = tpu.vector_load %arg10[%swap3A_559, %swap3A_560] {strides = array<i32>} : memref<128x64xf32, #tpu.memory_space<vmem>>, vector<1x16xf32>,
      %swap3A_562 = vector.shape_cast %swap3A_561 : vector<1x16xf32> to vector<16xf32>
      %swap3A_563 = vector.shape_cast %get3A_556 : vector<16xf32> to vector<1x16xf32>
      tpu.vector_store %arg10[%swap3A_559, %swap3A_560], %swap3A_563 {strides = array<i32>} : memref<128x64xf32, #tpu.memory_space<vmem>>, vector<1x16xf32>,
    }
    %scan3A_120 = arith.constant 16 : i32
    %add3A_121 = arith.constant 25472 : i32
    %add3A_122 = arith.addi %mul3A_2, %add3A_121 : i32
    %dma_start3A_123 = tpu.memref_reshape %arg4 : memref<4096x200x64xf32, #tpu.memory_space<hbm>> -> memref<819200x64xf32, #tpu.memory_space<hbm>>
    %dma_start3A_124 = arith.constant 0 : i32
    %dma_start3A_125 = tpu.memref_slice %dma_start3A_123[%add3A_122, %dma_start3A_124] : memref<819200x64xf32, #tpu.memory_space<hbm>> -> memref<128x64xf32, #tpu.memory_space<hbm>>
    %dma_start3A_126 = tpu.memref_reshape %arg4 : memref<4096x200x64xf32, #tpu.memory_space<hbm>> -> memref<819200x64xf32, #tpu.memory_space<hbm>>
    %dma_start3A_127 = arith.constant 0 : i32
    %dma_start3A_128 = tpu.memref_slice %dma_start3A_126[%add3A_122, %dma_start3A_127] : memref<819200x64xf32, #tpu.memory_space<hbm>> -> memref<128x64xf32, #tpu.memory_space<hbm>>
    tpu.enqueue_dma source(%arg10 : memref<128x64xf32, #tpu.memory_space<vmem>>) target(%dma_start3A_128 : memref<128x64xf32, #tpu.memory_space<hbm>>) target_semaphore(%arg14 : memref<!tpu.dma_semaphore, #tpu.memory_space<semaphore_mem>>)
    %add3A_129 = arith.constant 25344 : i32
    %add3A_130 = arith.addi %mul3A_2, %add3A_129 : i32
    %dma_wait3A_131 = tpu.memref_reshape %arg4 : memref<4096x200x64xf32, #tpu.memory_space<hbm>> -> memref<819200x64xf32, #tpu.memory_space<hbm>>
    %dma_wait3A_132 = arith.constant 0 : i32
    %dma_wait3A_133 = tpu.memref_slice %dma_wait3A_131[%add3A_130, %dma_wait3A_132] : memref<819200x64xf32, #tpu.memory_space<hbm>> -> memref<128x64xf32, #tpu.memory_space<hbm>>
    %dma_wait3A_134 = tpu.memref_reshape %arg4 : memref<4096x200x64xf32, #tpu.memory_space<hbm>> -> memref<819200x64xf32, #tpu.memory_space<hbm>>
    %dma_wait3A_135 = arith.constant 0 : i32
    %dma_wait3A_136 = tpu.memref_slice %dma_wait3A_134[%add3A_130, %dma_wait3A_135] : memref<819200x64xf32, #tpu.memory_space<hbm>> -> memref<128x64xf32, #tpu.memory_space<hbm>>
    tpu.wait_dma2 semaphore(%arg13 : memref<!tpu.dma_semaphore, #tpu.memory_space<semaphore_mem>>) src(%arg9 : memref<128x64xf32, #tpu.memory_space<vmem>>) dst(%dma_wait3A_136 : memref<128x64xf32, #tpu.memory_space<hbm>>)
    %add3A_137 = arith.constant 25472 : i32
    %add3A_138 = arith.addi %mul3A_2, %add3A_137 : i32
    %dma_wait3A_139 = tpu.memref_reshape %arg4 : memref<4096x200x64xf32, #tpu.memory_space<hbm>> -> memref<819200x64xf32, #tpu.memory_space<hbm>>
    %dma_wait3A_140 = arith.constant 0 : i32
    %dma_wait3A_141 = tpu.memref_slice %dma_wait3A_139[%add3A_138, %dma_wait3A_140] : memref<819200x64xf32, #tpu.memory_space<hbm>> -> memref<128x64xf32, #tpu.memory_space<hbm>>
    %dma_wait3A_142 = tpu.memref_reshape %arg4 : memref<4096x200x64xf32, #tpu.memory_space<hbm>> -> memref<819200x64xf32, #tpu.memory_space<hbm>>
    %dma_wait3A_143 = arith.constant 0 : i32
    %dma_wait3A_144 = tpu.memref_slice %dma_wait3A_142[%add3A_138, %dma_wait3A_143] : memref<819200x64xf32, #tpu.memory_space<hbm>> -> memref<128x64xf32, #tpu.memory_space<hbm>>
    tpu.wait_dma2 semaphore(%arg14 : memref<!tpu.dma_semaphore, #tpu.memory_space<semaphore_mem>>) src(%arg10 : memref<128x64xf32, #tpu.memory_space<vmem>>) dst(%dma_wait3A_144 : memref<128x64xf32, #tpu.memory_space<hbm>>)
    return
  }
}

module attributes {stable_mosaic.version = 14 : i64} {
  func.func @_ln_body(%arg0: i32, %arg1: memref<64x4096xf32, #tpu.memory_space<vmem>>, %arg2: memref<1x64xf32, #tpu.memory_space<vmem>>, %arg3: memref<1x64xf32, #tpu.memory_space<vmem>>, %arg4: memref<4096x128xf32, #tpu.memory_space<vmem>>) attributes {dimension_semantics = [#tpu.dimension_semantics<arbitrary>], iteration_bounds = array<i64: 25>, scalar_prefetch = 0 : i64, scratch_operands = 0 : i64, tpu.core_type = #tpu.core_type<tc>, window_params = [{transform_indices = @transform_0, window_bounds = array<i64: 64, 4096>}, {pipeline_mode = #tpu.pipeline_mode<synchronous>, transform_indices = @transform_1, window_bounds = array<i64: 1, 64>}, {pipeline_mode = #tpu.pipeline_mode<synchronous>, transform_indices = @transform_2, window_bounds = array<i64: 1, 64>}, {transform_indices = @transform_3, window_bounds = array<i64: 4096, 128>}]} {
    %get3A = arith.constant 0 : index
    %get3A_0 = arith.constant 0 : index
    %get3A_1 = vector.load %arg1[%get3A, %get3A_0] : memref<64x4096xf32, #tpu.memory_space<vmem>>, vector<64x4096xf32>
    %reduce_sum3A = arith.constant dense<0.000000e+00> : vector<4096xf32>
    %reduce_sum3A_2 = vector.multi_reduction <add>, %get3A_1, %reduce_sum3A [0] : vector<64x4096xf32> to vector<4096xf32>
    %broadcast_in_dim3A = vector.shape_cast %reduce_sum3A_2 : vector<4096xf32> to vector<1x4096xf32>
    %div3A = arith.constant 6.400000e+01 : f32
    %div3A_3 = vector.broadcast %div3A : f32 to vector<1x4096xf32>
    %div3A_4 = arith.divf %broadcast_in_dim3A, %div3A_3 : vector<1x4096xf32>
    %sub3A = vector.broadcast %div3A_4 : vector<1x4096xf32> to vector<64x4096xf32>
    %sub3A_5 = arith.subf %get3A_1, %sub3A : vector<64x4096xf32>
    %mul3A = arith.mulf %sub3A_5, %sub3A_5 : vector<64x4096xf32>
    %reduce_sum3A_6 = arith.constant dense<0.000000e+00> : vector<4096xf32>
    %reduce_sum3A_7 = vector.multi_reduction <add>, %mul3A, %reduce_sum3A_6 [0] : vector<64x4096xf32> to vector<4096xf32>
    %broadcast_in_dim3A_8 = vector.shape_cast %reduce_sum3A_7 : vector<4096xf32> to vector<1x4096xf32>
    %div3A_9 = arith.constant 6.400000e+01 : f32
    %div3A_10 = vector.broadcast %div3A_9 : f32 to vector<1x4096xf32>
    %div3A_11 = arith.divf %broadcast_in_dim3A_8, %div3A_10 : vector<1x4096xf32>
    %add3A = arith.constant 9.99999974E-6 : f32
    %add3A_12 = vector.broadcast %add3A : f32 to vector<1x4096xf32>
    %add3A_13 = arith.addf %div3A_11, %add3A_12 : vector<1x4096xf32>
    %rsqrt3A = math.rsqrt %add3A_13 : vector<1x4096xf32>
    %mul3A_14 = vector.broadcast %rsqrt3A : vector<1x4096xf32> to vector<64x4096xf32>
    %mul3A_15 = arith.mulf %sub3A_5, %mul3A_14 : vector<64x4096xf32>
    %transpose3A = tpu.transpose %mul3A_15, [1, 0] : vector<64x4096xf32> -> vector<4096x64xf32>
    %get3A_16 = arith.constant 0 : index
    %get3A_17 = arith.constant 0 : index
    %get3A_18 = vector.load %arg2[%get3A_16, %get3A_17] : memref<1x64xf32, #tpu.memory_space<vmem>>, vector<1x64xf32>
    %mul3A_19 = vector.broadcast %get3A_18 : vector<1x64xf32> to vector<4096x64xf32>
    %mul3A_20 = arith.mulf %transpose3A, %mul3A_19 : vector<4096x64xf32>
    %get3A_21 = arith.constant 0 : index
    %get3A_22 = arith.constant 0 : index
    %get3A_23 = vector.load %arg3[%get3A_21, %get3A_22] : memref<1x64xf32, #tpu.memory_space<vmem>>, vector<1x64xf32>
    %add3A_24 = vector.broadcast %get3A_23 : vector<1x64xf32> to vector<4096x64xf32>
    %add3A_25 = arith.addf %mul3A_20, %add3A_24 : vector<4096x64xf32>
    %broadcast_in_dim3A_26 = arith.constant 0.000000e+00 : f32
    %broadcast_in_dim3A_27 = vector.broadcast %broadcast_in_dim3A_26 : f32 to vector<4096x64xf32>
    %concatenate3A = tpu.concatenate %add3A_25, %broadcast_in_dim3A_27 in 1 : vector<4096x64xf32>, vector<4096x64xf32> -> vector<4096x128xf32>
    %swap3A = arith.constant 0 : index
    %swap3A_28 = arith.constant 0 : index
    %swap3A_29 = vector.load %arg4[%swap3A, %swap3A_28] : memref<4096x128xf32, #tpu.memory_space<vmem>>, vector<4096x128xf32>
    tpu.vector_store %arg4[%swap3A, %swap3A_28], %concatenate3A {strides = array<i32>} : memref<4096x128xf32, #tpu.memory_space<vmem>>, vector<4096x128xf32>,
    return
  }
  func.func @transform_0(%arg0: i32) -> (i32, i32) {
    %c0_i32 = arith.constant 0 : i32
    %c0_i32_0 = arith.constant 0 : i32
    return %c0_i32, %arg0 : i32, i32
  }
  func.func @transform_1(%arg0: i32) -> (i32, i32) {
    %c0_i32 = arith.constant 0 : i32
    %c0_i32_0 = arith.constant 0 : i32
    %c0_i32_1 = arith.constant 0 : i32
    return %c0_i32, %c0_i32_0 : i32, i32
  }
  func.func @transform_2(%arg0: i32) -> (i32, i32) {
    %c0_i32 = arith.constant 0 : i32
    %c0_i32_0 = arith.constant 0 : i32
    %c0_i32_1 = arith.constant 0 : i32
    return %c0_i32, %c0_i32_0 : i32, i32
  }
  func.func @transform_3(%arg0: i32) -> (i32, i32) {
    %c0_i32 = arith.constant 0 : i32
    %c0_i32_0 = arith.constant 0 : i32
    return %arg0, %c0_i32 : i32, i32
  }
}

</mosaic_0001>

<sc_bundles>
// kernel: kernel.4.cloned.1.call-start
scs
__scs_entry_jumppad:
0x0: {  	(pc) =	sbr.rel $0x88, $3  }
0x1: {  	(tag) =	ssettag $0x0;
	lr =	simm.s32 $0x1  }
0x2: {  	[smem:$0x3F9D] =	sst lr;
	_ =	strace $0xD0000000  }
0x3: {  	_ = 	snop  }
0x4: {  	_ = 	snop  }
0x5: {  	_ = 	snop  }
0x6: {  	_ = 	snop  }
0x7: {  	_ = 	snop  }
__scs_overlays_trampoline_lowered:
0x8: {  	[smem:$0x3FAC] =	sst s0  }
0x9: {  	[smem:$0x3FAD] =	sst s1  }
0xa: {  	[smem:$0x3FAE] =	sst s2  }
0xb: {  	[smem:$0x3FAF] =	sst s3  }
0xc: {  	[smem:$0x3FB0] =	sst s4  }
0xd: {  	[smem:$0x3FB1] =	sst s5  }
0xe: {  	[smem:$0x3FB2] =	sst s6  }
0xf: {  	[smem:$0x3FB3] =	sst s7  }
0x10: {  	[smem:$0x3FB4] =	sst s8  }
0x11: {  	[smem:$0x3FB5] =	sst s9;
	s0 =	simm.s32 @!p0 $0x0  }
0x12: {  	s1 =	sld [smem:$0x3F9B];
	s0 =	simm.s32 @p0 $0x1  }
0x13: {  	[smem:$0x3FB6] =	sst s0;
	s0 =	simm.s32 @!p1 $0x0  }
0x14: {  	s2 =	sld [smem:$0x3F9A];
	s0 =	simm.s32 @p1 $0x1  }
0x15: {  	[smem:$0x3FB7] =	sst s0;
	s0 =	simm.s32 @!p2 $0x0  }
0x16: {  	s3 =	sld [smem:$0x3FDB];
	s0 =	simm.s32 @p2 $0x1  }
0x17: {  	s4 =	simm.s32 $0x1BF5;
	[smem:$0x3FB9] =	sst s0  }
0x18: {  	s0 =	sld [smem:$0x3F9C];
	_ =	swait.ge [sflag:s4], $0x0  }
0x19: {  	s7 =	sld [smem:$0x3F9D]  }
0x1a: {  	s8 =	sadd.s32 $0xFFFFE003, lr  }
0x1b: {  	s9 =	sadd.s32 $0xFFFFFEF7, lr;
	s5 =	simm.s32 $0xFFFFFFFF;
	p2 =	slt.u32 s8, $0xFFFFF086  }
0x1c: {  	p1 =	slt.u32 s9, $0xF7A;
	s5 =	simm.s32 @!p2 $0x0  }
0x1d: {  	s5 =	simm.s32 @p1 $0x1;
	p0 =	seq.s32 s7, s2  }
0x1e: {  	s7 =	smul.u32 @!p0 $0xF7A, s2;
	p2 =	seq.s32 @!p0 s5, $0x0  }
0x1f: {  	s9 =	smul.u32 $0xF7A, s1;
	s8 =	simm.s32 @!p0 $0x1BF5;
	p2 =	por !p2, p0  }
0x20: {  	[sflag:s8] =	ssyncset.s32 @!p0 $0xFFFFF086;
	s6 =	sadd.s32 @!p0 s3, s7;
	s7 =	simm.s32 @!p0 $0x108  }
0x21: {  	s3 =	sadd.s32 s3, s9;
	s6 =	sadd.s32 @!p0 $0x88, s6;
	s7 =	simm.s32 @p2 $0x1082  }
0x22: {  	[simem:s7], [sflag:s8] =	dma.local @!p0 [hbm:s6], $0xF7A  }
0x23: {  	s9 =	sor.u32 $0xD0000000, s2;
	s6 =	simm.s32 $0x108;
	_ =	swait.ge @!p0 [sflag:s8], $0x0  }
0x24: {  	s3 =	sadd.s32 $0x88, s3;
	s6 =	simm.s32 @!p1 $0x1082;
	[sflag:s4] =	ssyncset.s32 $0xFFFFF086  }
0x25: {  	[simem:s6], [sflag:s4] =	dma.local [hbm:s3], $0xF7A  }
0x26: {  	[smem:$0x3F9D] =	sst s1;
	(tag) =	ssettag s2;
	_ =	strace s9  }
0x27: {  	s1 =	sld [smem:$0x3FAD]  }
0x28: {  	s2 =	sld [smem:$0x3FAE]  }
0x29: {  	s4 =	sld [smem:$0x3FB0]  }
0x2a: {  	p0 =	seq.s32 s5, $0x0;
	s5 =	sld [smem:$0x3FB1]  }
0x2b: {  	s6 =	sld [smem:$0x3FB2]  }
0x2c: {  	s7 =	sld [smem:$0x3FB3]  }
0x2d: {  	s3 =	simm.s32 $0x108;
	s8 =	sld [smem:$0x3FB4]  }
0x2e: {  	s3 =	simm.s32 @!p0 $0x1082;
	s9 =	sld [smem:$0x3FB5]  }
0x2f: {  	lr =	sadd.s32 s0, s3;
	s0 =	sld [smem:$0x3FAC]  }
0x30: {  	s3 =	sld [smem:$0x3FAF]  }
0x31: {  	[smem:$0x3FB8] =	sst s10  }
0x32: {  	s10 =	sld [smem:$0x3FB6];
	_ =	sdelay $0x3  }
0x33: {  	p0 =	seq.s32 s10, $0x1;
	s10 =	sld [smem:$0x3FB8];
	_ =	sdelay $0x3  }
0x34: {  	[smem:$0x3FB8] =	sst s10  }
0x35: {  	s10 =	sld [smem:$0x3FB7];
	_ =	sdelay $0x3  }
0x36: {  	p1 =	seq.s32 s10, $0x1;
	s10 =	sld [smem:$0x3FB8];
	_ =	sdelay $0x3  }
0x37: {  	[smem:$0x3FB8] =	sst s10  }
0x38: {  	s10 =	sld [smem:$0x3FB9]  }
0x39: {  	_ = 	snop;
	(pc) =	sbr.ind lr, $3  }
0x3a: {  	_ = 	snop  }
0x3b: {  	_ = 	snop  }
0x3c: {  	p2 =	seq.s32 s10, $0x1;
	s10 =	sld [smem:$0x3FB8]  }
0x3d: {  	_ =	shalt  }
0x3e: {  	_ =	shalt  }
0x3f: {  	_ =	shalt  }
0x40: {  	_ =	shalt  }
0x41: {  	_ =	shalt  }
0x42: {  	_ =	shalt  }
0x43: {  	_ =	shalt  }
0x44: {  	_ =	shalt  }
0x45: {  	_ =	shalt  }
0x46: {  	_ =	shalt  }
0x47: {  	_ =	shalt  }
0x48: {  	_ =	shalt  }
0x49: {  	_ =	shalt  }
0x4a: {  	_ =	shalt  }
0x4b: {  	_ =	shalt  }
0x4c: {  	_ =	shalt  }
0x4d: {  	_ =	shalt  }
0x4e: {  	_ =	shalt  }
0x4f: {  	_ =	shalt  }
0x50: {  	_ =	shalt  }
0x51: {  	_ =	shalt  }
0x52: {  	_ =	shalt  }
0x53: {  	_ =	shalt  }
0x54: {  	_ =	shalt  }
0x55: {  	_ =	shalt  }
0x56: {  	_ =	shalt  }
0x57: {  	_ =	shalt  }
0x58: {  	_ =	shalt  }
0x59: {  	_ =	shalt  }
0x5a: {  	_ =	shalt  }
0x5b: {  	_ =	shalt  }
0x5c: {  	_ =	shalt  }
0x5d: {  	_ =	shalt  }
0x5e: {  	_ =	shalt  }
0x5f: {  	_ =	shalt  }
0x60: {  	_ =	shalt  }
0x61: {  	_ =	shalt  }
0x62: {  	_ =	shalt  }
0x63: {  	_ =	shalt  }
0x64: {  	_ =	shalt  }
0x65: {  	_ =	shalt  }
0x66: {  	_ =	shalt  }
0x67: {  	_ =	shalt  }
0x68: {  	_ =	shalt  }
0x69: {  	_ =	shalt  }
0x6a: {  	_ =	shalt  }
0x6b: {  	_ =	shalt  }
0x6c: {  	_ =	shalt  }
0x6d: {  	_ =	shalt  }
0x6e: {  	_ =	shalt  }
0x6f: {  	_ =	shalt  }
0x70: {  	_ =	shalt  }
0x71: {  	_ =	shalt  }
0x72: {  	_ =	shalt  }
0x73: {  	_ =	shalt  }
0x74: {  	_ =	shalt  }
0x75: {  	_ =	shalt  }
0x76: {  	_ =	shalt  }
0x77: {  	_ =	shalt  }
0x78: {  	_ =	shalt  }
0x79: {  	_ =	shalt  }
0x7a: {  	_ =	shalt  }
0x7b: {  	_ =	shalt  }
0x7c: {  	_ =	shalt  }
0x7d: {  	_ =	shalt  }
0x7e: {  	_ =	shalt  }
0x7f: {  	_ =	shalt  }
0x80: {  	_ =	shalt  }
0x81: {  	_ =	shalt  }
0x82: {  	_ =	shalt  }
0x83: {  	_ =	shalt  }
0x84: {  	_ =	shalt  }
0x85: {  	_ =	shalt  }
0x86: {  	_ =	shalt  }
0x87: {  	_ =	shalt  }
.Lfunc_end0:
.L_simem_size_0:
called_computation_lowered:
.L_overlay_start_0:
0x88: {  	s2 =	sld [smem:$0x3FD9]  }
0x89: {  	s3 =	sld [smem:$0x3FFE];
	_ =	sdelay $0x1  }
0x8a: {  	s1 =	srdreg.scid  }
0x8b: {  	s0 =	sand.u32 $0x1, s1  }
0x8c: {  	s17 =	sshll.u32 s0, $0xA;
	s2 =	sadd.s32 s3, s2  }
0x8d: {  	s2 =	sadd.s32 s2, s17  }
0x8e: {  	[smem:$0x3FC4] =	sst s2  }
0x8f: {  	_ = 	snop  }
0x90: {  	s2 =	sld [smem:$0x3FD0];
	(tm) =	ssettm $0x1  }
0x91: {  	s18 =	sld [smem:$0x3FFB];
	_ =	sdelay $0x3  }
0x92: {  	_ =	strace s18  }
0x93: {  	s3 =	sld [smem:$0x3FFC];
	_ =	sdelay $0x3  }
0x94: {  	_ =	strace s3  }
0x95: {  	s3 =	sld [smem:$0x3FFD];
	_ =	sdelay $0x3  }
0x96: {  	_ =	strace s3  }
0x97: {  	_ =	strace $0x8FFFFFFF  }
0x98: {  	s19 =	sld [smem:$0x3FDB];
	_ =	sdelay $0x1  }
0x99: {  	s4 =	simm.s32 $_scs_section_size  }
0x9a: {  	s5 =	simm.s32 $_size__tile_overlayer_lowered;
	s6 =	simm.s32 $_tile_overlayer_lowered  }
0x9b: {  	s22 =	simm.s32 $0x1BFF;
	s21 =	sshll.u32 s6, $0x1;
	s3 =	sadd.s32 s4, s19  }
0x9c: {  	s7 =	simm.s32 $0x0;
	s20 =	sshll.u32 s5, $0x1;
	s5 =	sadd.s32 s21, s3  }
0x9d: {  	[timem:s7], [sflag:s22] =	dma.local [hbm:s5], s20  }
0x9e: {  	_ =	swait.ge [sflag:s22], s20  }
0x9f: {  	s4 =	ssub.s32 $0x0, s20;
	[sflag:s22] =	ssyncset.done $0x0  }
0xa0: {  	[sflag:s22] =	ssyncadd.s32 s4;
	_ =	sdelay $0x1  }
0xa1: {  	s23 =	simm.s32 $0x1B8B  }
0xa2: {  	_ =	swait.ge [sflag:s23], $0x1  }
0xa3: {  	[sflag:s23] =	ssyncset.done $0x0  }
0xa4: {  	s25 =	simm.s32 $0x1B8E;
	s24 =	sld [smem:$0x3FFE];
	[sflag:s23] =	ssyncadd.s32 $0xFFFFFFFF  }
0xa5: {  	s26 =	simm.s32 $execute0_lowered;
	[smem:$0x3FD2] =	sst s25  }
0xa6: {  	s5 =	sshll.u32 s26, $0x1;
	_ =	strace $0x80000046;
	[dreg:$0x1] =	wrdreg $0xFFFFFFFF  }
0xa7: {  	s28 =	simm.s32 $_size_execute0_lowered;
	s3 =	sadd.s32 s3, s5;
	[dreg:$0x0] =	wrdreg $0x0  }
0xa8: {  	s5 =	sshll.u32 s28, $0x1;
	[dreg:$0x2] =	wrdreg s3  }
0xa9: {  	[dreg:$0x3] =	wrdreg s5  }
0xaa: {  	[dreg:$0x4] =	wrdreg $0xC0  }
0xab: {  	_ =	task [dreg:s7], $0x5FFFF  }
0xac: {  	[dreg:$0x1] =	wrdreg $0xFFFFFFFF  }
0xad: {  	[dreg:$0x0] =	wrdreg $0x60  }
0xae: {  	[dreg:$0x2] =	wrdreg s2  }
0xaf: {  	[dreg:$0x3] =	wrdreg s24  }
0xb0: {  	[dreg:$0x4] =	wrdreg $0x9  }
0xb1: {  	_ =	task.clear_ibuf [dreg:s7], $0x5FFFF;
	_ =	strace $0x90000046  }
0xb2: {  	s29 =	simm.s32 $0x9;
	_ =	strace $0x80000048  }
0xb3: {  	_ =	swait.ge [sflag:s29], $0x1  }
0xb4: {  	[sflag:s29] =	ssyncadd.s32 $0xFFFFFFFF  }
0xb5: {  	_ =	strace $0x90000048  }
0xb6: {  	_ =	sfence  }
0xb7: {  	s30 =	sld [smem:$0x0];
	_ =	sdelay $0x2  }
0xb8: {  	s31 =	sshll.u32 s1, $0xD;
	s1 =	sshrl.u32 s1, $0x2  }
0xb9: {  	s3 =	sand.u32 $0x4000, s31;
	s1 =	sadd.s32 s1, s30  }
0xba: {  	s0 =	sor.u32 s3, s0;
	s1 =	sshll.u32 s1, $0x11  }
0xbb: {  	s0 =	sor.u32 s1, s0  }
0xbc: {  	s0 =	sadd.s32 $0x8F2B, s0  }
0xbd: {  	[sflag:s0] =	ssyncadd.remote.s32 $0x1  }
0xbe: {  	_ =	sfence.sel $0xFFFF  }
0xbf: {  	[dreg:$0x0] =	wrdreg $0xFFFFFFFF;
	(pc) =	sbr.abs _section_cstart, $3  }
0xc0: {  	[dreg:$0x1] =	wrdreg $0xFFFFFFFF  }
0xc1: {  	_ =	task.clear_ibuf [dreg:s7], $0x2FFFF;
	_ =	strace $0x9FFFFFFF  }
0xc2: {  	(tm) =	ssettm $0x7FFFFFFF  }
0xc3: {  	_ =	shalt  }
tec
execute0_lowered:
.L_overlay_start_1:
0x0: {  	(tag) =	ssettag $0x1  }
0x1: {  	s2 =	rddreg [dreg:$0x0];
	s0 =	srdreg.scid  }
0x2: {  	s3 =	stileid.u32;
	s1 =	rddreg [dreg:$0x1];
	s19 =	simm.s32 $0x80  }
0x3: {  	s28 =	simm.s32 $0xC100;
	s29 =	simm.s32 $0x3;
	s30 =	simm.s32 $0x4  }
0x4: {  	s31 =	simm.s32 $0x0;
	s0 =	sand.u32 $0x1, s0;
	s4 =	sshll.u32 s3, $0x1  }
0x5: {  	s3 =	simm.s32 $0x0;
	s5 =	sadd.s32 $0x19800, s1;
	s7 =	sor.u32 s0, s4  }
0x6: {  	[smem:$0x7FF] =	sst s3;
	s0 =	ssub.s32 $0x2, s0;
	s8 =	smul.u32 $0x6400, s7  }
0x7: {  	s4 =	sadd.s32 $0x800, s1;
	s20 =	sshrl.u32 s0, $0x1;
	s23 =	smul.u32 $0x64000, s7  }
0x8: {  	_ =	strace $0x80000047;
	s7 =	smul.u32 $0x320000, s7;
	s0 =	ssub.s32 s0, s20  }
0x9: {  	s20 =	simm.s32 $0x5;
	s9 =	sor.u32 $0x80, s8;
	s21 =	sshrl.u32 s8, $0x3  }
0xa: {  	s1 =	sadd.s32 s5, s23;
	s12 =	sor.u32 $0x200, s8;
	s13 =	sor.u32 $0x100, s8  }
0xb: {  	s26 =	sshrl.u32 s7, $0x3;
	s14 =	sor.u32 $0x280, s8;
	s15 =	sor.u32 $0x180, s8  }
0xc: {  	s18 =	smax.u32 s0, $0x1;
	s23 =	simm.s32 $0x4100;
	s10 =	sshrl.u32 s9, $0x3  }
0xd: {  	s6 =	sadd.s32 s4, s21;
	s9 =	sshll.u32 s9, $0x4;
	[dreg:$0x5] =	wrdreg s1  }
0xe: {  	s1 =	sadd.s32 s5, s26;
	s21 =	simm.s32 $0x100;
	s22 =	sadd.s32 s4, s10  }
0xf: {  	s26 =	simm.s32 $0x2;
	s24 =	sadd.s32 $0x20, s6;
	[dreg:$0x3] =	wrdreg s22  }
0x10: {  	s25 =	sadd.s32 $0x30, s6;
	s11 =	sadd.s32 s5, s9;
	[dreg:$0x4] =	wrdreg s24  }
0x11: {  	s16 =	sadd.s32 $0x63000, s1;
	s17 =	sadd.s32 $0x63800, s1;
	[dreg:$0x6] =	wrdreg s25  }
0x12: {  	s22 =	simm.s32 $0x6;
	s24 =	simm.s32 $0x1;
	s25 =	simm.s32 $0x8100  }
.LBB2_1:
0x13: {  	[tilespmem:s3], [sflag:$0x5] =	stream.linear.gather [hbm4b:s6+s3], $0x80, $0x38;
	[tilespmem:$0x10100] =	vst v63  }
0x14: {  	s0 =	rddreg [dreg:$0x3]  }
0x15: {  	[tilespmem:s19], [sflag:$0x6] =	stream.linear.gather [hbm4b:s0+s3], $0x80, $0x38;
	[tilespmem:$0x10100] =	vst v63  }
0x16: {  	_ =	swait.ge [sflag:s20], $0x80  }
0x17: {  	[sflag:s20] =	ssyncset.done $0x0  }
0x18: {  	[sflag:s20] =	ssyncadd.s32 $0xFFFFFF80  }
0x19: {  	[tilespmem:s21], [sflag:$0x1] =	stream.indirect.gather [hbm4b:s2+s19], $0x80, s3, s19, $0xb8;
	[tilespmem:$0x10100] =	vst v63  }
0x1a: {  	_ =	swait.ge [sflag:s22], $0x80  }
0x1b: {  	[sflag:s22] =	ssyncset.done $0x0  }
0x1c: {  	[sflag:s22] =	ssyncadd.s32 $0xFFFFFF80  }
0x1d: {  	[tilespmem:s23], [sflag:$0x2] =	stream.indirect.gather [hbm4b:s2+s19], $0x80, s19, s19, $0xb8;
	[tilespmem:$0x10100] =	vst v63  }
0x1e: {  	_ =	swait.ge [sflag:s24], $0x4000  }
0x1f: {  	[sflag:s24] =	ssyncset.done $0x0  }
0x20: {  	s0 =	simm.s32 $0x0;
	s10 =	rddreg [dreg:$0x4];
	[sflag:s24] =	ssyncadd.s32 $0xFFFFC000  }
0x21: {  	[tilespmem:s3], [sflag:$0x5] =	stream.linear.gather [hbm4b:s10+s3], $0x80, $0x38;
	[tilespmem:$0x10100] =	vst v63  }
0x22: {  	v0 =	vld [tilespmem:s0+$0x4B0]  }
0x23: {  	v1 =	vld [tilespmem:s0+$0x100]  }
0x24: {  	v2 =	vld [tilespmem:s0+$0x110]  }
0x25: {  	v3 =	vld [tilespmem:s0+$0x120]  }
0x26: {  	v4 =	vld [tilespmem:s0+$0x130]  }
0x27: {  	v5 =	vld [tilespmem:s0+$0x180];
	[tilespmem:s0+$0x84B0] =	vst v0  }
0x28: {  	[tilespmem:s0+$0x8100] =	vst v1;
	v0 =	vld [tilespmem:s0+$0x190]  }
0x29: {  	[tilespmem:s0+$0x8110] =	vst v2;
	v1 =	vld [tilespmem:s0+$0x1A0]  }
0x2a: {  	[tilespmem:s0+$0x8120] =	vst v3;
	v2 =	vld [tilespmem:s0+$0x1B0]  }
0x2b: {  	[tilespmem:s0+$0x8130] =	vst v4;
	v3 =	vld [tilespmem:s0+$0x200]  }
0x2c: {  	[tilespmem:s0+$0x8180] =	vst v5;
	v4 =	vld [tilespmem:s0+$0x210]  }
0x2d: {  	v5 =	vld [tilespmem:s0+$0x410];
	[tilespmem:s0+$0x8190] =	vst v0  }
0x2e: {  	v0 =	vld [tilespmem:s0+$0x220];
	[tilespmem:s0+$0x81A0] =	vst v1  }
0x2f: {  	v1 =	vld [tilespmem:s0+$0x230];
	[tilespmem:s0+$0x81B0] =	vst v2  }
0x30: {  	v2 =	vld [tilespmem:s0+$0x280];
	[tilespmem:s0+$0x8200] =	vst v3  }
0x31: {  	v3 =	vld [tilespmem:s0+$0x290];
	[tilespmem:s0+$0x8210] =	vst v4  }
0x32: {  	v4 =	vld [tilespmem:s0+$0x2A0];
	[tilespmem:s0+$0x8410] =	vst v5  }
0x33: {  	[tilespmem:s0+$0x8220] =	vst v0;
	v0 =	vld [tilespmem:s0+$0x2B0]  }
0x34: {  	[tilespmem:s0+$0x8230] =	vst v1;
	v1 =	vld [tilespmem:s0+$0x300]  }
0x35: {  	[tilespmem:s0+$0x8280] =	vst v2;
	v2 =	vld [tilespmem:s0+$0x310]  }
0x36: {  	[tilespmem:s0+$0x8290] =	vst v3;
	v3 =	vld [tilespmem:s0+$0x320]  }
0x37: {  	[tilespmem:s0+$0x82A0] =	vst v4;
	v4 =	vld [tilespmem:s0+$0x330]  }
0x38: {  	[tilespmem:s0+$0x82B0] =	vst v0;
	v0 =	vld [tilespmem:s0+$0x380]  }
0x39: {  	[tilespmem:s0+$0x8300] =	vst v1;
	v1 =	vld [tilespmem:s0+$0x390]  }
0x3a: {  	[tilespmem:s0+$0x8310] =	vst v2;
	v2 =	vld [tilespmem:s0+$0x3A0]  }
0x3b: {  	[tilespmem:s0+$0x8320] =	vst v3;
	v3 =	vld [tilespmem:s0+$0x3B0]  }
0x3c: {  	[tilespmem:s0+$0x8330] =	vst v4;
	v4 =	vld [tilespmem:s0+$0x400]  }
0x3d: {  	[tilespmem:s0+$0x8380] =	vst v0;
	v0 =	vld [tilespmem:s0+$0x420]  }
0x3e: {  	[tilespmem:s0+$0x8390] =	vst v1;
	v1 =	vld [tilespmem:s0+$0x430]  }
0x3f: {  	[tilespmem:s0+$0x83A0] =	vst v2;
	v2 =	vld [tilespmem:s0+$0x480]  }
0x40: {  	[tilespmem:s0+$0x83B0] =	vst v3;
	v3 =	vld [tilespmem:s0+$0x490]  }
0x41: {  	s7 =	simm.s32 $0x400;
	s1 =	simm.s32 $0x2000;
	[tilespmem:s0+$0x8400] =	vst v4;
	v4 =	vld [tilespmem:s0+$0x4A0]  }
.LBB2_2:
0x42: {  	p0 =	sne.s32 s1, $0xF000;
	v5 =	vld [tilespmem:s7+$0x4B0];
	[tilespmem:s0+$0x8420] =	vst v0  }
0x43: {  	v0 =	vld [tilespmem:s7+$0x100];
	[tilespmem:s0+$0x8430] =	vst v1  }
0x44: {  	v1 =	vld [tilespmem:s7+$0x110];
	[tilespmem:s0+$0x8480] =	vst v2  }
0x45: {  	v2 =	vld [tilespmem:s7+$0x120];
	[tilespmem:s0+$0x8490] =	vst v3  }
0x46: {  	v3 =	vld [tilespmem:s7+$0x130];
	[tilespmem:s0+$0x84A0] =	vst v4;
	s0 =	smov.u32 s7  }
0x47: {  	v4 =	vld [tilespmem:s0+$0x180];
	[tilespmem:s0+$0x84B0] =	vst v5  }
0x48: {  	[tilespmem:s0+$0x8100] =	vst v0;
	v0 =	vld [tilespmem:s0+$0x190]  }
0x49: {  	[tilespmem:s0+$0x8110] =	vst v1;
	v1 =	vld [tilespmem:s0+$0x1A0]  }
0x4a: {  	[tilespmem:s0+$0x8120] =	vst v2;
	v2 =	vld [tilespmem:s0+$0x1B0]  }
0x4b: {  	[tilespmem:s0+$0x8130] =	vst v3;
	v3 =	vld [tilespmem:s0+$0x200]  }
0x4c: {  	[tilespmem:s0+$0x8180] =	vst v4;
	v4 =	vld [tilespmem:s0+$0x210]  }
0x4d: {  	[tilespmem:s0+$0x8190] =	vst v0;
	v0 =	vld [tilespmem:s0+$0x220]  }
0x4e: {  	[tilespmem:s0+$0x81A0] =	vst v1;
	v1 =	vld [tilespmem:s0+$0x230]  }
0x4f: {  	[tilespmem:s0+$0x81B0] =	vst v2;
	v2 =	vld [tilespmem:s0+$0x280]  }
0x50: {  	[tilespmem:s0+$0x8200] =	vst v3;
	v3 =	vld [tilespmem:s0+$0x290]  }
0x51: {  	[tilespmem:s0+$0x8210] =	vst v4;
	v4 =	vld [tilespmem:s0+$0x2A0]  }
0x52: {  	[tilespmem:s0+$0x8220] =	vst v0;
	v0 =	vld [tilespmem:s0+$0x2B0]  }
0x53: {  	[tilespmem:s0+$0x8230] =	vst v1;
	v1 =	vld [tilespmem:s0+$0x300]  }
0x54: {  	[tilespmem:s0+$0x8280] =	vst v2;
	v2 =	vld [tilespmem:s0+$0x310]  }
0x55: {  	[tilespmem:s0+$0x8290] =	vst v3;
	v3 =	vld [tilespmem:s0+$0x320]  }
0x56: {  	[tilespmem:s0+$0x82A0] =	vst v4;
	v4 =	vld [tilespmem:s0+$0x330]  }
0x57: {  	[tilespmem:s0+$0x82B0] =	vst v0;
	v0 =	vld [tilespmem:s0+$0x380]  }
0x58: {  	[tilespmem:s0+$0x8300] =	vst v1;
	v1 =	vld [tilespmem:s0+$0x390]  }
0x59: {  	[tilespmem:s0+$0x8310] =	vst v2;
	v2 =	vld [tilespmem:s0+$0x3A0]  }
0x5a: {  	[tilespmem:s0+$0x8320] =	vst v3;
	v3 =	vld [tilespmem:s0+$0x3B0]  }
0x5b: {  	[tilespmem:s0+$0x8330] =	vst v4;
	v4 =	vld [tilespmem:s0+$0x400]  }
0x5c: {  	[tilespmem:s0+$0x8380] =	vst v0;
	v5 =	vld [tilespmem:s0+$0x410]  }
.Ltmp0:
0x5d: {  	[tilespmem:s0+$0x8390] =	vst v1;
	v0 =	vld [tilespmem:s0+$0x420];
	(pc) =	sbr.rel @p0 .LBB2_2-.Ltmp0, $4  }
0x5e: {  	[tilespmem:s0+$0x83A0] =	vst v2;
	v1 =	vld [tilespmem:s0+$0x430]  }
0x5f: {  	[tilespmem:s0+$0x83B0] =	vst v3;
	v2 =	vld [tilespmem:s0+$0x480]  }
0x60: {  	[tilespmem:s0+$0x8400] =	vst v4;
	v3 =	vld [tilespmem:s0+$0x490]  }
0x61: {  	s7 =	sshra.s32 s1, $0x2;
	s1 =	sadd.s32 $0x1000, s1;
	[tilespmem:s0+$0x8410] =	vst v5;
	v4 =	vld [tilespmem:s0+$0x4A0]  }
0x62: {  	v5 =	vld [tilespmem:s7+$0x4B0];
	[tilespmem:s0+$0x8420] =	vst v0  }
0x63: {  	v0 =	vld [tilespmem:s7+$0x100];
	[tilespmem:s0+$0x8430] =	vst v1  }
0x64: {  	v1 =	vld [tilespmem:s7+$0x110];
	[tilespmem:s0+$0x8480] =	vst v2  }
0x65: {  	v2 =	vld [tilespmem:s7+$0x120];
	[tilespmem:s0+$0x8490] =	vst v3  }
0x66: {  	v3 =	vld [tilespmem:s7+$0x130];
	[tilespmem:s0+$0x84A0] =	vst v4  }
0x67: {  	v4 =	vld [tilespmem:s7+$0x180];
	[tilespmem:s7+$0x84B0] =	vst v5  }
0x68: {  	[tilespmem:s7+$0x8100] =	vst v0;
	v0 =	vld [tilespmem:s7+$0x190]  }
0x69: {  	[tilespmem:s7+$0x8110] =	vst v1;
	v1 =	vld [tilespmem:s7+$0x1A0]  }
0x6a: {  	[tilespmem:s7+$0x8120] =	vst v2;
	v2 =	vld [tilespmem:s7+$0x1B0]  }
0x6b: {  	[tilespmem:s7+$0x8130] =	vst v3;
	v3 =	vld [tilespmem:s7+$0x200]  }
0x6c: {  	[tilespmem:s7+$0x8180] =	vst v4;
	v4 =	vld [tilespmem:s7+$0x210]  }
0x6d: {  	[tilespmem:s7+$0x8190] =	vst v0;
	v0 =	vld [tilespmem:s7+$0x220]  }
0x6e: {  	[tilespmem:s7+$0x81A0] =	vst v1;
	v1 =	vld [tilespmem:s7+$0x230]  }
0x6f: {  	[tilespmem:s7+$0x81B0] =	vst v2;
	v2 =	vld [tilespmem:s7+$0x280]  }
0x70: {  	[tilespmem:s7+$0x8200] =	vst v3;
	v3 =	vld [tilespmem:s7+$0x290]  }
0x71: {  	[tilespmem:s7+$0x8210] =	vst v4;
	v4 =	vld [tilespmem:s7+$0x2A0]  }
0x72: {  	[tilespmem:s7+$0x8220] =	vst v0;
	v0 =	vld [tilespmem:s7+$0x2B0]  }
0x73: {  	[tilespmem:s7+$0x8230] =	vst v1;
	v1 =	vld [tilespmem:s7+$0x300]  }
0x74: {  	[tilespmem:s7+$0x8280] =	vst v2;
	v2 =	vld [tilespmem:s7+$0x310]  }
0x75: {  	[tilespmem:s7+$0x8290] =	vst v3;
	v3 =	vld [tilespmem:s7+$0x320]  }
0x76: {  	[tilespmem:s7+$0x82A0] =	vst v4;
	v4 =	vld [tilespmem:s7+$0x330]  }
0x77: {  	[tilespmem:s7+$0x82B0] =	vst v0;
	v0 =	vld [tilespmem:s7+$0x380]  }
0x78: {  	[tilespmem:s7+$0x8300] =	vst v1;
	v1 =	vld [tilespmem:s7+$0x390]  }
0x79: {  	[tilespmem:s7+$0x8310] =	vst v2;
	v2 =	vld [tilespmem:s7+$0x3A0]  }
0x7a: {  	[tilespmem:s7+$0x8320] =	vst v3;
	v3 =	vld [tilespmem:s7+$0x3B0]  }
0x7b: {  	[tilespmem:s7+$0x8330] =	vst v4;
	v4 =	vld [tilespmem:s7+$0x400]  }
0x7c: {  	[tilespmem:s7+$0x8380] =	vst v0;
	v0 =	vld [tilespmem:s7+$0x410]  }
0x7d: {  	[tilespmem:s7+$0x8390] =	vst v1;
	v1 =	vld [tilespmem:s7+$0x420]  }
0x7e: {  	[tilespmem:s7+$0x83A0] =	vst v2;
	v2 =	vld [tilespmem:s7+$0x430]  }
0x7f: {  	[tilespmem:s7+$0x83B0] =	vst v3;
	v3 =	vld [tilespmem:s7+$0x480]  }
0x80: {  	[tilespmem:s7+$0x8400] =	vst v4;
	v4 =	vld [tilespmem:s7+$0x490]  }
0x81: {  	[tilespmem:s7+$0x8410] =	vst v0;
	v0 =	vld [tilespmem:s7+$0x4A0]  }
0x82: {  	[tilespmem:s7+$0x8420] =	vst v1  }
0x83: {  	[tilespmem:s7+$0x8430] =	vst v2  }
0x84: {  	[tilespmem:s7+$0x8480] =	vst v3  }
0x85: {  	[tilespmem:s7+$0x8490] =	vst v4  }
0x86: {  	s9 =	simm.s32 $0x0;
	s1 =	rddreg [dreg:$0x5];
	[tilespmem:s7+$0x84A0] =	vst v0  }
0x87: {  	[hbm4b:s1+s9] =	stream.linear.scatter [tilespmem:s25], [sflag:$0x3], $0x4000, $0x38;
	[tilespmem:$0x10100] =	vst v63  }
0x88: {  	_ =	swait.ge [sflag:s20], $0x80  }
0x89: {  	[sflag:s20] =	ssyncset.done $0x0  }
0x8a: {  	[sflag:s20] =	ssyncadd.s32 $0xFFFFFF80  }
0x8b: {  	[tilespmem:s21], [sflag:$0x1] =	stream.indirect.gather [hbm4b:s2+s19], $0x80, s9, s19, $0xb8;
	[tilespmem:$0x10100] =	vst v63  }
0x8c: {  	_ =	swait.ge [sflag:s26], $0x4000  }
0x8d: {  	[sflag:s26] =	ssyncset.done $0x0  }
0x8e: {  	s0 =	simm.s32 $0x0;
	s10 =	rddreg [dreg:$0x6];
	[sflag:s26] =	ssyncadd.s32 $0xFFFFC000  }
0x8f: {  	[tilespmem:s19], [sflag:$0x6] =	stream.linear.gather [hbm4b:s10+s9], $0x80, $0x38;
	[tilespmem:$0x10100] =	vst v63  }
0x90: {  	v0 =	vld [tilespmem:s0+$0x44B0]  }
0x91: {  	v1 =	vld [tilespmem:s0+$0x4100]  }
0x92: {  	v2 =	vld [tilespmem:s0+$0x4110]  }
0x93: {  	v3 =	vld [tilespmem:s0+$0x4120]  }
0x94: {  	v4 =	vld [tilespmem:s0+$0x4130]  }
0x95: {  	v5 =	vld [tilespmem:s0+$0x4180];
	[tilespmem:s0+$0xC4B0] =	vst v0  }
0x96: {  	[tilespmem:s0+$0xC100] =	vst v1;
	v0 =	vld [tilespmem:s0+$0x4190]  }
0x97: {  	[tilespmem:s0+$0xC110] =	vst v2;
	v1 =	vld [tilespmem:s0+$0x41A0]  }
0x98: {  	[tilespmem:s0+$0xC120] =	vst v3;
	v2 =	vld [tilespmem:s0+$0x41B0]  }
0x99: {  	[tilespmem:s0+$0xC130] =	vst v4;
	v3 =	vld [tilespmem:s0+$0x4200]  }
0x9a: {  	[tilespmem:s0+$0xC180] =	vst v5;
	v4 =	vld [tilespmem:s0+$0x4210]  }
0x9b: {  	v5 =	vld [tilespmem:s0+$0x4410];
	[tilespmem:s0+$0xC190] =	vst v0  }
0x9c: {  	v0 =	vld [tilespmem:s0+$0x4220];
	[tilespmem:s0+$0xC1A0] =	vst v1  }
0x9d: {  	v1 =	vld [tilespmem:s0+$0x4230];
	[tilespmem:s0+$0xC1B0] =	vst v2  }
0x9e: {  	v2 =	vld [tilespmem:s0+$0x4280];
	[tilespmem:s0+$0xC200] =	vst v3  }
0x9f: {  	v3 =	vld [tilespmem:s0+$0x4290];
	[tilespmem:s0+$0xC210] =	vst v4  }
0xa0: {  	v4 =	vld [tilespmem:s0+$0x42A0];
	[tilespmem:s0+$0xC410] =	vst v5  }
0xa1: {  	[tilespmem:s0+$0xC220] =	vst v0;
	v0 =	vld [tilespmem:s0+$0x42B0]  }
0xa2: {  	[tilespmem:s0+$0xC230] =	vst v1;
	v1 =	vld [tilespmem:s0+$0x4300]  }
0xa3: {  	[tilespmem:s0+$0xC280] =	vst v2;
	v2 =	vld [tilespmem:s0+$0x4310]  }
0xa4: {  	[tilespmem:s0+$0xC290] =	vst v3;
	v3 =	vld [tilespmem:s0+$0x4320]  }
0xa5: {  	[tilespmem:s0+$0xC2A0] =	vst v4;
	v4 =	vld [tilespmem:s0+$0x4330]  }
0xa6: {  	[tilespmem:s0+$0xC2B0] =	vst v0;
	v0 =	vld [tilespmem:s0+$0x4380]  }
0xa7: {  	[tilespmem:s0+$0xC300] =	vst v1;
	v1 =	vld [tilespmem:s0+$0x4390]  }
0xa8: {  	[tilespmem:s0+$0xC310] =	vst v2;
	v2 =	vld [tilespmem:s0+$0x43A0]  }
0xa9: {  	[tilespmem:s0+$0xC320] =	vst v3;
	v3 =	vld [tilespmem:s0+$0x43B0]  }
0xaa: {  	[tilespmem:s0+$0xC330] =	vst v4;
	v4 =	vld [tilespmem:s0+$0x4400]  }
0xab: {  	[tilespmem:s0+$0xC380] =	vst v0;
	v0 =	vld [tilespmem:s0+$0x4420]  }
0xac: {  	[tilespmem:s0+$0xC390] =	vst v1;
	v1 =	vld [tilespmem:s0+$0x4430]  }
0xad: {  	[tilespmem:s0+$0xC3A0] =	vst v2;
	v2 =	vld [tilespmem:s0+$0x4480]  }
0xae: {  	[tilespmem:s0+$0xC3B0] =	vst v3;
	v3 =	vld [tilespmem:s0+$0x4490]  }
0xaf: {  	s7 =	simm.s32 $0x400;
	s1 =	simm.s32 $0x2000;
	[tilespmem:s0+$0xC400] =	vst v4;
	v4 =	vld [tilespmem:s0+$0x44A0]  }
.LBB2_4:
0xb0: {  	p0 =	sne.s32 s1, $0xF000;
	v5 =	vld [tilespmem:s7+$0x44B0];
	[tilespmem:s0+$0xC420] =	vst v0  }
0xb1: {  	v0 =	vld [tilespmem:s7+$0x4100];
	[tilespmem:s0+$0xC430] =	vst v1  }
0xb2: {  	v1 =	vld [tilespmem:s7+$0x4110];
	[tilespmem:s0+$0xC480] =	vst v2  }
0xb3: {  	v2 =	vld [tilespmem:s7+$0x4120];
	[tilespmem:s0+$0xC490] =	vst v3  }
0xb4: {  	v3 =	vld [tilespmem:s7+$0x4130];
	[tilespmem:s0+$0xC4A0] =	vst v4;
	s0 =	smov.u32 s7  }
0xb5: {  	v4 =	vld [tilespmem:s0+$0x4180];
	[tilespmem:s0+$0xC4B0] =	vst v5  }
0xb6: {  	[tilespmem:s0+$0xC100] =	vst v0;
	v0 =	vld [tilespmem:s0+$0x4190]  }
0xb7: {  	[tilespmem:s0+$0xC110] =	vst v1;
	v1 =	vld [tilespmem:s0+$0x41A0]  }
0xb8: {  	[tilespmem:s0+$0xC120] =	vst v2;
	v2 =	vld [tilespmem:s0+$0x41B0]  }
0xb9: {  	[tilespmem:s0+$0xC130] =	vst v3;
	v3 =	vld [tilespmem:s0+$0x4200]  }
0xba: {  	[tilespmem:s0+$0xC180] =	vst v4;
	v4 =	vld [tilespmem:s0+$0x4210]  }
0xbb: {  	[tilespmem:s0+$0xC190] =	vst v0;
	v0 =	vld [tilespmem:s0+$0x4220]  }
0xbc: {  	[tilespmem:s0+$0xC1A0] =	vst v1;
	v1 =	vld [tilespmem:s0+$0x4230]  }
0xbd: {  	[tilespmem:s0+$0xC1B0] =	vst v2;
	v2 =	vld [tilespmem:s0+$0x4280]  }
0xbe: {  	[tilespmem:s0+$0xC200] =	vst v3;
	v3 =	vld [tilespmem:s0+$0x4290]  }
0xbf: {  	[tilespmem:s0+$0xC210] =	vst v4;
	v4 =	vld [tilespmem:s0+$0x42A0]  }
0xc0: {  	[tilespmem:s0+$0xC220] =	vst v0;
	v0 =	vld [tilespmem:s0+$0x42B0]  }
0xc1: {  	[tilespmem:s0+$0xC230] =	vst v1;
	v1 =	vld [tilespmem:s0+$0x4300]  }
0xc2: {  	[tilespmem:s0+$0xC280] =	vst v2;
	v2 =	vld [tilespmem:s0+$0x4310]  }
0xc3: {  	[tilespmem:s0+$0xC290] =	vst v3;
	v3 =	vld [tilespmem:s0+$0x4320]  }
0xc4: {  	[tilespmem:s0+$0xC2A0] =	vst v4;
	v4 =	vld [tilespmem:s0+$0x4330]  }
0xc5: {  	[tilespmem:s0+$0xC2B0] =	vst v0;
	v0 =	vld [tilespmem:s0+$0x4380]  }
0xc6: {  	[tilespmem:s0+$0xC300] =	vst v1;
	v1 =	vld [tilespmem:s0+$0x4390]  }
0xc7: {  	[tilespmem:s0+$0xC310] =	vst v2;
	v2 =	vld [tilespmem:s0+$0x43A0]  }
0xc8: {  	[tilespmem:s0+$0xC320] =	vst v3;
	v3 =	vld [tilespmem:s0+$0x43B0]  }
0xc9: {  	[tilespmem:s0+$0xC330] =	vst v4;
	v4 =	vld [tilespmem:s0+$0x4400]  }
0xca: {  	[tilespmem:s0+$0xC380] =	vst v0;
	v5 =	vld [tilespmem:s0+$0x4410]  }
.Ltmp1:
0xcb: {  	[tilespmem:s0+$0xC390] =	vst v1;
	v0 =	vld [tilespmem:s0+$0x4420];
	(pc) =	sbr.rel @p0 .LBB2_4-.Ltmp1, $4  }
0xcc: {  	[tilespmem:s0+$0xC3A0] =	vst v2;
	v1 =	vld [tilespmem:s0+$0x4430]  }
0xcd: {  	[tilespmem:s0+$0xC3B0] =	vst v3;
	v2 =	vld [tilespmem:s0+$0x4480]  }
0xce: {  	[tilespmem:s0+$0xC400] =	vst v4;
	v3 =	vld [tilespmem:s0+$0x4490]  }
0xcf: {  	s7 =	sshra.s32 s1, $0x2;
	s1 =	sadd.s32 $0x1000, s1;
	[tilespmem:s0+$0xC410] =	vst v5;
	v4 =	vld [tilespmem:s0+$0x44A0]  }
0xd0: {  	v5 =	vld [tilespmem:s7+$0x44B0];
	[tilespmem:s0+$0xC420] =	vst v0  }
0xd1: {  	v0 =	vld [tilespmem:s7+$0x4100];
	[tilespmem:s0+$0xC430] =	vst v1  }
0xd2: {  	v1 =	vld [tilespmem:s7+$0x4110];
	[tilespmem:s0+$0xC480] =	vst v2  }
0xd3: {  	v2 =	vld [tilespmem:s7+$0x4120];
	[tilespmem:s0+$0xC490] =	vst v3  }
0xd4: {  	v3 =	vld [tilespmem:s7+$0x4130];
	[tilespmem:s0+$0xC4A0] =	vst v4  }
0xd5: {  	v4 =	vld [tilespmem:s7+$0x4180];
	[tilespmem:s7+$0xC4B0] =	vst v5  }
0xd6: {  	v38 =	vld [tilespmem:s7+$0x4190];
	[tilespmem:s7+$0xC100] =	vst v0  }
0xd7: {  	v39 =	vld [tilespmem:s7+$0x41A0];
	[tilespmem:s7+$0xC110] =	vst v1  }
0xd8: {  	v40 =	vld [tilespmem:s7+$0x41B0];
	[tilespmem:s7+$0xC120] =	vst v2  }
0xd9: {  	v41 =	vld [tilespmem:s7+$0x4200];
	[tilespmem:s7+$0xC130] =	vst v3  }
0xda: {  	v42 =	vld [tilespmem:s7+$0x4210];
	[tilespmem:s7+$0xC180] =	vst v4  }
0xdb: {  	v43 =	vld [tilespmem:s7+$0x4220];
	[tilespmem:s7+$0xC190] =	vst v38  }
0xdc: {  	v44 =	vld [tilespmem:s7+$0x4230];
	[tilespmem:s7+$0xC1A0] =	vst v39  }
0xdd: {  	v45 =	vld [tilespmem:s7+$0x4280];
	[tilespmem:s7+$0xC1B0] =	vst v40  }
0xde: {  	v46 =	vld [tilespmem:s7+$0x4290];
	[tilespmem:s7+$0xC200] =	vst v41  }
0xdf: {  	v47 =	vld [tilespmem:s7+$0x42A0];
	[tilespmem:s7+$0xC210] =	vst v42  }
0xe0: {  	v48 =	vld [tilespmem:s7+$0x42B0];
	[tilespmem:s7+$0xC220] =	vst v43  }
0xe1: {  	v49 =	vld [tilespmem:s7+$0x4300];
	[tilespmem:s7+$0xC230] =	vst v44  }
0xe2: {  	v50 =	vld [tilespmem:s7+$0x4310];
	[tilespmem:s7+$0xC280] =	vst v45  }
0xe3: {  	v51 =	vld [tilespmem:s7+$0x4320];
	[tilespmem:s7+$0xC290] =	vst v46  }
0xe4: {  	v52 =	vld [tilespmem:s7+$0x4330];
	[tilespmem:s7+$0xC2A0] =	vst v47  }
0xe5: {  	v53 =	vld [tilespmem:s7+$0x4380];
	[tilespmem:s7+$0xC2B0] =	vst v48  }
0xe6: {  	v54 =	vld [tilespmem:s7+$0x4390];
	[tilespmem:s7+$0xC300] =	vst v49  }
0xe7: {  	v55 =	vld [tilespmem:s7+$0x43A0];
	[tilespmem:s7+$0xC310] =	vst v50  }
0xe8: {  	v56 =	vld [tilespmem:s7+$0x43B0];
	[tilespmem:s7+$0xC320] =	vst v51  }
0xe9: {  	v57 =	vld [tilespmem:s7+$0x4400];
	[tilespmem:s7+$0xC330] =	vst v52  }
0xea: {  	v58 =	vld [tilespmem:s7+$0x4410];
	[tilespmem:s7+$0xC380] =	vst v53  }
0xeb: {  	v59 =	vld [tilespmem:s7+$0x4420];
	[tilespmem:s7+$0xC390] =	vst v54  }
0xec: {  	v60 =	vld [tilespmem:s7+$0x4430];
	[tilespmem:s7+$0xC3A0] =	vst v55  }
0xed: {  	v61 =	vld [tilespmem:s7+$0x4480];
	[tilespmem:s7+$0xC3B0] =	vst v56  }
0xee: {  	v62 =	vld [tilespmem:s7+$0x4490];
	[tilespmem:s7+$0xC400] =	vst v57  }
0xef: {  	v63 =	vld [tilespmem:s7+$0x44A0];
	[tilespmem:s7+$0xC410] =	vst v58  }
0xf0: {  	[tilespmem:s7+$0xC420] =	vst v59  }
0xf1: {  	[tilespmem:s7+$0xC430] =	vst v60  }
0xf2: {  	[tilespmem:s7+$0xC480] =	vst v61  }
0xf3: {  	[tilespmem:s7+$0xC490] =	vst v62  }
0xf4: {  	s1 =	simm.s32 $0x0;
	[tilespmem:s7+$0xC4A0] =	vst v63  }
0xf5: {  	[hbm4b:s11+s1] =	stream.linear.scatter [tilespmem:s28], [sflag:$0x4], $0x4000, $0x38;
	[tilespmem:$0x10100] =	vst v63  }
0xf6: {  	_ =	swait.ge [sflag:s22], $0x80  }
0xf7: {  	[sflag:s22] =	ssyncset.done $0x0  }
0xf8: {  	s0 =	simm.s32 $0x0;
	[sflag:s22] =	ssyncadd.s32 $0xFFFFFF80  }
0xf9: {  	[tilespmem:s23], [sflag:$0x2] =	stream.indirect.gather [hbm4b:s2+s19], $0x80, s19, s19, $0xb8;
	[tilespmem:$0x10100] =	vst v63  }
.LBB2_6:
0xfa: {  	s7 =	sshll.u32 s0, $0x8  }
0xfb: {  	_ =	swait.ge [sflag:s24], $0x4000;
	s8 =	sadd.s32 s7, s12  }
0xfc: {  	[sflag:s24] =	ssyncset.done $0x0;
	s8 =	sshrl.u32 s8, $0x3  }
0xfd: {  	[sflag:s24] =	ssyncadd.s32 $0xFFFFC000;
	s8 =	sadd.s32 s4, s8  }
0xfe: {  	[tilespmem:s1], [sflag:$0x5] =	stream.linear.gather [hbm4b:s8+s1], $0x80, $0x38;
	[tilespmem:$0x10100] =	vst v63  }
0xff: {  	_ =	swait.ge [sflag:s29], $0x4000  }
0x100: {  	[sflag:s29] =	ssyncset.done $0x0  }
0x101: {  	s8 =	simm.s32 $0x0;
	[sflag:s29] =	ssyncadd.s32 $0xFFFFC000  }
0x102: {  	v0 =	vld [tilespmem:s8+$0x4B0]  }
0x103: {  	v1 =	vld [tilespmem:s8+$0x100]  }
0x104: {  	v2 =	vld [tilespmem:s8+$0x110]  }
0x105: {  	v3 =	vld [tilespmem:s8+$0x120]  }
0x106: {  	v4 =	vld [tilespmem:s8+$0x130]  }
0x107: {  	v5 =	vld [tilespmem:s8+$0x180];
	[tilespmem:s8+$0x84B0] =	vst v0  }
0x108: {  	[tilespmem:s8+$0x8100] =	vst v1;
	v0 =	vld [tilespmem:s8+$0x190]  }
0x109: {  	[tilespmem:s8+$0x8110] =	vst v2;
	v1 =	vld [tilespmem:s8+$0x1A0]  }
0x10a: {  	[tilespmem:s8+$0x8120] =	vst v3;
	v2 =	vld [tilespmem:s8+$0x1B0]  }
0x10b: {  	[tilespmem:s8+$0x8130] =	vst v4;
	v3 =	vld [tilespmem:s8+$0x200]  }
0x10c: {  	[tilespmem:s8+$0x8180] =	vst v5;
	v4 =	vld [tilespmem:s8+$0x210]  }
0x10d: {  	v5 =	vld [tilespmem:s8+$0x410];
	[tilespmem:s8+$0x8190] =	vst v0  }
0x10e: {  	v0 =	vld [tilespmem:s8+$0x220];
	[tilespmem:s8+$0x81A0] =	vst v1  }
0x10f: {  	v1 =	vld [tilespmem:s8+$0x230];
	[tilespmem:s8+$0x81B0] =	vst v2  }
0x110: {  	v2 =	vld [tilespmem:s8+$0x280];
	[tilespmem:s8+$0x8200] =	vst v3  }
0x111: {  	v3 =	vld [tilespmem:s8+$0x290];
	[tilespmem:s8+$0x8210] =	vst v4  }
0x112: {  	v4 =	vld [tilespmem:s8+$0x2A0];
	[tilespmem:s8+$0x8410] =	vst v5  }
0x113: {  	[tilespmem:s8+$0x8220] =	vst v0;
	v0 =	vld [tilespmem:s8+$0x2B0]  }
0x114: {  	[tilespmem:s8+$0x8230] =	vst v1;
	v1 =	vld [tilespmem:s8+$0x300]  }
0x115: {  	[tilespmem:s8+$0x8280] =	vst v2;
	v2 =	vld [tilespmem:s8+$0x310]  }
0x116: {  	[tilespmem:s8+$0x8290] =	vst v3;
	v3 =	vld [tilespmem:s8+$0x320]  }
0x117: {  	[tilespmem:s8+$0x82A0] =	vst v4;
	v4 =	vld [tilespmem:s8+$0x330]  }
0x118: {  	[tilespmem:s8+$0x82B0] =	vst v0;
	v0 =	vld [tilespmem:s8+$0x380]  }
0x119: {  	[tilespmem:s8+$0x8300] =	vst v1;
	v1 =	vld [tilespmem:s8+$0x390]  }
0x11a: {  	[tilespmem:s8+$0x8310] =	vst v2;
	v2 =	vld [tilespmem:s8+$0x3A0]  }
0x11b: {  	[tilespmem:s8+$0x8320] =	vst v3;
	v3 =	vld [tilespmem:s8+$0x3B0]  }
0x11c: {  	[tilespmem:s8+$0x8330] =	vst v4;
	v4 =	vld [tilespmem:s8+$0x400]  }
0x11d: {  	[tilespmem:s8+$0x8380] =	vst v0;
	v0 =	vld [tilespmem:s8+$0x420]  }
0x11e: {  	[tilespmem:s8+$0x8390] =	vst v1;
	v1 =	vld [tilespmem:s8+$0x430]  }
0x11f: {  	[tilespmem:s8+$0x83A0] =	vst v2;
	v2 =	vld [tilespmem:s8+$0x480]  }
0x120: {  	[tilespmem:s8+$0x83B0] =	vst v3;
	v3 =	vld [tilespmem:s8+$0x490]  }
0x121: {  	s10 =	simm.s32 $0x400;
	s9 =	simm.s32 $0x2000;
	[tilespmem:s8+$0x8400] =	vst v4;
	v4 =	vld [tilespmem:s8+$0x4A0]  }
.LBB2_7:
0x122: {  	p0 =	sne.s32 s9, $0xF000;
	v5 =	vld [tilespmem:s10+$0x4B0];
	[tilespmem:s8+$0x8420] =	vst v0  }
0x123: {  	v0 =	vld [tilespmem:s10+$0x100];
	[tilespmem:s8+$0x8430] =	vst v1  }
0x124: {  	v1 =	vld [tilespmem:s10+$0x110];
	[tilespmem:s8+$0x8480] =	vst v2  }
0x125: {  	v2 =	vld [tilespmem:s10+$0x120];
	[tilespmem:s8+$0x8490] =	vst v3  }
0x126: {  	v3 =	vld [tilespmem:s10+$0x130];
	[tilespmem:s8+$0x84A0] =	vst v4;
	s8 =	smov.u32 s10  }
0x127: {  	v4 =	vld [tilespmem:s8+$0x180];
	[tilespmem:s8+$0x84B0] =	vst v5  }
0x128: {  	[tilespmem:s8+$0x8100] =	vst v0;
	v0 =	vld [tilespmem:s8+$0x190]  }
0x129: {  	[tilespmem:s8+$0x8110] =	vst v1;
	v1 =	vld [tilespmem:s8+$0x1A0]  }
0x12a: {  	[tilespmem:s8+$0x8120] =	vst v2;
	v2 =	vld [tilespmem:s8+$0x1B0]  }
0x12b: {  	[tilespmem:s8+$0x8130] =	vst v3;
	v3 =	vld [tilespmem:s8+$0x200]  }
0x12c: {  	[tilespmem:s8+$0x8180] =	vst v4;
	v4 =	vld [tilespmem:s8+$0x210]  }
0x12d: {  	[tilespmem:s8+$0x8190] =	vst v0;
	v0 =	vld [tilespmem:s8+$0x220]  }
0x12e: {  	[tilespmem:s8+$0x81A0] =	vst v1;
	v1 =	vld [tilespmem:s8+$0x230]  }
0x12f: {  	[tilespmem:s8+$0x81B0] =	vst v2;
	v2 =	vld [tilespmem:s8+$0x280]  }
0x130: {  	[tilespmem:s8+$0x8200] =	vst v3;
	v3 =	vld [tilespmem:s8+$0x290]  }
0x131: {  	[tilespmem:s8+$0x8210] =	vst v4;
	v4 =	vld [tilespmem:s8+$0x2A0]  }
0x132: {  	[tilespmem:s8+$0x8220] =	vst v0;
	v0 =	vld [tilespmem:s8+$0x2B0]  }
0x133: {  	[tilespmem:s8+$0x8230] =	vst v1;
	v1 =	vld [tilespmem:s8+$0x300]  }
0x134: {  	[tilespmem:s8+$0x8280] =	vst v2;
	v2 =	vld [tilespmem:s8+$0x310]  }
0x135: {  	[tilespmem:s8+$0x8290] =	vst v3;
	v3 =	vld [tilespmem:s8+$0x320]  }
0x136: {  	[tilespmem:s8+$0x82A0] =	vst v4;
	v4 =	vld [tilespmem:s8+$0x330]  }
0x137: {  	[tilespmem:s8+$0x82B0] =	vst v0;
	v0 =	vld [tilespmem:s8+$0x380]  }
0x138: {  	[tilespmem:s8+$0x8300] =	vst v1;
	v1 =	vld [tilespmem:s8+$0x390]  }
0x139: {  	[tilespmem:s8+$0x8310] =	vst v2;
	v2 =	vld [tilespmem:s8+$0x3A0]  }
0x13a: {  	[tilespmem:s8+$0x8320] =	vst v3;
	v3 =	vld [tilespmem:s8+$0x3B0]  }
0x13b: {  	[tilespmem:s8+$0x8330] =	vst v4;
	v4 =	vld [tilespmem:s8+$0x400]  }
0x13c: {  	[tilespmem:s8+$0x8380] =	vst v0;
	v5 =	vld [tilespmem:s8+$0x410]  }
.Ltmp2:
0x13d: {  	[tilespmem:s8+$0x8390] =	vst v1;
	v0 =	vld [tilespmem:s8+$0x420];
	(pc) =	sbr.rel @p0 .LBB2_7-.Ltmp2, $4  }
0x13e: {  	[tilespmem:s8+$0x83A0] =	vst v2;
	v1 =	vld [tilespmem:s8+$0x430]  }
0x13f: {  	[tilespmem:s8+$0x83B0] =	vst v3;
	v2 =	vld [tilespmem:s8+$0x480]  }
0x140: {  	[tilespmem:s8+$0x8400] =	vst v4;
	v3 =	vld [tilespmem:s8+$0x490]  }
0x141: {  	s10 =	sshra.s32 s9, $0x2;
	s9 =	sadd.s32 $0x1000, s9;
	[tilespmem:s8+$0x8410] =	vst v5;
	v4 =	vld [tilespmem:s8+$0x4A0]  }
0x142: {  	v5 =	vld [tilespmem:s10+$0x4B0];
	[tilespmem:s8+$0x8420] =	vst v0  }
0x143: {  	v0 =	vld [tilespmem:s10+$0x100];
	[tilespmem:s8+$0x8430] =	vst v1  }
0x144: {  	v1 =	vld [tilespmem:s10+$0x110];
	[tilespmem:s8+$0x8480] =	vst v2  }
0x145: {  	v2 =	vld [tilespmem:s10+$0x120];
	[tilespmem:s8+$0x8490] =	vst v3  }
0x146: {  	v3 =	vld [tilespmem:s10+$0x130];
	[tilespmem:s8+$0x84A0] =	vst v4  }
0x147: {  	v4 =	vld [tilespmem:s10+$0x180];
	[tilespmem:s10+$0x84B0] =	vst v5  }
0x148: {  	[tilespmem:s10+$0x8100] =	vst v0;
	v0 =	vld [tilespmem:s10+$0x190]  }
0x149: {  	[tilespmem:s10+$0x8110] =	vst v1;
	v1 =	vld [tilespmem:s10+$0x1A0]  }
0x14a: {  	[tilespmem:s10+$0x8120] =	vst v2;
	v2 =	vld [tilespmem:s10+$0x1B0]  }
0x14b: {  	[tilespmem:s10+$0x8130] =	vst v3;
	v3 =	vld [tilespmem:s10+$0x200]  }
0x14c: {  	[tilespmem:s10+$0x8180] =	vst v4;
	v4 =	vld [tilespmem:s10+$0x210]  }
0x14d: {  	[tilespmem:s10+$0x8190] =	vst v0;
	v0 =	vld [tilespmem:s10+$0x220]  }
0x14e: {  	[tilespmem:s10+$0x81A0] =	vst v1;
	v1 =	vld [tilespmem:s10+$0x230]  }
0x14f: {  	[tilespmem:s10+$0x81B0] =	vst v2;
	v2 =	vld [tilespmem:s10+$0x280]  }
0x150: {  	[tilespmem:s10+$0x8200] =	vst v3;
	v3 =	vld [tilespmem:s10+$0x290]  }
0x151: {  	[tilespmem:s10+$0x8210] =	vst v4;
	v4 =	vld [tilespmem:s10+$0x2A0]  }
0x152: {  	[tilespmem:s10+$0x8220] =	vst v0;
	v0 =	vld [tilespmem:s10+$0x2B0]  }
0x153: {  	[tilespmem:s10+$0x8230] =	vst v1;
	v1 =	vld [tilespmem:s10+$0x300]  }
0x154: {  	[tilespmem:s10+$0x8280] =	vst v2;
	v2 =	vld [tilespmem:s10+$0x310]  }
0x155: {  	[tilespmem:s10+$0x8290] =	vst v3;
	v3 =	vld [tilespmem:s10+$0x320]  }
0x156: {  	[tilespmem:s10+$0x82A0] =	vst v4;
	v4 =	vld [tilespmem:s10+$0x330]  }
0x157: {  	[tilespmem:s10+$0x82B0] =	vst v0;
	v0 =	vld [tilespmem:s10+$0x380]  }
0x158: {  	[tilespmem:s10+$0x8300] =	vst v1;
	v1 =	vld [tilespmem:s10+$0x390]  }
0x159: {  	[tilespmem:s10+$0x8310] =	vst v2;
	v2 =	vld [tilespmem:s10+$0x3A0]  }
0x15a: {  	[tilespmem:s10+$0x8320] =	vst v3;
	v3 =	vld [tilespmem:s10+$0x3B0]  }
0x15b: {  	[tilespmem:s10+$0x8330] =	vst v4;
	v4 =	vld [tilespmem:s10+$0x400]  }
0x15c: {  	[tilespmem:s10+$0x8380] =	vst v0;
	v0 =	vld [tilespmem:s10+$0x410]  }
0x15d: {  	[tilespmem:s10+$0x8390] =	vst v1;
	v1 =	vld [tilespmem:s10+$0x420]  }
0x15e: {  	[tilespmem:s10+$0x83A0] =	vst v2;
	v2 =	vld [tilespmem:s10+$0x430]  }
0x15f: {  	[tilespmem:s10+$0x83B0] =	vst v3;
	v3 =	vld [tilespmem:s10+$0x480]  }
0x160: {  	[tilespmem:s10+$0x8400] =	vst v4;
	v4 =	vld [tilespmem:s10+$0x490]  }
0x161: {  	[tilespmem:s10+$0x8410] =	vst v0;
	v0 =	vld [tilespmem:s10+$0x4A0]  }
0x162: {  	[tilespmem:s10+$0x8420] =	vst v1  }
0x163: {  	[tilespmem:s10+$0x8430] =	vst v2  }
0x164: {  	s9 =	sadd.s32 s7, s13;
	[tilespmem:s10+$0x8480] =	vst v3  }
0x165: {  	s8 =	sshll.u32 s9, $0x4;
	[tilespmem:s10+$0x8490] =	vst v4  }
0x166: {  	s9 =	simm.s32 $0x0;
	s8 =	sadd.s32 s5, s8;
	[tilespmem:s10+$0x84A0] =	vst v0  }
0x167: {  	[hbm4b:s8+s9] =	stream.linear.scatter [tilespmem:s25], [sflag:$0x3], $0x4000, $0x38;
	[tilespmem:$0x10100] =	vst v63  }
0x168: {  	_ =	swait.ge [sflag:s20], $0x80  }
0x169: {  	[sflag:s20] =	ssyncset.done $0x0  }
0x16a: {  	[sflag:s20] =	ssyncadd.s32 $0xFFFFFF80  }
0x16b: {  	[tilespmem:s21], [sflag:$0x1] =	stream.indirect.gather [hbm4b:s2+s19], $0x80, s9, s19, $0xb8;
	[tilespmem:$0x10100] =	vst v63  }
0x16c: {  	s10 =	sadd.s32 s7, s14;
	_ =	swait.ge [sflag:s26], $0x4000  }
0x16d: {  	s8 =	sshrl.u32 s10, $0x3;
	[sflag:s26] =	ssyncset.done $0x0  }
0x16e: {  	s8 =	sadd.s32 s4, s8;
	[sflag:s26] =	ssyncadd.s32 $0xFFFFC000  }
0x16f: {  	[tilespmem:s19], [sflag:$0x6] =	stream.linear.gather [hbm4b:s8+s9], $0x80, $0x38;
	[tilespmem:$0x10100] =	vst v63  }
0x170: {  	_ =	swait.ge [sflag:s30], $0x4000  }
0x171: {  	[sflag:s30] =	ssyncset.done $0x0  }
0x172: {  	s8 =	simm.s32 $0x0;
	[sflag:s30] =	ssyncadd.s32 $0xFFFFC000  }
0x173: {  	v0 =	vld [tilespmem:s8+$0x44B0]  }
0x174: {  	v1 =	vld [tilespmem:s8+$0x4100]  }
0x175: {  	v2 =	vld [tilespmem:s8+$0x4110]  }
0x176: {  	v3 =	vld [tilespmem:s8+$0x4120]  }
0x177: {  	v4 =	vld [tilespmem:s8+$0x4130]  }
0x178: {  	v5 =	vld [tilespmem:s8+$0x4180];
	[tilespmem:s8+$0xC4B0] =	vst v0  }
0x179: {  	[tilespmem:s8+$0xC100] =	vst v1;
	v0 =	vld [tilespmem:s8+$0x4190]  }
0x17a: {  	[tilespmem:s8+$0xC110] =	vst v2;
	v1 =	vld [tilespmem:s8+$0x41A0]  }
0x17b: {  	[tilespmem:s8+$0xC120] =	vst v3;
	v2 =	vld [tilespmem:s8+$0x41B0]  }
0x17c: {  	[tilespmem:s8+$0xC130] =	vst v4;
	v3 =	vld [tilespmem:s8+$0x4200]  }
0x17d: {  	[tilespmem:s8+$0xC180] =	vst v5;
	v4 =	vld [tilespmem:s8+$0x4210]  }
0x17e: {  	v5 =	vld [tilespmem:s8+$0x4410];
	[tilespmem:s8+$0xC190] =	vst v0  }
0x17f: {  	v0 =	vld [tilespmem:s8+$0x4220];
	[tilespmem:s8+$0xC1A0] =	vst v1  }
0x180: {  	v1 =	vld [tilespmem:s8+$0x4230];
	[tilespmem:s8+$0xC1B0] =	vst v2  }
0x181: {  	v2 =	vld [tilespmem:s8+$0x4280];
	[tilespmem:s8+$0xC200] =	vst v3  }
0x182: {  	v3 =	vld [tilespmem:s8+$0x4290];
	[tilespmem:s8+$0xC210] =	vst v4  }
0x183: {  	v4 =	vld [tilespmem:s8+$0x42A0];
	[tilespmem:s8+$0xC410] =	vst v5  }
0x184: {  	[tilespmem:s8+$0xC220] =	vst v0;
	v0 =	vld [tilespmem:s8+$0x42B0]  }
0x185: {  	[tilespmem:s8+$0xC230] =	vst v1;
	v1 =	vld [tilespmem:s8+$0x4300]  }
0x186: {  	[tilespmem:s8+$0xC280] =	vst v2;
	v2 =	vld [tilespmem:s8+$0x4310]  }
0x187: {  	[tilespmem:s8+$0xC290] =	vst v3;
	v3 =	vld [tilespmem:s8+$0x4320]  }
0x188: {  	[tilespmem:s8+$0xC2A0] =	vst v4;
	v4 =	vld [tilespmem:s8+$0x4330]  }
0x189: {  	[tilespmem:s8+$0xC2B0] =	vst v0;
	v0 =	vld [tilespmem:s8+$0x4380]  }
0x18a: {  	[tilespmem:s8+$0xC300] =	vst v1;
	v1 =	vld [tilespmem:s8+$0x4390]  }
0x18b: {  	[tilespmem:s8+$0xC310] =	vst v2;
	v2 =	vld [tilespmem:s8+$0x43A0]  }
0x18c: {  	[tilespmem:s8+$0xC320] =	vst v3;
	v3 =	vld [tilespmem:s8+$0x43B0]  }
0x18d: {  	[tilespmem:s8+$0xC330] =	vst v4;
	v4 =	vld [tilespmem:s8+$0x4400]  }
0x18e: {  	[tilespmem:s8+$0xC380] =	vst v0;
	v0 =	vld [tilespmem:s8+$0x4420]  }
0x18f: {  	[tilespmem:s8+$0xC390] =	vst v1;
	v1 =	vld [tilespmem:s8+$0x4430]  }
0x190: {  	[tilespmem:s8+$0xC3A0] =	vst v2;
	v2 =	vld [tilespmem:s8+$0x4480]  }
0x191: {  	[tilespmem:s8+$0xC3B0] =	vst v3;
	v3 =	vld [tilespmem:s8+$0x4490]  }
0x192: {  	s10 =	simm.s32 $0x400;
	s9 =	simm.s32 $0x2000;
	[tilespmem:s8+$0xC400] =	vst v4;
	v4 =	vld [tilespmem:s8+$0x44A0]  }
.LBB2_9:
0x193: {  	p0 =	sne.s32 s9, $0xF000;
	v5 =	vld [tilespmem:s10+$0x44B0];
	[tilespmem:s8+$0xC420] =	vst v0  }
0x194: {  	v0 =	vld [tilespmem:s10+$0x4100];
	[tilespmem:s8+$0xC430] =	vst v1  }
0x195: {  	v1 =	vld [tilespmem:s10+$0x4110];
	[tilespmem:s8+$0xC480] =	vst v2  }
0x196: {  	v2 =	vld [tilespmem:s10+$0x4120];
	[tilespmem:s8+$0xC490] =	vst v3  }
0x197: {  	v3 =	vld [tilespmem:s10+$0x4130];
	[tilespmem:s8+$0xC4A0] =	vst v4;
	s8 =	smov.u32 s10  }
0x198: {  	v4 =	vld [tilespmem:s8+$0x4180];
	[tilespmem:s8+$0xC4B0] =	vst v5  }
0x199: {  	[tilespmem:s8+$0xC100] =	vst v0;
	v0 =	vld [tilespmem:s8+$0x4190]  }
0x19a: {  	[tilespmem:s8+$0xC110] =	vst v1;
	v1 =	vld [tilespmem:s8+$0x41A0]  }
0x19b: {  	[tilespmem:s8+$0xC120] =	vst v2;
	v2 =	vld [tilespmem:s8+$0x41B0]  }
0x19c: {  	[tilespmem:s8+$0xC130] =	vst v3;
	v3 =	vld [tilespmem:s8+$0x4200]  }
0x19d: {  	[tilespmem:s8+$0xC180] =	vst v4;
	v4 =	vld [tilespmem:s8+$0x4210]  }
0x19e: {  	[tilespmem:s8+$0xC190] =	vst v0;
	v0 =	vld [tilespmem:s8+$0x4220]  }
0x19f: {  	[tilespmem:s8+$0xC1A0] =	vst v1;
	v1 =	vld [tilespmem:s8+$0x4230]  }
0x1a0: {  	[tilespmem:s8+$0xC1B0] =	vst v2;
	v2 =	vld [tilespmem:s8+$0x4280]  }
0x1a1: {  	[tilespmem:s8+$0xC200] =	vst v3;
	v3 =	vld [tilespmem:s8+$0x4290]  }
0x1a2: {  	[tilespmem:s8+$0xC210] =	vst v4;
	v4 =	vld [tilespmem:s8+$0x42A0]  }
0x1a3: {  	[tilespmem:s8+$0xC220] =	vst v0;
	v0 =	vld [tilespmem:s8+$0x42B0]  }
0x1a4: {  	[tilespmem:s8+$0xC230] =	vst v1;
	v1 =	vld [tilespmem:s8+$0x4300]  }
0x1a5: {  	[tilespmem:s8+$0xC280] =	vst v2;
	v2 =	vld [tilespmem:s8+$0x4310]  }
0x1a6: {  	[tilespmem:s8+$0xC290] =	vst v3;
	v3 =	vld [tilespmem:s8+$0x4320]  }
0x1a7: {  	[tilespmem:s8+$0xC2A0] =	vst v4;
	v4 =	vld [tilespmem:s8+$0x4330]  }
0x1a8: {  	[tilespmem:s8+$0xC2B0] =	vst v0;
	v0 =	vld [tilespmem:s8+$0x4380]  }
0x1a9: {  	[tilespmem:s8+$0xC300] =	vst v1;
	v1 =	vld [tilespmem:s8+$0x4390]  }
0x1aa: {  	[tilespmem:s8+$0xC310] =	vst v2;
	v2 =	vld [tilespmem:s8+$0x43A0]  }
0x1ab: {  	[tilespmem:s8+$0xC320] =	vst v3;
	v3 =	vld [tilespmem:s8+$0x43B0]  }
0x1ac: {  	[tilespmem:s8+$0xC330] =	vst v4;
	v4 =	vld [tilespmem:s8+$0x4400]  }
0x1ad: {  	[tilespmem:s8+$0xC380] =	vst v0;
	v5 =	vld [tilespmem:s8+$0x4410]  }
.Ltmp3:
0x1ae: {  	[tilespmem:s8+$0xC390] =	vst v1;
	v0 =	vld [tilespmem:s8+$0x4420];
	(pc) =	sbr.rel @p0 .LBB2_9-.Ltmp3, $4  }
0x1af: {  	[tilespmem:s8+$0xC3A0] =	vst v2;
	v1 =	vld [tilespmem:s8+$0x4430]  }
0x1b0: {  	[tilespmem:s8+$0xC3B0] =	vst v3;
	v2 =	vld [tilespmem:s8+$0x4480]  }
0x1b1: {  	[tilespmem:s8+$0xC400] =	vst v4;
	v3 =	vld [tilespmem:s8+$0x4490]  }
0x1b2: {  	s10 =	sshra.s32 s9, $0x2;
	s9 =	sadd.s32 $0x1000, s9;
	[tilespmem:s8+$0xC410] =	vst v5;
	v4 =	vld [tilespmem:s8+$0x44A0]  }
0x1b3: {  	v5 =	vld [tilespmem:s10+$0x44B0];
	[tilespmem:s8+$0xC420] =	vst v0  }
0x1b4: {  	v0 =	vld [tilespmem:s10+$0x4100];
	[tilespmem:s8+$0xC430] =	vst v1  }
0x1b5: {  	v1 =	vld [tilespmem:s10+$0x4110];
	[tilespmem:s8+$0xC480] =	vst v2  }
0x1b6: {  	v2 =	vld [tilespmem:s10+$0x4120];
	[tilespmem:s8+$0xC490] =	vst v3  }
0x1b7: {  	v3 =	vld [tilespmem:s10+$0x4130];
	[tilespmem:s8+$0xC4A0] =	vst v4  }
0x1b8: {  	v4 =	vld [tilespmem:s10+$0x4180];
	[tilespmem:s10+$0xC4B0] =	vst v5  }
0x1b9: {  	v38 =	vld [tilespmem:s10+$0x4190];
	[tilespmem:s10+$0xC100] =	vst v0  }
0x1ba: {  	v39 =	vld [tilespmem:s10+$0x41A0];
	[tilespmem:s10+$0xC110] =	vst v1  }
0x1bb: {  	v40 =	vld [tilespmem:s10+$0x41B0];
	[tilespmem:s10+$0xC120] =	vst v2  }
0x1bc: {  	v41 =	vld [tilespmem:s10+$0x4200];
	[tilespmem:s10+$0xC130] =	vst v3  }
0x1bd: {  	v42 =	vld [tilespmem:s10+$0x4210];
	[tilespmem:s10+$0xC180] =	vst v4  }
0x1be: {  	v43 =	vld [tilespmem:s10+$0x4220];
	[tilespmem:s10+$0xC190] =	vst v38  }
0x1bf: {  	v44 =	vld [tilespmem:s10+$0x4230];
	[tilespmem:s10+$0xC1A0] =	vst v39  }
0x1c0: {  	v45 =	vld [tilespmem:s10+$0x4280];
	[tilespmem:s10+$0xC1B0] =	vst v40  }
0x1c1: {  	v46 =	vld [tilespmem:s10+$0x4290];
	[tilespmem:s10+$0xC200] =	vst v41  }
0x1c2: {  	v47 =	vld [tilespmem:s10+$0x42A0];
	[tilespmem:s10+$0xC210] =	vst v42  }
0x1c3: {  	v48 =	vld [tilespmem:s10+$0x42B0];
	[tilespmem:s10+$0xC220] =	vst v43  }
0x1c4: {  	v49 =	vld [tilespmem:s10+$0x4300];
	[tilespmem:s10+$0xC230] =	vst v44  }
0x1c5: {  	v50 =	vld [tilespmem:s10+$0x4310];
	[tilespmem:s10+$0xC280] =	vst v45  }
0x1c6: {  	v51 =	vld [tilespmem:s10+$0x4320];
	[tilespmem:s10+$0xC290] =	vst v46  }
0x1c7: {  	v52 =	vld [tilespmem:s10+$0x4330];
	[tilespmem:s10+$0xC2A0] =	vst v47  }
0x1c8: {  	v53 =	vld [tilespmem:s10+$0x4380];
	[tilespmem:s10+$0xC2B0] =	vst v48  }
0x1c9: {  	v54 =	vld [tilespmem:s10+$0x4390];
	[tilespmem:s10+$0xC300] =	vst v49  }
0x1ca: {  	v55 =	vld [tilespmem:s10+$0x43A0];
	[tilespmem:s10+$0xC310] =	vst v50  }
0x1cb: {  	v56 =	vld [tilespmem:s10+$0x43B0];
	[tilespmem:s10+$0xC320] =	vst v51  }
0x1cc: {  	v57 =	vld [tilespmem:s10+$0x4400];
	[tilespmem:s10+$0xC330] =	vst v52  }
0x1cd: {  	v58 =	vld [tilespmem:s10+$0x4410];
	[tilespmem:s10+$0xC380] =	vst v53  }
0x1ce: {  	v59 =	vld [tilespmem:s10+$0x4420];
	[tilespmem:s10+$0xC390] =	vst v54  }
0x1cf: {  	v60 =	vld [tilespmem:s10+$0x4430];
	[tilespmem:s10+$0xC3A0] =	vst v55  }
0x1d0: {  	v61 =	vld [tilespmem:s10+$0x4480];
	[tilespmem:s10+$0xC3B0] =	vst v56  }
0x1d1: {  	v62 =	vld [tilespmem:s10+$0x4490];
	[tilespmem:s10+$0xC400] =	vst v57  }
0x1d2: {  	v63 =	vld [tilespmem:s10+$0x44A0];
	[tilespmem:s10+$0xC410] =	vst v58  }
0x1d3: {  	[tilespmem:s10+$0xC420] =	vst v59  }
0x1d4: {  	[tilespmem:s10+$0xC430] =	vst v60  }
0x1d5: {  	s7 =	sadd.s32 s7, s15;
	[tilespmem:s10+$0xC480] =	vst v61  }
0x1d6: {  	s0 =	sadd.s32 $0x1, s0;
	s7 =	sshll.u32 s7, $0x4;
	[tilespmem:s10+$0xC490] =	vst v62  }
0x1d7: {  	p0 =	sne.s32 s0, $0x62;
	s7 =	sadd.s32 s5, s7;
	[tilespmem:s10+$0xC4A0] =	vst v63  }
0x1d8: {  	[hbm4b:s7+s3] =	stream.linear.scatter [tilespmem:s28], [sflag:$0x4], $0x4000, $0x38;
	[tilespmem:$0x10100] =	vst v63  }
.Ltmp4:
0x1d9: {  	_ = 	snop;
	(pc) =	sbr.rel @p0 .LBB2_6-.Ltmp4, $4  }
0x1da: {  	_ =	swait.ge [sflag:s22], $0x80  }
0x1db: {  	[sflag:s22] =	ssyncset.done $0x0  }
0x1dc: {  	[sflag:s22] =	ssyncadd.s32 $0xFFFFFF80  }
0x1dd: {  	[tilespmem:s23], [sflag:$0x2] =	stream.indirect.gather [hbm4b:s2+s19], $0x80, s19, s19, $0xb8;
	[tilespmem:$0x10100] =	vst v63  }
0x1de: {  	_ =	swait.ge [sflag:s24], $0x4000  }
0x1df: {  	[sflag:s24] =	ssyncset.done $0x0  }
0x1e0: {  	[sflag:s24] =	ssyncadd.s32 $0xFFFFC000  }
0x1e1: {  	_ =	swait.ge [sflag:s29], $0x4000  }
0x1e2: {  	[sflag:s29] =	ssyncset.done $0x0  }
0x1e3: {  	s0 =	simm.s32 $0x0;
	[sflag:s29] =	ssyncadd.s32 $0xFFFFC000  }
0x1e4: {  	v0 =	vld [tilespmem:s0+$0x4B0]  }
0x1e5: {  	v1 =	vld [tilespmem:s0+$0x100]  }
0x1e6: {  	v2 =	vld [tilespmem:s0+$0x110]  }
0x1e7: {  	v3 =	vld [tilespmem:s0+$0x120]  }
0x1e8: {  	v4 =	vld [tilespmem:s0+$0x130]  }
0x1e9: {  	v5 =	vld [tilespmem:s0+$0x180];
	[tilespmem:s0+$0x84B0] =	vst v0  }
0x1ea: {  	[tilespmem:s0+$0x8100] =	vst v1;
	v0 =	vld [tilespmem:s0+$0x190]  }
0x1eb: {  	[tilespmem:s0+$0x8110] =	vst v2;
	v1 =	vld [tilespmem:s0+$0x1A0]  }
0x1ec: {  	[tilespmem:s0+$0x8120] =	vst v3;
	v2 =	vld [tilespmem:s0+$0x1B0]  }
0x1ed: {  	[tilespmem:s0+$0x8130] =	vst v4;
	v3 =	vld [tilespmem:s0+$0x200]  }
0x1ee: {  	[tilespmem:s0+$0x8180] =	vst v5;
	v4 =	vld [tilespmem:s0+$0x210]  }
0x1ef: {  	v5 =	vld [tilespmem:s0+$0x410];
	[tilespmem:s0+$0x8190] =	vst v0  }
0x1f0: {  	v0 =	vld [tilespmem:s0+$0x220];
	[tilespmem:s0+$0x81A0] =	vst v1  }
0x1f1: {  	v1 =	vld [tilespmem:s0+$0x230];
	[tilespmem:s0+$0x81B0] =	vst v2  }
0x1f2: {  	v2 =	vld [tilespmem:s0+$0x280];
	[tilespmem:s0+$0x8200] =	vst v3  }
0x1f3: {  	v3 =	vld [tilespmem:s0+$0x290];
	[tilespmem:s0+$0x8210] =	vst v4  }
0x1f4: {  	v4 =	vld [tilespmem:s0+$0x2A0];
	[tilespmem:s0+$0x8410] =	vst v5  }
0x1f5: {  	[tilespmem:s0+$0x8220] =	vst v0;
	v0 =	vld [tilespmem:s0+$0x2B0]  }
0x1f6: {  	[tilespmem:s0+$0x8230] =	vst v1;
	v1 =	vld [tilespmem:s0+$0x300]  }
0x1f7: {  	[tilespmem:s0+$0x8280] =	vst v2;
	v2 =	vld [tilespmem:s0+$0x310]  }
0x1f8: {  	[tilespmem:s0+$0x8290] =	vst v3;
	v3 =	vld [tilespmem:s0+$0x320]  }
0x1f9: {  	[tilespmem:s0+$0x82A0] =	vst v4;
	v4 =	vld [tilespmem:s0+$0x330]  }
0x1fa: {  	[tilespmem:s0+$0x82B0] =	vst v0;
	v0 =	vld [tilespmem:s0+$0x380]  }
0x1fb: {  	[tilespmem:s0+$0x8300] =	vst v1;
	v1 =	vld [tilespmem:s0+$0x390]  }
0x1fc: {  	[tilespmem:s0+$0x8310] =	vst v2;
	v2 =	vld [tilespmem:s0+$0x3A0]  }
0x1fd: {  	[tilespmem:s0+$0x8320] =	vst v3;
	v3 =	vld [tilespmem:s0+$0x3B0]  }
0x1fe: {  	[tilespmem:s0+$0x8330] =	vst v4;
	v4 =	vld [tilespmem:s0+$0x400]  }
0x1ff: {  	[tilespmem:s0+$0x8380] =	vst v0;
	v0 =	vld [tilespmem:s0+$0x420]  }
0x200: {  	[tilespmem:s0+$0x8390] =	vst v1;
	v1 =	vld [tilespmem:s0+$0x430]  }
0x201: {  	[tilespmem:s0+$0x83A0] =	vst v2;
	v2 =	vld [tilespmem:s0+$0x480]  }
0x202: {  	[tilespmem:s0+$0x83B0] =	vst v3;
	v3 =	vld [tilespmem:s0+$0x490]  }
0x203: {  	s7 =	simm.s32 $0x400;
	s1 =	simm.s32 $0x2000;
	[tilespmem:s0+$0x8400] =	vst v4;
	v4 =	vld [tilespmem:s0+$0x4A0]  }
.LBB2_12:
0x204: {  	p0 =	sne.s32 s1, $0xF000;
	v5 =	vld [tilespmem:s7+$0x4B0];
	[tilespmem:s0+$0x8420] =	vst v0  }
0x205: {  	v0 =	vld [tilespmem:s7+$0x100];
	[tilespmem:s0+$0x8430] =	vst v1  }
0x206: {  	v1 =	vld [tilespmem:s7+$0x110];
	[tilespmem:s0+$0x8480] =	vst v2  }
0x207: {  	v2 =	vld [tilespmem:s7+$0x120];
	[tilespmem:s0+$0x8490] =	vst v3  }
0x208: {  	v3 =	vld [tilespmem:s7+$0x130];
	[tilespmem:s0+$0x84A0] =	vst v4;
	s0 =	smov.u32 s7  }
0x209: {  	v4 =	vld [tilespmem:s0+$0x180];
	[tilespmem:s0+$0x84B0] =	vst v5  }
0x20a: {  	[tilespmem:s0+$0x8100] =	vst v0;
	v0 =	vld [tilespmem:s0+$0x190]  }
0x20b: {  	[tilespmem:s0+$0x8110] =	vst v1;
	v1 =	vld [tilespmem:s0+$0x1A0]  }
0x20c: {  	[tilespmem:s0+$0x8120] =	vst v2;
	v2 =	vld [tilespmem:s0+$0x1B0]  }
0x20d: {  	[tilespmem:s0+$0x8130] =	vst v3;
	v3 =	vld [tilespmem:s0+$0x200]  }
0x20e: {  	[tilespmem:s0+$0x8180] =	vst v4;
	v4 =	vld [tilespmem:s0+$0x210]  }
0x20f: {  	[tilespmem:s0+$0x8190] =	vst v0;
	v0 =	vld [tilespmem:s0+$0x220]  }
0x210: {  	[tilespmem:s0+$0x81A0] =	vst v1;
	v1 =	vld [tilespmem:s0+$0x230]  }
0x211: {  	[tilespmem:s0+$0x81B0] =	vst v2;
	v2 =	vld [tilespmem:s0+$0x280]  }
0x212: {  	[tilespmem:s0+$0x8200] =	vst v3;
	v3 =	vld [tilespmem:s0+$0x290]  }
0x213: {  	[tilespmem:s0+$0x8210] =	vst v4;
	v4 =	vld [tilespmem:s0+$0x2A0]  }
0x214: {  	[tilespmem:s0+$0x8220] =	vst v0;
	v0 =	vld [tilespmem:s0+$0x2B0]  }
0x215: {  	[tilespmem:s0+$0x8230] =	vst v1;
	v1 =	vld [tilespmem:s0+$0x300]  }
0x216: {  	[tilespmem:s0+$0x8280] =	vst v2;
	v2 =	vld [tilespmem:s0+$0x310]  }
0x217: {  	[tilespmem:s0+$0x8290] =	vst v3;
	v3 =	vld [tilespmem:s0+$0x320]  }
0x218: {  	[tilespmem:s0+$0x82A0] =	vst v4;
	v4 =	vld [tilespmem:s0+$0x330]  }
0x219: {  	[tilespmem:s0+$0x82B0] =	vst v0;
	v0 =	vld [tilespmem:s0+$0x380]  }
0x21a: {  	[tilespmem:s0+$0x8300] =	vst v1;
	v1 =	vld [tilespmem:s0+$0x390]  }
0x21b: {  	[tilespmem:s0+$0x8310] =	vst v2;
	v2 =	vld [tilespmem:s0+$0x3A0]  }
0x21c: {  	[tilespmem:s0+$0x8320] =	vst v3;
	v3 =	vld [tilespmem:s0+$0x3B0]  }
0x21d: {  	[tilespmem:s0+$0x8330] =	vst v4;
	v4 =	vld [tilespmem:s0+$0x400]  }
0x21e: {  	[tilespmem:s0+$0x8380] =	vst v0;
	v5 =	vld [tilespmem:s0+$0x410]  }
.Ltmp5:
0x21f: {  	[tilespmem:s0+$0x8390] =	vst v1;
	v0 =	vld [tilespmem:s0+$0x420];
	(pc) =	sbr.rel @p0 .LBB2_12-.Ltmp5, $4  }
0x220: {  	[tilespmem:s0+$0x83A0] =	vst v2;
	v1 =	vld [tilespmem:s0+$0x430]  }
0x221: {  	[tilespmem:s0+$0x83B0] =	vst v3;
	v2 =	vld [tilespmem:s0+$0x480]  }
0x222: {  	[tilespmem:s0+$0x8400] =	vst v4;
	v3 =	vld [tilespmem:s0+$0x490]  }
0x223: {  	s7 =	sshra.s32 s1, $0x2;
	s1 =	sadd.s32 $0x1000, s1;
	[tilespmem:s0+$0x8410] =	vst v5;
	v4 =	vld [tilespmem:s0+$0x4A0]  }
0x224: {  	v5 =	vld [tilespmem:s7+$0x4B0];
	[tilespmem:s0+$0x8420] =	vst v0  }
0x225: {  	v0 =	vld [tilespmem:s7+$0x100];
	[tilespmem:s0+$0x8430] =	vst v1  }
0x226: {  	v1 =	vld [tilespmem:s7+$0x110];
	[tilespmem:s0+$0x8480] =	vst v2  }
0x227: {  	v2 =	vld [tilespmem:s7+$0x120];
	[tilespmem:s0+$0x8490] =	vst v3  }
0x228: {  	v3 =	vld [tilespmem:s7+$0x130];
	[tilespmem:s0+$0x84A0] =	vst v4  }
0x229: {  	v4 =	vld [tilespmem:s7+$0x180];
	[tilespmem:s7+$0x84B0] =	vst v5  }
0x22a: {  	[tilespmem:s7+$0x8100] =	vst v0;
	v0 =	vld [tilespmem:s7+$0x190]  }
0x22b: {  	[tilespmem:s7+$0x8110] =	vst v1;
	v1 =	vld [tilespmem:s7+$0x1A0]  }
0x22c: {  	[tilespmem:s7+$0x8120] =	vst v2;
	v2 =	vld [tilespmem:s7+$0x1B0]  }
0x22d: {  	[tilespmem:s7+$0x8130] =	vst v3;
	v3 =	vld [tilespmem:s7+$0x200]  }
0x22e: {  	[tilespmem:s7+$0x8180] =	vst v4;
	v4 =	vld [tilespmem:s7+$0x210]  }
0x22f: {  	[tilespmem:s7+$0x8190] =	vst v0;
	v0 =	vld [tilespmem:s7+$0x220]  }
0x230: {  	[tilespmem:s7+$0x81A0] =	vst v1;
	v1 =	vld [tilespmem:s7+$0x230]  }
0x231: {  	[tilespmem:s7+$0x81B0] =	vst v2;
	v2 =	vld [tilespmem:s7+$0x280]  }
0x232: {  	[tilespmem:s7+$0x8200] =	vst v3;
	v3 =	vld [tilespmem:s7+$0x290]  }
0x233: {  	[tilespmem:s7+$0x8210] =	vst v4;
	v4 =	vld [tilespmem:s7+$0x2A0]  }
0x234: {  	[tilespmem:s7+$0x8220] =	vst v0;
	v0 =	vld [tilespmem:s7+$0x2B0]  }
0x235: {  	[tilespmem:s7+$0x8230] =	vst v1;
	v1 =	vld [tilespmem:s7+$0x300]  }
0x236: {  	[tilespmem:s7+$0x8280] =	vst v2;
	v2 =	vld [tilespmem:s7+$0x310]  }
0x237: {  	[tilespmem:s7+$0x8290] =	vst v3;
	v3 =	vld [tilespmem:s7+$0x320]  }
0x238: {  	[tilespmem:s7+$0x82A0] =	vst v4;
	v4 =	vld [tilespmem:s7+$0x330]  }
0x239: {  	[tilespmem:s7+$0x82B0] =	vst v0;
	v0 =	vld [tilespmem:s7+$0x380]  }
0x23a: {  	[tilespmem:s7+$0x8300] =	vst v1;
	v1 =	vld [tilespmem:s7+$0x390]  }
0x23b: {  	[tilespmem:s7+$0x8310] =	vst v2;
	v2 =	vld [tilespmem:s7+$0x3A0]  }
0x23c: {  	[tilespmem:s7+$0x8320] =	vst v3;
	v3 =	vld [tilespmem:s7+$0x3B0]  }
0x23d: {  	[tilespmem:s7+$0x8330] =	vst v4;
	v4 =	vld [tilespmem:s7+$0x400]  }
0x23e: {  	[tilespmem:s7+$0x8380] =	vst v0;
	v0 =	vld [tilespmem:s7+$0x410]  }
0x23f: {  	[tilespmem:s7+$0x8390] =	vst v1;
	v1 =	vld [tilespmem:s7+$0x420]  }
0x240: {  	[tilespmem:s7+$0x83A0] =	vst v2;
	v2 =	vld [tilespmem:s7+$0x430]  }
0x241: {  	[tilespmem:s7+$0x83B0] =	vst v3;
	v3 =	vld [tilespmem:s7+$0x480]  }
0x242: {  	[tilespmem:s7+$0x8400] =	vst v4;
	v4 =	vld [tilespmem:s7+$0x490]  }
0x243: {  	[tilespmem:s7+$0x8410] =	vst v0;
	v0 =	vld [tilespmem:s7+$0x4A0]  }
0x244: {  	[tilespmem:s7+$0x8420] =	vst v1  }
0x245: {  	[tilespmem:s7+$0x8430] =	vst v2  }
0x246: {  	[tilespmem:s7+$0x8480] =	vst v3  }
0x247: {  	[tilespmem:s7+$0x8490] =	vst v4  }
0x248: {  	s10 =	simm.s32 $0x0;
	[tilespmem:s7+$0x84A0] =	vst v0  }
0x249: {  	[hbm4b:s16+s10] =	stream.linear.scatter [tilespmem:s25], [sflag:$0x3], $0x4000, $0x38;
	[tilespmem:$0x10100] =	vst v63  }
0x24a: {  	_ =	swait.ge [sflag:s26], $0x4000  }
0x24b: {  	[sflag:s26] =	ssyncset.done $0x0  }
0x24c: {  	[sflag:s26] =	ssyncadd.s32 $0xFFFFC000  }
0x24d: {  	_ =	swait.ge [sflag:s30], $0x4000  }
0x24e: {  	[sflag:s30] =	ssyncset.done $0x0  }
0x24f: {  	s0 =	simm.s32 $0x0;
	[sflag:s30] =	ssyncadd.s32 $0xFFFFC000  }
0x250: {  	v0 =	vld [tilespmem:s0+$0x44B0]  }
0x251: {  	v1 =	vld [tilespmem:s0+$0x4100]  }
0x252: {  	v2 =	vld [tilespmem:s0+$0x4110]  }
0x253: {  	v3 =	vld [tilespmem:s0+$0x4120]  }
0x254: {  	v4 =	vld [tilespmem:s0+$0x4130]  }
0x255: {  	v5 =	vld [tilespmem:s0+$0x4180];
	[tilespmem:s0+$0xC4B0] =	vst v0  }
0x256: {  	[tilespmem:s0+$0xC100] =	vst v1;
	v0 =	vld [tilespmem:s0+$0x4190]  }
0x257: {  	[tilespmem:s0+$0xC110] =	vst v2;
	v1 =	vld [tilespmem:s0+$0x41A0]  }
0x258: {  	[tilespmem:s0+$0xC120] =	vst v3;
	v2 =	vld [tilespmem:s0+$0x41B0]  }
0x259: {  	[tilespmem:s0+$0xC130] =	vst v4;
	v3 =	vld [tilespmem:s0+$0x4200]  }
0x25a: {  	[tilespmem:s0+$0xC180] =	vst v5;
	v4 =	vld [tilespmem:s0+$0x4210]  }
0x25b: {  	v5 =	vld [tilespmem:s0+$0x4410];
	[tilespmem:s0+$0xC190] =	vst v0  }
0x25c: {  	v0 =	vld [tilespmem:s0+$0x4220];
	[tilespmem:s0+$0xC1A0] =	vst v1  }
0x25d: {  	v1 =	vld [tilespmem:s0+$0x4230];
	[tilespmem:s0+$0xC1B0] =	vst v2  }
0x25e: {  	v2 =	vld [tilespmem:s0+$0x4280];
	[tilespmem:s0+$0xC200] =	vst v3  }
0x25f: {  	v3 =	vld [tilespmem:s0+$0x4290];
	[tilespmem:s0+$0xC210] =	vst v4  }
0x260: {  	v4 =	vld [tilespmem:s0+$0x42A0];
	[tilespmem:s0+$0xC410] =	vst v5  }
0x261: {  	[tilespmem:s0+$0xC220] =	vst v0;
	v0 =	vld [tilespmem:s0+$0x42B0]  }
0x262: {  	[tilespmem:s0+$0xC230] =	vst v1;
	v1 =	vld [tilespmem:s0+$0x4300]  }
0x263: {  	[tilespmem:s0+$0xC280] =	vst v2;
	v2 =	vld [tilespmem:s0+$0x4310]  }
0x264: {  	[tilespmem:s0+$0xC290] =	vst v3;
	v3 =	vld [tilespmem:s0+$0x4320]  }
0x265: {  	[tilespmem:s0+$0xC2A0] =	vst v4;
	v4 =	vld [tilespmem:s0+$0x4330]  }
0x266: {  	[tilespmem:s0+$0xC2B0] =	vst v0;
	v0 =	vld [tilespmem:s0+$0x4380]  }
0x267: {  	[tilespmem:s0+$0xC300] =	vst v1;
	v1 =	vld [tilespmem:s0+$0x4390]  }
0x268: {  	[tilespmem:s0+$0xC310] =	vst v2;
	v2 =	vld [tilespmem:s0+$0x43A0]  }
0x269: {  	[tilespmem:s0+$0xC320] =	vst v3;
	v3 =	vld [tilespmem:s0+$0x43B0]  }
0x26a: {  	[tilespmem:s0+$0xC330] =	vst v4;
	v4 =	vld [tilespmem:s0+$0x4400]  }
0x26b: {  	[tilespmem:s0+$0xC380] =	vst v0;
	v0 =	vld [tilespmem:s0+$0x4420]  }
0x26c: {  	[tilespmem:s0+$0xC390] =	vst v1;
	v1 =	vld [tilespmem:s0+$0x4430]  }
0x26d: {  	[tilespmem:s0+$0xC3A0] =	vst v2;
	v2 =	vld [tilespmem:s0+$0x4480]  }
0x26e: {  	[tilespmem:s0+$0xC3B0] =	vst v3;
	v3 =	vld [tilespmem:s0+$0x4490]  }
0x26f: {  	s1 =	simm.s32 $0x2000;
	s7 =	simm.s32 $0x400;
	[tilespmem:s0+$0xC400] =	vst v4;
	v4 =	vld [tilespmem:s0+$0x44A0]  }
.LBB2_14:
0x270: {  	p0 =	sne.s32 s1, $0xF000;
	v5 =	vld [tilespmem:s7+$0x44B0];
	[tilespmem:s0+$0xC420] =	vst v0  }
0x271: {  	v0 =	vld [tilespmem:s7+$0x4100];
	[tilespmem:s0+$0xC430] =	vst v1  }
0x272: {  	v1 =	vld [tilespmem:s7+$0x4110];
	[tilespmem:s0+$0xC480] =	vst v2  }
0x273: {  	v2 =	vld [tilespmem:s7+$0x4120];
	[tilespmem:s0+$0xC490] =	vst v3  }
0x274: {  	v3 =	vld [tilespmem:s7+$0x4130];
	[tilespmem:s0+$0xC4A0] =	vst v4;
	s0 =	smov.u32 s7  }
0x275: {  	v4 =	vld [tilespmem:s0+$0x4180];
	[tilespmem:s0+$0xC4B0] =	vst v5  }
0x276: {  	[tilespmem:s0+$0xC100] =	vst v0;
	v0 =	vld [tilespmem:s0+$0x4190]  }
0x277: {  	[tilespmem:s0+$0xC110] =	vst v1;
	v1 =	vld [tilespmem:s0+$0x41A0]  }
0x278: {  	[tilespmem:s0+$0xC120] =	vst v2;
	v2 =	vld [tilespmem:s0+$0x41B0]  }
0x279: {  	[tilespmem:s0+$0xC130] =	vst v3;
	v3 =	vld [tilespmem:s0+$0x4200]  }
0x27a: {  	[tilespmem:s0+$0xC180] =	vst v4;
	v4 =	vld [tilespmem:s0+$0x4210]  }
0x27b: {  	[tilespmem:s0+$0xC190] =	vst v0;
	v0 =	vld [tilespmem:s0+$0x4220]  }
0x27c: {  	[tilespmem:s0+$0xC1A0] =	vst v1;
	v1 =	vld [tilespmem:s0+$0x4230]  }
0x27d: {  	[tilespmem:s0+$0xC1B0] =	vst v2;
	v2 =	vld [tilespmem:s0+$0x4280]  }
0x27e: {  	[tilespmem:s0+$0xC200] =	vst v3;
	v3 =	vld [tilespmem:s0+$0x4290]  }
0x27f: {  	[tilespmem:s0+$0xC210] =	vst v4;
	v4 =	vld [tilespmem:s0+$0x42A0]  }
0x280: {  	[tilespmem:s0+$0xC220] =	vst v0;
	v0 =	vld [tilespmem:s0+$0x42B0]  }
0x281: {  	[tilespmem:s0+$0xC230] =	vst v1;
	v1 =	vld [tilespmem:s0+$0x4300]  }
0x282: {  	[tilespmem:s0+$0xC280] =	vst v2;
	v2 =	vld [tilespmem:s0+$0x4310]  }
0x283: {  	[tilespmem:s0+$0xC290] =	vst v3;
	v3 =	vld [tilespmem:s0+$0x4320]  }
0x284: {  	[tilespmem:s0+$0xC2A0] =	vst v4;
	v4 =	vld [tilespmem:s0+$0x4330]  }
0x285: {  	[tilespmem:s0+$0xC2B0] =	vst v0;
	v0 =	vld [tilespmem:s0+$0x4380]  }
0x286: {  	[tilespmem:s0+$0xC300] =	vst v1;
	v1 =	vld [tilespmem:s0+$0x4390]  }
0x287: {  	[tilespmem:s0+$0xC310] =	vst v2;
	v2 =	vld [tilespmem:s0+$0x43A0]  }
0x288: {  	[tilespmem:s0+$0xC320] =	vst v3;
	v3 =	vld [tilespmem:s0+$0x43B0]  }
0x289: {  	[tilespmem:s0+$0xC330] =	vst v4;
	v4 =	vld [tilespmem:s0+$0x4400]  }
0x28a: {  	[tilespmem:s0+$0xC380] =	vst v0;
	v5 =	vld [tilespmem:s0+$0x4410]  }
.Ltmp6:
0x28b: {  	[tilespmem:s0+$0xC390] =	vst v1;
	v0 =	vld [tilespmem:s0+$0x4420];
	(pc) =	sbr.rel @p0 .LBB2_14-.Ltmp6, $4  }
0x28c: {  	[tilespmem:s0+$0xC3A0] =	vst v2;
	v1 =	vld [tilespmem:s0+$0x4430]  }
0x28d: {  	[tilespmem:s0+$0xC3B0] =	vst v3;
	v2 =	vld [tilespmem:s0+$0x4480]  }
0x28e: {  	[tilespmem:s0+$0xC400] =	vst v4;
	v3 =	vld [tilespmem:s0+$0x4490]  }
0x28f: {  	s7 =	sshra.s32 s1, $0x2;
	s1 =	sadd.s32 $0x1000, s1;
	[tilespmem:s0+$0xC410] =	vst v5;
	v4 =	vld [tilespmem:s0+$0x44A0]  }
0x290: {  	v5 =	vld [tilespmem:s7+$0x44B0];
	[tilespmem:s0+$0xC420] =	vst v0  }
0x291: {  	v0 =	vld [tilespmem:s7+$0x4100];
	[tilespmem:s0+$0xC430] =	vst v1  }
0x292: {  	v1 =	vld [tilespmem:s7+$0x4110];
	[tilespmem:s0+$0xC480] =	vst v2  }
0x293: {  	v2 =	vld [tilespmem:s7+$0x4120];
	[tilespmem:s0+$0xC490] =	vst v3  }
0x294: {  	v3 =	vld [tilespmem:s7+$0x4130];
	[tilespmem:s0+$0xC4A0] =	vst v4  }
0x295: {  	v4 =	vld [tilespmem:s7+$0x4180];
	[tilespmem:s7+$0xC4B0] =	vst v5  }
0x296: {  	v38 =	vld [tilespmem:s7+$0x4190];
	[tilespmem:s7+$0xC100] =	vst v0  }
0x297: {  	v39 =	vld [tilespmem:s7+$0x41A0];
	[tilespmem:s7+$0xC110] =	vst v1  }
0x298: {  	v40 =	vld [tilespmem:s7+$0x41B0];
	[tilespmem:s7+$0xC120] =	vst v2  }
0x299: {  	v41 =	vld [tilespmem:s7+$0x4200];
	[tilespmem:s7+$0xC130] =	vst v3  }
0x29a: {  	v42 =	vld [tilespmem:s7+$0x4210];
	[tilespmem:s7+$0xC180] =	vst v4  }
0x29b: {  	v43 =	vld [tilespmem:s7+$0x4220];
	[tilespmem:s7+$0xC190] =	vst v38  }
0x29c: {  	v44 =	vld [tilespmem:s7+$0x4230];
	[tilespmem:s7+$0xC1A0] =	vst v39  }
0x29d: {  	v45 =	vld [tilespmem:s7+$0x4280];
	[tilespmem:s7+$0xC1B0] =	vst v40  }
0x29e: {  	v46 =	vld [tilespmem:s7+$0x4290];
	[tilespmem:s7+$0xC200] =	vst v41  }
0x29f: {  	v47 =	vld [tilespmem:s7+$0x42A0];
	[tilespmem:s7+$0xC210] =	vst v42  }
0x2a0: {  	v48 =	vld [tilespmem:s7+$0x42B0];
	[tilespmem:s7+$0xC220] =	vst v43  }
0x2a1: {  	v49 =	vld [tilespmem:s7+$0x4300];
	[tilespmem:s7+$0xC230] =	vst v44  }
0x2a2: {  	v50 =	vld [tilespmem:s7+$0x4310];
	[tilespmem:s7+$0xC280] =	vst v45  }
0x2a3: {  	v51 =	vld [tilespmem:s7+$0x4320];
	[tilespmem:s7+$0xC290] =	vst v46  }
0x2a4: {  	v52 =	vld [tilespmem:s7+$0x4330];
	[tilespmem:s7+$0xC2A0] =	vst v47  }
0x2a5: {  	v53 =	vld [tilespmem:s7+$0x4380];
	[tilespmem:s7+$0xC2B0] =	vst v48  }
0x2a6: {  	v54 =	vld [tilespmem:s7+$0x4390];
	[tilespmem:s7+$0xC300] =	vst v49  }
0x2a7: {  	v55 =	vld [tilespmem:s7+$0x43A0];
	[tilespmem:s7+$0xC310] =	vst v50  }
0x2a8: {  	v56 =	vld [tilespmem:s7+$0x43B0];
	[tilespmem:s7+$0xC320] =	vst v51  }
0x2a9: {  	v57 =	vld [tilespmem:s7+$0x4400];
	[tilespmem:s7+$0xC330] =	vst v52  }
0x2aa: {  	v58 =	vld [tilespmem:s7+$0x4410];
	[tilespmem:s7+$0xC380] =	vst v53  }
0x2ab: {  	v59 =	vld [tilespmem:s7+$0x4420];
	[tilespmem:s7+$0xC390] =	vst v54  }
0x2ac: {  	v60 =	vld [tilespmem:s7+$0x4430];
	[tilespmem:s7+$0xC3A0] =	vst v55  }
0x2ad: {  	v61 =	vld [tilespmem:s7+$0x4480];
	[tilespmem:s7+$0xC3B0] =	vst v56  }
0x2ae: {  	v62 =	vld [tilespmem:s7+$0x4490];
	[tilespmem:s7+$0xC400] =	vst v57  }
0x2af: {  	v63 =	vld [tilespmem:s7+$0x44A0];
	[tilespmem:s7+$0xC410] =	vst v58  }
0x2b0: {  	[tilespmem:s7+$0xC420] =	vst v59  }
0x2b1: {  	[tilespmem:s7+$0xC430] =	vst v60  }
0x2b2: {  	[tilespmem:s7+$0xC480] =	vst v61  }
0x2b3: {  	[tilespmem:s7+$0xC490] =	vst v62  }
0x2b4: {  	s31 =	sadd.s32 $0x1, s31;
	[tilespmem:s7+$0xC4A0] =	vst v63  }
0x2b5: {  	[hbm4b:s17+s3] =	stream.linear.scatter [tilespmem:s28], [sflag:$0x4], $0x4000, $0x38;
	[tilespmem:$0x10100] =	vst v63  }
0x2b6: {  	p0 =	sne.s32 s31, s18;
	_ =	swait.ge [sflag:s29], $0x4000  }
.Ltmp7:
0x2b7: {  	[sflag:s29] =	ssyncset.done $0x0;
	(pc) =	sbr.rel @p0 .LBB2_1-.Ltmp7, $4  }
0x2b8: {  	[sflag:s29] =	ssyncadd.s32 $0xFFFFC000  }
0x2b9: {  	_ =	swait.ge [sflag:s30], $0x4000  }
0x2ba: {  	[sflag:s30] =	ssyncset.done $0x0  }
0x2bb: {  	[sflag:s30] =	ssyncadd.s32 $0xFFFFC000  }
0x2bc: {  	_ =	sfence.sel $0x180000  }
0x2bd: {  	[bflag:$0x0] =	sbarrier.arrive $0xFFFF  }
0x2be: {  	_ =	strace $0x90000047  }
0x2bf: {  	s0 =	stileid.u32;
	[bflag:$0x2] =	sbarrier.arrive $0xFFFF  }
0x2c0: {  	p0 =	sne.s32 s0, $0x0;
	s0 =	rddreg [dreg:$0x2]  }
0x2c1: {  	s0 =	sadd.s32 @!p0 $0x100000, s0  }
0x2c2: {  	[sflag:s0] =	ssyncadd.tile.s32 @!p0 $0x1;
	_ =	shalt  }
.Lfunc_end2:
_tile_overlayer_lowered:
.L_overlay_start_2:
0x2c3: {  	(tag) =	ssettag $0x2  }
0x2c4: {  	s0 =	rddreg [dreg:$0x0];
	s2 =	stileid.u32  }
0x2c5: {  	s1 =	rddreg [dreg:$0x1];
	p0 =	sne.s32 s2, $0x0  }
0x2c6: {  	s3 =	rddreg [dreg:$0x2];
	[bflag:$0x3] =	sbarrier.arrive $0xFFFF;
	s2 =	simm.s32 @!p0 $0x1C07  }
0x2c7: {  	[timem:s3], [sflag:s2] =	dma.local @!p0 [hbm:s0], s1  }
0x2c8: {  	s0 =	simm.s32 @!p0 $0x7  }
0x2c9: {  	_ =	swait.ge @!p0 [sflag:s0], s1  }
0x2ca: {  	s1 =	ssub.s32 @!p0 $0x0, s1;
	[sflag:s0] =	ssyncset.done @!p0 $0x0  }
0x2cb: {  	[sflag:s0] =	ssyncadd.s32 @!p0 s1  }
0x2cc: {  	[bflag:$0x3] =	sbarrier.arrive $0xFFFF  }
0x2cd: {  	_ =	shalt  }

</sc_bundles>
